<compile_context>
chip_gen: v7x
topology: tpu7x:2x2x1
jax: 0.10.2.dev20260603
libtpu: 0.0.44.dev20260713+nightly
codegen_flags: <defaults>
</compile_context>

<pallas_src>
import functools

import jax
import jax.numpy as jnp
from jax import lax
from jax.experimental import pallas as pl
from jax.experimental.pallas import tpu as pltpu
from jax.experimental.pallas import tpu_sc as plsc

C = 19
NPIX = 4 * 512 * 512
PLANE = 512 * 512
NC = 2
NS = 16
NW = NC * NS
PPT = NPIX // NW
B_BINS = 1024
CH = 1024
HROWS = 2 * C
EXP_OFF = 0x1FC00
PAD = 128
HSIZE = PAD + HROWS * B_BINS + 128


def _sc_histogram(probas4, labels3):
    mesh = plsc.VectorSubcoreMesh(core_axis_name="c", subcore_axis_name="s")
    nch = PPT // CH
    W = 512
    RW = CH // W
    RPT = PPT // W
    TPB = PLANE // PPT

    @functools.partial(
        pl.kernel,
        out_type=jax.ShapeDtypeStruct((NW, HROWS, B_BINS), jnp.float32),
        mesh=mesh,
        compiler_params=pltpu.CompilerParams(needs_layout_passes=False),
        scratch_types=[
            pltpu.VMEM((HSIZE,), jnp.float32),
            pltpu.VMEM((C, RW, W), jnp.float32),
            pltpu.VMEM((C, RW, W), jnp.float32),
            pltpu.VMEM((RPT, W), jnp.int32),
            pltpu.SemaphoreType.DMA,
            pltpu.SemaphoreType.DMA,
            pltpu.SemaphoreType.DMA,
        ],
    )
    def body(probas_hbm, labels_hbm, out_hbm, hist, pbuf0, pbuf1, lbuf,
             sem0, sem1, seml):
        cid = lax.axis_index("c")
        sid = lax.axis_index("s")
        wid = sid * NC + cid
        batch = wid // TPB
        row0 = (wid % TPB) * RPT

        pltpu.async_copy(labels_hbm.at[batch, pl.ds(row0, RPT), :], lbuf, seml)
        pltpu.async_copy(probas_hbm.at[batch, :, pl.ds(row0, RW), :], pbuf0,
                         sem0)

        zeros16 = jnp.zeros((16,), jnp.float32)

        @plsc.parallel_loop(0, HSIZE // 16, unroll=4)
        def _zero(i):
            hist[pl.ds(i * 16, 16)] = zeros16

        pltpu.make_async_copy(labels_hbm.at[batch, pl.ds(row0, RPT), :], lbuf,
                              seml).wait()

        ones16 = jnp.full((16,), 1.0, jnp.float32)
        one_f = jnp.float32(1.0)
        iota16 = lax.iota(jnp.int32, 16)

        def bin_bits(pv):
            return lax.shift_right_logical(
                plsc.bitcast(pv + one_f, jnp.int32), 13
            )

        def group(pbuf, ch, r, cb):
            pvs = [pbuf[c, r, pl.ds(cb, 16)] for c in range(C)]
            us = [bin_bits(pv) for pv in pvs]
            idxs = [
                (PAD + c * B_BINS + (B_BINS - 1) + EXP_OFF) - us[c]
                for c in range(C)
            ]
            for c in range(C):
                plsc.addupdate_scatter(hist, [idxs[c]], ones16)
            lb = lbuf[ch * RW + r, pl.ds(cb, 16)]
            rv = iota16 * 0 + r
            colv = iota16 + cb
            pv = plsc.load_gather(pbuf, [lb, rv, colv])
            rowb = lb * B_BINS
            u = bin_bits(pv)
            idx_pos = rowb + (u + (PAD - EXP_OFF + C * B_BINS))
            plsc.addupdate_scatter(hist, [idx_pos], ones16)

        def compute(pbuf, ch):
            @plsc.parallel_loop(0, CH // 16, unroll=2)
            def _vbody(v):
                r = v // (W // 16)
                cb = (v % (W // 16)) * 16
                group(pbuf, ch, r, cb)

        def pair_body(p, carry):
            r_cur = row0 + (2 * p) * RW
            r_nxt = r_cur + RW
            pltpu.async_copy(probas_hbm.at[batch, :, pl.ds(r_nxt, RW), :],
                             pbuf1, sem1)
            pltpu.make_async_copy(probas_hbm.at[batch, :, pl.ds(r_cur, RW), :],
                                  pbuf0, sem0).wait()
            compute(pbuf0, 2 * p)
            r_nxt2 = jnp.minimum(r_cur + 2 * RW, row0 + (nch - 1) * RW)
            pltpu.async_copy(probas_hbm.at[batch, :, pl.ds(r_nxt2, RW), :],
                             pbuf0, sem0)
            pltpu.make_async_copy(probas_hbm.at[batch, :, pl.ds(r_nxt, RW), :],
                                  pbuf1, sem1).wait()
            compute(pbuf1, 2 * p + 1)
            return carry

        lax.fori_loop(0, nch // 2, pair_body, 0)
        pltpu.make_async_copy(
            probas_hbm.at[batch, :, pl.ds(row0 + (nch - 1) * RW, RW), :],
            pbuf0, sem0).wait()
        for r in range(HROWS):
            pltpu.sync_copy(hist.at[pl.ds(PAD + r * B_BINS, B_BINS)],
                            out_hbm.at[wid, r])

    return body(probas4, labels3)


def _stage2(hists3):

    def body(h_ref, out_ref):
        h = jnp.sum(h_ref[...], axis=0)
        cnt = h[0:C]
        pos = h[C : 2 * C]
        row = lax.broadcasted_iota(jnp.int32, (B_BINS, B_BINS), 0)
        col = lax.broadcasted_iota(jnp.int32, (B_BINS, B_BINS), 1)
        tri = (row <= col).astype(jnp.float32)
        rtri = ((B_BINS - 1 - row) <= col).astype(jnp.float32)
        n = jnp.dot(cnt + pos, tri, preferred_element_type=jnp.float32) - \
            jnp.dot(pos, rtri, preferred_element_type=jnp.float32)
        s = jnp.dot(pos, tri, preferred_element_type=jnp.float32)
        g = s[:, B_BINS - 1 : B_BINS]
        den = jnp.maximum(g + n - s, 0.5)
        jac = n / den
        last = jac[:, B_BINS - 1 : B_BINS]
        losses = (jnp.sum(jac, axis=1, keepdims=True) - 0.5 * last) / B_BINS
        pres = (g > 0).astype(jnp.float32)
        tot = jnp.sum(losses * pres)
        npres = jnp.sum(pres)
        out_ref[0, 0] = jnp.where(npres > 0, tot / npres, 0.0)

    return pl.pallas_call(
        body,
        out_shape=jax.ShapeDtypeStruct((1, 1), jnp.float32),
        out_specs=pl.BlockSpec(memory_space=pltpu.SMEM),
    )(hists3)


def kernel(probas, labels):
    hists = _sc_histogram(probas, labels.astype(jnp.int32))
    out = _stage2(hists)
    return out[0, 0]

# --- scband reference (transcript-rebuilt; emitter-appended) ---
"""Pipeline reference for scband-lovasz-loss-29454885716083 (READ-ONLY COPY).

The authoritative reference and input builder live on the scoring server;
editing this copy changes nothing except your own understanding.
"""

import jax, jax.numpy as jnp
import numpy as np


def lovasz_grad(gt_sorted):
    p = gt_sorted.shape[0]
    gts = gt_sorted.sum()
    intersection = gts - jnp.cumsum(gt_sorted, 0)
    union = gts + jnp.cumsum(1.0 - gt_sorted, 0)
    jaccard = 1.0 - intersection / union
    if p > 1:
        jaccard = jnp.concatenate([jaccard[:1], jaccard[1:] - jaccard[:-1]], axis=0)
    return jaccard


def flatten_probas(probas, labels):
    # probas: [B, C, H, W] -> [B*H*W, C]; labels: [B, H, W] -> [B*H*W]
    B, C, H, W = probas.shape
    probas = jnp.transpose(probas, (0, 2, 3, 1)).reshape(-1, C)
    labels = labels.reshape(-1)
    return probas, labels


def lovasz_softmax_flat(probas, labels):
    # classes='present' behavior of the reference Lovasz-softmax
    C = probas.shape[1]
    losses = []
    present = []
    for c in range(C):
        fg = (labels == c).astype(jnp.float32)
        present.append(fg.sum() != 0)
        class_pred = probas[:, c]
        errors = jnp.abs(fg - class_pred)
        perm = jnp.argsort(-errors)  # descending sort of errors
        errors_sorted = errors[perm]
        fg_sorted = fg[perm]
        losses.append(jnp.dot(errors_sorted, lovasz_grad(fg_sorted)))
    losses = jnp.stack(losses)
    present = jnp.stack(present).astype(losses.dtype)
    count = present.sum()
    total = jnp.sum(losses * present)
    return jnp.where(count != 0, total / count, jnp.asarray(0.0, dtype=probas.dtype))


def setup_inputs(seed: int = 0) -> dict:
    key = jax.random.key(seed)
    k1, k2 = jax.random.split(key)
    probas = jax.random.uniform(k1, (4, 19, 512, 512), dtype=jnp.float32)
    labels = jax.random.randint(k2, (4, 512, 512), 0, 19).astype(jnp.int64)
    return {"probas": probas, "labels": labels}


def reference(probas, labels):
    # Lovasz_loss(ignore=None).forward(probas, labels) -> lovasz_softmax(probas, labels, ignore=None)
    vprobas, vlabels = flatten_probas(probas, labels)
    return lovasz_softmax_flat(vprobas, vlabels)

if __name__ == "__main__":
    import jax
    _d = setup_inputs()
    print(jax.jit(kernel)(*tuple(_d.values())))

</pallas_src>

<mosaic_0001>
#map = affine_map<(d0, d1) -> (0, 0, 0, 0)>
#map1 = affine_map<(d0, d1) -> (0, 0, 0)>
module attributes {stable_mosaic.version = 14 : i64} {
  func.func @body(%arg0: i32, %arg1: i32, %arg2: memref<4x19x512x512xf32, #tpu.memory_space<hbm>>, %arg3: memref<4x512x512xi32, #tpu.memory_space<hbm>>, %arg4: memref<32x38x1024xf32, #tpu.memory_space<hbm>>, %arg5: memref<39168xf32, #tpu.memory_space<vmem>>, %arg6: memref<19x2x512xf32, #tpu.memory_space<vmem>>, %arg7: memref<19x2x512xf32, #tpu.memory_space<vmem>>, %arg8: memref<64x512xi32, #tpu.memory_space<vmem>>, %arg9: memref<!tpu.dma_semaphore, #tpu.memory_space<semaphore_mem>>, %arg10: memref<!tpu.dma_semaphore, #tpu.memory_space<semaphore_mem>>, %arg11: memref<!tpu.dma_semaphore, #tpu.memory_space<semaphore_mem>>) attributes {dimension_semantics = [#tpu.dimension_semantics<core_parallel>, #tpu.dimension_semantics<subcore_parallel>], iteration_bounds = array<i64: 2, 16>, scalar_prefetch = 0 : i64, scratch_operands = 7 : i64, tpu.core_type = #tpu.core_type<sc_vector_subcore>, window_params = [{transform_indices = #map}, {transform_indices = #map1}, {transform_indices = #map1}]} {
    %mul3A = arith.constant 2 : i32
    %mul3A_0 = arith.muli %arg1, %mul3A : i32
    %add3A = arith.addi %mul3A_0, %arg0 : i32
    %jit3A = arith.constant 8 : i32
    %div3A = arith.divsi %add3A, %jit3A : i32
    %sign3A = arith.constant 0 : i32
    %sign3A_1 = arith.cmpi sgt, %add3A, %sign3A : i32
    %sign3A_2 = arith.extui %sign3A_1 : i1 to i32
    %sign3A_3 = arith.constant 0 : i32
    %sign3A_4 = arith.cmpi slt, %add3A, %sign3A_3 : i32
    %sign3A_5 = arith.extui %sign3A_4 : i1 to i32
    %sign3A_6 = arith.subi %sign3A_2, %sign3A_5 : i32
    %sign3A_7 = arith.constant 0 : i32
    %sign3A_8 = arith.cmpi sgt, %jit3A, %sign3A_7 : i32
    %sign3A_9 = arith.extui %sign3A_8 : i1 to i32
    %sign3A_10 = arith.constant 0 : i32
    %sign3A_11 = arith.cmpi slt, %jit3A, %sign3A_10 : i32
    %sign3A_12 = arith.extui %sign3A_11 : i1 to i32
    %sign3A_13 = arith.subi %sign3A_9, %sign3A_12 : i32
    %ne3A = arith.cmpi ne, %sign3A_6, %sign3A_13 : i32
    %rem3A = arith.remsi %add3A, %jit3A : i32
    %ne3A_14 = arith.constant 0 : i32
    %ne3A_15 = arith.cmpi ne, %rem3A, %ne3A_14 : i32
    %and3A = arith.andi %ne3A, %ne3A_15 : i1
    %sub3A = arith.constant 1 : i32
    %sub3A_16 = arith.subi %div3A, %sub3A : i32
    %select_n3A = arith.select %and3A, %sub3A_16, %div3A : i32
    %jit3A_17 = arith.constant 8 : i32
    %eq3A = arith.constant 0 : i32
    %eq3A_18 = arith.cmpi eq, %jit3A_17, %eq3A : i32
    %jit3A_19 = arith.constant 1 : i32
    %select_n3A_20 = arith.select %eq3A_18, %jit3A_19, %jit3A_17 : i32
    %rem3A_21 = arith.remsi %add3A, %select_n3A_20 : i32
    %ne3A_22 = arith.constant 0 : i32
    %ne3A_23 = arith.cmpi ne, %rem3A_21, %ne3A_22 : i32
    %lt3A = arith.constant 0 : i32
    %lt3A_24 = arith.cmpi slt, %rem3A_21, %lt3A : i32
    %lt3A_25 = arith.constant 0 : i32
    %lt3A_26 = arith.cmpi slt, %select_n3A_20, %lt3A_25 : i32
    %ne3A_27 = arith.xori %lt3A_24, %lt3A_26 : i1
    %and3A_28 = arith.andi %ne3A_27, %ne3A_23 : i1
    %add3A_29 = arith.addi %rem3A_21, %select_n3A_20 : i32
    %select_n3A_30 = arith.select %and3A_28, %add3A_29, %rem3A_21 : i32
    %mul3A_31 = arith.constant 64 : i32
    %mul3A_32 = arith.muli %select_n3A_30, %mul3A_31 : i32
    %dma_start3A = arith.constant 0 : i32
    %dma_start3A_33 = tpu.memref_slice %arg3[%select_n3A, %mul3A_32, %dma_start3A] : memref<4x512x512xi32, #tpu.memory_space<hbm>> -> memref<1x64x512xi32, #tpu.memory_space<hbm>>
    %dma_start3A_34 = tpu.memref_squeeze %dma_start3A_33 : memref<1x64x512xi32, #tpu.memory_space<hbm>> -> memref<64x512xi32, #tpu.memory_space<hbm>>
    %dma_start3A_35 = arith.constant 0 : i32
    %dma_start3A_36 = tpu.memref_slice %arg3[%select_n3A, %mul3A_32, %dma_start3A_35] : memref<4x512x512xi32, #tpu.memory_space<hbm>> -> memref<1x64x512xi32, #tpu.memory_space<hbm>>
    %dma_start3A_37 = tpu.memref_squeeze %dma_start3A_36 : memref<1x64x512xi32, #tpu.memory_space<hbm>> -> memref<64x512xi32, #tpu.memory_space<hbm>>
    tpu.enqueue_dma source(%dma_start3A_37 : memref<64x512xi32, #tpu.memory_space<hbm>>) target(%arg8 : memref<64x512xi32, #tpu.memory_space<vmem>>) target_semaphore(%arg11 : memref<!tpu.dma_semaphore, #tpu.memory_space<semaphore_mem>>)
    %dma_start3A_38 = arith.constant 0 : i32
    %dma_start3A_39 = arith.constant 0 : i32
    %dma_start3A_40 = tpu.memref_slice %arg2[%select_n3A, %dma_start3A_38, %mul3A_32, %dma_start3A_39] : memref<4x19x512x512xf32, #tpu.memory_space<hbm>> -> memref<1x19x2x512xf32, #tpu.memory_space<hbm>>
    %dma_start3A_41 = tpu.memref_squeeze %dma_start3A_40 : memref<1x19x2x512xf32, #tpu.memory_space<hbm>> -> memref<19x2x512xf32, #tpu.memory_space<hbm>>
    %dma_start3A_42 = arith.constant 0 : i32
    %dma_start3A_43 = arith.constant 0 : i32
    %dma_start3A_44 = tpu.memref_slice %arg2[%select_n3A, %dma_start3A_42, %mul3A_32, %dma_start3A_43] : memref<4x19x512x512xf32, #tpu.memory_space<hbm>> -> memref<1x19x2x512xf32, #tpu.memory_space<hbm>>
    %dma_start3A_45 = tpu.memref_squeeze %dma_start3A_44 : memref<1x19x2x512xf32, #tpu.memory_space<hbm>> -> memref<19x2x512xf32, #tpu.memory_space<hbm>>
    tpu.enqueue_dma source(%dma_start3A_45 : memref<19x2x512xf32, #tpu.memory_space<hbm>>) target(%arg6 : memref<19x2x512xf32, #tpu.memory_space<vmem>>) target_semaphore(%arg9 : memref<!tpu.dma_semaphore, #tpu.memory_space<semaphore_mem>>)
    %broadcast_in_dim3A = arith.constant 0.000000e+00 : f32
    %broadcast_in_dim3A_46 = vector.broadcast %broadcast_in_dim3A : f32 to vector<16xf32>
    %parallel_loop3A = arith.constant 0 : i32
    %parallel_loop3A_47 = arith.constant 2448 : i32
    %parallel_loop3A_48 = arith.constant 1 : i32
    scf.for %parallel_loop3A_109 = %parallel_loop3A to %parallel_loop3A_47 step %parallel_loop3A_48  : i32 {
      %parallel_loop3A_110 = arith.constant 16 : i32
      %parallel_loop3A_111 = arith.muli %parallel_loop3A_109, %parallel_loop3A_110 : i32
      %parallel_loop3A_112 = arith.index_cast %parallel_loop3A_111 : i32 to index
      %parallel_loop3A_113 = tpu.vector_load %arg5[%parallel_loop3A_112] {strides = array<i32>} : memref<39168xf32, #tpu.memory_space<vmem>>, vector<16xf32>,
      tpu.vector_store %arg5[%parallel_loop3A_112], %broadcast_in_dim3A_46 {strides = array<i32>} : memref<39168xf32, #tpu.memory_space<vmem>>, vector<16xf32>,
    } {sc.loop_unroll_factor = 4 : i64, sc.parallel_access}
    %dma_wait3A = arith.constant 0 : i32
    %dma_wait3A_49 = tpu.memref_slice %arg3[%select_n3A, %mul3A_32, %dma_wait3A] : memref<4x512x512xi32, #tpu.memory_space<hbm>> -> memref<1x64x512xi32, #tpu.memory_space<hbm>>
    %dma_wait3A_50 = tpu.memref_squeeze %dma_wait3A_49 : memref<1x64x512xi32, #tpu.memory_space<hbm>> -> memref<64x512xi32, #tpu.memory_space<hbm>>
    %dma_wait3A_51 = arith.constant 0 : i32
    %dma_wait3A_52 = tpu.memref_slice %arg3[%select_n3A, %mul3A_32, %dma_wait3A_51] : memref<4x512x512xi32, #tpu.memory_space<hbm>> -> memref<1x64x512xi32, #tpu.memory_space<hbm>>
    %dma_wait3A_53 = tpu.memref_squeeze %dma_wait3A_52 : memref<1x64x512xi32, #tpu.memory_space<hbm>> -> memref<64x512xi32, #tpu.memory_space<hbm>>
    tpu.wait_dma2 semaphore(%arg11 : memref<!tpu.dma_semaphore, #tpu.memory_space<semaphore_mem>>) src(%dma_wait3A_53 : memref<64x512xi32, #tpu.memory_space<hbm>>) dst(%arg8 : memref<64x512xi32, #tpu.memory_space<vmem>>)
    %broadcast_in_dim3A_54 = arith.constant 1.000000e+00 : f32
    %broadcast_in_dim3A_55 = vector.broadcast %broadcast_in_dim3A_54 : f32 to vector<16xf32>
    %iota3A = tpu.iota {dimensions = array<i32: 0>} : vector<16xi32>
    %scan3A = arith.constant 0 : i32
    %scan3A_56 = arith.constant 1.000000e+00 : f32
    %scan3A_57 = arith.constant 0 : i32
    %scan3A_58 = arith.constant 16 : i32
    %scan3A_59 = arith.addi %scan3A_57, %scan3A_58 : i32
    %scan3A_60 = arith.constant 1 : i32
    scf.for %scan3A_109 = %scan3A_57 to %scan3A_59 step %scan3A_60  : i32 {
      %mul3A_110 = arith.constant 2 : i32
      %mul3A_111 = arith.muli %mul3A_110, %scan3A_109 : i32
      %mul3A_112 = arith.constant 2 : i32
      %mul3A_113 = arith.muli %mul3A_111, %mul3A_112 : i32
      %add3A_114 = arith.addi %mul3A_32, %mul3A_113 : i32
      %add3A_115 = arith.constant 2 : i32
      %add3A_116 = arith.addi %add3A_114, %add3A_115 : i32
      %dma_start3A_117 = arith.constant 0 : i32
      %dma_start3A_118 = arith.constant 0 : i32
      %dma_start3A_119 = tpu.memref_slice %arg2[%select_n3A, %dma_start3A_117, %add3A_116, %dma_start3A_118] : memref<4x19x512x512xf32, #tpu.memory_space<hbm>> -> memref<1x19x2x512xf32, #tpu.memory_space<hbm>>
      %dma_start3A_120 = tpu.memref_squeeze %dma_start3A_119 : memref<1x19x2x512xf32, #tpu.memory_space<hbm>> -> memref<19x2x512xf32, #tpu.memory_space<hbm>>
      %dma_start3A_121 = arith.constant 0 : i32
      %dma_start3A_122 = arith.constant 0 : i32
      %dma_start3A_123 = tpu.memref_slice %arg2[%select_n3A, %dma_start3A_121, %add3A_116, %dma_start3A_122] : memref<4x19x512x512xf32, #tpu.memory_space<hbm>> -> memref<1x19x2x512xf32, #tpu.memory_space<hbm>>
      %dma_start3A_124 = tpu.memref_squeeze %dma_start3A_123 : memref<1x19x2x512xf32, #tpu.memory_space<hbm>> -> memref<19x2x512xf32, #tpu.memory_space<hbm>>
      tpu.enqueue_dma source(%dma_start3A_124 : memref<19x2x512xf32, #tpu.memory_space<hbm>>) target(%arg7 : memref<19x2x512xf32, #tpu.memory_space<vmem>>) target_semaphore(%arg10 : memref<!tpu.dma_semaphore, #tpu.memory_space<semaphore_mem>>)
      %dma_wait3A_125 = arith.constant 0 : i32
      %dma_wait3A_126 = arith.constant 0 : i32
      %dma_wait3A_127 = tpu.memref_slice %arg2[%select_n3A, %dma_wait3A_125, %add3A_114, %dma_wait3A_126] : memref<4x19x512x512xf32, #tpu.memory_space<hbm>> -> memref<1x19x2x512xf32, #tpu.memory_space<hbm>>
      %dma_wait3A_128 = tpu.memref_squeeze %dma_wait3A_127 : memref<1x19x2x512xf32, #tpu.memory_space<hbm>> -> memref<19x2x512xf32, #tpu.memory_space<hbm>>
      %dma_wait3A_129 = arith.constant 0 : i32
      %dma_wait3A_130 = arith.constant 0 : i32
      %dma_wait3A_131 = tpu.memref_slice %arg2[%select_n3A, %dma_wait3A_129, %add3A_114, %dma_wait3A_130] : memref<4x19x512x512xf32, #tpu.memory_space<hbm>> -> memref<1x19x2x512xf32, #tpu.memory_space<hbm>>
      %dma_wait3A_132 = tpu.memref_squeeze %dma_wait3A_131 : memref<1x19x2x512xf32, #tpu.memory_space<hbm>> -> memref<19x2x512xf32, #tpu.memory_space<hbm>>
      tpu.wait_dma2 semaphore(%arg9 : memref<!tpu.dma_semaphore, #tpu.memory_space<semaphore_mem>>) src(%dma_wait3A_132 : memref<19x2x512xf32, #tpu.memory_space<hbm>>) dst(%arg6 : memref<19x2x512xf32, #tpu.memory_space<vmem>>)
      %mul3A_133 = arith.constant 2 : i32
      %mul3A_134 = arith.muli %mul3A_133, %scan3A_109 : i32
      %parallel_loop3A_135 = arith.constant 0 : i32
      %parallel_loop3A_136 = arith.constant 64 : i32
      %parallel_loop3A_137 = arith.constant 1 : i32
      scf.for %parallel_loop3A_165 = %parallel_loop3A_135 to %parallel_loop3A_136 step %parallel_loop3A_137  : i32 {
        %parallel_loop3A_166 = arith.constant 32 : i32
        %parallel_loop3A_167 = arith.divsi %parallel_loop3A_165, %parallel_loop3A_166 : i32
        %parallel_loop3A_168 = arith.constant 0 : i32
        %parallel_loop3A_169 = arith.cmpi sgt, %parallel_loop3A_165, %parallel_loop3A_168 : i32
        %parallel_loop3A_170 = arith.extui %parallel_loop3A_169 : i1 to i32
        %parallel_loop3A_171 = arith.constant 0 : i32
        %parallel_loop3A_172 = arith.cmpi slt, %parallel_loop3A_165, %parallel_loop3A_171 : i32
        %parallel_loop3A_173 = arith.extui %parallel_loop3A_172 : i1 to i32
        %parallel_loop3A_174 = arith.subi %parallel_loop3A_170, %parallel_loop3A_173 : i32
        %parallel_loop3A_175 = arith.constant 0 : i32
        %parallel_loop3A_176 = arith.cmpi sgt, %parallel_loop3A_166, %parallel_loop3A_175 : i32
        %parallel_loop3A_177 = arith.extui %parallel_loop3A_176 : i1 to i32
        %parallel_loop3A_178 = arith.constant 0 : i32
        %parallel_loop3A_179 = arith.cmpi slt, %parallel_loop3A_166, %parallel_loop3A_178 : i32
        %parallel_loop3A_180 = arith.extui %parallel_loop3A_179 : i1 to i32
        %parallel_loop3A_181 = arith.subi %parallel_loop3A_177, %parallel_loop3A_180 : i32
        %parallel_loop3A_182 = arith.cmpi ne, %parallel_loop3A_174, %parallel_loop3A_181 : i32
        %parallel_loop3A_183 = arith.remsi %parallel_loop3A_165, %parallel_loop3A_166 : i32
        %parallel_loop3A_184 = arith.constant 0 : i32
        %parallel_loop3A_185 = arith.cmpi ne, %parallel_loop3A_183, %parallel_loop3A_184 : i32
        %parallel_loop3A_186 = arith.andi %parallel_loop3A_182, %parallel_loop3A_185 : i1
        %parallel_loop3A_187 = arith.constant 1 : i32
        %parallel_loop3A_188 = arith.subi %parallel_loop3A_167, %parallel_loop3A_187 : i32
        %parallel_loop3A_189 = arith.select %parallel_loop3A_186, %parallel_loop3A_188, %parallel_loop3A_167 : i32
        %parallel_loop3A_190 = arith.constant 32 : i32
        %parallel_loop3A_191 = arith.constant 0 : i32
        %parallel_loop3A_192 = arith.cmpi eq, %parallel_loop3A_190, %parallel_loop3A_191 : i32
        %parallel_loop3A_193 = arith.constant 1 : i32
        %parallel_loop3A_194 = arith.select %parallel_loop3A_192, %parallel_loop3A_193, %parallel_loop3A_190 : i32
        %parallel_loop3A_195 = arith.remsi %parallel_loop3A_165, %parallel_loop3A_194 : i32
        %parallel_loop3A_196 = arith.constant 0 : i32
        %parallel_loop3A_197 = arith.cmpi ne, %parallel_loop3A_195, %parallel_loop3A_196 : i32
        %parallel_loop3A_198 = arith.constant 0 : i32
        %parallel_loop3A_199 = arith.cmpi slt, %parallel_loop3A_195, %parallel_loop3A_198 : i32
        %parallel_loop3A_200 = arith.constant 0 : i32
        %parallel_loop3A_201 = arith.cmpi slt, %parallel_loop3A_194, %parallel_loop3A_200 : i32
        %parallel_loop3A_202 = arith.xori %parallel_loop3A_199, %parallel_loop3A_201 : i1
        %parallel_loop3A_203 = arith.andi %parallel_loop3A_202, %parallel_loop3A_197 : i1
        %parallel_loop3A_204 = arith.addi %parallel_loop3A_195, %parallel_loop3A_194 : i32
        %parallel_loop3A_205 = arith.select %parallel_loop3A_203, %parallel_loop3A_204, %parallel_loop3A_195 : i32
        %parallel_loop3A_206 = arith.constant 16 : i32
        %parallel_loop3A_207 = arith.muli %parallel_loop3A_205, %parallel_loop3A_206 : i32
        %parallel_loop3A_208 = arith.constant 0 : i32
        %parallel_loop3A_209 = arith.index_cast %parallel_loop3A_208 : i32 to index
        %parallel_loop3A_210 = arith.index_cast %parallel_loop3A_189 : i32 to index
        %parallel_loop3A_211 = arith.index_cast %parallel_loop3A_207 : i32 to index
        %parallel_loop3A_212 = tpu.vector_load %arg6[%parallel_loop3A_209, %parallel_loop3A_210, %parallel_loop3A_211] {strides = array<i32>} : memref<19x2x512xf32, #tpu.memory_space<vmem>>, vector<16xf32>,
        %parallel_loop3A_213 = arith.constant 1 : i32
        %parallel_loop3A_214 = arith.index_cast %parallel_loop3A_213 : i32 to index
        %parallel_loop3A_215 = arith.index_cast %parallel_loop3A_189 : i32 to index
        %parallel_loop3A_216 = arith.index_cast %parallel_loop3A_207 : i32 to index
        %parallel_loop3A_217 = tpu.vector_load %arg6[%parallel_loop3A_214, %parallel_loop3A_215, %parallel_loop3A_216] {strides = array<i32>} : memref<19x2x512xf32, #tpu.memory_space<vmem>>, vector<16xf32>,
        %parallel_loop3A_218 = arith.constant 2 : i32
        %parallel_loop3A_219 = arith.index_cast %parallel_loop3A_218 : i32 to index
        %parallel_loop3A_220 = arith.index_cast %parallel_loop3A_189 : i32 to index
        %parallel_loop3A_221 = arith.index_cast %parallel_loop3A_207 : i32 to index
        %parallel_loop3A_222 = tpu.vector_load %arg6[%parallel_loop3A_219, %parallel_loop3A_220, %parallel_loop3A_221] {strides = array<i32>} : memref<19x2x512xf32, #tpu.memory_space<vmem>>, vector<16xf32>,
        %parallel_loop3A_223 = arith.constant 3 : i32
        %parallel_loop3A_224 = arith.index_cast %parallel_loop3A_223 : i32 to index
        %parallel_loop3A_225 = arith.index_cast %parallel_loop3A_189 : i32 to index
        %parallel_loop3A_226 = arith.index_cast %parallel_loop3A_207 : i32 to index
        %parallel_loop3A_227 = tpu.vector_load %arg6[%parallel_loop3A_224, %parallel_loop3A_225, %parallel_loop3A_226] {strides = array<i32>} : memref<19x2x512xf32, #tpu.memory_space<vmem>>, vector<16xf32>,
        %parallel_loop3A_228 = arith.constant 4 : i32
        %parallel_loop3A_229 = arith.index_cast %parallel_loop3A_228 : i32 to index
        %parallel_loop3A_230 = arith.index_cast %parallel_loop3A_189 : i32 to index
        %parallel_loop3A_231 = arith.index_cast %parallel_loop3A_207 : i32 to index
        %parallel_loop3A_232 = tpu.vector_load %arg6[%parallel_loop3A_229, %parallel_loop3A_230, %parallel_loop3A_231] {strides = array<i32>} : memref<19x2x512xf32, #tpu.memory_space<vmem>>, vector<16xf32>,
        %parallel_loop3A_233 = arith.constant 5 : i32
        %parallel_loop3A_234 = arith.index_cast %parallel_loop3A_233 : i32 to index
        %parallel_loop3A_235 = arith.index_cast %parallel_loop3A_189 : i32 to index
        %parallel_loop3A_236 = arith.index_cast %parallel_loop3A_207 : i32 to index
        %parallel_loop3A_237 = tpu.vector_load %arg6[%parallel_loop3A_234, %parallel_loop3A_235, %parallel_loop3A_236] {strides = array<i32>} : memref<19x2x512xf32, #tpu.memory_space<vmem>>, vector<16xf32>,
        %parallel_loop3A_238 = arith.constant 6 : i32
        %parallel_loop3A_239 = arith.index_cast %parallel_loop3A_238 : i32 to index
        %parallel_loop3A_240 = arith.index_cast %parallel_loop3A_189 : i32 to index
        %parallel_loop3A_241 = arith.index_cast %parallel_loop3A_207 : i32 to index
        %parallel_loop3A_242 = tpu.vector_load %arg6[%parallel_loop3A_239, %parallel_loop3A_240, %parallel_loop3A_241] {strides = array<i32>} : memref<19x2x512xf32, #tpu.memory_space<vmem>>, vector<16xf32>,
        %parallel_loop3A_243 = arith.constant 7 : i32
        %parallel_loop3A_244 = arith.index_cast %parallel_loop3A_243 : i32 to index
        %parallel_loop3A_245 = arith.index_cast %parallel_loop3A_189 : i32 to index
        %parallel_loop3A_246 = arith.index_cast %parallel_loop3A_207 : i32 to index
        %parallel_loop3A_247 = tpu.vector_load %arg6[%parallel_loop3A_244, %parallel_loop3A_245, %parallel_loop3A_246] {strides = array<i32>} : memref<19x2x512xf32, #tpu.memory_space<vmem>>, vector<16xf32>,
        %parallel_loop3A_248 = arith.constant 8 : i32
        %parallel_loop3A_249 = arith.index_cast %parallel_loop3A_248 : i32 to index
        %parallel_loop3A_250 = arith.index_cast %parallel_loop3A_189 : i32 to index
        %parallel_loop3A_251 = arith.index_cast %parallel_loop3A_207 : i32 to index
        %parallel_loop3A_252 = tpu.vector_load %arg6[%parallel_loop3A_249, %parallel_loop3A_250, %parallel_loop3A_251] {strides = array<i32>} : memref<19x2x512xf32, #tpu.memory_space<vmem>>, vector<16xf32>,
        %parallel_loop3A_253 = arith.constant 9 : i32
        %parallel_loop3A_254 = arith.index_cast %parallel_loop3A_253 : i32 to index
        %parallel_loop3A_255 = arith.index_cast %parallel_loop3A_189 : i32 to index
        %parallel_loop3A_256 = arith.index_cast %parallel_loop3A_207 : i32 to index
        %parallel_loop3A_257 = tpu.vector_load %arg6[%parallel_loop3A_254, %parallel_loop3A_255, %parallel_loop3A_256] {strides = array<i32>} : memref<19x2x512xf32, #tpu.memory_space<vmem>>, vector<16xf32>,
        %parallel_loop3A_258 = arith.constant 10 : i32
        %parallel_loop3A_259 = arith.index_cast %parallel_loop3A_258 : i32 to index
        %parallel_loop3A_260 = arith.index_cast %parallel_loop3A_189 : i32 to index
        %parallel_loop3A_261 = arith.index_cast %parallel_loop3A_207 : i32 to index
        %parallel_loop3A_262 = tpu.vector_load %arg6[%parallel_loop3A_259, %parallel_loop3A_260, %parallel_loop3A_261] {strides = array<i32>} : memref<19x2x512xf32, #tpu.memory_space<vmem>>, vector<16xf32>,
        %parallel_loop3A_263 = arith.constant 11 : i32
        %parallel_loop3A_264 = arith.index_cast %parallel_loop3A_263 : i32 to index
        %parallel_loop3A_265 = arith.index_cast %parallel_loop3A_189 : i32 to index
        %parallel_loop3A_266 = arith.index_cast %parallel_loop3A_207 : i32 to index
        %parallel_loop3A_267 = tpu.vector_load %arg6[%parallel_loop3A_264, %parallel_loop3A_265, %parallel_loop3A_266] {strides = array<i32>} : memref<19x2x512xf32, #tpu.memory_space<vmem>>, vector<16xf32>,
        %parallel_loop3A_268 = arith.constant 12 : i32
        %parallel_loop3A_269 = arith.index_cast %parallel_loop3A_268 : i32 to index
        %parallel_loop3A_270 = arith.index_cast %parallel_loop3A_189 : i32 to index
        %parallel_loop3A_271 = arith.index_cast %parallel_loop3A_207 : i32 to index
        %parallel_loop3A_272 = tpu.vector_load %arg6[%parallel_loop3A_269, %parallel_loop3A_270, %parallel_loop3A_271] {strides = array<i32>} : memref<19x2x512xf32, #tpu.memory_space<vmem>>, vector<16xf32>,
        %parallel_loop3A_273 = arith.constant 13 : i32
        %parallel_loop3A_274 = arith.index_cast %parallel_loop3A_273 : i32 to index
        %parallel_loop3A_275 = arith.index_cast %parallel_loop3A_189 : i32 to index
        %parallel_loop3A_276 = arith.index_cast %parallel_loop3A_207 : i32 to index
        %parallel_loop3A_277 = tpu.vector_load %arg6[%parallel_loop3A_274, %parallel_loop3A_275, %parallel_loop3A_276] {strides = array<i32>} : memref<19x2x512xf32, #tpu.memory_space<vmem>>, vector<16xf32>,
        %parallel_loop3A_278 = arith.constant 14 : i32
        %parallel_loop3A_279 = arith.index_cast %parallel_loop3A_278 : i32 to index
        %parallel_loop3A_280 = arith.index_cast %parallel_loop3A_189 : i32 to index
        %parallel_loop3A_281 = arith.index_cast %parallel_loop3A_207 : i32 to index
        %parallel_loop3A_282 = tpu.vector_load %arg6[%parallel_loop3A_279, %parallel_loop3A_280, %parallel_loop3A_281] {strides = array<i32>} : memref<19x2x512xf32, #tpu.memory_space<vmem>>, vector<16xf32>,
        %parallel_loop3A_283 = arith.constant 15 : i32
        %parallel_loop3A_284 = arith.index_cast %parallel_loop3A_283 : i32 to index
        %parallel_loop3A_285 = arith.index_cast %parallel_loop3A_189 : i32 to index
        %parallel_loop3A_286 = arith.index_cast %parallel_loop3A_207 : i32 to index
        %parallel_loop3A_287 = tpu.vector_load %arg6[%parallel_loop3A_284, %parallel_loop3A_285, %parallel_loop3A_286] {strides = array<i32>} : memref<19x2x512xf32, #tpu.memory_space<vmem>>, vector<16xf32>,
        %parallel_loop3A_288 = arith.constant 16 : i32
        %parallel_loop3A_289 = arith.index_cast %parallel_loop3A_288 : i32 to index
        %parallel_loop3A_290 = arith.index_cast %parallel_loop3A_189 : i32 to index
        %parallel_loop3A_291 = arith.index_cast %parallel_loop3A_207 : i32 to index
        %parallel_loop3A_292 = tpu.vector_load %arg6[%parallel_loop3A_289, %parallel_loop3A_290, %parallel_loop3A_291] {strides = array<i32>} : memref<19x2x512xf32, #tpu.memory_space<vmem>>, vector<16xf32>,
        %parallel_loop3A_293 = arith.constant 17 : i32
        %parallel_loop3A_294 = arith.index_cast %parallel_loop3A_293 : i32 to index
        %parallel_loop3A_295 = arith.index_cast %parallel_loop3A_189 : i32 to index
        %parallel_loop3A_296 = arith.index_cast %parallel_loop3A_207 : i32 to index
        %parallel_loop3A_297 = tpu.vector_load %arg6[%parallel_loop3A_294, %parallel_loop3A_295, %parallel_loop3A_296] {strides = array<i32>} : memref<19x2x512xf32, #tpu.memory_space<vmem>>, vector<16xf32>,
        %parallel_loop3A_298 = arith.constant 18 : i32
        %parallel_loop3A_299 = arith.index_cast %parallel_loop3A_298 : i32 to index
        %parallel_loop3A_300 = arith.index_cast %parallel_loop3A_189 : i32 to index
        %parallel_loop3A_301 = arith.index_cast %parallel_loop3A_207 : i32 to index
        %parallel_loop3A_302 = tpu.vector_load %arg6[%parallel_loop3A_299, %parallel_loop3A_300, %parallel_loop3A_301] {strides = array<i32>} : memref<19x2x512xf32, #tpu.memory_space<vmem>>, vector<16xf32>,
        %parallel_loop3A_303 = vector.broadcast %scan3A_56 : f32 to vector<16xf32>
        %parallel_loop3A_304 = arith.addf %parallel_loop3A_212, %parallel_loop3A_303 : vector<16xf32>
        %parallel_loop3A_305 = vector.bitcast %parallel_loop3A_304 : vector<16xf32> to vector<16xi32>
        %parallel_loop3A_306 = arith.constant 13 : i32
        %parallel_loop3A_307 = vector.broadcast %parallel_loop3A_306 : i32 to vector<16xi32>
        %parallel_loop3A_308 = arith.shrui %parallel_loop3A_305, %parallel_loop3A_307 : vector<16xi32>
        %parallel_loop3A_309 = vector.broadcast %scan3A_56 : f32 to vector<16xf32>
        %parallel_loop3A_310 = arith.addf %parallel_loop3A_217, %parallel_loop3A_309 : vector<16xf32>
        %parallel_loop3A_311 = vector.bitcast %parallel_loop3A_310 : vector<16xf32> to vector<16xi32>
        %parallel_loop3A_312 = arith.constant 13 : i32
        %parallel_loop3A_313 = vector.broadcast %parallel_loop3A_312 : i32 to vector<16xi32>
        %parallel_loop3A_314 = arith.shrui %parallel_loop3A_311, %parallel_loop3A_313 : vector<16xi32>
        %parallel_loop3A_315 = vector.broadcast %scan3A_56 : f32 to vector<16xf32>
        %parallel_loop3A_316 = arith.addf %parallel_loop3A_222, %parallel_loop3A_315 : vector<16xf32>
        %parallel_loop3A_317 = vector.bitcast %parallel_loop3A_316 : vector<16xf32> to vector<16xi32>
        %parallel_loop3A_318 = arith.constant 13 : i32
        %parallel_loop3A_319 = vector.broadcast %parallel_loop3A_318 : i32 to vector<16xi32>
        %parallel_loop3A_320 = arith.shrui %parallel_loop3A_317, %parallel_loop3A_319 : vector<16xi32>
        %parallel_loop3A_321 = vector.broadcast %scan3A_56 : f32 to vector<16xf32>
        %parallel_loop3A_322 = arith.addf %parallel_loop3A_227, %parallel_loop3A_321 : vector<16xf32>
        %parallel_loop3A_323 = vector.bitcast %parallel_loop3A_322 : vector<16xf32> to vector<16xi32>
        %parallel_loop3A_324 = arith.constant 13 : i32
        %parallel_loop3A_325 = vector.broadcast %parallel_loop3A_324 : i32 to vector<16xi32>
        %parallel_loop3A_326 = arith.shrui %parallel_loop3A_323, %parallel_loop3A_325 : vector<16xi32>
        %parallel_loop3A_327 = vector.broadcast %scan3A_56 : f32 to vector<16xf32>
        %parallel_loop3A_328 = arith.addf %parallel_loop3A_232, %parallel_loop3A_327 : vector<16xf32>
        %parallel_loop3A_329 = vector.bitcast %parallel_loop3A_328 : vector<16xf32> to vector<16xi32>
        %parallel_loop3A_330 = arith.constant 13 : i32
        %parallel_loop3A_331 = vector.broadcast %parallel_loop3A_330 : i32 to vector<16xi32>
        %parallel_loop3A_332 = arith.shrui %parallel_loop3A_329, %parallel_loop3A_331 : vector<16xi32>
        %parallel_loop3A_333 = vector.broadcast %scan3A_56 : f32 to vector<16xf32>
        %parallel_loop3A_334 = arith.addf %parallel_loop3A_237, %parallel_loop3A_333 : vector<16xf32>
        %parallel_loop3A_335 = vector.bitcast %parallel_loop3A_334 : vector<16xf32> to vector<16xi32>
        %parallel_loop3A_336 = arith.constant 13 : i32
        %parallel_loop3A_337 = vector.broadcast %parallel_loop3A_336 : i32 to vector<16xi32>
        %parallel_loop3A_338 = arith.shrui %parallel_loop3A_335, %parallel_loop3A_337 : vector<16xi32>
        %parallel_loop3A_339 = vector.broadcast %scan3A_56 : f32 to vector<16xf32>
        %parallel_loop3A_340 = arith.addf %parallel_loop3A_242, %parallel_loop3A_339 : vector<16xf32>
        %parallel_loop3A_341 = vector.bitcast %parallel_loop3A_340 : vector<16xf32> to vector<16xi32>
        %parallel_loop3A_342 = arith.constant 13 : i32
        %parallel_loop3A_343 = vector.broadcast %parallel_loop3A_342 : i32 to vector<16xi32>
        %parallel_loop3A_344 = arith.shrui %parallel_loop3A_341, %parallel_loop3A_343 : vector<16xi32>
        %parallel_loop3A_345 = vector.broadcast %scan3A_56 : f32 to vector<16xf32>
        %parallel_loop3A_346 = arith.addf %parallel_loop3A_247, %parallel_loop3A_345 : vector<16xf32>
        %parallel_loop3A_347 = vector.bitcast %parallel_loop3A_346 : vector<16xf32> to vector<16xi32>
        %parallel_loop3A_348 = arith.constant 13 : i32
        %parallel_loop3A_349 = vector.broadcast %parallel_loop3A_348 : i32 to vector<16xi32>
        %parallel_loop3A_350 = arith.shrui %parallel_loop3A_347, %parallel_loop3A_349 : vector<16xi32>
        %parallel_loop3A_351 = vector.broadcast %scan3A_56 : f32 to vector<16xf32>
        %parallel_loop3A_352 = arith.addf %parallel_loop3A_252, %parallel_loop3A_351 : vector<16xf32>
        %parallel_loop3A_353 = vector.bitcast %parallel_loop3A_352 : vector<16xf32> to vector<16xi32>
        %parallel_loop3A_354 = arith.constant 13 : i32
        %parallel_loop3A_355 = vector.broadcast %parallel_loop3A_354 : i32 to vector<16xi32>
        %parallel_loop3A_356 = arith.shrui %parallel_loop3A_353, %parallel_loop3A_355 : vector<16xi32>
        %parallel_loop3A_357 = vector.broadcast %scan3A_56 : f32 to vector<16xf32>
        %parallel_loop3A_358 = arith.addf %parallel_loop3A_257, %parallel_loop3A_357 : vector<16xf32>
        %parallel_loop3A_359 = vector.bitcast %parallel_loop3A_358 : vector<16xf32> to vector<16xi32>
        %parallel_loop3A_360 = arith.constant 13 : i32
        %parallel_loop3A_361 = vector.broadcast %parallel_loop3A_360 : i32 to vector<16xi32>
        %parallel_loop3A_362 = arith.shrui %parallel_loop3A_359, %parallel_loop3A_361 : vector<16xi32>
        %parallel_loop3A_363 = vector.broadcast %scan3A_56 : f32 to vector<16xf32>
        %parallel_loop3A_364 = arith.addf %parallel_loop3A_262, %parallel_loop3A_363 : vector<16xf32>
        %parallel_loop3A_365 = vector.bitcast %parallel_loop3A_364 : vector<16xf32> to vector<16xi32>
        %parallel_loop3A_366 = arith.constant 13 : i32
        %parallel_loop3A_367 = vector.broadcast %parallel_loop3A_366 : i32 to vector<16xi32>
        %parallel_loop3A_368 = arith.shrui %parallel_loop3A_365, %parallel_loop3A_367 : vector<16xi32>
        %parallel_loop3A_369 = vector.broadcast %scan3A_56 : f32 to vector<16xf32>
        %parallel_loop3A_370 = arith.addf %parallel_loop3A_267, %parallel_loop3A_369 : vector<16xf32>
        %parallel_loop3A_371 = vector.bitcast %parallel_loop3A_370 : vector<16xf32> to vector<16xi32>
        %parallel_loop3A_372 = arith.constant 13 : i32
        %parallel_loop3A_373 = vector.broadcast %parallel_loop3A_372 : i32 to vector<16xi32>
        %parallel_loop3A_374 = arith.shrui %parallel_loop3A_371, %parallel_loop3A_373 : vector<16xi32>
        %parallel_loop3A_375 = vector.broadcast %scan3A_56 : f32 to vector<16xf32>
        %parallel_loop3A_376 = arith.addf %parallel_loop3A_272, %parallel_loop3A_375 : vector<16xf32>
        %parallel_loop3A_377 = vector.bitcast %parallel_loop3A_376 : vector<16xf32> to vector<16xi32>
        %parallel_loop3A_378 = arith.constant 13 : i32
        %parallel_loop3A_379 = vector.broadcast %parallel_loop3A_378 : i32 to vector<16xi32>
        %parallel_loop3A_380 = arith.shrui %parallel_loop3A_377, %parallel_loop3A_379 : vector<16xi32>
        %parallel_loop3A_381 = vector.broadcast %scan3A_56 : f32 to vector<16xf32>
        %parallel_loop3A_382 = arith.addf %parallel_loop3A_277, %parallel_loop3A_381 : vector<16xf32>
        %parallel_loop3A_383 = vector.bitcast %parallel_loop3A_382 : vector<16xf32> to vector<16xi32>
        %parallel_loop3A_384 = arith.constant 13 : i32
        %parallel_loop3A_385 = vector.broadcast %parallel_loop3A_384 : i32 to vector<16xi32>
        %parallel_loop3A_386 = arith.shrui %parallel_loop3A_383, %parallel_loop3A_385 : vector<16xi32>
        %parallel_loop3A_387 = vector.broadcast %scan3A_56 : f32 to vector<16xf32>
        %parallel_loop3A_388 = arith.addf %parallel_loop3A_282, %parallel_loop3A_387 : vector<16xf32>
        %parallel_loop3A_389 = vector.bitcast %parallel_loop3A_388 : vector<16xf32> to vector<16xi32>
        %parallel_loop3A_390 = arith.constant 13 : i32
        %parallel_loop3A_391 = vector.broadcast %parallel_loop3A_390 : i32 to vector<16xi32>
        %parallel_loop3A_392 = arith.shrui %parallel_loop3A_389, %parallel_loop3A_391 : vector<16xi32>
        %parallel_loop3A_393 = vector.broadcast %scan3A_56 : f32 to vector<16xf32>
        %parallel_loop3A_394 = arith.addf %parallel_loop3A_287, %parallel_loop3A_393 : vector<16xf32>
        %parallel_loop3A_395 = vector.bitcast %parallel_loop3A_394 : vector<16xf32> to vector<16xi32>
        %parallel_loop3A_396 = arith.constant 13 : i32
        %parallel_loop3A_397 = vector.broadcast %parallel_loop3A_396 : i32 to vector<16xi32>
        %parallel_loop3A_398 = arith.shrui %parallel_loop3A_395, %parallel_loop3A_397 : vector<16xi32>
        %parallel_loop3A_399 = vector.broadcast %scan3A_56 : f32 to vector<16xf32>
        %parallel_loop3A_400 = arith.addf %parallel_loop3A_292, %parallel_loop3A_399 : vector<16xf32>
        %parallel_loop3A_401 = vector.bitcast %parallel_loop3A_400 : vector<16xf32> to vector<16xi32>
        %parallel_loop3A_402 = arith.constant 13 : i32
        %parallel_loop3A_403 = vector.broadcast %parallel_loop3A_402 : i32 to vector<16xi32>
        %parallel_loop3A_404 = arith.shrui %parallel_loop3A_401, %parallel_loop3A_403 : vector<16xi32>
        %parallel_loop3A_405 = vector.broadcast %scan3A_56 : f32 to vector<16xf32>
        %parallel_loop3A_406 = arith.addf %parallel_loop3A_297, %parallel_loop3A_405 : vector<16xf32>
        %parallel_loop3A_407 = vector.bitcast %parallel_loop3A_406 : vector<16xf32> to vector<16xi32>
        %parallel_loop3A_408 = arith.constant 13 : i32
        %parallel_loop3A_409 = vector.broadcast %parallel_loop3A_408 : i32 to vector<16xi32>
        %parallel_loop3A_410 = arith.shrui %parallel_loop3A_407, %parallel_loop3A_409 : vector<16xi32>
        %parallel_loop3A_411 = vector.broadcast %scan3A_56 : f32 to vector<16xf32>
        %parallel_loop3A_412 = arith.addf %parallel_loop3A_302, %parallel_loop3A_411 : vector<16xf32>
        %parallel_loop3A_413 = vector.bitcast %parallel_loop3A_412 : vector<16xf32> to vector<16xi32>
        %parallel_loop3A_414 = arith.constant 13 : i32
        %parallel_loop3A_415 = vector.broadcast %parallel_loop3A_414 : i32 to vector<16xi32>
        %parallel_loop3A_416 = arith.shrui %parallel_loop3A_413, %parallel_loop3A_415 : vector<16xi32>
        %parallel_loop3A_417 = arith.constant 131199 : i32
        %parallel_loop3A_418 = vector.broadcast %parallel_loop3A_417 : i32 to vector<16xi32>
        %parallel_loop3A_419 = arith.subi %parallel_loop3A_418, %parallel_loop3A_308 : vector<16xi32>
        %parallel_loop3A_420 = arith.constant 132223 : i32
        %parallel_loop3A_421 = vector.broadcast %parallel_loop3A_420 : i32 to vector<16xi32>
        %parallel_loop3A_422 = arith.subi %parallel_loop3A_421, %parallel_loop3A_314 : vector<16xi32>
        %parallel_loop3A_423 = arith.constant 133247 : i32
        %parallel_loop3A_424 = vector.broadcast %parallel_loop3A_423 : i32 to vector<16xi32>
        %parallel_loop3A_425 = arith.subi %parallel_loop3A_424, %parallel_loop3A_320 : vector<16xi32>
        %parallel_loop3A_426 = arith.constant 134271 : i32
        %parallel_loop3A_427 = vector.broadcast %parallel_loop3A_426 : i32 to vector<16xi32>
        %parallel_loop3A_428 = arith.subi %parallel_loop3A_427, %parallel_loop3A_326 : vector<16xi32>
        %parallel_loop3A_429 = arith.constant 135295 : i32
        %parallel_loop3A_430 = vector.broadcast %parallel_loop3A_429 : i32 to vector<16xi32>
        %parallel_loop3A_431 = arith.subi %parallel_loop3A_430, %parallel_loop3A_332 : vector<16xi32>
        %parallel_loop3A_432 = arith.constant 136319 : i32
        %parallel_loop3A_433 = vector.broadcast %parallel_loop3A_432 : i32 to vector<16xi32>
        %parallel_loop3A_434 = arith.subi %parallel_loop3A_433, %parallel_loop3A_338 : vector<16xi32>
        %parallel_loop3A_435 = arith.constant 137343 : i32
        %parallel_loop3A_436 = vector.broadcast %parallel_loop3A_435 : i32 to vector<16xi32>
        %parallel_loop3A_437 = arith.subi %parallel_loop3A_436, %parallel_loop3A_344 : vector<16xi32>
        %parallel_loop3A_438 = arith.constant 138367 : i32
        %parallel_loop3A_439 = vector.broadcast %parallel_loop3A_438 : i32 to vector<16xi32>
        %parallel_loop3A_440 = arith.subi %parallel_loop3A_439, %parallel_loop3A_350 : vector<16xi32>
        %parallel_loop3A_441 = arith.constant 139391 : i32
        %parallel_loop3A_442 = vector.broadcast %parallel_loop3A_441 : i32 to vector<16xi32>
        %parallel_loop3A_443 = arith.subi %parallel_loop3A_442, %parallel_loop3A_356 : vector<16xi32>
        %parallel_loop3A_444 = arith.constant 140415 : i32
        %parallel_loop3A_445 = vector.broadcast %parallel_loop3A_444 : i32 to vector<16xi32>
        %parallel_loop3A_446 = arith.subi %parallel_loop3A_445, %parallel_loop3A_362 : vector<16xi32>
        %parallel_loop3A_447 = arith.constant 141439 : i32
        %parallel_loop3A_448 = vector.broadcast %parallel_loop3A_447 : i32 to vector<16xi32>
        %parallel_loop3A_449 = arith.subi %parallel_loop3A_448, %parallel_loop3A_368 : vector<16xi32>
        %parallel_loop3A_450 = arith.constant 142463 : i32
        %parallel_loop3A_451 = vector.broadcast %parallel_loop3A_450 : i32 to vector<16xi32>
        %parallel_loop3A_452 = arith.subi %parallel_loop3A_451, %parallel_loop3A_374 : vector<16xi32>
        %parallel_loop3A_453 = arith.constant 143487 : i32
        %parallel_loop3A_454 = vector.broadcast %parallel_loop3A_453 : i32 to vector<16xi32>
        %parallel_loop3A_455 = arith.subi %parallel_loop3A_454, %parallel_loop3A_380 : vector<16xi32>
        %parallel_loop3A_456 = arith.constant 144511 : i32
        %parallel_loop3A_457 = vector.broadcast %parallel_loop3A_456 : i32 to vector<16xi32>
        %parallel_loop3A_458 = arith.subi %parallel_loop3A_457, %parallel_loop3A_386 : vector<16xi32>
        %parallel_loop3A_459 = arith.constant 145535 : i32
        %parallel_loop3A_460 = vector.broadcast %parallel_loop3A_459 : i32 to vector<16xi32>
        %parallel_loop3A_461 = arith.subi %parallel_loop3A_460, %parallel_loop3A_392 : vector<16xi32>
        %parallel_loop3A_462 = arith.constant 146559 : i32
        %parallel_loop3A_463 = vector.broadcast %parallel_loop3A_462 : i32 to vector<16xi32>
        %parallel_loop3A_464 = arith.subi %parallel_loop3A_463, %parallel_loop3A_398 : vector<16xi32>
        %parallel_loop3A_465 = arith.constant 147583 : i32
        %parallel_loop3A_466 = vector.broadcast %parallel_loop3A_465 : i32 to vector<16xi32>
        %parallel_loop3A_467 = arith.subi %parallel_loop3A_466, %parallel_loop3A_404 : vector<16xi32>
        %parallel_loop3A_468 = arith.constant 148607 : i32
        %parallel_loop3A_469 = vector.broadcast %parallel_loop3A_468 : i32 to vector<16xi32>
        %parallel_loop3A_470 = arith.subi %parallel_loop3A_469, %parallel_loop3A_410 : vector<16xi32>
        %parallel_loop3A_471 = arith.constant 149631 : i32
        %parallel_loop3A_472 = vector.broadcast %parallel_loop3A_471 : i32 to vector<16xi32>
        %parallel_loop3A_473 = arith.subi %parallel_loop3A_472, %parallel_loop3A_416 : vector<16xi32>
        tpu.vector_store_idx %arg5[%parallel_loop3A_419], %broadcast_in_dim3A_55 {add = true} : memref<39168xf32, #tpu.memory_space<vmem>>[vector<16xi32>], vector<16xf32>,
        tpu.vector_store_idx %arg5[%parallel_loop3A_422], %broadcast_in_dim3A_55 {add = true} : memref<39168xf32, #tpu.memory_space<vmem>>[vector<16xi32>], vector<16xf32>,
        tpu.vector_store_idx %arg5[%parallel_loop3A_425], %broadcast_in_dim3A_55 {add = true} : memref<39168xf32, #tpu.memory_space<vmem>>[vector<16xi32>], vector<16xf32>,
        tpu.vector_store_idx %arg5[%parallel_loop3A_428], %broadcast_in_dim3A_55 {add = true} : memref<39168xf32, #tpu.memory_space<vmem>>[vector<16xi32>], vector<16xf32>,
        tpu.vector_store_idx %arg5[%parallel_loop3A_431], %broadcast_in_dim3A_55 {add = true} : memref<39168xf32, #tpu.memory_space<vmem>>[vector<16xi32>], vector<16xf32>,
        tpu.vector_store_idx %arg5[%parallel_loop3A_434], %broadcast_in_dim3A_55 {add = true} : memref<39168xf32, #tpu.memory_space<vmem>>[vector<16xi32>], vector<16xf32>,
        tpu.vector_store_idx %arg5[%parallel_loop3A_437], %broadcast_in_dim3A_55 {add = true} : memref<39168xf32, #tpu.memory_space<vmem>>[vector<16xi32>], vector<16xf32>,
        tpu.vector_store_idx %arg5[%parallel_loop3A_440], %broadcast_in_dim3A_55 {add = true} : memref<39168xf32, #tpu.memory_space<vmem>>[vector<16xi32>], vector<16xf32>,
        tpu.vector_store_idx %arg5[%parallel_loop3A_443], %broadcast_in_dim3A_55 {add = true} : memref<39168xf32, #tpu.memory_space<vmem>>[vector<16xi32>], vector<16xf32>,
        tpu.vector_store_idx %arg5[%parallel_loop3A_446], %broadcast_in_dim3A_55 {add = true} : memref<39168xf32, #tpu.memory_space<vmem>>[vector<16xi32>], vector<16xf32>,
        tpu.vector_store_idx %arg5[%parallel_loop3A_449], %broadcast_in_dim3A_55 {add = true} : memref<39168xf32, #tpu.memory_space<vmem>>[vector<16xi32>], vector<16xf32>,
        tpu.vector_store_idx %arg5[%parallel_loop3A_452], %broadcast_in_dim3A_55 {add = true} : memref<39168xf32, #tpu.memory_space<vmem>>[vector<16xi32>], vector<16xf32>,
        tpu.vector_store_idx %arg5[%parallel_loop3A_455], %broadcast_in_dim3A_55 {add = true} : memref<39168xf32, #tpu.memory_space<vmem>>[vector<16xi32>], vector<16xf32>,
        tpu.vector_store_idx %arg5[%parallel_loop3A_458], %broadcast_in_dim3A_55 {add = true} : memref<39168xf32, #tpu.memory_space<vmem>>[vector<16xi32>], vector<16xf32>,
        tpu.vector_store_idx %arg5[%parallel_loop3A_461], %broadcast_in_dim3A_55 {add = true} : memref<39168xf32, #tpu.memory_space<vmem>>[vector<16xi32>], vector<16xf32>,
        tpu.vector_store_idx %arg5[%parallel_loop3A_464], %broadcast_in_dim3A_55 {add = true} : memref<39168xf32, #tpu.memory_space<vmem>>[vector<16xi32>], vector<16xf32>,
        tpu.vector_store_idx %arg5[%parallel_loop3A_467], %broadcast_in_dim3A_55 {add = true} : memref<39168xf32, #tpu.memory_space<vmem>>[vector<16xi32>], vector<16xf32>,
        tpu.vector_store_idx %arg5[%parallel_loop3A_470], %broadcast_in_dim3A_55 {add = true} : memref<39168xf32, #tpu.memory_space<vmem>>[vector<16xi32>], vector<16xf32>,
        tpu.vector_store_idx %arg5[%parallel_loop3A_473], %broadcast_in_dim3A_55 {add = true} : memref<39168xf32, #tpu.memory_space<vmem>>[vector<16xi32>], vector<16xf32>,
        %parallel_loop3A_474 = arith.constant 2 : i32
        %parallel_loop3A_475 = arith.muli %mul3A_134, %parallel_loop3A_474 : i32
        %parallel_loop3A_476 = arith.addi %parallel_loop3A_475, %parallel_loop3A_189 : i32
        %parallel_loop3A_477 = arith.index_cast %parallel_loop3A_476 : i32 to index
        %parallel_loop3A_478 = arith.index_cast %parallel_loop3A_207 : i32 to index
        %parallel_loop3A_479 = tpu.vector_load %arg8[%parallel_loop3A_477, %parallel_loop3A_478] {strides = array<i32>} : memref<64x512xi32, #tpu.memory_space<vmem>>, vector<16xi32>,
        %parallel_loop3A_480 = arith.constant 0 : i32
        %parallel_loop3A_481 = vector.broadcast %parallel_loop3A_480 : i32 to vector<16xi32>
        %parallel_loop3A_482 = arith.muli %iota3A, %parallel_loop3A_481 : vector<16xi32>
        %parallel_loop3A_483 = vector.broadcast %parallel_loop3A_189 : i32 to vector<16xi32>
        %parallel_loop3A_484 = arith.addi %parallel_loop3A_482, %parallel_loop3A_483 : vector<16xi32>
        %parallel_loop3A_485 = vector.broadcast %parallel_loop3A_207 : i32 to vector<16xi32>
        %parallel_loop3A_486 = arith.addi %iota3A, %parallel_loop3A_485 : vector<16xi32>
        %parallel_loop3A_487 = tpu.vector_load_idx %arg6[%parallel_loop3A_479, %parallel_loop3A_484, %parallel_loop3A_486] : memref<19x2x512xf32, #tpu.memory_space<vmem>>[vector<16xi32>, vector<16xi32>, vector<16xi32>], vector<16xf32>,
        %parallel_loop3A_488 = arith.constant 1024 : i32
        %parallel_loop3A_489 = vector.broadcast %parallel_loop3A_488 : i32 to vector<16xi32>
        %parallel_loop3A_490 = arith.muli %parallel_loop3A_479, %parallel_loop3A_489 : vector<16xi32>
        %parallel_loop3A_491 = vector.broadcast %scan3A_56 : f32 to vector<16xf32>
        %parallel_loop3A_492 = arith.addf %parallel_loop3A_487, %parallel_loop3A_491 : vector<16xf32>
        %parallel_loop3A_493 = vector.bitcast %parallel_loop3A_492 : vector<16xf32> to vector<16xi32>
        %parallel_loop3A_494 = arith.constant 13 : i32
        %parallel_loop3A_495 = vector.broadcast %parallel_loop3A_494 : i32 to vector<16xi32>
        %parallel_loop3A_496 = arith.shrui %parallel_loop3A_493, %parallel_loop3A_495 : vector<16xi32>
        %parallel_loop3A_497 = arith.constant -110464 : i32
        %parallel_loop3A_498 = vector.broadcast %parallel_loop3A_497 : i32 to vector<16xi32>
        %parallel_loop3A_499 = arith.addi %parallel_loop3A_496, %parallel_loop3A_498 : vector<16xi32>
        %parallel_loop3A_500 = arith.addi %parallel_loop3A_490, %parallel_loop3A_499 : vector<16xi32>
        tpu.vector_store_idx %arg5[%parallel_loop3A_500], %broadcast_in_dim3A_55 {add = true} : memref<39168xf32, #tpu.memory_space<vmem>>[vector<16xi32>], vector<16xf32>,
      } {sc.loop_unroll_factor = 2 : i64, sc.parallel_access}
      %add3A_138 = arith.constant 4 : i32
      %add3A_139 = arith.addi %add3A_114, %add3A_138 : i32
      %add3A_140 = arith.constant 62 : i32
      %add3A_141 = arith.addi %mul3A_32, %add3A_140 : i32
      %min3A = arith.minsi %add3A_139, %add3A_141 : i32
      %dma_start3A_142 = arith.constant 0 : i32
      %dma_start3A_143 = arith.constant 0 : i32
      %dma_start3A_144 = tpu.memref_slice %arg2[%select_n3A, %dma_start3A_142, %min3A, %dma_start3A_143] : memref<4x19x512x512xf32, #tpu.memory_space<hbm>> -> memref<1x19x2x512xf32, #tpu.memory_space<hbm>>
      %dma_start3A_145 = tpu.memref_squeeze %dma_start3A_144 : memref<1x19x2x512xf32, #tpu.memory_space<hbm>> -> memref<19x2x512xf32, #tpu.memory_space<hbm>>
      %dma_start3A_146 = arith.constant 0 : i32
      %dma_start3A_147 = arith.constant 0 : i32
      %dma_start3A_148 = tpu.memref_slice %arg2[%select_n3A, %dma_start3A_146, %min3A, %dma_start3A_147] : memref<4x19x512x512xf32, #tpu.memory_space<hbm>> -> memref<1x19x2x512xf32, #tpu.memory_space<hbm>>
      %dma_start3A_149 = tpu.memref_squeeze %dma_start3A_148 : memref<1x19x2x512xf32, #tpu.memory_space<hbm>> -> memref<19x2x512xf32, #tpu.memory_space<hbm>>
      tpu.enqueue_dma source(%dma_start3A_149 : memref<19x2x512xf32, #tpu.memory_space<hbm>>) target(%arg6 : memref<19x2x512xf32, #tpu.memory_space<vmem>>) target_semaphore(%arg9 : memref<!tpu.dma_semaphore, #tpu.memory_space<semaphore_mem>>)
      %dma_wait3A_150 = arith.constant 0 : i32
      %dma_wait3A_151 = arith.constant 0 : i32
      %dma_wait3A_152 = tpu.memref_slice %arg2[%select_n3A, %dma_wait3A_150, %add3A_116, %dma_wait3A_151] : memref<4x19x512x512xf32, #tpu.memory_space<hbm>> -> memref<1x19x2x512xf32, #tpu.memory_space<hbm>>
      %dma_wait3A_153 = tpu.memref_squeeze %dma_wait3A_152 : memref<1x19x2x512xf32, #tpu.memory_space<hbm>> -> memref<19x2x512xf32, #tpu.memory_space<hbm>>
      %dma_wait3A_154 = arith.constant 0 : i32
      %dma_wait3A_155 = arith.constant 0 : i32
      %dma_wait3A_156 = tpu.memref_slice %arg2[%select_n3A, %dma_wait3A_154, %add3A_116, %dma_wait3A_155] : memref<4x19x512x512xf32, #tpu.memory_space<hbm>> -> memref<1x19x2x512xf32, #tpu.memory_space<hbm>>
      %dma_wait3A_157 = tpu.memref_squeeze %dma_wait3A_156 : memref<1x19x2x512xf32, #tpu.memory_space<hbm>> -> memref<19x2x512xf32, #tpu.memory_space<hbm>>
      tpu.wait_dma2 semaphore(%arg10 : memref<!tpu.dma_semaphore, #tpu.memory_space<semaphore_mem>>) src(%dma_wait3A_157 : memref<19x2x512xf32, #tpu.memory_space<hbm>>) dst(%arg7 : memref<19x2x512xf32, #tpu.memory_space<vmem>>)
      %mul3A_158 = arith.constant 2 : i32
      %mul3A_159 = arith.muli %mul3A_158, %scan3A_109 : i32
      %add3A_160 = arith.constant 1 : i32
      %add3A_161 = arith.addi %mul3A_159, %add3A_160 : i32
      %parallel_loop3A_162 = arith.constant 0 : i32
      %parallel_loop3A_163 = arith.constant 64 : i32
      %parallel_loop3A_164 = arith.constant 1 : i32
      scf.for %parallel_loop3A_165 = %parallel_loop3A_162 to %parallel_loop3A_163 step %parallel_loop3A_164  : i32 {
        %parallel_loop3A_166 = arith.constant 32 : i32
        %parallel_loop3A_167 = arith.divsi %parallel_loop3A_165, %parallel_loop3A_166 : i32
        %parallel_loop3A_168 = arith.constant 0 : i32
        %parallel_loop3A_169 = arith.cmpi sgt, %parallel_loop3A_165, %parallel_loop3A_168 : i32
        %parallel_loop3A_170 = arith.extui %parallel_loop3A_169 : i1 to i32
        %parallel_loop3A_171 = arith.constant 0 : i32
        %parallel_loop3A_172 = arith.cmpi slt, %parallel_loop3A_165, %parallel_loop3A_171 : i32
        %parallel_loop3A_173 = arith.extui %parallel_loop3A_172 : i1 to i32
        %parallel_loop3A_174 = arith.subi %parallel_loop3A_170, %parallel_loop3A_173 : i32
        %parallel_loop3A_175 = arith.constant 0 : i32
        %parallel_loop3A_176 = arith.cmpi sgt, %parallel_loop3A_166, %parallel_loop3A_175 : i32
        %parallel_loop3A_177 = arith.extui %parallel_loop3A_176 : i1 to i32
        %parallel_loop3A_178 = arith.constant 0 : i32
        %parallel_loop3A_179 = arith.cmpi slt, %parallel_loop3A_166, %parallel_loop3A_178 : i32
        %parallel_loop3A_180 = arith.extui %parallel_loop3A_179 : i1 to i32
        %parallel_loop3A_181 = arith.subi %parallel_loop3A_177, %parallel_loop3A_180 : i32
        %parallel_loop3A_182 = arith.cmpi ne, %parallel_loop3A_174, %parallel_loop3A_181 : i32
        %parallel_loop3A_183 = arith.remsi %parallel_loop3A_165, %parallel_loop3A_166 : i32
        %parallel_loop3A_184 = arith.constant 0 : i32
        %parallel_loop3A_185 = arith.cmpi ne, %parallel_loop3A_183, %parallel_loop3A_184 : i32
        %parallel_loop3A_186 = arith.andi %parallel_loop3A_182, %parallel_loop3A_185 : i1
        %parallel_loop3A_187 = arith.constant 1 : i32
        %parallel_loop3A_188 = arith.subi %parallel_loop3A_167, %parallel_loop3A_187 : i32
        %parallel_loop3A_189 = arith.select %parallel_loop3A_186, %parallel_loop3A_188, %parallel_loop3A_167 : i32
        %parallel_loop3A_190 = arith.constant 32 : i32
        %parallel_loop3A_191 = arith.constant 0 : i32
        %parallel_loop3A_192 = arith.cmpi eq, %parallel_loop3A_190, %parallel_loop3A_191 : i32
        %parallel_loop3A_193 = arith.constant 1 : i32
        %parallel_loop3A_194 = arith.select %parallel_loop3A_192, %parallel_loop3A_193, %parallel_loop3A_190 : i32
        %parallel_loop3A_195 = arith.remsi %parallel_loop3A_165, %parallel_loop3A_194 : i32
        %parallel_loop3A_196 = arith.constant 0 : i32
        %parallel_loop3A_197 = arith.cmpi ne, %parallel_loop3A_195, %parallel_loop3A_196 : i32
        %parallel_loop3A_198 = arith.constant 0 : i32
        %parallel_loop3A_199 = arith.cmpi slt, %parallel_loop3A_195, %parallel_loop3A_198 : i32
        %parallel_loop3A_200 = arith.constant 0 : i32
        %parallel_loop3A_201 = arith.cmpi slt, %parallel_loop3A_194, %parallel_loop3A_200 : i32
        %parallel_loop3A_202 = arith.xori %parallel_loop3A_199, %parallel_loop3A_201 : i1
        %parallel_loop3A_203 = arith.andi %parallel_loop3A_202, %parallel_loop3A_197 : i1
        %parallel_loop3A_204 = arith.addi %parallel_loop3A_195, %parallel_loop3A_194 : i32
        %parallel_loop3A_205 = arith.select %parallel_loop3A_203, %parallel_loop3A_204, %parallel_loop3A_195 : i32
        %parallel_loop3A_206 = arith.constant 16 : i32
        %parallel_loop3A_207 = arith.muli %parallel_loop3A_205, %parallel_loop3A_206 : i32
        %parallel_loop3A_208 = arith.constant 0 : i32
        %parallel_loop3A_209 = arith.index_cast %parallel_loop3A_208 : i32 to index
        %parallel_loop3A_210 = arith.index_cast %parallel_loop3A_189 : i32 to index
        %parallel_loop3A_211 = arith.index_cast %parallel_loop3A_207 : i32 to index
        %parallel_loop3A_212 = tpu.vector_load %arg7[%parallel_loop3A_209, %parallel_loop3A_210, %parallel_loop3A_211] {strides = array<i32>} : memref<19x2x512xf32, #tpu.memory_space<vmem>>, vector<16xf32>,
        %parallel_loop3A_213 = arith.constant 1 : i32
        %parallel_loop3A_214 = arith.index_cast %parallel_loop3A_213 : i32 to index
        %parallel_loop3A_215 = arith.index_cast %parallel_loop3A_189 : i32 to index
        %parallel_loop3A_216 = arith.index_cast %parallel_loop3A_207 : i32 to index
        %parallel_loop3A_217 = tpu.vector_load %arg7[%parallel_loop3A_214, %parallel_loop3A_215, %parallel_loop3A_216] {strides = array<i32>} : memref<19x2x512xf32, #tpu.memory_space<vmem>>, vector<16xf32>,
        %parallel_loop3A_218 = arith.constant 2 : i32
        %parallel_loop3A_219 = arith.index_cast %parallel_loop3A_218 : i32 to index
        %parallel_loop3A_220 = arith.index_cast %parallel_loop3A_189 : i32 to index
        %parallel_loop3A_221 = arith.index_cast %parallel_loop3A_207 : i32 to index
        %parallel_loop3A_222 = tpu.vector_load %arg7[%parallel_loop3A_219, %parallel_loop3A_220, %parallel_loop3A_221] {strides = array<i32>} : memref<19x2x512xf32, #tpu.memory_space<vmem>>, vector<16xf32>,
        %parallel_loop3A_223 = arith.constant 3 : i32
        %parallel_loop3A_224 = arith.index_cast %parallel_loop3A_223 : i32 to index
        %parallel_loop3A_225 = arith.index_cast %parallel_loop3A_189 : i32 to index
        %parallel_loop3A_226 = arith.index_cast %parallel_loop3A_207 : i32 to index
        %parallel_loop3A_227 = tpu.vector_load %arg7[%parallel_loop3A_224, %parallel_loop3A_225, %parallel_loop3A_226] {strides = array<i32>} : memref<19x2x512xf32, #tpu.memory_space<vmem>>, vector<16xf32>,
        %parallel_loop3A_228 = arith.constant 4 : i32
        %parallel_loop3A_229 = arith.index_cast %parallel_loop3A_228 : i32 to index
        %parallel_loop3A_230 = arith.index_cast %parallel_loop3A_189 : i32 to index
        %parallel_loop3A_231 = arith.index_cast %parallel_loop3A_207 : i32 to index
        %parallel_loop3A_232 = tpu.vector_load %arg7[%parallel_loop3A_229, %parallel_loop3A_230, %parallel_loop3A_231] {strides = array<i32>} : memref<19x2x512xf32, #tpu.memory_space<vmem>>, vector<16xf32>,
        %parallel_loop3A_233 = arith.constant 5 : i32
        %parallel_loop3A_234 = arith.index_cast %parallel_loop3A_233 : i32 to index
        %parallel_loop3A_235 = arith.index_cast %parallel_loop3A_189 : i32 to index
        %parallel_loop3A_236 = arith.index_cast %parallel_loop3A_207 : i32 to index
        %parallel_loop3A_237 = tpu.vector_load %arg7[%parallel_loop3A_234, %parallel_loop3A_235, %parallel_loop3A_236] {strides = array<i32>} : memref<19x2x512xf32, #tpu.memory_space<vmem>>, vector<16xf32>,
        %parallel_loop3A_238 = arith.constant 6 : i32
        %parallel_loop3A_239 = arith.index_cast %parallel_loop3A_238 : i32 to index
        %parallel_loop3A_240 = arith.index_cast %parallel_loop3A_189 : i32 to index
        %parallel_loop3A_241 = arith.index_cast %parallel_loop3A_207 : i32 to index
        %parallel_loop3A_242 = tpu.vector_load %arg7[%parallel_loop3A_239, %parallel_loop3A_240, %parallel_loop3A_241] {strides = array<i32>} : memref<19x2x512xf32, #tpu.memory_space<vmem>>, vector<16xf32>,
        %parallel_loop3A_243 = arith.constant 7 : i32
        %parallel_loop3A_244 = arith.index_cast %parallel_loop3A_243 : i32 to index
        %parallel_loop3A_245 = arith.index_cast %parallel_loop3A_189 : i32 to index
        %parallel_loop3A_246 = arith.index_cast %parallel_loop3A_207 : i32 to index
        %parallel_loop3A_247 = tpu.vector_load %arg7[%parallel_loop3A_244, %parallel_loop3A_245, %parallel_loop3A_246] {strides = array<i32>} : memref<19x2x512xf32, #tpu.memory_space<vmem>>, vector<16xf32>,
        %parallel_loop3A_248 = arith.constant 8 : i32
        %parallel_loop3A_249 = arith.index_cast %parallel_loop3A_248 : i32 to index
        %parallel_loop3A_250 = arith.index_cast %parallel_loop3A_189 : i32 to index
        %parallel_loop3A_251 = arith.index_cast %parallel_loop3A_207 : i32 to index
        %parallel_loop3A_252 = tpu.vector_load %arg7[%parallel_loop3A_249, %parallel_loop3A_250, %parallel_loop3A_251] {strides = array<i32>} : memref<19x2x512xf32, #tpu.memory_space<vmem>>, vector<16xf32>,
        %parallel_loop3A_253 = arith.constant 9 : i32
        %parallel_loop3A_254 = arith.index_cast %parallel_loop3A_253 : i32 to index
        %parallel_loop3A_255 = arith.index_cast %parallel_loop3A_189 : i32 to index
        %parallel_loop3A_256 = arith.index_cast %parallel_loop3A_207 : i32 to index
        %parallel_loop3A_257 = tpu.vector_load %arg7[%parallel_loop3A_254, %parallel_loop3A_255, %parallel_loop3A_256] {strides = array<i32>} : memref<19x2x512xf32, #tpu.memory_space<vmem>>, vector<16xf32>,
        %parallel_loop3A_258 = arith.constant 10 : i32
        %parallel_loop3A_259 = arith.index_cast %parallel_loop3A_258 : i32 to index
        %parallel_loop3A_260 = arith.index_cast %parallel_loop3A_189 : i32 to index
        %parallel_loop3A_261 = arith.index_cast %parallel_loop3A_207 : i32 to index
        %parallel_loop3A_262 = tpu.vector_load %arg7[%parallel_loop3A_259, %parallel_loop3A_260, %parallel_loop3A_261] {strides = array<i32>} : memref<19x2x512xf32, #tpu.memory_space<vmem>>, vector<16xf32>,
        %parallel_loop3A_263 = arith.constant 11 : i32
        %parallel_loop3A_264 = arith.index_cast %parallel_loop3A_263 : i32 to index
        %parallel_loop3A_265 = arith.index_cast %parallel_loop3A_189 : i32 to index
        %parallel_loop3A_266 = arith.index_cast %parallel_loop3A_207 : i32 to index
        %parallel_loop3A_267 = tpu.vector_load %arg7[%parallel_loop3A_264, %parallel_loop3A_265, %parallel_loop3A_266] {strides = array<i32>} : memref<19x2x512xf32, #tpu.memory_space<vmem>>, vector<16xf32>,
        %parallel_loop3A_268 = arith.constant 12 : i32
        %parallel_loop3A_269 = arith.index_cast %parallel_loop3A_268 : i32 to index
        %parallel_loop3A_270 = arith.index_cast %parallel_loop3A_189 : i32 to index
        %parallel_loop3A_271 = arith.index_cast %parallel_loop3A_207 : i32 to index
        %parallel_loop3A_272 = tpu.vector_load %arg7[%parallel_loop3A_269, %parallel_loop3A_270, %parallel_loop3A_271] {strides = array<i32>} : memref<19x2x512xf32, #tpu.memory_space<vmem>>, vector<16xf32>,
        %parallel_loop3A_273 = arith.constant 13 : i32
        %parallel_loop3A_274 = arith.index_cast %parallel_loop3A_273 : i32 to index
        %parallel_loop3A_275 = arith.index_cast %parallel_loop3A_189 : i32 to index
        %parallel_loop3A_276 = arith.index_cast %parallel_loop3A_207 : i32 to index
        %parallel_loop3A_277 = tpu.vector_load %arg7[%parallel_loop3A_274, %parallel_loop3A_275, %parallel_loop3A_276] {strides = array<i32>} : memref<19x2x512xf32, #tpu.memory_space<vmem>>, vector<16xf32>,
        %parallel_loop3A_278 = arith.constant 14 : i32
        %parallel_loop3A_279 = arith.index_cast %parallel_loop3A_278 : i32 to index
        %parallel_loop3A_280 = arith.index_cast %parallel_loop3A_189 : i32 to index
        %parallel_loop3A_281 = arith.index_cast %parallel_loop3A_207 : i32 to index
        %parallel_loop3A_282 = tpu.vector_load %arg7[%parallel_loop3A_279, %parallel_loop3A_280, %parallel_loop3A_281] {strides = array<i32>} : memref<19x2x512xf32, #tpu.memory_space<vmem>>, vector<16xf32>,
        %parallel_loop3A_283 = arith.constant 15 : i32
        %parallel_loop3A_284 = arith.index_cast %parallel_loop3A_283 : i32 to index
        %parallel_loop3A_285 = arith.index_cast %parallel_loop3A_189 : i32 to index
        %parallel_loop3A_286 = arith.index_cast %parallel_loop3A_207 : i32 to index
        %parallel_loop3A_287 = tpu.vector_load %arg7[%parallel_loop3A_284, %parallel_loop3A_285, %parallel_loop3A_286] {strides = array<i32>} : memref<19x2x512xf32, #tpu.memory_space<vmem>>, vector<16xf32>,
        %parallel_loop3A_288 = arith.constant 16 : i32
        %parallel_loop3A_289 = arith.index_cast %parallel_loop3A_288 : i32 to index
        %parallel_loop3A_290 = arith.index_cast %parallel_loop3A_189 : i32 to index
        %parallel_loop3A_291 = arith.index_cast %parallel_loop3A_207 : i32 to index
        %parallel_loop3A_292 = tpu.vector_load %arg7[%parallel_loop3A_289, %parallel_loop3A_290, %parallel_loop3A_291] {strides = array<i32>} : memref<19x2x512xf32, #tpu.memory_space<vmem>>, vector<16xf32>,
        %parallel_loop3A_293 = arith.constant 17 : i32
        %parallel_loop3A_294 = arith.index_cast %parallel_loop3A_293 : i32 to index
        %parallel_loop3A_295 = arith.index_cast %parallel_loop3A_189 : i32 to index
        %parallel_loop3A_296 = arith.index_cast %parallel_loop3A_207 : i32 to index
        %parallel_loop3A_297 = tpu.vector_load %arg7[%parallel_loop3A_294, %parallel_loop3A_295, %parallel_loop3A_296] {strides = array<i32>} : memref<19x2x512xf32, #tpu.memory_space<vmem>>, vector<16xf32>,
        %parallel_loop3A_298 = arith.constant 18 : i32
        %parallel_loop3A_299 = arith.index_cast %parallel_loop3A_298 : i32 to index
        %parallel_loop3A_300 = arith.index_cast %parallel_loop3A_189 : i32 to index
        %parallel_loop3A_301 = arith.index_cast %parallel_loop3A_207 : i32 to index
        %parallel_loop3A_302 = tpu.vector_load %arg7[%parallel_loop3A_299, %parallel_loop3A_300, %parallel_loop3A_301] {strides = array<i32>} : memref<19x2x512xf32, #tpu.memory_space<vmem>>, vector<16xf32>,
        %parallel_loop3A_303 = vector.broadcast %scan3A_56 : f32 to vector<16xf32>
        %parallel_loop3A_304 = arith.addf %parallel_loop3A_212, %parallel_loop3A_303 : vector<16xf32>
        %parallel_loop3A_305 = vector.bitcast %parallel_loop3A_304 : vector<16xf32> to vector<16xi32>
        %parallel_loop3A_306 = arith.constant 13 : i32
        %parallel_loop3A_307 = vector.broadcast %parallel_loop3A_306 : i32 to vector<16xi32>
        %parallel_loop3A_308 = arith.shrui %parallel_loop3A_305, %parallel_loop3A_307 : vector<16xi32>
        %parallel_loop3A_309 = vector.broadcast %scan3A_56 : f32 to vector<16xf32>
        %parallel_loop3A_310 = arith.addf %parallel_loop3A_217, %parallel_loop3A_309 : vector<16xf32>
        %parallel_loop3A_311 = vector.bitcast %parallel_loop3A_310 : vector<16xf32> to vector<16xi32>
        %parallel_loop3A_312 = arith.constant 13 : i32
        %parallel_loop3A_313 = vector.broadcast %parallel_loop3A_312 : i32 to vector<16xi32>
        %parallel_loop3A_314 = arith.shrui %parallel_loop3A_311, %parallel_loop3A_313 : vector<16xi32>
        %parallel_loop3A_315 = vector.broadcast %scan3A_56 : f32 to vector<16xf32>
        %parallel_loop3A_316 = arith.addf %parallel_loop3A_222, %parallel_loop3A_315 : vector<16xf32>
        %parallel_loop3A_317 = vector.bitcast %parallel_loop3A_316 : vector<16xf32> to vector<16xi32>
        %parallel_loop3A_318 = arith.constant 13 : i32
        %parallel_loop3A_319 = vector.broadcast %parallel_loop3A_318 : i32 to vector<16xi32>
        %parallel_loop3A_320 = arith.shrui %parallel_loop3A_317, %parallel_loop3A_319 : vector<16xi32>
        %parallel_loop3A_321 = vector.broadcast %scan3A_56 : f32 to vector<16xf32>
        %parallel_loop3A_322 = arith.addf %parallel_loop3A_227, %parallel_loop3A_321 : vector<16xf32>
        %parallel_loop3A_323 = vector.bitcast %parallel_loop3A_322 : vector<16xf32> to vector<16xi32>
        %parallel_loop3A_324 = arith.constant 13 : i32
        %parallel_loop3A_325 = vector.broadcast %parallel_loop3A_324 : i32 to vector<16xi32>
        %parallel_loop3A_326 = arith.shrui %parallel_loop3A_323, %parallel_loop3A_325 : vector<16xi32>
        %parallel_loop3A_327 = vector.broadcast %scan3A_56 : f32 to vector<16xf32>
        %parallel_loop3A_328 = arith.addf %parallel_loop3A_232, %parallel_loop3A_327 : vector<16xf32>
        %parallel_loop3A_329 = vector.bitcast %parallel_loop3A_328 : vector<16xf32> to vector<16xi32>
        %parallel_loop3A_330 = arith.constant 13 : i32
        %parallel_loop3A_331 = vector.broadcast %parallel_loop3A_330 : i32 to vector<16xi32>
        %parallel_loop3A_332 = arith.shrui %parallel_loop3A_329, %parallel_loop3A_331 : vector<16xi32>
        %parallel_loop3A_333 = vector.broadcast %scan3A_56 : f32 to vector<16xf32>
        %parallel_loop3A_334 = arith.addf %parallel_loop3A_237, %parallel_loop3A_333 : vector<16xf32>
        %parallel_loop3A_335 = vector.bitcast %parallel_loop3A_334 : vector<16xf32> to vector<16xi32>
        %parallel_loop3A_336 = arith.constant 13 : i32
        %parallel_loop3A_337 = vector.broadcast %parallel_loop3A_336 : i32 to vector<16xi32>
        %parallel_loop3A_338 = arith.shrui %parallel_loop3A_335, %parallel_loop3A_337 : vector<16xi32>
        %parallel_loop3A_339 = vector.broadcast %scan3A_56 : f32 to vector<16xf32>
        %parallel_loop3A_340 = arith.addf %parallel_loop3A_242, %parallel_loop3A_339 : vector<16xf32>
        %parallel_loop3A_341 = vector.bitcast %parallel_loop3A_340 : vector<16xf32> to vector<16xi32>
        %parallel_loop3A_342 = arith.constant 13 : i32
        %parallel_loop3A_343 = vector.broadcast %parallel_loop3A_342 : i32 to vector<16xi32>
        %parallel_loop3A_344 = arith.shrui %parallel_loop3A_341, %parallel_loop3A_343 : vector<16xi32>
        %parallel_loop3A_345 = vector.broadcast %scan3A_56 : f32 to vector<16xf32>
        %parallel_loop3A_346 = arith.addf %parallel_loop3A_247, %parallel_loop3A_345 : vector<16xf32>
        %parallel_loop3A_347 = vector.bitcast %parallel_loop3A_346 : vector<16xf32> to vector<16xi32>
        %parallel_loop3A_348 = arith.constant 13 : i32
        %parallel_loop3A_349 = vector.broadcast %parallel_loop3A_348 : i32 to vector<16xi32>
        %parallel_loop3A_350 = arith.shrui %parallel_loop3A_347, %parallel_loop3A_349 : vector<16xi32>
        %parallel_loop3A_351 = vector.broadcast %scan3A_56 : f32 to vector<16xf32>
        %parallel_loop3A_352 = arith.addf %parallel_loop3A_252, %parallel_loop3A_351 : vector<16xf32>
        %parallel_loop3A_353 = vector.bitcast %parallel_loop3A_352 : vector<16xf32> to vector<16xi32>
        %parallel_loop3A_354 = arith.constant 13 : i32
        %parallel_loop3A_355 = vector.broadcast %parallel_loop3A_354 : i32 to vector<16xi32>
        %parallel_loop3A_356 = arith.shrui %parallel_loop3A_353, %parallel_loop3A_355 : vector<16xi32>
        %parallel_loop3A_357 = vector.broadcast %scan3A_56 : f32 to vector<16xf32>
        %parallel_loop3A_358 = arith.addf %parallel_loop3A_257, %parallel_loop3A_357 : vector<16xf32>
        %parallel_loop3A_359 = vector.bitcast %parallel_loop3A_358 : vector<16xf32> to vector<16xi32>
        %parallel_loop3A_360 = arith.constant 13 : i32
        %parallel_loop3A_361 = vector.broadcast %parallel_loop3A_360 : i32 to vector<16xi32>
        %parallel_loop3A_362 = arith.shrui %parallel_loop3A_359, %parallel_loop3A_361 : vector<16xi32>
        %parallel_loop3A_363 = vector.broadcast %scan3A_56 : f32 to vector<16xf32>
        %parallel_loop3A_364 = arith.addf %parallel_loop3A_262, %parallel_loop3A_363 : vector<16xf32>
        %parallel_loop3A_365 = vector.bitcast %parallel_loop3A_364 : vector<16xf32> to vector<16xi32>
        %parallel_loop3A_366 = arith.constant 13 : i32
        %parallel_loop3A_367 = vector.broadcast %parallel_loop3A_366 : i32 to vector<16xi32>
        %parallel_loop3A_368 = arith.shrui %parallel_loop3A_365, %parallel_loop3A_367 : vector<16xi32>
        %parallel_loop3A_369 = vector.broadcast %scan3A_56 : f32 to vector<16xf32>
        %parallel_loop3A_370 = arith.addf %parallel_loop3A_267, %parallel_loop3A_369 : vector<16xf32>
        %parallel_loop3A_371 = vector.bitcast %parallel_loop3A_370 : vector<16xf32> to vector<16xi32>
        %parallel_loop3A_372 = arith.constant 13 : i32
        %parallel_loop3A_373 = vector.broadcast %parallel_loop3A_372 : i32 to vector<16xi32>
        %parallel_loop3A_374 = arith.shrui %parallel_loop3A_371, %parallel_loop3A_373 : vector<16xi32>
        %parallel_loop3A_375 = vector.broadcast %scan3A_56 : f32 to vector<16xf32>
        %parallel_loop3A_376 = arith.addf %parallel_loop3A_272, %parallel_loop3A_375 : vector<16xf32>
        %parallel_loop3A_377 = vector.bitcast %parallel_loop3A_376 : vector<16xf32> to vector<16xi32>
        %parallel_loop3A_378 = arith.constant 13 : i32
        %parallel_loop3A_379 = vector.broadcast %parallel_loop3A_378 : i32 to vector<16xi32>
        %parallel_loop3A_380 = arith.shrui %parallel_loop3A_377, %parallel_loop3A_379 : vector<16xi32>
        %parallel_loop3A_381 = vector.broadcast %scan3A_56 : f32 to vector<16xf32>
        %parallel_loop3A_382 = arith.addf %parallel_loop3A_277, %parallel_loop3A_381 : vector<16xf32>
        %parallel_loop3A_383 = vector.bitcast %parallel_loop3A_382 : vector<16xf32> to vector<16xi32>
        %parallel_loop3A_384 = arith.constant 13 : i32
        %parallel_loop3A_385 = vector.broadcast %parallel_loop3A_384 : i32 to vector<16xi32>
        %parallel_loop3A_386 = arith.shrui %parallel_loop3A_383, %parallel_loop3A_385 : vector<16xi32>
        %parallel_loop3A_387 = vector.broadcast %scan3A_56 : f32 to vector<16xf32>
        %parallel_loop3A_388 = arith.addf %parallel_loop3A_282, %parallel_loop3A_387 : vector<16xf32>
        %parallel_loop3A_389 = vector.bitcast %parallel_loop3A_388 : vector<16xf32> to vector<16xi32>
        %parallel_loop3A_390 = arith.constant 13 : i32
        %parallel_loop3A_391 = vector.broadcast %parallel_loop3A_390 : i32 to vector<16xi32>
        %parallel_loop3A_392 = arith.shrui %parallel_loop3A_389, %parallel_loop3A_391 : vector<16xi32>
        %parallel_loop3A_393 = vector.broadcast %scan3A_56 : f32 to vector<16xf32>
        %parallel_loop3A_394 = arith.addf %parallel_loop3A_287, %parallel_loop3A_393 : vector<16xf32>
        %parallel_loop3A_395 = vector.bitcast %parallel_loop3A_394 : vector<16xf32> to vector<16xi32>
        %parallel_loop3A_396 = arith.constant 13 : i32
        %parallel_loop3A_397 = vector.broadcast %parallel_loop3A_396 : i32 to vector<16xi32>
        %parallel_loop3A_398 = arith.shrui %parallel_loop3A_395, %parallel_loop3A_397 : vector<16xi32>
        %parallel_loop3A_399 = vector.broadcast %scan3A_56 : f32 to vector<16xf32>
        %parallel_loop3A_400 = arith.addf %parallel_loop3A_292, %parallel_loop3A_399 : vector<16xf32>
        %parallel_loop3A_401 = vector.bitcast %parallel_loop3A_400 : vector<16xf32> to vector<16xi32>
        %parallel_loop3A_402 = arith.constant 13 : i32
        %parallel_loop3A_403 = vector.broadcast %parallel_loop3A_402 : i32 to vector<16xi32>
        %parallel_loop3A_404 = arith.shrui %parallel_loop3A_401, %parallel_loop3A_403 : vector<16xi32>
        %parallel_loop3A_405 = vector.broadcast %scan3A_56 : f32 to vector<16xf32>
        %parallel_loop3A_406 = arith.addf %parallel_loop3A_297, %parallel_loop3A_405 : vector<16xf32>
        %parallel_loop3A_407 = vector.bitcast %parallel_loop3A_406 : vector<16xf32> to vector<16xi32>
        %parallel_loop3A_408 = arith.constant 13 : i32
        %parallel_loop3A_409 = vector.broadcast %parallel_loop3A_408 : i32 to vector<16xi32>
        %parallel_loop3A_410 = arith.shrui %parallel_loop3A_407, %parallel_loop3A_409 : vector<16xi32>
        %parallel_loop3A_411 = vector.broadcast %scan3A_56 : f32 to vector<16xf32>
        %parallel_loop3A_412 = arith.addf %parallel_loop3A_302, %parallel_loop3A_411 : vector<16xf32>
        %parallel_loop3A_413 = vector.bitcast %parallel_loop3A_412 : vector<16xf32> to vector<16xi32>
        %parallel_loop3A_414 = arith.constant 13 : i32
        %parallel_loop3A_415 = vector.broadcast %parallel_loop3A_414 : i32 to vector<16xi32>
        %parallel_loop3A_416 = arith.shrui %parallel_loop3A_413, %parallel_loop3A_415 : vector<16xi32>
        %parallel_loop3A_417 = arith.constant 131199 : i32
        %parallel_loop3A_418 = vector.broadcast %parallel_loop3A_417 : i32 to vector<16xi32>
        %parallel_loop3A_419 = arith.subi %parallel_loop3A_418, %parallel_loop3A_308 : vector<16xi32>
        %parallel_loop3A_420 = arith.constant 132223 : i32
        %parallel_loop3A_421 = vector.broadcast %parallel_loop3A_420 : i32 to vector<16xi32>
        %parallel_loop3A_422 = arith.subi %parallel_loop3A_421, %parallel_loop3A_314 : vector<16xi32>
        %parallel_loop3A_423 = arith.constant 133247 : i32
        %parallel_loop3A_424 = vector.broadcast %parallel_loop3A_423 : i32 to vector<16xi32>
        %parallel_loop3A_425 = arith.subi %parallel_loop3A_424, %parallel_loop3A_320 : vector<16xi32>
        %parallel_loop3A_426 = arith.constant 134271 : i32
        %parallel_loop3A_427 = vector.broadcast %parallel_loop3A_426 : i32 to vector<16xi32>
        %parallel_loop3A_428 = arith.subi %parallel_loop3A_427, %parallel_loop3A_326 : vector<16xi32>
        %parallel_loop3A_429 = arith.constant 135295 : i32
        %parallel_loop3A_430 = vector.broadcast %parallel_loop3A_429 : i32 to vector<16xi32>
        %parallel_loop3A_431 = arith.subi %parallel_loop3A_430, %parallel_loop3A_332 : vector<16xi32>
        %parallel_loop3A_432 = arith.constant 136319 : i32
        %parallel_loop3A_433 = vector.broadcast %parallel_loop3A_432 : i32 to vector<16xi32>
        %parallel_loop3A_434 = arith.subi %parallel_loop3A_433, %parallel_loop3A_338 : vector<16xi32>
        %parallel_loop3A_435 = arith.constant 137343 : i32
        %parallel_loop3A_436 = vector.broadcast %parallel_loop3A_435 : i32 to vector<16xi32>
        %parallel_loop3A_437 = arith.subi %parallel_loop3A_436, %parallel_loop3A_344 : vector<16xi32>
        %parallel_loop3A_438 = arith.constant 138367 : i32
        %parallel_loop3A_439 = vector.broadcast %parallel_loop3A_438 : i32 to vector<16xi32>
        %parallel_loop3A_440 = arith.subi %parallel_loop3A_439, %parallel_loop3A_350 : vector<16xi32>
        %parallel_loop3A_441 = arith.constant 139391 : i32
        %parallel_loop3A_442 = vector.broadcast %parallel_loop3A_441 : i32 to vector<16xi32>
        %parallel_loop3A_443 = arith.subi %parallel_loop3A_442, %parallel_loop3A_356 : vector<16xi32>
        %parallel_loop3A_444 = arith.constant 140415 : i32
        %parallel_loop3A_445 = vector.broadcast %parallel_loop3A_444 : i32 to vector<16xi32>
        %parallel_loop3A_446 = arith.subi %parallel_loop3A_445, %parallel_loop3A_362 : vector<16xi32>
        %parallel_loop3A_447 = arith.constant 141439 : i32
        %parallel_loop3A_448 = vector.broadcast %parallel_loop3A_447 : i32 to vector<16xi32>
        %parallel_loop3A_449 = arith.subi %parallel_loop3A_448, %parallel_loop3A_368 : vector<16xi32>
        %parallel_loop3A_450 = arith.constant 142463 : i32
        %parallel_loop3A_451 = vector.broadcast %parallel_loop3A_450 : i32 to vector<16xi32>
        %parallel_loop3A_452 = arith.subi %parallel_loop3A_451, %parallel_loop3A_374 : vector<16xi32>
        %parallel_loop3A_453 = arith.constant 143487 : i32
        %parallel_loop3A_454 = vector.broadcast %parallel_loop3A_453 : i32 to vector<16xi32>
        %parallel_loop3A_455 = arith.subi %parallel_loop3A_454, %parallel_loop3A_380 : vector<16xi32>
        %parallel_loop3A_456 = arith.constant 144511 : i32
        %parallel_loop3A_457 = vector.broadcast %parallel_loop3A_456 : i32 to vector<16xi32>
        %parallel_loop3A_458 = arith.subi %parallel_loop3A_457, %parallel_loop3A_386 : vector<16xi32>
        %parallel_loop3A_459 = arith.constant 145535 : i32
        %parallel_loop3A_460 = vector.broadcast %parallel_loop3A_459 : i32 to vector<16xi32>
        %parallel_loop3A_461 = arith.subi %parallel_loop3A_460, %parallel_loop3A_392 : vector<16xi32>
        %parallel_loop3A_462 = arith.constant 146559 : i32
        %parallel_loop3A_463 = vector.broadcast %parallel_loop3A_462 : i32 to vector<16xi32>
        %parallel_loop3A_464 = arith.subi %parallel_loop3A_463, %parallel_loop3A_398 : vector<16xi32>
        %parallel_loop3A_465 = arith.constant 147583 : i32
        %parallel_loop3A_466 = vector.broadcast %parallel_loop3A_465 : i32 to vector<16xi32>
        %parallel_loop3A_467 = arith.subi %parallel_loop3A_466, %parallel_loop3A_404 : vector<16xi32>
        %parallel_loop3A_468 = arith.constant 148607 : i32
        %parallel_loop3A_469 = vector.broadcast %parallel_loop3A_468 : i32 to vector<16xi32>
        %parallel_loop3A_470 = arith.subi %parallel_loop3A_469, %parallel_loop3A_410 : vector<16xi32>
        %parallel_loop3A_471 = arith.constant 149631 : i32
        %parallel_loop3A_472 = vector.broadcast %parallel_loop3A_471 : i32 to vector<16xi32>
        %parallel_loop3A_473 = arith.subi %parallel_loop3A_472, %parallel_loop3A_416 : vector<16xi32>
        tpu.vector_store_idx %arg5[%parallel_loop3A_419], %broadcast_in_dim3A_55 {add = true} : memref<39168xf32, #tpu.memory_space<vmem>>[vector<16xi32>], vector<16xf32>,
        tpu.vector_store_idx %arg5[%parallel_loop3A_422], %broadcast_in_dim3A_55 {add = true} : memref<39168xf32, #tpu.memory_space<vmem>>[vector<16xi32>], vector<16xf32>,
        tpu.vector_store_idx %arg5[%parallel_loop3A_425], %broadcast_in_dim3A_55 {add = true} : memref<39168xf32, #tpu.memory_space<vmem>>[vector<16xi32>], vector<16xf32>,
        tpu.vector_store_idx %arg5[%parallel_loop3A_428], %broadcast_in_dim3A_55 {add = true} : memref<39168xf32, #tpu.memory_space<vmem>>[vector<16xi32>], vector<16xf32>,
        tpu.vector_store_idx %arg5[%parallel_loop3A_431], %broadcast_in_dim3A_55 {add = true} : memref<39168xf32, #tpu.memory_space<vmem>>[vector<16xi32>], vector<16xf32>,
        tpu.vector_store_idx %arg5[%parallel_loop3A_434], %broadcast_in_dim3A_55 {add = true} : memref<39168xf32, #tpu.memory_space<vmem>>[vector<16xi32>], vector<16xf32>,
        tpu.vector_store_idx %arg5[%parallel_loop3A_437], %broadcast_in_dim3A_55 {add = true} : memref<39168xf32, #tpu.memory_space<vmem>>[vector<16xi32>], vector<16xf32>,
        tpu.vector_store_idx %arg5[%parallel_loop3A_440], %broadcast_in_dim3A_55 {add = true} : memref<39168xf32, #tpu.memory_space<vmem>>[vector<16xi32>], vector<16xf32>,
        tpu.vector_store_idx %arg5[%parallel_loop3A_443], %broadcast_in_dim3A_55 {add = true} : memref<39168xf32, #tpu.memory_space<vmem>>[vector<16xi32>], vector<16xf32>,
        tpu.vector_store_idx %arg5[%parallel_loop3A_446], %broadcast_in_dim3A_55 {add = true} : memref<39168xf32, #tpu.memory_space<vmem>>[vector<16xi32>], vector<16xf32>,
        tpu.vector_store_idx %arg5[%parallel_loop3A_449], %broadcast_in_dim3A_55 {add = true} : memref<39168xf32, #tpu.memory_space<vmem>>[vector<16xi32>], vector<16xf32>,
        tpu.vector_store_idx %arg5[%parallel_loop3A_452], %broadcast_in_dim3A_55 {add = true} : memref<39168xf32, #tpu.memory_space<vmem>>[vector<16xi32>], vector<16xf32>,
        tpu.vector_store_idx %arg5[%parallel_loop3A_455], %broadcast_in_dim3A_55 {add = true} : memref<39168xf32, #tpu.memory_space<vmem>>[vector<16xi32>], vector<16xf32>,
        tpu.vector_store_idx %arg5[%parallel_loop3A_458], %broadcast_in_dim3A_55 {add = true} : memref<39168xf32, #tpu.memory_space<vmem>>[vector<16xi32>], vector<16xf32>,
        tpu.vector_store_idx %arg5[%parallel_loop3A_461], %broadcast_in_dim3A_55 {add = true} : memref<39168xf32, #tpu.memory_space<vmem>>[vector<16xi32>], vector<16xf32>,
        tpu.vector_store_idx %arg5[%parallel_loop3A_464], %broadcast_in_dim3A_55 {add = true} : memref<39168xf32, #tpu.memory_space<vmem>>[vector<16xi32>], vector<16xf32>,
        tpu.vector_store_idx %arg5[%parallel_loop3A_467], %broadcast_in_dim3A_55 {add = true} : memref<39168xf32, #tpu.memory_space<vmem>>[vector<16xi32>], vector<16xf32>,
        tpu.vector_store_idx %arg5[%parallel_loop3A_470], %broadcast_in_dim3A_55 {add = true} : memref<39168xf32, #tpu.memory_space<vmem>>[vector<16xi32>], vector<16xf32>,
        tpu.vector_store_idx %arg5[%parallel_loop3A_473], %broadcast_in_dim3A_55 {add = true} : memref<39168xf32, #tpu.memory_space<vmem>>[vector<16xi32>], vector<16xf32>,
        %parallel_loop3A_474 = arith.constant 2 : i32
        %parallel_loop3A_475 = arith.muli %add3A_161, %parallel_loop3A_474 : i32
        %parallel_loop3A_476 = arith.addi %parallel_loop3A_475, %parallel_loop3A_189 : i32
        %parallel_loop3A_477 = arith.index_cast %parallel_loop3A_476 : i32 to index
        %parallel_loop3A_478 = arith.index_cast %parallel_loop3A_207 : i32 to index
        %parallel_loop3A_479 = tpu.vector_load %arg8[%parallel_loop3A_477, %parallel_loop3A_478] {strides = array<i32>} : memref<64x512xi32, #tpu.memory_space<vmem>>, vector<16xi32>,
        %parallel_loop3A_480 = arith.constant 0 : i32
        %parallel_loop3A_481 = vector.broadcast %parallel_loop3A_480 : i32 to vector<16xi32>
        %parallel_loop3A_482 = arith.muli %iota3A, %parallel_loop3A_481 : vector<16xi32>
        %parallel_loop3A_483 = vector.broadcast %parallel_loop3A_189 : i32 to vector<16xi32>
        %parallel_loop3A_484 = arith.addi %parallel_loop3A_482, %parallel_loop3A_483 : vector<16xi32>
        %parallel_loop3A_485 = vector.broadcast %parallel_loop3A_207 : i32 to vector<16xi32>
        %parallel_loop3A_486 = arith.addi %iota3A, %parallel_loop3A_485 : vector<16xi32>
        %parallel_loop3A_487 = tpu.vector_load_idx %arg7[%parallel_loop3A_479, %parallel_loop3A_484, %parallel_loop3A_486] : memref<19x2x512xf32, #tpu.memory_space<vmem>>[vector<16xi32>, vector<16xi32>, vector<16xi32>], vector<16xf32>,
        %parallel_loop3A_488 = arith.constant 1024 : i32
        %parallel_loop3A_489 = vector.broadcast %parallel_loop3A_488 : i32 to vector<16xi32>
        %parallel_loop3A_490 = arith.muli %parallel_loop3A_479, %parallel_loop3A_489 : vector<16xi32>
        %parallel_loop3A_491 = vector.broadcast %scan3A_56 : f32 to vector<16xf32>
        %parallel_loop3A_492 = arith.addf %parallel_loop3A_487, %parallel_loop3A_491 : vector<16xf32>
        %parallel_loop3A_493 = vector.bitcast %parallel_loop3A_492 : vector<16xf32> to vector<16xi32>
        %parallel_loop3A_494 = arith.constant 13 : i32
        %parallel_loop3A_495 = vector.broadcast %parallel_loop3A_494 : i32 to vector<16xi32>
        %parallel_loop3A_496 = arith.shrui %parallel_loop3A_493, %parallel_loop3A_495 : vector<16xi32>
        %parallel_loop3A_497 = arith.constant -110464 : i32
        %parallel_loop3A_498 = vector.broadcast %parallel_loop3A_497 : i32 to vector<16xi32>
        %parallel_loop3A_499 = arith.addi %parallel_loop3A_496, %parallel_loop3A_498 : vector<16xi32>
        %parallel_loop3A_500 = arith.addi %parallel_loop3A_490, %parallel_loop3A_499 : vector<16xi32>
        tpu.vector_store_idx %arg5[%parallel_loop3A_500], %broadcast_in_dim3A_55 {add = true} : memref<39168xf32, #tpu.memory_space<vmem>>[vector<16xi32>], vector<16xf32>,
      } {sc.loop_unroll_factor = 2 : i64, sc.parallel_access}
    }
    %scan3A_61 = arith.constant 16 : i32
    %add3A_62 = arith.constant 62 : i32
    %add3A_63 = arith.addi %mul3A_32, %add3A_62 : i32
    %dma_wait3A_64 = arith.constant 0 : i32
    %dma_wait3A_65 = arith.constant 0 : i32
    %dma_wait3A_66 = tpu.memref_slice %arg2[%select_n3A, %dma_wait3A_64, %add3A_63, %dma_wait3A_65] : memref<4x19x512x512xf32, #tpu.memory_space<hbm>> -> memref<1x19x2x512xf32, #tpu.memory_space<hbm>>
    %dma_wait3A_67 = tpu.memref_squeeze %dma_wait3A_66 : memref<1x19x2x512xf32, #tpu.memory_space<hbm>> -> memref<19x2x512xf32, #tpu.memory_space<hbm>>
    %dma_wait3A_68 = arith.constant 0 : i32
    %dma_wait3A_69 = arith.constant 0 : i32
    %dma_wait3A_70 = tpu.memref_slice %arg2[%select_n3A, %dma_wait3A_68, %add3A_63, %dma_wait3A_69] : memref<4x19x512x512xf32, #tpu.memory_space<hbm>> -> memref<1x19x2x512xf32, #tpu.memory_space<hbm>>
    %dma_wait3A_71 = tpu.memref_squeeze %dma_wait3A_70 : memref<1x19x2x512xf32, #tpu.memory_space<hbm>> -> memref<19x2x512xf32, #tpu.memory_space<hbm>>
    tpu.wait_dma2 semaphore(%arg9 : memref<!tpu.dma_semaphore, #tpu.memory_space<semaphore_mem>>) src(%dma_wait3A_71 : memref<19x2x512xf32, #tpu.memory_space<hbm>>) dst(%arg6 : memref<19x2x512xf32, #tpu.memory_space<vmem>>)
    %run_scoped3A = arith.constant 0 : i32
    "tpu.region"() ({
      %run_scoped3A_109 = tpu.sem_alloc : memref<!tpu.dma_semaphore, #tpu.memory_space<semaphore_mem>>
      %dma_start3A_110 = arith.constant 128 : i32
      %dma_start3A_111 = tpu.memref_slice %arg5[%dma_start3A_110] : memref<39168xf32, #tpu.memory_space<vmem>> -> memref<1024xf32, #tpu.memory_space<vmem>>
      %dma_start3A_112 = arith.constant 0 : i32
      %dma_start3A_113 = tpu.memref_slice %arg4[%add3A, %run_scoped3A, %dma_start3A_112] : memref<32x38x1024xf32, #tpu.memory_space<hbm>> -> memref<1x1x1024xf32, #tpu.memory_space<hbm>>
      %dma_start3A_114 = tpu.memref_squeeze %dma_start3A_113 : memref<1x1x1024xf32, #tpu.memory_space<hbm>> -> memref<1024xf32, #tpu.memory_space<hbm>>
      %dma_start3A_115 = arith.constant 0 : i32
      %dma_start3A_116 = tpu.memref_slice %arg4[%add3A, %run_scoped3A, %dma_start3A_115] : memref<32x38x1024xf32, #tpu.memory_space<hbm>> -> memref<1x1x1024xf32, #tpu.memory_space<hbm>>
      %dma_start3A_117 = tpu.memref_squeeze %dma_start3A_116 : memref<1x1x1024xf32, #tpu.memory_space<hbm>> -> memref<1024xf32, #tpu.memory_space<hbm>>
      %dma_start3A_118 = arith.constant 128 : i32
      %dma_start3A_119 = tpu.memref_slice %arg5[%dma_start3A_118] : memref<39168xf32, #tpu.memory_space<vmem>> -> memref<1024xf32, #tpu.memory_space<vmem>>
      tpu.enqueue_dma source(%dma_start3A_119 : memref<1024xf32, #tpu.memory_space<vmem>>) target(%dma_start3A_117 : memref<1024xf32, #tpu.memory_space<hbm>>) target_semaphore(%run_scoped3A_109 : memref<!tpu.dma_semaphore, #tpu.memory_space<semaphore_mem>>)
      %dma_wait3A_120 = arith.constant 128 : i32
      %dma_wait3A_121 = tpu.memref_slice %arg5[%dma_wait3A_120] : memref<39168xf32, #tpu.memory_space<vmem>> -> memref<1024xf32, #tpu.memory_space<vmem>>
      %dma_wait3A_122 = arith.constant 0 : i32
      %dma_wait3A_123 = tpu.memref_slice %arg4[%add3A, %run_scoped3A, %dma_wait3A_122] : memref<32x38x1024xf32, #tpu.memory_space<hbm>> -> memref<1x1x1024xf32, #tpu.memory_space<hbm>>
      %dma_wait3A_124 = tpu.memref_squeeze %dma_wait3A_123 : memref<1x1x1024xf32, #tpu.memory_space<hbm>> -> memref<1024xf32, #tpu.memory_space<hbm>>
      %dma_wait3A_125 = arith.constant 0 : i32
      %dma_wait3A_126 = tpu.memref_slice %arg4[%add3A, %run_scoped3A, %dma_wait3A_125] : memref<32x38x1024xf32, #tpu.memory_space<hbm>> -> memref<1x1x1024xf32, #tpu.memory_space<hbm>>
      %dma_wait3A_127 = tpu.memref_squeeze %dma_wait3A_126 : memref<1x1x1024xf32, #tpu.memory_space<hbm>> -> memref<1024xf32, #tpu.memory_space<hbm>>
      %dma_wait3A_128 = arith.constant 128 : i32
      %dma_wait3A_129 = tpu.memref_slice %arg5[%dma_wait3A_128] : memref<39168xf32, #tpu.memory_space<vmem>> -> memref<1024xf32, #tpu.memory_space<vmem>>
      tpu.wait_dma2 semaphore(%run_scoped3A_109 : memref<!tpu.dma_semaphore, #tpu.memory_space<semaphore_mem>>) src(%dma_wait3A_129 : memref<1024xf32, #tpu.memory_space<vmem>>) dst(%dma_wait3A_127 : memref<1024xf32, #tpu.memory_space<hbm>>)
      tpu.yield
    }) : () -> ()
    %run_scoped3A_72 = arith.constant 1 : i32
    "tpu.region"() ({
      %run_scoped3A_109 = tpu.sem_alloc : memref<!tpu.dma_semaphore, #tpu.memory_space<semaphore_mem>>
      %dma_start3A_110 = arith.constant 1152 : i32
      %dma_start3A_111 = tpu.memref_slice %arg5[%dma_start3A_110] : memref<39168xf32, #tpu.memory_space<vmem>> -> memref<1024xf32, #tpu.memory_space<vmem>>
      %dma_start3A_112 = arith.constant 0 : i32
      %dma_start3A_113 = tpu.memref_slice %arg4[%add3A, %run_scoped3A_72, %dma_start3A_112] : memref<32x38x1024xf32, #tpu.memory_space<hbm>> -> memref<1x1x1024xf32, #tpu.memory_space<hbm>>
      %dma_start3A_114 = tpu.memref_squeeze %dma_start3A_113 : memref<1x1x1024xf32, #tpu.memory_space<hbm>> -> memref<1024xf32, #tpu.memory_space<hbm>>
      %dma_start3A_115 = arith.constant 0 : i32
      %dma_start3A_116 = tpu.memref_slice %arg4[%add3A, %run_scoped3A_72, %dma_start3A_115] : memref<32x38x1024xf32, #tpu.memory_space<hbm>> -> memref<1x1x1024xf32, #tpu.memory_space<hbm>>
      %dma_start3A_117 = tpu.memref_squeeze %dma_start3A_116 : memref<1x1x1024xf32, #tpu.memory_space<hbm>> -> memref<1024xf32, #tpu.memory_space<hbm>>
      %dma_start3A_118 = arith.constant 1152 : i32
      %dma_start3A_119 = tpu.memref_slice %arg5[%dma_start3A_118] : memref<39168xf32, #tpu.memory_space<vmem>> -> memref<1024xf32, #tpu.memory_space<vmem>>
      tpu.enqueue_dma source(%dma_start3A_119 : memref<1024xf32, #tpu.memory_space<vmem>>) target(%dma_start3A_117 : memref<1024xf32, #tpu.memory_space<hbm>>) target_semaphore(%run_scoped3A_109 : memref<!tpu.dma_semaphore, #tpu.memory_space<semaphore_mem>>)
      %dma_wait3A_120 = arith.constant 1152 : i32
      %dma_wait3A_121 = tpu.memref_slice %arg5[%dma_wait3A_120] : memref<39168xf32, #tpu.memory_space<vmem>> -> memref<1024xf32, #tpu.memory_space<vmem>>
      %dma_wait3A_122 = arith.constant 0 : i32
      %dma_wait3A_123 = tpu.memref_slice %arg4[%add3A, %run_scoped3A_72, %dma_wait3A_122] : memref<32x38x1024xf32, #tpu.memory_space<hbm>> -> memref<1x1x1024xf32, #tpu.memory_space<hbm>>
      %dma_wait3A_124 = tpu.memref_squeeze %dma_wait3A_123 : memref<1x1x1024xf32, #tpu.memory_space<hbm>> -> memref<1024xf32, #tpu.memory_space<hbm>>
      %dma_wait3A_125 = arith.constant 0 : i32
      %dma_wait3A_126 = tpu.memref_slice %arg4[%add3A, %run_scoped3A_72, %dma_wait3A_125] : memref<32x38x1024xf32, #tpu.memory_space<hbm>> -> memref<1x1x1024xf32, #tpu.memory_space<hbm>>
      %dma_wait3A_127 = tpu.memref_squeeze %dma_wait3A_126 : memref<1x1x1024xf32, #tpu.memory_space<hbm>> -> memref<1024xf32, #tpu.memory_space<hbm>>
      %dma_wait3A_128 = arith.constant 1152 : i32
      %dma_wait3A_129 = tpu.memref_slice %arg5[%dma_wait3A_128] : memref<39168xf32, #tpu.memory_space<vmem>> -> memref<1024xf32, #tpu.memory_space<vmem>>
      tpu.wait_dma2 semaphore(%run_scoped3A_109 : memref<!tpu.dma_semaphore, #tpu.memory_space<semaphore_mem>>) src(%dma_wait3A_129 : memref<1024xf32, #tpu.memory_space<vmem>>) dst(%dma_wait3A_127 : memref<1024xf32, #tpu.memory_space<hbm>>)
      tpu.yield
    }) : () -> ()
    %run_scoped3A_73 = arith.constant 2 : i32
    "tpu.region"() ({
      %run_scoped3A_109 = tpu.sem_alloc : memref<!tpu.dma_semaphore, #tpu.memory_space<semaphore_mem>>
      %dma_start3A_110 = arith.constant 2176 : i32
      %dma_start3A_111 = tpu.memref_slice %arg5[%dma_start3A_110] : memref<39168xf32, #tpu.memory_space<vmem>> -> memref<1024xf32, #tpu.memory_space<vmem>>
      %dma_start3A_112 = arith.constant 0 : i32
      %dma_start3A_113 = tpu.memref_slice %arg4[%add3A, %run_scoped3A_73, %dma_start3A_112] : memref<32x38x1024xf32, #tpu.memory_space<hbm>> -> memref<1x1x1024xf32, #tpu.memory_space<hbm>>
      %dma_start3A_114 = tpu.memref_squeeze %dma_start3A_113 : memref<1x1x1024xf32, #tpu.memory_space<hbm>> -> memref<1024xf32, #tpu.memory_space<hbm>>
      %dma_start3A_115 = arith.constant 0 : i32
      %dma_start3A_116 = tpu.memref_slice %arg4[%add3A, %run_scoped3A_73, %dma_start3A_115] : memref<32x38x1024xf32, #tpu.memory_space<hbm>> -> memref<1x1x1024xf32, #tpu.memory_space<hbm>>
      %dma_start3A_117 = tpu.memref_squeeze %dma_start3A_116 : memref<1x1x1024xf32, #tpu.memory_space<hbm>> -> memref<1024xf32, #tpu.memory_space<hbm>>
      %dma_start3A_118 = arith.constant 2176 : i32
      %dma_start3A_119 = tpu.memref_slice %arg5[%dma_start3A_118] : memref<39168xf32, #tpu.memory_space<vmem>> -> memref<1024xf32, #tpu.memory_space<vmem>>
      tpu.enqueue_dma source(%dma_start3A_119 : memref<1024xf32, #tpu.memory_space<vmem>>) target(%dma_start3A_117 : memref<1024xf32, #tpu.memory_space<hbm>>) target_semaphore(%run_scoped3A_109 : memref<!tpu.dma_semaphore, #tpu.memory_space<semaphore_mem>>)
      %dma_wait3A_120 = arith.constant 2176 : i32
      %dma_wait3A_121 = tpu.memref_slice %arg5[%dma_wait3A_120] : memref<39168xf32, #tpu.memory_space<vmem>> -> memref<1024xf32, #tpu.memory_space<vmem>>
      %dma_wait3A_122 = arith.constant 0 : i32
      %dma_wait3A_123 = tpu.memref_slice %arg4[%add3A, %run_scoped3A_73, %dma_wait3A_122] : memref<32x38x1024xf32, #tpu.memory_space<hbm>> -> memref<1x1x1024xf32, #tpu.memory_space<hbm>>
      %dma_wait3A_124 = tpu.memref_squeeze %dma_wait3A_123 : memref<1x1x1024xf32, #tpu.memory_space<hbm>> -> memref<1024xf32, #tpu.memory_space<hbm>>
      %dma_wait3A_125 = arith.constant 0 : i32
      %dma_wait3A_126 = tpu.memref_slice %arg4[%add3A, %run_scoped3A_73, %dma_wait3A_125] : memref<32x38x1024xf32, #tpu.memory_space<hbm>> -> memref<1x1x1024xf32, #tpu.memory_space<hbm>>
      %dma_wait3A_127 = tpu.memref_squeeze %dma_wait3A_126 : memref<1x1x1024xf32, #tpu.memory_space<hbm>> -> memref<1024xf32, #tpu.memory_space<hbm>>
      %dma_wait3A_128 = arith.constant 2176 : i32
      %dma_wait3A_129 = tpu.memref_slice %arg5[%dma_wait3A_128] : memref<39168xf32, #tpu.memory_space<vmem>> -> memref<1024xf32, #tpu.memory_space<vmem>>
      tpu.wait_dma2 semaphore(%run_scoped3A_109 : memref<!tpu.dma_semaphore, #tpu.memory_space<semaphore_mem>>) src(%dma_wait3A_129 : memref<1024xf32, #tpu.memory_space<vmem>>) dst(%dma_wait3A_127 : memref<1024xf32, #tpu.memory_space<hbm>>)
      tpu.yield
    }) : () -> ()
    %run_scoped3A_74 = arith.constant 3 : i32
    "tpu.region"() ({
      %run_scoped3A_109 = tpu.sem_alloc : memref<!tpu.dma_semaphore, #tpu.memory_space<semaphore_mem>>
      %dma_start3A_110 = arith.constant 3200 : i32
      %dma_start3A_111 = tpu.memref_slice %arg5[%dma_start3A_110] : memref<39168xf32, #tpu.memory_space<vmem>> -> memref<1024xf32, #tpu.memory_space<vmem>>
      %dma_start3A_112 = arith.constant 0 : i32
      %dma_start3A_113 = tpu.memref_slice %arg4[%add3A, %run_scoped3A_74, %dma_start3A_112] : memref<32x38x1024xf32, #tpu.memory_space<hbm>> -> memref<1x1x1024xf32, #tpu.memory_space<hbm>>
      %dma_start3A_114 = tpu.memref_squeeze %dma_start3A_113 : memref<1x1x1024xf32, #tpu.memory_space<hbm>> -> memref<1024xf32, #tpu.memory_space<hbm>>
      %dma_start3A_115 = arith.constant 0 : i32
      %dma_start3A_116 = tpu.memref_slice %arg4[%add3A, %run_scoped3A_74, %dma_start3A_115] : memref<32x38x1024xf32, #tpu.memory_space<hbm>> -> memref<1x1x1024xf32, #tpu.memory_space<hbm>>
      %dma_start3A_117 = tpu.memref_squeeze %dma_start3A_116 : memref<1x1x1024xf32, #tpu.memory_space<hbm>> -> memref<1024xf32, #tpu.memory_space<hbm>>
      %dma_start3A_118 = arith.constant 3200 : i32
      %dma_start3A_119 = tpu.memref_slice %arg5[%dma_start3A_118] : memref<39168xf32, #tpu.memory_space<vmem>> -> memref<1024xf32, #tpu.memory_space<vmem>>
      tpu.enqueue_dma source(%dma_start3A_119 : memref<1024xf32, #tpu.memory_space<vmem>>) target(%dma_start3A_117 : memref<1024xf32, #tpu.memory_space<hbm>>) target_semaphore(%run_scoped3A_109 : memref<!tpu.dma_semaphore, #tpu.memory_space<semaphore_mem>>)
      %dma_wait3A_120 = arith.constant 3200 : i32
      %dma_wait3A_121 = tpu.memref_slice %arg5[%dma_wait3A_120] : memref<39168xf32, #tpu.memory_space<vmem>> -> memref<1024xf32, #tpu.memory_space<vmem>>
      %dma_wait3A_122 = arith.constant 0 : i32
      %dma_wait3A_123 = tpu.memref_slice %arg4[%add3A, %run_scoped3A_74, %dma_wait3A_122] : memref<32x38x1024xf32, #tpu.memory_space<hbm>> -> memref<1x1x1024xf32, #tpu.memory_space<hbm>>
      %dma_wait3A_124 = tpu.memref_squeeze %dma_wait3A_123 : memref<1x1x1024xf32, #tpu.memory_space<hbm>> -> memref<1024xf32, #tpu.memory_space<hbm>>
      %dma_wait3A_125 = arith.constant 0 : i32
      %dma_wait3A_126 = tpu.memref_slice %arg4[%add3A, %run_scoped3A_74, %dma_wait3A_125] : memref<32x38x1024xf32, #tpu.memory_space<hbm>> -> memref<1x1x1024xf32, #tpu.memory_space<hbm>>
      %dma_wait3A_127 = tpu.memref_squeeze %dma_wait3A_126 : memref<1x1x1024xf32, #tpu.memory_space<hbm>> -> memref<1024xf32, #tpu.memory_space<hbm>>
      %dma_wait3A_128 = arith.constant 3200 : i32
      %dma_wait3A_129 = tpu.memref_slice %arg5[%dma_wait3A_128] : memref<39168xf32, #tpu.memory_space<vmem>> -> memref<1024xf32, #tpu.memory_space<vmem>>
      tpu.wait_dma2 semaphore(%run_scoped3A_109 : memref<!tpu.dma_semaphore, #tpu.memory_space<semaphore_mem>>) src(%dma_wait3A_129 : memref<1024xf32, #tpu.memory_space<vmem>>) dst(%dma_wait3A_127 : memref<1024xf32, #tpu.memory_space<hbm>>)
      tpu.yield
    }) : () -> ()
    %run_scoped3A_75 = arith.constant 4 : i32
    "tpu.region"() ({
      %run_scoped3A_109 = tpu.sem_alloc : memref<!tpu.dma_semaphore, #tpu.memory_space<semaphore_mem>>
      %dma_start3A_110 = arith.constant 4224 : i32
      %dma_start3A_111 = tpu.memref_slice %arg5[%dma_start3A_110] : memref<39168xf32, #tpu.memory_space<vmem>> -> memref<1024xf32, #tpu.memory_space<vmem>>
      %dma_start3A_112 = arith.constant 0 : i32
      %dma_start3A_113 = tpu.memref_slice %arg4[%add3A, %run_scoped3A_75, %dma_start3A_112] : memref<32x38x1024xf32, #tpu.memory_space<hbm>> -> memref<1x1x1024xf32, #tpu.memory_space<hbm>>
      %dma_start3A_114 = tpu.memref_squeeze %dma_start3A_113 : memref<1x1x1024xf32, #tpu.memory_space<hbm>> -> memref<1024xf32, #tpu.memory_space<hbm>>
      %dma_start3A_115 = arith.constant 0 : i32
      %dma_start3A_116 = tpu.memref_slice %arg4[%add3A, %run_scoped3A_75, %dma_start3A_115] : memref<32x38x1024xf32, #tpu.memory_space<hbm>> -> memref<1x1x1024xf32, #tpu.memory_space<hbm>>
      %dma_start3A_117 = tpu.memref_squeeze %dma_start3A_116 : memref<1x1x1024xf32, #tpu.memory_space<hbm>> -> memref<1024xf32, #tpu.memory_space<hbm>>
      %dma_start3A_118 = arith.constant 4224 : i32
      %dma_start3A_119 = tpu.memref_slice %arg5[%dma_start3A_118] : memref<39168xf32, #tpu.memory_space<vmem>> -> memref<1024xf32, #tpu.memory_space<vmem>>
      tpu.enqueue_dma source(%dma_start3A_119 : memref<1024xf32, #tpu.memory_space<vmem>>) target(%dma_start3A_117 : memref<1024xf32, #tpu.memory_space<hbm>>) target_semaphore(%run_scoped3A_109 : memref<!tpu.dma_semaphore, #tpu.memory_space<semaphore_mem>>)
      %dma_wait3A_120 = arith.constant 4224 : i32
      %dma_wait3A_121 = tpu.memref_slice %arg5[%dma_wait3A_120] : memref<39168xf32, #tpu.memory_space<vmem>> -> memref<1024xf32, #tpu.memory_space<vmem>>
      %dma_wait3A_122 = arith.constant 0 : i32
      %dma_wait3A_123 = tpu.memref_slice %arg4[%add3A, %run_scoped3A_75, %dma_wait3A_122] : memref<32x38x1024xf32, #tpu.memory_space<hbm>> -> memref<1x1x1024xf32, #tpu.memory_space<hbm>>
      %dma_wait3A_124 = tpu.memref_squeeze %dma_wait3A_123 : memref<1x1x1024xf32, #tpu.memory_space<hbm>> -> memref<1024xf32, #tpu.memory_space<hbm>>
      %dma_wait3A_125 = arith.constant 0 : i32
      %dma_wait3A_126 = tpu.memref_slice %arg4[%add3A, %run_scoped3A_75, %dma_wait3A_125] : memref<32x38x1024xf32, #tpu.memory_space<hbm>> -> memref<1x1x1024xf32, #tpu.memory_space<hbm>>
      %dma_wait3A_127 = tpu.memref_squeeze %dma_wait3A_126 : memref<1x1x1024xf32, #tpu.memory_space<hbm>> -> memref<1024xf32, #tpu.memory_space<hbm>>
      %dma_wait3A_128 = arith.constant 4224 : i32
      %dma_wait3A_129 = tpu.memref_slice %arg5[%dma_wait3A_128] : memref<39168xf32, #tpu.memory_space<vmem>> -> memref<1024xf32, #tpu.memory_space<vmem>>
      tpu.wait_dma2 semaphore(%run_scoped3A_109 : memref<!tpu.dma_semaphore, #tpu.memory_space<semaphore_mem>>) src(%dma_wait3A_129 : memref<1024xf32, #tpu.memory_space<vmem>>) dst(%dma_wait3A_127 : memref<1024xf32, #tpu.memory_space<hbm>>)
      tpu.yield
    }) : () -> ()
    %run_scoped3A_76 = arith.constant 5 : i32
    "tpu.region"() ({
      %run_scoped3A_109 = tpu.sem_alloc : memref<!tpu.dma_semaphore, #tpu.memory_space<semaphore_mem>>
      %dma_start3A_110 = arith.constant 5248 : i32
      %dma_start3A_111 = tpu.memref_slice %arg5[%dma_start3A_110] : memref<39168xf32, #tpu.memory_space<vmem>> -> memref<1024xf32, #tpu.memory_space<vmem>>
      %dma_start3A_112 = arith.constant 0 : i32
      %dma_start3A_113 = tpu.memref_slice %arg4[%add3A, %run_scoped3A_76, %dma_start3A_112] : memref<32x38x1024xf32, #tpu.memory_space<hbm>> -> memref<1x1x1024xf32, #tpu.memory_space<hbm>>
      %dma_start3A_114 = tpu.memref_squeeze %dma_start3A_113 : memref<1x1x1024xf32, #tpu.memory_space<hbm>> -> memref<1024xf32, #tpu.memory_space<hbm>>
      %dma_start3A_115 = arith.constant 0 : i32
      %dma_start3A_116 = tpu.memref_slice %arg4[%add3A, %run_scoped3A_76, %dma_start3A_115] : memref<32x38x1024xf32, #tpu.memory_space<hbm>> -> memref<1x1x1024xf32, #tpu.memory_space<hbm>>
      %dma_start3A_117 = tpu.memref_squeeze %dma_start3A_116 : memref<1x1x1024xf32, #tpu.memory_space<hbm>> -> memref<1024xf32, #tpu.memory_space<hbm>>
      %dma_start3A_118 = arith.constant 5248 : i32
      %dma_start3A_119 = tpu.memref_slice %arg5[%dma_start3A_118] : memref<39168xf32, #tpu.memory_space<vmem>> -> memref<1024xf32, #tpu.memory_space<vmem>>
      tpu.enqueue_dma source(%dma_start3A_119 : memref<1024xf32, #tpu.memory_space<vmem>>) target(%dma_start3A_117 : memref<1024xf32, #tpu.memory_space<hbm>>) target_semaphore(%run_scoped3A_109 : memref<!tpu.dma_semaphore, #tpu.memory_space<semaphore_mem>>)
      %dma_wait3A_120 = arith.constant 5248 : i32
      %dma_wait3A_121 = tpu.memref_slice %arg5[%dma_wait3A_120] : memref<39168xf32, #tpu.memory_space<vmem>> -> memref<1024xf32, #tpu.memory_space<vmem>>
      %dma_wait3A_122 = arith.constant 0 : i32
      %dma_wait3A_123 = tpu.memref_slice %arg4[%add3A, %run_scoped3A_76, %dma_wait3A_122] : memref<32x38x1024xf32, #tpu.memory_space<hbm>> -> memref<1x1x1024xf32, #tpu.memory_space<hbm>>
      %dma_wait3A_124 = tpu.memref_squeeze %dma_wait3A_123 : memref<1x1x1024xf32, #tpu.memory_space<hbm>> -> memref<1024xf32, #tpu.memory_space<hbm>>
      %dma_wait3A_125 = arith.constant 0 : i32
      %dma_wait3A_126 = tpu.memref_slice %arg4[%add3A, %run_scoped3A_76, %dma_wait3A_125] : memref<32x38x1024xf32, #tpu.memory_space<hbm>> -> memref<1x1x1024xf32, #tpu.memory_space<hbm>>
      %dma_wait3A_127 = tpu.memref_squeeze %dma_wait3A_126 : memref<1x1x1024xf32, #tpu.memory_space<hbm>> -> memref<1024xf32, #tpu.memory_space<hbm>>
      %dma_wait3A_128 = arith.constant 5248 : i32
      %dma_wait3A_129 = tpu.memref_slice %arg5[%dma_wait3A_128] : memref<39168xf32, #tpu.memory_space<vmem>> -> memref<1024xf32, #tpu.memory_space<vmem>>
      tpu.wait_dma2 semaphore(%run_scoped3A_109 : memref<!tpu.dma_semaphore, #tpu.memory_space<semaphore_mem>>) src(%dma_wait3A_129 : memref<1024xf32, #tpu.memory_space<vmem>>) dst(%dma_wait3A_127 : memref<1024xf32, #tpu.memory_space<hbm>>)
      tpu.yield
    }) : () -> ()
    %run_scoped3A_77 = arith.constant 6 : i32
    "tpu.region"() ({
      %run_scoped3A_109 = tpu.sem_alloc : memref<!tpu.dma_semaphore, #tpu.memory_space<semaphore_mem>>
      %dma_start3A_110 = arith.constant 6272 : i32
      %dma_start3A_111 = tpu.memref_slice %arg5[%dma_start3A_110] : memref<39168xf32, #tpu.memory_space<vmem>> -> memref<1024xf32, #tpu.memory_space<vmem>>
      %dma_start3A_112 = arith.constant 0 : i32
      %dma_start3A_113 = tpu.memref_slice %arg4[%add3A, %run_scoped3A_77, %dma_start3A_112] : memref<32x38x1024xf32, #tpu.memory_space<hbm>> -> memref<1x1x1024xf32, #tpu.memory_space<hbm>>
      %dma_start3A_114 = tpu.memref_squeeze %dma_start3A_113 : memref<1x1x1024xf32, #tpu.memory_space<hbm>> -> memref<1024xf32, #tpu.memory_space<hbm>>
      %dma_start3A_115 = arith.constant 0 : i32
      %dma_start3A_116 = tpu.memref_slice %arg4[%add3A, %run_scoped3A_77, %dma_start3A_115] : memref<32x38x1024xf32, #tpu.memory_space<hbm>> -> memref<1x1x1024xf32, #tpu.memory_space<hbm>>
      %dma_start3A_117 = tpu.memref_squeeze %dma_start3A_116 : memref<1x1x1024xf32, #tpu.memory_space<hbm>> -> memref<1024xf32, #tpu.memory_space<hbm>>
      %dma_start3A_118 = arith.constant 6272 : i32
      %dma_start3A_119 = tpu.memref_slice %arg5[%dma_start3A_118] : memref<39168xf32, #tpu.memory_space<vmem>> -> memref<1024xf32, #tpu.memory_space<vmem>>
      tpu.enqueue_dma source(%dma_start3A_119 : memref<1024xf32, #tpu.memory_space<vmem>>) target(%dma_start3A_117 : memref<1024xf32, #tpu.memory_space<hbm>>) target_semaphore(%run_scoped3A_109 : memref<!tpu.dma_semaphore, #tpu.memory_space<semaphore_mem>>)
      %dma_wait3A_120 = arith.constant 6272 : i32
      %dma_wait3A_121 = tpu.memref_slice %arg5[%dma_wait3A_120] : memref<39168xf32, #tpu.memory_space<vmem>> -> memref<1024xf32, #tpu.memory_space<vmem>>
      %dma_wait3A_122 = arith.constant 0 : i32
      %dma_wait3A_123 = tpu.memref_slice %arg4[%add3A, %run_scoped3A_77, %dma_wait3A_122] : memref<32x38x1024xf32, #tpu.memory_space<hbm>> -> memref<1x1x1024xf32, #tpu.memory_space<hbm>>
      %dma_wait3A_124 = tpu.memref_squeeze %dma_wait3A_123 : memref<1x1x1024xf32, #tpu.memory_space<hbm>> -> memref<1024xf32, #tpu.memory_space<hbm>>
      %dma_wait3A_125 = arith.constant 0 : i32
      %dma_wait3A_126 = tpu.memref_slice %arg4[%add3A, %run_scoped3A_77, %dma_wait3A_125] : memref<32x38x1024xf32, #tpu.memory_space<hbm>> -> memref<1x1x1024xf32, #tpu.memory_space<hbm>>
      %dma_wait3A_127 = tpu.memref_squeeze %dma_wait3A_126 : memref<1x1x1024xf32, #tpu.memory_space<hbm>> -> memref<1024xf32, #tpu.memory_space<hbm>>
      %dma_wait3A_128 = arith.constant 6272 : i32
      %dma_wait3A_129 = tpu.memref_slice %arg5[%dma_wait3A_128] : memref<39168xf32, #tpu.memory_space<vmem>> -> memref<1024xf32, #tpu.memory_space<vmem>>
      tpu.wait_dma2 semaphore(%run_scoped3A_109 : memref<!tpu.dma_semaphore, #tpu.memory_space<semaphore_mem>>) src(%dma_wait3A_129 : memref<1024xf32, #tpu.memory_space<vmem>>) dst(%dma_wait3A_127 : memref<1024xf32, #tpu.memory_space<hbm>>)
      tpu.yield
    }) : () -> ()
    %run_scoped3A_78 = arith.constant 7 : i32
    "tpu.region"() ({
      %run_scoped3A_109 = tpu.sem_alloc : memref<!tpu.dma_semaphore, #tpu.memory_space<semaphore_mem>>
      %dma_start3A_110 = arith.constant 7296 : i32
      %dma_start3A_111 = tpu.memref_slice %arg5[%dma_start3A_110] : memref<39168xf32, #tpu.memory_space<vmem>> -> memref<1024xf32, #tpu.memory_space<vmem>>
      %dma_start3A_112 = arith.constant 0 : i32
      %dma_start3A_113 = tpu.memref_slice %arg4[%add3A, %run_scoped3A_78, %dma_start3A_112] : memref<32x38x1024xf32, #tpu.memory_space<hbm>> -> memref<1x1x1024xf32, #tpu.memory_space<hbm>>
      %dma_start3A_114 = tpu.memref_squeeze %dma_start3A_113 : memref<1x1x1024xf32, #tpu.memory_space<hbm>> -> memref<1024xf32, #tpu.memory_space<hbm>>
      %dma_start3A_115 = arith.constant 0 : i32
      %dma_start3A_116 = tpu.memref_slice %arg4[%add3A, %run_scoped3A_78, %dma_start3A_115] : memref<32x38x1024xf32, #tpu.memory_space<hbm>> -> memref<1x1x1024xf32, #tpu.memory_space<hbm>>
      %dma_start3A_117 = tpu.memref_squeeze %dma_start3A_116 : memref<1x1x1024xf32, #tpu.memory_space<hbm>> -> memref<1024xf32, #tpu.memory_space<hbm>>
      %dma_start3A_118 = arith.constant 7296 : i32
      %dma_start3A_119 = tpu.memref_slice %arg5[%dma_start3A_118] : memref<39168xf32, #tpu.memory_space<vmem>> -> memref<1024xf32, #tpu.memory_space<vmem>>
      tpu.enqueue_dma source(%dma_start3A_119 : memref<1024xf32, #tpu.memory_space<vmem>>) target(%dma_start3A_117 : memref<1024xf32, #tpu.memory_space<hbm>>) target_semaphore(%run_scoped3A_109 : memref<!tpu.dma_semaphore, #tpu.memory_space<semaphore_mem>>)
      %dma_wait3A_120 = arith.constant 7296 : i32
      %dma_wait3A_121 = tpu.memref_slice %arg5[%dma_wait3A_120] : memref<39168xf32, #tpu.memory_space<vmem>> -> memref<1024xf32, #tpu.memory_space<vmem>>
      %dma_wait3A_122 = arith.constant 0 : i32
      %dma_wait3A_123 = tpu.memref_slice %arg4[%add3A, %run_scoped3A_78, %dma_wait3A_122] : memref<32x38x1024xf32, #tpu.memory_space<hbm>> -> memref<1x1x1024xf32, #tpu.memory_space<hbm>>
      %dma_wait3A_124 = tpu.memref_squeeze %dma_wait3A_123 : memref<1x1x1024xf32, #tpu.memory_space<hbm>> -> memref<1024xf32, #tpu.memory_space<hbm>>
      %dma_wait3A_125 = arith.constant 0 : i32
      %dma_wait3A_126 = tpu.memref_slice %arg4[%add3A, %run_scoped3A_78, %dma_wait3A_125] : memref<32x38x1024xf32, #tpu.memory_space<hbm>> -> memref<1x1x1024xf32, #tpu.memory_space<hbm>>
      %dma_wait3A_127 = tpu.memref_squeeze %dma_wait3A_126 : memref<1x1x1024xf32, #tpu.memory_space<hbm>> -> memref<1024xf32, #tpu.memory_space<hbm>>
      %dma_wait3A_128 = arith.constant 7296 : i32
      %dma_wait3A_129 = tpu.memref_slice %arg5[%dma_wait3A_128] : memref<39168xf32, #tpu.memory_space<vmem>> -> memref<1024xf32, #tpu.memory_space<vmem>>
      tpu.wait_dma2 semaphore(%run_scoped3A_109 : memref<!tpu.dma_semaphore, #tpu.memory_space<semaphore_mem>>) src(%dma_wait3A_129 : memref<1024xf32, #tpu.memory_space<vmem>>) dst(%dma_wait3A_127 : memref<1024xf32, #tpu.memory_space<hbm>>)
      tpu.yield
    }) : () -> ()
    %run_scoped3A_79 = arith.constant 8 : i32
    "tpu.region"() ({
      %run_scoped3A_109 = tpu.sem_alloc : memref<!tpu.dma_semaphore, #tpu.memory_space<semaphore_mem>>
      %dma_start3A_110 = arith.constant 8320 : i32
      %dma_start3A_111 = tpu.memref_slice %arg5[%dma_start3A_110] : memref<39168xf32, #tpu.memory_space<vmem>> -> memref<1024xf32, #tpu.memory_space<vmem>>
      %dma_start3A_112 = arith.constant 0 : i32
      %dma_start3A_113 = tpu.memref_slice %arg4[%add3A, %run_scoped3A_79, %dma_start3A_112] : memref<32x38x1024xf32, #tpu.memory_space<hbm>> -> memref<1x1x1024xf32, #tpu.memory_space<hbm>>
      %dma_start3A_114 = tpu.memref_squeeze %dma_start3A_113 : memref<1x1x1024xf32, #tpu.memory_space<hbm>> -> memref<1024xf32, #tpu.memory_space<hbm>>
      %dma_start3A_115 = arith.constant 0 : i32
      %dma_start3A_116 = tpu.memref_slice %arg4[%add3A, %run_scoped3A_79, %dma_start3A_115] : memref<32x38x1024xf32, #tpu.memory_space<hbm>> -> memref<1x1x1024xf32, #tpu.memory_space<hbm>>
      %dma_start3A_117 = tpu.memref_squeeze %dma_start3A_116 : memref<1x1x1024xf32, #tpu.memory_space<hbm>> -> memref<1024xf32, #tpu.memory_space<hbm>>
      %dma_start3A_118 = arith.constant 8320 : i32
      %dma_start3A_119 = tpu.memref_slice %arg5[%dma_start3A_118] : memref<39168xf32, #tpu.memory_space<vmem>> -> memref<1024xf32, #tpu.memory_space<vmem>>
      tpu.enqueue_dma source(%dma_start3A_119 : memref<1024xf32, #tpu.memory_space<vmem>>) target(%dma_start3A_117 : memref<1024xf32, #tpu.memory_space<hbm>>) target_semaphore(%run_scoped3A_109 : memref<!tpu.dma_semaphore, #tpu.memory_space<semaphore_mem>>)
      %dma_wait3A_120 = arith.constant 8320 : i32
      %dma_wait3A_121 = tpu.memref_slice %arg5[%dma_wait3A_120] : memref<39168xf32, #tpu.memory_space<vmem>> -> memref<1024xf32, #tpu.memory_space<vmem>>
      %dma_wait3A_122 = arith.constant 0 : i32
      %dma_wait3A_123 = tpu.memref_slice %arg4[%add3A, %run_scoped3A_79, %dma_wait3A_122] : memref<32x38x1024xf32, #tpu.memory_space<hbm>> -> memref<1x1x1024xf32, #tpu.memory_space<hbm>>
      %dma_wait3A_124 = tpu.memref_squeeze %dma_wait3A_123 : memref<1x1x1024xf32, #tpu.memory_space<hbm>> -> memref<1024xf32, #tpu.memory_space<hbm>>
      %dma_wait3A_125 = arith.constant 0 : i32
      %dma_wait3A_126 = tpu.memref_slice %arg4[%add3A, %run_scoped3A_79, %dma_wait3A_125] : memref<32x38x1024xf32, #tpu.memory_space<hbm>> -> memref<1x1x1024xf32, #tpu.memory_space<hbm>>
      %dma_wait3A_127 = tpu.memref_squeeze %dma_wait3A_126 : memref<1x1x1024xf32, #tpu.memory_space<hbm>> -> memref<1024xf32, #tpu.memory_space<hbm>>
      %dma_wait3A_128 = arith.constant 8320 : i32
      %dma_wait3A_129 = tpu.memref_slice %arg5[%dma_wait3A_128] : memref<39168xf32, #tpu.memory_space<vmem>> -> memref<1024xf32, #tpu.memory_space<vmem>>
      tpu.wait_dma2 semaphore(%run_scoped3A_109 : memref<!tpu.dma_semaphore, #tpu.memory_space<semaphore_mem>>) src(%dma_wait3A_129 : memref<1024xf32, #tpu.memory_space<vmem>>) dst(%dma_wait3A_127 : memref<1024xf32, #tpu.memory_space<hbm>>)
      tpu.yield
    }) : () -> ()
    %run_scoped3A_80 = arith.constant 9 : i32
    "tpu.region"() ({
      %run_scoped3A_109 = tpu.sem_alloc : memref<!tpu.dma_semaphore, #tpu.memory_space<semaphore_mem>>
      %dma_start3A_110 = arith.constant 9344 : i32
      %dma_start3A_111 = tpu.memref_slice %arg5[%dma_start3A_110] : memref<39168xf32, #tpu.memory_space<vmem>> -> memref<1024xf32, #tpu.memory_space<vmem>>
      %dma_start3A_112 = arith.constant 0 : i32
      %dma_start3A_113 = tpu.memref_slice %arg4[%add3A, %run_scoped3A_80, %dma_start3A_112] : memref<32x38x1024xf32, #tpu.memory_space<hbm>> -> memref<1x1x1024xf32, #tpu.memory_space<hbm>>
      %dma_start3A_114 = tpu.memref_squeeze %dma_start3A_113 : memref<1x1x1024xf32, #tpu.memory_space<hbm>> -> memref<1024xf32, #tpu.memory_space<hbm>>
      %dma_start3A_115 = arith.constant 0 : i32
      %dma_start3A_116 = tpu.memref_slice %arg4[%add3A, %run_scoped3A_80, %dma_start3A_115] : memref<32x38x1024xf32, #tpu.memory_space<hbm>> -> memref<1x1x1024xf32, #tpu.memory_space<hbm>>
      %dma_start3A_117 = tpu.memref_squeeze %dma_start3A_116 : memref<1x1x1024xf32, #tpu.memory_space<hbm>> -> memref<1024xf32, #tpu.memory_space<hbm>>
      %dma_start3A_118 = arith.constant 9344 : i32
      %dma_start3A_119 = tpu.memref_slice %arg5[%dma_start3A_118] : memref<39168xf32, #tpu.memory_space<vmem>> -> memref<1024xf32, #tpu.memory_space<vmem>>
      tpu.enqueue_dma source(%dma_start3A_119 : memref<1024xf32, #tpu.memory_space<vmem>>) target(%dma_start3A_117 : memref<1024xf32, #tpu.memory_space<hbm>>) target_semaphore(%run_scoped3A_109 : memref<!tpu.dma_semaphore, #tpu.memory_space<semaphore_mem>>)
      %dma_wait3A_120 = arith.constant 9344 : i32
      %dma_wait3A_121 = tpu.memref_slice %arg5[%dma_wait3A_120] : memref<39168xf32, #tpu.memory_space<vmem>> -> memref<1024xf32, #tpu.memory_space<vmem>>
      %dma_wait3A_122 = arith.constant 0 : i32
      %dma_wait3A_123 = tpu.memref_slice %arg4[%add3A, %run_scoped3A_80, %dma_wait3A_122] : memref<32x38x1024xf32, #tpu.memory_space<hbm>> -> memref<1x1x1024xf32, #tpu.memory_space<hbm>>
      %dma_wait3A_124 = tpu.memref_squeeze %dma_wait3A_123 : memref<1x1x1024xf32, #tpu.memory_space<hbm>> -> memref<1024xf32, #tpu.memory_space<hbm>>
      %dma_wait3A_125 = arith.constant 0 : i32
      %dma_wait3A_126 = tpu.memref_slice %arg4[%add3A, %run_scoped3A_80, %dma_wait3A_125] : memref<32x38x1024xf32, #tpu.memory_space<hbm>> -> memref<1x1x1024xf32, #tpu.memory_space<hbm>>
      %dma_wait3A_127 = tpu.memref_squeeze %dma_wait3A_126 : memref<1x1x1024xf32, #tpu.memory_space<hbm>> -> memref<1024xf32, #tpu.memory_space<hbm>>
      %dma_wait3A_128 = arith.constant 9344 : i32
      %dma_wait3A_129 = tpu.memref_slice %arg5[%dma_wait3A_128] : memref<39168xf32, #tpu.memory_space<vmem>> -> memref<1024xf32, #tpu.memory_space<vmem>>
      tpu.wait_dma2 semaphore(%run_scoped3A_109 : memref<!tpu.dma_semaphore, #tpu.memory_space<semaphore_mem>>) src(%dma_wait3A_129 : memref<1024xf32, #tpu.memory_space<vmem>>) dst(%dma_wait3A_127 : memref<1024xf32, #tpu.memory_space<hbm>>)
      tpu.yield
    }) : () -> ()
    %run_scoped3A_81 = arith.constant 10 : i32
    "tpu.region"() ({
      %run_scoped3A_109 = tpu.sem_alloc : memref<!tpu.dma_semaphore, #tpu.memory_space<semaphore_mem>>
      %dma_start3A_110 = arith.constant 10368 : i32
      %dma_start3A_111 = tpu.memref_slice %arg5[%dma_start3A_110] : memref<39168xf32, #tpu.memory_space<vmem>> -> memref<1024xf32, #tpu.memory_space<vmem>>
      %dma_start3A_112 = arith.constant 0 : i32
      %dma_start3A_113 = tpu.memref_slice %arg4[%add3A, %run_scoped3A_81, %dma_start3A_112] : memref<32x38x1024xf32, #tpu.memory_space<hbm>> -> memref<1x1x1024xf32, #tpu.memory_space<hbm>>
      %dma_start3A_114 = tpu.memref_squeeze %dma_start3A_113 : memref<1x1x1024xf32, #tpu.memory_space<hbm>> -> memref<1024xf32, #tpu.memory_space<hbm>>
      %dma_start3A_115 = arith.constant 0 : i32
      %dma_start3A_116 = tpu.memref_slice %arg4[%add3A, %run_scoped3A_81, %dma_start3A_115] : memref<32x38x1024xf32, #tpu.memory_space<hbm>> -> memref<1x1x1024xf32, #tpu.memory_space<hbm>>
      %dma_start3A_117 = tpu.memref_squeeze %dma_start3A_116 : memref<1x1x1024xf32, #tpu.memory_space<hbm>> -> memref<1024xf32, #tpu.memory_space<hbm>>
      %dma_start3A_118 = arith.constant 10368 : i32
      %dma_start3A_119 = tpu.memref_slice %arg5[%dma_start3A_118] : memref<39168xf32, #tpu.memory_space<vmem>> -> memref<1024xf32, #tpu.memory_space<vmem>>
      tpu.enqueue_dma source(%dma_start3A_119 : memref<1024xf32, #tpu.memory_space<vmem>>) target(%dma_start3A_117 : memref<1024xf32, #tpu.memory_space<hbm>>) target_semaphore(%run_scoped3A_109 : memref<!tpu.dma_semaphore, #tpu.memory_space<semaphore_mem>>)
      %dma_wait3A_120 = arith.constant 10368 : i32
      %dma_wait3A_121 = tpu.memref_slice %arg5[%dma_wait3A_120] : memref<39168xf32, #tpu.memory_space<vmem>> -> memref<1024xf32, #tpu.memory_space<vmem>>
      %dma_wait3A_122 = arith.constant 0 : i32
      %dma_wait3A_123 = tpu.memref_slice %arg4[%add3A, %run_scoped3A_81, %dma_wait3A_122] : memref<32x38x1024xf32, #tpu.memory_space<hbm>> -> memref<1x1x1024xf32, #tpu.memory_space<hbm>>
      %dma_wait3A_124 = tpu.memref_squeeze %dma_wait3A_123 : memref<1x1x1024xf32, #tpu.memory_space<hbm>> -> memref<1024xf32, #tpu.memory_space<hbm>>
      %dma_wait3A_125 = arith.constant 0 : i32
      %dma_wait3A_126 = tpu.memref_slice %arg4[%add3A, %run_scoped3A_81, %dma_wait3A_125] : memref<32x38x1024xf32, #tpu.memory_space<hbm>> -> memref<1x1x1024xf32, #tpu.memory_space<hbm>>
      %dma_wait3A_127 = tpu.memref_squeeze %dma_wait3A_126 : memref<1x1x1024xf32, #tpu.memory_space<hbm>> -> memref<1024xf32, #tpu.memory_space<hbm>>
      %dma_wait3A_128 = arith.constant 10368 : i32
      %dma_wait3A_129 = tpu.memref_slice %arg5[%dma_wait3A_128] : memref<39168xf32, #tpu.memory_space<vmem>> -> memref<1024xf32, #tpu.memory_space<vmem>>
      tpu.wait_dma2 semaphore(%run_scoped3A_109 : memref<!tpu.dma_semaphore, #tpu.memory_space<semaphore_mem>>) src(%dma_wait3A_129 : memref<1024xf32, #tpu.memory_space<vmem>>) dst(%dma_wait3A_127 : memref<1024xf32, #tpu.memory_space<hbm>>)
      tpu.yield
    }) : () -> ()
    %run_scoped3A_82 = arith.constant 11 : i32
    "tpu.region"() ({
      %run_scoped3A_109 = tpu.sem_alloc : memref<!tpu.dma_semaphore, #tpu.memory_space<semaphore_mem>>
      %dma_start3A_110 = arith.constant 11392 : i32
      %dma_start3A_111 = tpu.memref_slice %arg5[%dma_start3A_110] : memref<39168xf32, #tpu.memory_space<vmem>> -> memref<1024xf32, #tpu.memory_space<vmem>>
      %dma_start3A_112 = arith.constant 0 : i32
      %dma_start3A_113 = tpu.memref_slice %arg4[%add3A, %run_scoped3A_82, %dma_start3A_112] : memref<32x38x1024xf32, #tpu.memory_space<hbm>> -> memref<1x1x1024xf32, #tpu.memory_space<hbm>>
      %dma_start3A_114 = tpu.memref_squeeze %dma_start3A_113 : memref<1x1x1024xf32, #tpu.memory_space<hbm>> -> memref<1024xf32, #tpu.memory_space<hbm>>
      %dma_start3A_115 = arith.constant 0 : i32
      %dma_start3A_116 = tpu.memref_slice %arg4[%add3A, %run_scoped3A_82, %dma_start3A_115] : memref<32x38x1024xf32, #tpu.memory_space<hbm>> -> memref<1x1x1024xf32, #tpu.memory_space<hbm>>
      %dma_start3A_117 = tpu.memref_squeeze %dma_start3A_116 : memref<1x1x1024xf32, #tpu.memory_space<hbm>> -> memref<1024xf32, #tpu.memory_space<hbm>>
      %dma_start3A_118 = arith.constant 11392 : i32
      %dma_start3A_119 = tpu.memref_slice %arg5[%dma_start3A_118] : memref<39168xf32, #tpu.memory_space<vmem>> -> memref<1024xf32, #tpu.memory_space<vmem>>
      tpu.enqueue_dma source(%dma_start3A_119 : memref<1024xf32, #tpu.memory_space<vmem>>) target(%dma_start3A_117 : memref<1024xf32, #tpu.memory_space<hbm>>) target_semaphore(%run_scoped3A_109 : memref<!tpu.dma_semaphore, #tpu.memory_space<semaphore_mem>>)
      %dma_wait3A_120 = arith.constant 11392 : i32
      %dma_wait3A_121 = tpu.memref_slice %arg5[%dma_wait3A_120] : memref<39168xf32, #tpu.memory_space<vmem>> -> memref<1024xf32, #tpu.memory_space<vmem>>
      %dma_wait3A_122 = arith.constant 0 : i32
      %dma_wait3A_123 = tpu.memref_slice %arg4[%add3A, %run_scoped3A_82, %dma_wait3A_122] : memref<32x38x1024xf32, #tpu.memory_space<hbm>> -> memref<1x1x1024xf32, #tpu.memory_space<hbm>>
      %dma_wait3A_124 = tpu.memref_squeeze %dma_wait3A_123 : memref<1x1x1024xf32, #tpu.memory_space<hbm>> -> memref<1024xf32, #tpu.memory_space<hbm>>
      %dma_wait3A_125 = arith.constant 0 : i32
      %dma_wait3A_126 = tpu.memref_slice %arg4[%add3A, %run_scoped3A_82, %dma_wait3A_125] : memref<32x38x1024xf32, #tpu.memory_space<hbm>> -> memref<1x1x1024xf32, #tpu.memory_space<hbm>>
      %dma_wait3A_127 = tpu.memref_squeeze %dma_wait3A_126 : memref<1x1x1024xf32, #tpu.memory_space<hbm>> -> memref<1024xf32, #tpu.memory_space<hbm>>
      %dma_wait3A_128 = arith.constant 11392 : i32
      %dma_wait3A_129 = tpu.memref_slice %arg5[%dma_wait3A_128] : memref<39168xf32, #tpu.memory_space<vmem>> -> memref<1024xf32, #tpu.memory_space<vmem>>
      tpu.wait_dma2 semaphore(%run_scoped3A_109 : memref<!tpu.dma_semaphore, #tpu.memory_space<semaphore_mem>>) src(%dma_wait3A_129 : memref<1024xf32, #tpu.memory_space<vmem>>) dst(%dma_wait3A_127 : memref<1024xf32, #tpu.memory_space<hbm>>)
      tpu.yield
    }) : () -> ()
    %run_scoped3A_83 = arith.constant 12 : i32
    "tpu.region"() ({
      %run_scoped3A_109 = tpu.sem_alloc : memref<!tpu.dma_semaphore, #tpu.memory_space<semaphore_mem>>
      %dma_start3A_110 = arith.constant 12416 : i32
      %dma_start3A_111 = tpu.memref_slice %arg5[%dma_start3A_110] : memref<39168xf32, #tpu.memory_space<vmem>> -> memref<1024xf32, #tpu.memory_space<vmem>>
      %dma_start3A_112 = arith.constant 0 : i32
      %dma_start3A_113 = tpu.memref_slice %arg4[%add3A, %run_scoped3A_83, %dma_start3A_112] : memref<32x38x1024xf32, #tpu.memory_space<hbm>> -> memref<1x1x1024xf32, #tpu.memory_space<hbm>>
      %dma_start3A_114 = tpu.memref_squeeze %dma_start3A_113 : memref<1x1x1024xf32, #tpu.memory_space<hbm>> -> memref<1024xf32, #tpu.memory_space<hbm>>
      %dma_start3A_115 = arith.constant 0 : i32
      %dma_start3A_116 = tpu.memref_slice %arg4[%add3A, %run_scoped3A_83, %dma_start3A_115] : memref<32x38x1024xf32, #tpu.memory_space<hbm>> -> memref<1x1x1024xf32, #tpu.memory_space<hbm>>
      %dma_start3A_117 = tpu.memref_squeeze %dma_start3A_116 : memref<1x1x1024xf32, #tpu.memory_space<hbm>> -> memref<1024xf32, #tpu.memory_space<hbm>>
      %dma_start3A_118 = arith.constant 12416 : i32
      %dma_start3A_119 = tpu.memref_slice %arg5[%dma_start3A_118] : memref<39168xf32, #tpu.memory_space<vmem>> -> memref<1024xf32, #tpu.memory_space<vmem>>
      tpu.enqueue_dma source(%dma_start3A_119 : memref<1024xf32, #tpu.memory_space<vmem>>) target(%dma_start3A_117 : memref<1024xf32, #tpu.memory_space<hbm>>) target_semaphore(%run_scoped3A_109 : memref<!tpu.dma_semaphore, #tpu.memory_space<semaphore_mem>>)
      %dma_wait3A_120 = arith.constant 12416 : i32
      %dma_wait3A_121 = tpu.memref_slice %arg5[%dma_wait3A_120] : memref<39168xf32, #tpu.memory_space<vmem>> -> memref<1024xf32, #tpu.memory_space<vmem>>
      %dma_wait3A_122 = arith.constant 0 : i32
      %dma_wait3A_123 = tpu.memref_slice %arg4[%add3A, %run_scoped3A_83, %dma_wait3A_122] : memref<32x38x1024xf32, #tpu.memory_space<hbm>> -> memref<1x1x1024xf32, #tpu.memory_space<hbm>>
      %dma_wait3A_124 = tpu.memref_squeeze %dma_wait3A_123 : memref<1x1x1024xf32, #tpu.memory_space<hbm>> -> memref<1024xf32, #tpu.memory_space<hbm>>
      %dma_wait3A_125 = arith.constant 0 : i32
      %dma_wait3A_126 = tpu.memref_slice %arg4[%add3A, %run_scoped3A_83, %dma_wait3A_125] : memref<32x38x1024xf32, #tpu.memory_space<hbm>> -> memref<1x1x1024xf32, #tpu.memory_space<hbm>>
      %dma_wait3A_127 = tpu.memref_squeeze %dma_wait3A_126 : memref<1x1x1024xf32, #tpu.memory_space<hbm>> -> memref<1024xf32, #tpu.memory_space<hbm>>
      %dma_wait3A_128 = arith.constant 12416 : i32
      %dma_wait3A_129 = tpu.memref_slice %arg5[%dma_wait3A_128] : memref<39168xf32, #tpu.memory_space<vmem>> -> memref<1024xf32, #tpu.memory_space<vmem>>
      tpu.wait_dma2 semaphore(%run_scoped3A_109 : memref<!tpu.dma_semaphore, #tpu.memory_space<semaphore_mem>>) src(%dma_wait3A_129 : memref<1024xf32, #tpu.memory_space<vmem>>) dst(%dma_wait3A_127 : memref<1024xf32, #tpu.memory_space<hbm>>)
      tpu.yield
    }) : () -> ()
    %run_scoped3A_84 = arith.constant 13 : i32
    "tpu.region"() ({
      %run_scoped3A_109 = tpu.sem_alloc : memref<!tpu.dma_semaphore, #tpu.memory_space<semaphore_mem>>
      %dma_start3A_110 = arith.constant 13440 : i32
      %dma_start3A_111 = tpu.memref_slice %arg5[%dma_start3A_110] : memref<39168xf32, #tpu.memory_space<vmem>> -> memref<1024xf32, #tpu.memory_space<vmem>>
      %dma_start3A_112 = arith.constant 0 : i32
      %dma_start3A_113 = tpu.memref_slice %arg4[%add3A, %run_scoped3A_84, %dma_start3A_112] : memref<32x38x1024xf32, #tpu.memory_space<hbm>> -> memref<1x1x1024xf32, #tpu.memory_space<hbm>>
      %dma_start3A_114 = tpu.memref_squeeze %dma_start3A_113 : memref<1x1x1024xf32, #tpu.memory_space<hbm>> -> memref<1024xf32, #tpu.memory_space<hbm>>
      %dma_start3A_115 = arith.constant 0 : i32
      %dma_start3A_116 = tpu.memref_slice %arg4[%add3A, %run_scoped3A_84, %dma_start3A_115] : memref<32x38x1024xf32, #tpu.memory_space<hbm>> -> memref<1x1x1024xf32, #tpu.memory_space<hbm>>
      %dma_start3A_117 = tpu.memref_squeeze %dma_start3A_116 : memref<1x1x1024xf32, #tpu.memory_space<hbm>> -> memref<1024xf32, #tpu.memory_space<hbm>>
      %dma_start3A_118 = arith.constant 13440 : i32
      %dma_start3A_119 = tpu.memref_slice %arg5[%dma_start3A_118] : memref<39168xf32, #tpu.memory_space<vmem>> -> memref<1024xf32, #tpu.memory_space<vmem>>
      tpu.enqueue_dma source(%dma_start3A_119 : memref<1024xf32, #tpu.memory_space<vmem>>) target(%dma_start3A_117 : memref<1024xf32, #tpu.memory_space<hbm>>) target_semaphore(%run_scoped3A_109 : memref<!tpu.dma_semaphore, #tpu.memory_space<semaphore_mem>>)
      %dma_wait3A_120 = arith.constant 13440 : i32
      %dma_wait3A_121 = tpu.memref_slice %arg5[%dma_wait3A_120] : memref<39168xf32, #tpu.memory_space<vmem>> -> memref<1024xf32, #tpu.memory_space<vmem>>
      %dma_wait3A_122 = arith.constant 0 : i32
      %dma_wait3A_123 = tpu.memref_slice %arg4[%add3A, %run_scoped3A_84, %dma_wait3A_122] : memref<32x38x1024xf32, #tpu.memory_space<hbm>> -> memref<1x1x1024xf32, #tpu.memory_space<hbm>>
      %dma_wait3A_124 = tpu.memref_squeeze %dma_wait3A_123 : memref<1x1x1024xf32, #tpu.memory_space<hbm>> -> memref<1024xf32, #tpu.memory_space<hbm>>
      %dma_wait3A_125 = arith.constant 0 : i32
      %dma_wait3A_126 = tpu.memref_slice %arg4[%add3A, %run_scoped3A_84, %dma_wait3A_125] : memref<32x38x1024xf32, #tpu.memory_space<hbm>> -> memref<1x1x1024xf32, #tpu.memory_space<hbm>>
      %dma_wait3A_127 = tpu.memref_squeeze %dma_wait3A_126 : memref<1x1x1024xf32, #tpu.memory_space<hbm>> -> memref<1024xf32, #tpu.memory_space<hbm>>
      %dma_wait3A_128 = arith.constant 13440 : i32
      %dma_wait3A_129 = tpu.memref_slice %arg5[%dma_wait3A_128] : memref<39168xf32, #tpu.memory_space<vmem>> -> memref<1024xf32, #tpu.memory_space<vmem>>
      tpu.wait_dma2 semaphore(%run_scoped3A_109 : memref<!tpu.dma_semaphore, #tpu.memory_space<semaphore_mem>>) src(%dma_wait3A_129 : memref<1024xf32, #tpu.memory_space<vmem>>) dst(%dma_wait3A_127 : memref<1024xf32, #tpu.memory_space<hbm>>)
      tpu.yield
    }) : () -> ()
    %run_scoped3A_85 = arith.constant 14 : i32
    "tpu.region"() ({
      %run_scoped3A_109 = tpu.sem_alloc : memref<!tpu.dma_semaphore, #tpu.memory_space<semaphore_mem>>
      %dma_start3A_110 = arith.constant 14464 : i32
      %dma_start3A_111 = tpu.memref_slice %arg5[%dma_start3A_110] : memref<39168xf32, #tpu.memory_space<vmem>> -> memref<1024xf32, #tpu.memory_space<vmem>>
      %dma_start3A_112 = arith.constant 0 : i32
      %dma_start3A_113 = tpu.memref_slice %arg4[%add3A, %run_scoped3A_85, %dma_start3A_112] : memref<32x38x1024xf32, #tpu.memory_space<hbm>> -> memref<1x1x1024xf32, #tpu.memory_space<hbm>>
      %dma_start3A_114 = tpu.memref_squeeze %dma_start3A_113 : memref<1x1x1024xf32, #tpu.memory_space<hbm>> -> memref<1024xf32, #tpu.memory_space<hbm>>
      %dma_start3A_115 = arith.constant 0 : i32
      %dma_start3A_116 = tpu.memref_slice %arg4[%add3A, %run_scoped3A_85, %dma_start3A_115] : memref<32x38x1024xf32, #tpu.memory_space<hbm>> -> memref<1x1x1024xf32, #tpu.memory_space<hbm>>
      %dma_start3A_117 = tpu.memref_squeeze %dma_start3A_116 : memref<1x1x1024xf32, #tpu.memory_space<hbm>> -> memref<1024xf32, #tpu.memory_space<hbm>>
      %dma_start3A_118 = arith.constant 14464 : i32
      %dma_start3A_119 = tpu.memref_slice %arg5[%dma_start3A_118] : memref<39168xf32, #tpu.memory_space<vmem>> -> memref<1024xf32, #tpu.memory_space<vmem>>
      tpu.enqueue_dma source(%dma_start3A_119 : memref<1024xf32, #tpu.memory_space<vmem>>) target(%dma_start3A_117 : memref<1024xf32, #tpu.memory_space<hbm>>) target_semaphore(%run_scoped3A_109 : memref<!tpu.dma_semaphore, #tpu.memory_space<semaphore_mem>>)
      %dma_wait3A_120 = arith.constant 14464 : i32
      %dma_wait3A_121 = tpu.memref_slice %arg5[%dma_wait3A_120] : memref<39168xf32, #tpu.memory_space<vmem>> -> memref<1024xf32, #tpu.memory_space<vmem>>
      %dma_wait3A_122 = arith.constant 0 : i32
      %dma_wait3A_123 = tpu.memref_slice %arg4[%add3A, %run_scoped3A_85, %dma_wait3A_122] : memref<32x38x1024xf32, #tpu.memory_space<hbm>> -> memref<1x1x1024xf32, #tpu.memory_space<hbm>>
      %dma_wait3A_124 = tpu.memref_squeeze %dma_wait3A_123 : memref<1x1x1024xf32, #tpu.memory_space<hbm>> -> memref<1024xf32, #tpu.memory_space<hbm>>
      %dma_wait3A_125 = arith.constant 0 : i32
      %dma_wait3A_126 = tpu.memref_slice %arg4[%add3A, %run_scoped3A_85, %dma_wait3A_125] : memref<32x38x1024xf32, #tpu.memory_space<hbm>> -> memref<1x1x1024xf32, #tpu.memory_space<hbm>>
      %dma_wait3A_127 = tpu.memref_squeeze %dma_wait3A_126 : memref<1x1x1024xf32, #tpu.memory_space<hbm>> -> memref<1024xf32, #tpu.memory_space<hbm>>
      %dma_wait3A_128 = arith.constant 14464 : i32
      %dma_wait3A_129 = tpu.memref_slice %arg5[%dma_wait3A_128] : memref<39168xf32, #tpu.memory_space<vmem>> -> memref<1024xf32, #tpu.memory_space<vmem>>
      tpu.wait_dma2 semaphore(%run_scoped3A_109 : memref<!tpu.dma_semaphore, #tpu.memory_space<semaphore_mem>>) src(%dma_wait3A_129 : memref<1024xf32, #tpu.memory_space<vmem>>) dst(%dma_wait3A_127 : memref<1024xf32, #tpu.memory_space<hbm>>)
      tpu.yield
    }) : () -> ()
    %run_scoped3A_86 = arith.constant 15 : i32
    "tpu.region"() ({
      %run_scoped3A_109 = tpu.sem_alloc : memref<!tpu.dma_semaphore, #tpu.memory_space<semaphore_mem>>
      %dma_start3A_110 = arith.constant 15488 : i32
      %dma_start3A_111 = tpu.memref_slice %arg5[%dma_start3A_110] : memref<39168xf32, #tpu.memory_space<vmem>> -> memref<1024xf32, #tpu.memory_space<vmem>>
      %dma_start3A_112 = arith.constant 0 : i32
      %dma_start3A_113 = tpu.memref_slice %arg4[%add3A, %run_scoped3A_86, %dma_start3A_112] : memref<32x38x1024xf32, #tpu.memory_space<hbm>> -> memref<1x1x1024xf32, #tpu.memory_space<hbm>>
      %dma_start3A_114 = tpu.memref_squeeze %dma_start3A_113 : memref<1x1x1024xf32, #tpu.memory_space<hbm>> -> memref<1024xf32, #tpu.memory_space<hbm>>
      %dma_start3A_115 = arith.constant 0 : i32
      %dma_start3A_116 = tpu.memref_slice %arg4[%add3A, %run_scoped3A_86, %dma_start3A_115] : memref<32x38x1024xf32, #tpu.memory_space<hbm>> -> memref<1x1x1024xf32, #tpu.memory_space<hbm>>
      %dma_start3A_117 = tpu.memref_squeeze %dma_start3A_116 : memref<1x1x1024xf32, #tpu.memory_space<hbm>> -> memref<1024xf32, #tpu.memory_space<hbm>>
      %dma_start3A_118 = arith.constant 15488 : i32
      %dma_start3A_119 = tpu.memref_slice %arg5[%dma_start3A_118] : memref<39168xf32, #tpu.memory_space<vmem>> -> memref<1024xf32, #tpu.memory_space<vmem>>
      tpu.enqueue_dma source(%dma_start3A_119 : memref<1024xf32, #tpu.memory_space<vmem>>) target(%dma_start3A_117 : memref<1024xf32, #tpu.memory_space<hbm>>) target_semaphore(%run_scoped3A_109 : memref<!tpu.dma_semaphore, #tpu.memory_space<semaphore_mem>>)
      %dma_wait3A_120 = arith.constant 15488 : i32
      %dma_wait3A_121 = tpu.memref_slice %arg5[%dma_wait3A_120] : memref<39168xf32, #tpu.memory_space<vmem>> -> memref<1024xf32, #tpu.memory_space<vmem>>
      %dma_wait3A_122 = arith.constant 0 : i32
      %dma_wait3A_123 = tpu.memref_slice %arg4[%add3A, %run_scoped3A_86, %dma_wait3A_122] : memref<32x38x1024xf32, #tpu.memory_space<hbm>> -> memref<1x1x1024xf32, #tpu.memory_space<hbm>>
      %dma_wait3A_124 = tpu.memref_squeeze %dma_wait3A_123 : memref<1x1x1024xf32, #tpu.memory_space<hbm>> -> memref<1024xf32, #tpu.memory_space<hbm>>
      %dma_wait3A_125 = arith.constant 0 : i32
      %dma_wait3A_126 = tpu.memref_slice %arg4[%add3A, %run_scoped3A_86, %dma_wait3A_125] : memref<32x38x1024xf32, #tpu.memory_space<hbm>> -> memref<1x1x1024xf32, #tpu.memory_space<hbm>>
      %dma_wait3A_127 = tpu.memref_squeeze %dma_wait3A_126 : memref<1x1x1024xf32, #tpu.memory_space<hbm>> -> memref<1024xf32, #tpu.memory_space<hbm>>
      %dma_wait3A_128 = arith.constant 15488 : i32
      %dma_wait3A_129 = tpu.memref_slice %arg5[%dma_wait3A_128] : memref<39168xf32, #tpu.memory_space<vmem>> -> memref<1024xf32, #tpu.memory_space<vmem>>
      tpu.wait_dma2 semaphore(%run_scoped3A_109 : memref<!tpu.dma_semaphore, #tpu.memory_space<semaphore_mem>>) src(%dma_wait3A_129 : memref<1024xf32, #tpu.memory_space<vmem>>) dst(%dma_wait3A_127 : memref<1024xf32, #tpu.memory_space<hbm>>)
      tpu.yield
    }) : () -> ()
    %run_scoped3A_87 = arith.constant 16 : i32
    "tpu.region"() ({
      %run_scoped3A_109 = tpu.sem_alloc : memref<!tpu.dma_semaphore, #tpu.memory_space<semaphore_mem>>
      %dma_start3A_110 = arith.constant 16512 : i32
      %dma_start3A_111 = tpu.memref_slice %arg5[%dma_start3A_110] : memref<39168xf32, #tpu.memory_space<vmem>> -> memref<1024xf32, #tpu.memory_space<vmem>>
      %dma_start3A_112 = arith.constant 0 : i32
      %dma_start3A_113 = tpu.memref_slice %arg4[%add3A, %run_scoped3A_87, %dma_start3A_112] : memref<32x38x1024xf32, #tpu.memory_space<hbm>> -> memref<1x1x1024xf32, #tpu.memory_space<hbm>>
      %dma_start3A_114 = tpu.memref_squeeze %dma_start3A_113 : memref<1x1x1024xf32, #tpu.memory_space<hbm>> -> memref<1024xf32, #tpu.memory_space<hbm>>
      %dma_start3A_115 = arith.constant 0 : i32
      %dma_start3A_116 = tpu.memref_slice %arg4[%add3A, %run_scoped3A_87, %dma_start3A_115] : memref<32x38x1024xf32, #tpu.memory_space<hbm>> -> memref<1x1x1024xf32, #tpu.memory_space<hbm>>
      %dma_start3A_117 = tpu.memref_squeeze %dma_start3A_116 : memref<1x1x1024xf32, #tpu.memory_space<hbm>> -> memref<1024xf32, #tpu.memory_space<hbm>>
      %dma_start3A_118 = arith.constant 16512 : i32
      %dma_start3A_119 = tpu.memref_slice %arg5[%dma_start3A_118] : memref<39168xf32, #tpu.memory_space<vmem>> -> memref<1024xf32, #tpu.memory_space<vmem>>
      tpu.enqueue_dma source(%dma_start3A_119 : memref<1024xf32, #tpu.memory_space<vmem>>) target(%dma_start3A_117 : memref<1024xf32, #tpu.memory_space<hbm>>) target_semaphore(%run_scoped3A_109 : memref<!tpu.dma_semaphore, #tpu.memory_space<semaphore_mem>>)
      %dma_wait3A_120 = arith.constant 16512 : i32
      %dma_wait3A_121 = tpu.memref_slice %arg5[%dma_wait3A_120] : memref<39168xf32, #tpu.memory_space<vmem>> -> memref<1024xf32, #tpu.memory_space<vmem>>
      %dma_wait3A_122 = arith.constant 0 : i32
      %dma_wait3A_123 = tpu.memref_slice %arg4[%add3A, %run_scoped3A_87, %dma_wait3A_122] : memref<32x38x1024xf32, #tpu.memory_space<hbm>> -> memref<1x1x1024xf32, #tpu.memory_space<hbm>>
      %dma_wait3A_124 = tpu.memref_squeeze %dma_wait3A_123 : memref<1x1x1024xf32, #tpu.memory_space<hbm>> -> memref<1024xf32, #tpu.memory_space<hbm>>
      %dma_wait3A_125 = arith.constant 0 : i32
      %dma_wait3A_126 = tpu.memref_slice %arg4[%add3A, %run_scoped3A_87, %dma_wait3A_125] : memref<32x38x1024xf32, #tpu.memory_space<hbm>> -> memref<1x1x1024xf32, #tpu.memory_space<hbm>>
      %dma_wait3A_127 = tpu.memref_squeeze %dma_wait3A_126 : memref<1x1x1024xf32, #tpu.memory_space<hbm>> -> memref<1024xf32, #tpu.memory_space<hbm>>
      %dma_wait3A_128 = arith.constant 16512 : i32
      %dma_wait3A_129 = tpu.memref_slice %arg5[%dma_wait3A_128] : memref<39168xf32, #tpu.memory_space<vmem>> -> memref<1024xf32, #tpu.memory_space<vmem>>
      tpu.wait_dma2 semaphore(%run_scoped3A_109 : memref<!tpu.dma_semaphore, #tpu.memory_space<semaphore_mem>>) src(%dma_wait3A_129 : memref<1024xf32, #tpu.memory_space<vmem>>) dst(%dma_wait3A_127 : memref<1024xf32, #tpu.memory_space<hbm>>)
      tpu.yield
    }) : () -> ()
    %run_scoped3A_88 = arith.constant 17 : i32
    "tpu.region"() ({
      %run_scoped3A_109 = tpu.sem_alloc : memref<!tpu.dma_semaphore, #tpu.memory_space<semaphore_mem>>
      %dma_start3A_110 = arith.constant 17536 : i32
      %dma_start3A_111 = tpu.memref_slice %arg5[%dma_start3A_110] : memref<39168xf32, #tpu.memory_space<vmem>> -> memref<1024xf32, #tpu.memory_space<vmem>>
      %dma_start3A_112 = arith.constant 0 : i32
      %dma_start3A_113 = tpu.memref_slice %arg4[%add3A, %run_scoped3A_88, %dma_start3A_112] : memref<32x38x1024xf32, #tpu.memory_space<hbm>> -> memref<1x1x1024xf32, #tpu.memory_space<hbm>>
      %dma_start3A_114 = tpu.memref_squeeze %dma_start3A_113 : memref<1x1x1024xf32, #tpu.memory_space<hbm>> -> memref<1024xf32, #tpu.memory_space<hbm>>
      %dma_start3A_115 = arith.constant 0 : i32
      %dma_start3A_116 = tpu.memref_slice %arg4[%add3A, %run_scoped3A_88, %dma_start3A_115] : memref<32x38x1024xf32, #tpu.memory_space<hbm>> -> memref<1x1x1024xf32, #tpu.memory_space<hbm>>
      %dma_start3A_117 = tpu.memref_squeeze %dma_start3A_116 : memref<1x1x1024xf32, #tpu.memory_space<hbm>> -> memref<1024xf32, #tpu.memory_space<hbm>>
      %dma_start3A_118 = arith.constant 17536 : i32
      %dma_start3A_119 = tpu.memref_slice %arg5[%dma_start3A_118] : memref<39168xf32, #tpu.memory_space<vmem>> -> memref<1024xf32, #tpu.memory_space<vmem>>
      tpu.enqueue_dma source(%dma_start3A_119 : memref<1024xf32, #tpu.memory_space<vmem>>) target(%dma_start3A_117 : memref<1024xf32, #tpu.memory_space<hbm>>) target_semaphore(%run_scoped3A_109 : memref<!tpu.dma_semaphore, #tpu.memory_space<semaphore_mem>>)
      %dma_wait3A_120 = arith.constant 17536 : i32
      %dma_wait3A_121 = tpu.memref_slice %arg5[%dma_wait3A_120] : memref<39168xf32, #tpu.memory_space<vmem>> -> memref<1024xf32, #tpu.memory_space<vmem>>
      %dma_wait3A_122 = arith.constant 0 : i32
      %dma_wait3A_123 = tpu.memref_slice %arg4[%add3A, %run_scoped3A_88, %dma_wait3A_122] : memref<32x38x1024xf32, #tpu.memory_space<hbm>> -> memref<1x1x1024xf32, #tpu.memory_space<hbm>>
      %dma_wait3A_124 = tpu.memref_squeeze %dma_wait3A_123 : memref<1x1x1024xf32, #tpu.memory_space<hbm>> -> memref<1024xf32, #tpu.memory_space<hbm>>
      %dma_wait3A_125 = arith.constant 0 : i32
      %dma_wait3A_126 = tpu.memref_slice %arg4[%add3A, %run_scoped3A_88, %dma_wait3A_125] : memref<32x38x1024xf32, #tpu.memory_space<hbm>> -> memref<1x1x1024xf32, #tpu.memory_space<hbm>>
      %dma_wait3A_127 = tpu.memref_squeeze %dma_wait3A_126 : memref<1x1x1024xf32, #tpu.memory_space<hbm>> -> memref<1024xf32, #tpu.memory_space<hbm>>
      %dma_wait3A_128 = arith.constant 17536 : i32
      %dma_wait3A_129 = tpu.memref_slice %arg5[%dma_wait3A_128] : memref<39168xf32, #tpu.memory_space<vmem>> -> memref<1024xf32, #tpu.memory_space<vmem>>
      tpu.wait_dma2 semaphore(%run_scoped3A_109 : memref<!tpu.dma_semaphore, #tpu.memory_space<semaphore_mem>>) src(%dma_wait3A_129 : memref<1024xf32, #tpu.memory_space<vmem>>) dst(%dma_wait3A_127 : memref<1024xf32, #tpu.memory_space<hbm>>)
      tpu.yield
    }) : () -> ()
    %run_scoped3A_89 = arith.constant 18 : i32
    "tpu.region"() ({
      %run_scoped3A_109 = tpu.sem_alloc : memref<!tpu.dma_semaphore, #tpu.memory_space<semaphore_mem>>
      %dma_start3A_110 = arith.constant 18560 : i32
      %dma_start3A_111 = tpu.memref_slice %arg5[%dma_start3A_110] : memref<39168xf32, #tpu.memory_space<vmem>> -> memref<1024xf32, #tpu.memory_space<vmem>>
      %dma_start3A_112 = arith.constant 0 : i32
      %dma_start3A_113 = tpu.memref_slice %arg4[%add3A, %run_scoped3A_89, %dma_start3A_112] : memref<32x38x1024xf32, #tpu.memory_space<hbm>> -> memref<1x1x1024xf32, #tpu.memory_space<hbm>>
      %dma_start3A_114 = tpu.memref_squeeze %dma_start3A_113 : memref<1x1x1024xf32, #tpu.memory_space<hbm>> -> memref<1024xf32, #tpu.memory_space<hbm>>
      %dma_start3A_115 = arith.constant 0 : i32
      %dma_start3A_116 = tpu.memref_slice %arg4[%add3A, %run_scoped3A_89, %dma_start3A_115] : memref<32x38x1024xf32, #tpu.memory_space<hbm>> -> memref<1x1x1024xf32, #tpu.memory_space<hbm>>
      %dma_start3A_117 = tpu.memref_squeeze %dma_start3A_116 : memref<1x1x1024xf32, #tpu.memory_space<hbm>> -> memref<1024xf32, #tpu.memory_space<hbm>>
      %dma_start3A_118 = arith.constant 18560 : i32
      %dma_start3A_119 = tpu.memref_slice %arg5[%dma_start3A_118] : memref<39168xf32, #tpu.memory_space<vmem>> -> memref<1024xf32, #tpu.memory_space<vmem>>
      tpu.enqueue_dma source(%dma_start3A_119 : memref<1024xf32, #tpu.memory_space<vmem>>) target(%dma_start3A_117 : memref<1024xf32, #tpu.memory_space<hbm>>) target_semaphore(%run_scoped3A_109 : memref<!tpu.dma_semaphore, #tpu.memory_space<semaphore_mem>>)
      %dma_wait3A_120 = arith.constant 18560 : i32
      %dma_wait3A_121 = tpu.memref_slice %arg5[%dma_wait3A_120] : memref<39168xf32, #tpu.memory_space<vmem>> -> memref<1024xf32, #tpu.memory_space<vmem>>
      %dma_wait3A_122 = arith.constant 0 : i32
      %dma_wait3A_123 = tpu.memref_slice %arg4[%add3A, %run_scoped3A_89, %dma_wait3A_122] : memref<32x38x1024xf32, #tpu.memory_space<hbm>> -> memref<1x1x1024xf32, #tpu.memory_space<hbm>>
      %dma_wait3A_124 = tpu.memref_squeeze %dma_wait3A_123 : memref<1x1x1024xf32, #tpu.memory_space<hbm>> -> memref<1024xf32, #tpu.memory_space<hbm>>
      %dma_wait3A_125 = arith.constant 0 : i32
      %dma_wait3A_126 = tpu.memref_slice %arg4[%add3A, %run_scoped3A_89, %dma_wait3A_125] : memref<32x38x1024xf32, #tpu.memory_space<hbm>> -> memref<1x1x1024xf32, #tpu.memory_space<hbm>>
      %dma_wait3A_127 = tpu.memref_squeeze %dma_wait3A_126 : memref<1x1x1024xf32, #tpu.memory_space<hbm>> -> memref<1024xf32, #tpu.memory_space<hbm>>
      %dma_wait3A_128 = arith.constant 18560 : i32
      %dma_wait3A_129 = tpu.memref_slice %arg5[%dma_wait3A_128] : memref<39168xf32, #tpu.memory_space<vmem>> -> memref<1024xf32, #tpu.memory_space<vmem>>
      tpu.wait_dma2 semaphore(%run_scoped3A_109 : memref<!tpu.dma_semaphore, #tpu.memory_space<semaphore_mem>>) src(%dma_wait3A_129 : memref<1024xf32, #tpu.memory_space<vmem>>) dst(%dma_wait3A_127 : memref<1024xf32, #tpu.memory_space<hbm>>)
      tpu.yield
    }) : () -> ()
    %run_scoped3A_90 = arith.constant 19 : i32
    "tpu.region"() ({
      %run_scoped3A_109 = tpu.sem_alloc : memref<!tpu.dma_semaphore, #tpu.memory_space<semaphore_mem>>
      %dma_start3A_110 = arith.constant 19584 : i32
      %dma_start3A_111 = tpu.memref_slice %arg5[%dma_start3A_110] : memref<39168xf32, #tpu.memory_space<vmem>> -> memref<1024xf32, #tpu.memory_space<vmem>>
      %dma_start3A_112 = arith.constant 0 : i32
      %dma_start3A_113 = tpu.memref_slice %arg4[%add3A, %run_scoped3A_90, %dma_start3A_112] : memref<32x38x1024xf32, #tpu.memory_space<hbm>> -> memref<1x1x1024xf32, #tpu.memory_space<hbm>>
      %dma_start3A_114 = tpu.memref_squeeze %dma_start3A_113 : memref<1x1x1024xf32, #tpu.memory_space<hbm>> -> memref<1024xf32, #tpu.memory_space<hbm>>
      %dma_start3A_115 = arith.constant 0 : i32
      %dma_start3A_116 = tpu.memref_slice %arg4[%add3A, %run_scoped3A_90, %dma_start3A_115] : memref<32x38x1024xf32, #tpu.memory_space<hbm>> -> memref<1x1x1024xf32, #tpu.memory_space<hbm>>
      %dma_start3A_117 = tpu.memref_squeeze %dma_start3A_116 : memref<1x1x1024xf32, #tpu.memory_space<hbm>> -> memref<1024xf32, #tpu.memory_space<hbm>>
      %dma_start3A_118 = arith.constant 19584 : i32
      %dma_start3A_119 = tpu.memref_slice %arg5[%dma_start3A_118] : memref<39168xf32, #tpu.memory_space<vmem>> -> memref<1024xf32, #tpu.memory_space<vmem>>
      tpu.enqueue_dma source(%dma_start3A_119 : memref<1024xf32, #tpu.memory_space<vmem>>) target(%dma_start3A_117 : memref<1024xf32, #tpu.memory_space<hbm>>) target_semaphore(%run_scoped3A_109 : memref<!tpu.dma_semaphore, #tpu.memory_space<semaphore_mem>>)
      %dma_wait3A_120 = arith.constant 19584 : i32
      %dma_wait3A_121 = tpu.memref_slice %arg5[%dma_wait3A_120] : memref<39168xf32, #tpu.memory_space<vmem>> -> memref<1024xf32, #tpu.memory_space<vmem>>
      %dma_wait3A_122 = arith.constant 0 : i32
      %dma_wait3A_123 = tpu.memref_slice %arg4[%add3A, %run_scoped3A_90, %dma_wait3A_122] : memref<32x38x1024xf32, #tpu.memory_space<hbm>> -> memref<1x1x1024xf32, #tpu.memory_space<hbm>>
      %dma_wait3A_124 = tpu.memref_squeeze %dma_wait3A_123 : memref<1x1x1024xf32, #tpu.memory_space<hbm>> -> memref<1024xf32, #tpu.memory_space<hbm>>
      %dma_wait3A_125 = arith.constant 0 : i32
      %dma_wait3A_126 = tpu.memref_slice %arg4[%add3A, %run_scoped3A_90, %dma_wait3A_125] : memref<32x38x1024xf32, #tpu.memory_space<hbm>> -> memref<1x1x1024xf32, #tpu.memory_space<hbm>>
      %dma_wait3A_127 = tpu.memref_squeeze %dma_wait3A_126 : memref<1x1x1024xf32, #tpu.memory_space<hbm>> -> memref<1024xf32, #tpu.memory_space<hbm>>
      %dma_wait3A_128 = arith.constant 19584 : i32
      %dma_wait3A_129 = tpu.memref_slice %arg5[%dma_wait3A_128] : memref<39168xf32, #tpu.memory_space<vmem>> -> memref<1024xf32, #tpu.memory_space<vmem>>
      tpu.wait_dma2 semaphore(%run_scoped3A_109 : memref<!tpu.dma_semaphore, #tpu.memory_space<semaphore_mem>>) src(%dma_wait3A_129 : memref<1024xf32, #tpu.memory_space<vmem>>) dst(%dma_wait3A_127 : memref<1024xf32, #tpu.memory_space<hbm>>)
      tpu.yield
    }) : () -> ()
    %run_scoped3A_91 = arith.constant 20 : i32
    "tpu.region"() ({
      %run_scoped3A_109 = tpu.sem_alloc : memref<!tpu.dma_semaphore, #tpu.memory_space<semaphore_mem>>
      %dma_start3A_110 = arith.constant 20608 : i32
      %dma_start3A_111 = tpu.memref_slice %arg5[%dma_start3A_110] : memref<39168xf32, #tpu.memory_space<vmem>> -> memref<1024xf32, #tpu.memory_space<vmem>>
      %dma_start3A_112 = arith.constant 0 : i32
      %dma_start3A_113 = tpu.memref_slice %arg4[%add3A, %run_scoped3A_91, %dma_start3A_112] : memref<32x38x1024xf32, #tpu.memory_space<hbm>> -> memref<1x1x1024xf32, #tpu.memory_space<hbm>>
      %dma_start3A_114 = tpu.memref_squeeze %dma_start3A_113 : memref<1x1x1024xf32, #tpu.memory_space<hbm>> -> memref<1024xf32, #tpu.memory_space<hbm>>
      %dma_start3A_115 = arith.constant 0 : i32
      %dma_start3A_116 = tpu.memref_slice %arg4[%add3A, %run_scoped3A_91, %dma_start3A_115] : memref<32x38x1024xf32, #tpu.memory_space<hbm>> -> memref<1x1x1024xf32, #tpu.memory_space<hbm>>
      %dma_start3A_117 = tpu.memref_squeeze %dma_start3A_116 : memref<1x1x1024xf32, #tpu.memory_space<hbm>> -> memref<1024xf32, #tpu.memory_space<hbm>>
      %dma_start3A_118 = arith.constant 20608 : i32
      %dma_start3A_119 = tpu.memref_slice %arg5[%dma_start3A_118] : memref<39168xf32, #tpu.memory_space<vmem>> -> memref<1024xf32, #tpu.memory_space<vmem>>
      tpu.enqueue_dma source(%dma_start3A_119 : memref<1024xf32, #tpu.memory_space<vmem>>) target(%dma_start3A_117 : memref<1024xf32, #tpu.memory_space<hbm>>) target_semaphore(%run_scoped3A_109 : memref<!tpu.dma_semaphore, #tpu.memory_space<semaphore_mem>>)
      %dma_wait3A_120 = arith.constant 20608 : i32
      %dma_wait3A_121 = tpu.memref_slice %arg5[%dma_wait3A_120] : memref<39168xf32, #tpu.memory_space<vmem>> -> memref<1024xf32, #tpu.memory_space<vmem>>
      %dma_wait3A_122 = arith.constant 0 : i32
      %dma_wait3A_123 = tpu.memref_slice %arg4[%add3A, %run_scoped3A_91, %dma_wait3A_122] : memref<32x38x1024xf32, #tpu.memory_space<hbm>> -> memref<1x1x1024xf32, #tpu.memory_space<hbm>>
      %dma_wait3A_124 = tpu.memref_squeeze %dma_wait3A_123 : memref<1x1x1024xf32, #tpu.memory_space<hbm>> -> memref<1024xf32, #tpu.memory_space<hbm>>
      %dma_wait3A_125 = arith.constant 0 : i32
      %dma_wait3A_126 = tpu.memref_slice %arg4[%add3A, %run_scoped3A_91, %dma_wait3A_125] : memref<32x38x1024xf32, #tpu.memory_space<hbm>> -> memref<1x1x1024xf32, #tpu.memory_space<hbm>>
      %dma_wait3A_127 = tpu.memref_squeeze %dma_wait3A_126 : memref<1x1x1024xf32, #tpu.memory_space<hbm>> -> memref<1024xf32, #tpu.memory_space<hbm>>
      %dma_wait3A_128 = arith.constant 20608 : i32
      %dma_wait3A_129 = tpu.memref_slice %arg5[%dma_wait3A_128] : memref<39168xf32, #tpu.memory_space<vmem>> -> memref<1024xf32, #tpu.memory_space<vmem>>
      tpu.wait_dma2 semaphore(%run_scoped3A_109 : memref<!tpu.dma_semaphore, #tpu.memory_space<semaphore_mem>>) src(%dma_wait3A_129 : memref<1024xf32, #tpu.memory_space<vmem>>) dst(%dma_wait3A_127 : memref<1024xf32, #tpu.memory_space<hbm>>)
      tpu.yield
    }) : () -> ()
    %run_scoped3A_92 = arith.constant 21 : i32
    "tpu.region"() ({
      %run_scoped3A_109 = tpu.sem_alloc : memref<!tpu.dma_semaphore, #tpu.memory_space<semaphore_mem>>
      %dma_start3A_110 = arith.constant 21632 : i32
      %dma_start3A_111 = tpu.memref_slice %arg5[%dma_start3A_110] : memref<39168xf32, #tpu.memory_space<vmem>> -> memref<1024xf32, #tpu.memory_space<vmem>>
      %dma_start3A_112 = arith.constant 0 : i32
      %dma_start3A_113 = tpu.memref_slice %arg4[%add3A, %run_scoped3A_92, %dma_start3A_112] : memref<32x38x1024xf32, #tpu.memory_space<hbm>> -> memref<1x1x1024xf32, #tpu.memory_space<hbm>>
      %dma_start3A_114 = tpu.memref_squeeze %dma_start3A_113 : memref<1x1x1024xf32, #tpu.memory_space<hbm>> -> memref<1024xf32, #tpu.memory_space<hbm>>
      %dma_start3A_115 = arith.constant 0 : i32
      %dma_start3A_116 = tpu.memref_slice %arg4[%add3A, %run_scoped3A_92, %dma_start3A_115] : memref<32x38x1024xf32, #tpu.memory_space<hbm>> -> memref<1x1x1024xf32, #tpu.memory_space<hbm>>
      %dma_start3A_117 = tpu.memref_squeeze %dma_start3A_116 : memref<1x1x1024xf32, #tpu.memory_space<hbm>> -> memref<1024xf32, #tpu.memory_space<hbm>>
      %dma_start3A_118 = arith.constant 21632 : i32
      %dma_start3A_119 = tpu.memref_slice %arg5[%dma_start3A_118] : memref<39168xf32, #tpu.memory_space<vmem>> -> memref<1024xf32, #tpu.memory_space<vmem>>
      tpu.enqueue_dma source(%dma_start3A_119 : memref<1024xf32, #tpu.memory_space<vmem>>) target(%dma_start3A_117 : memref<1024xf32, #tpu.memory_space<hbm>>) target_semaphore(%run_scoped3A_109 : memref<!tpu.dma_semaphore, #tpu.memory_space<semaphore_mem>>)
      %dma_wait3A_120 = arith.constant 21632 : i32
      %dma_wait3A_121 = tpu.memref_slice %arg5[%dma_wait3A_120] : memref<39168xf32, #tpu.memory_space<vmem>> -> memref<1024xf32, #tpu.memory_space<vmem>>
      %dma_wait3A_122 = arith.constant 0 : i32
      %dma_wait3A_123 = tpu.memref_slice %arg4[%add3A, %run_scoped3A_92, %dma_wait3A_122] : memref<32x38x1024xf32, #tpu.memory_space<hbm>> -> memref<1x1x1024xf32, #tpu.memory_space<hbm>>
      %dma_wait3A_124 = tpu.memref_squeeze %dma_wait3A_123 : memref<1x1x1024xf32, #tpu.memory_space<hbm>> -> memref<1024xf32, #tpu.memory_space<hbm>>
      %dma_wait3A_125 = arith.constant 0 : i32
      %dma_wait3A_126 = tpu.memref_slice %arg4[%add3A, %run_scoped3A_92, %dma_wait3A_125] : memref<32x38x1024xf32, #tpu.memory_space<hbm>> -> memref<1x1x1024xf32, #tpu.memory_space<hbm>>
      %dma_wait3A_127 = tpu.memref_squeeze %dma_wait3A_126 : memref<1x1x1024xf32, #tpu.memory_space<hbm>> -> memref<1024xf32, #tpu.memory_space<hbm>>
      %dma_wait3A_128 = arith.constant 21632 : i32
      %dma_wait3A_129 = tpu.memref_slice %arg5[%dma_wait3A_128] : memref<39168xf32, #tpu.memory_space<vmem>> -> memref<1024xf32, #tpu.memory_space<vmem>>
      tpu.wait_dma2 semaphore(%run_scoped3A_109 : memref<!tpu.dma_semaphore, #tpu.memory_space<semaphore_mem>>) src(%dma_wait3A_129 : memref<1024xf32, #tpu.memory_space<vmem>>) dst(%dma_wait3A_127 : memref<1024xf32, #tpu.memory_space<hbm>>)
      tpu.yield
    }) : () -> ()
    %run_scoped3A_93 = arith.constant 22 : i32
    "tpu.region"() ({
      %run_scoped3A_109 = tpu.sem_alloc : memref<!tpu.dma_semaphore, #tpu.memory_space<semaphore_mem>>
      %dma_start3A_110 = arith.constant 22656 : i32
      %dma_start3A_111 = tpu.memref_slice %arg5[%dma_start3A_110] : memref<39168xf32, #tpu.memory_space<vmem>> -> memref<1024xf32, #tpu.memory_space<vmem>>
      %dma_start3A_112 = arith.constant 0 : i32
      %dma_start3A_113 = tpu.memref_slice %arg4[%add3A, %run_scoped3A_93, %dma_start3A_112] : memref<32x38x1024xf32, #tpu.memory_space<hbm>> -> memref<1x1x1024xf32, #tpu.memory_space<hbm>>
      %dma_start3A_114 = tpu.memref_squeeze %dma_start3A_113 : memref<1x1x1024xf32, #tpu.memory_space<hbm>> -> memref<1024xf32, #tpu.memory_space<hbm>>
      %dma_start3A_115 = arith.constant 0 : i32
      %dma_start3A_116 = tpu.memref_slice %arg4[%add3A, %run_scoped3A_93, %dma_start3A_115] : memref<32x38x1024xf32, #tpu.memory_space<hbm>> -> memref<1x1x1024xf32, #tpu.memory_space<hbm>>
      %dma_start3A_117 = tpu.memref_squeeze %dma_start3A_116 : memref<1x1x1024xf32, #tpu.memory_space<hbm>> -> memref<1024xf32, #tpu.memory_space<hbm>>
      %dma_start3A_118 = arith.constant 22656 : i32
      %dma_start3A_119 = tpu.memref_slice %arg5[%dma_start3A_118] : memref<39168xf32, #tpu.memory_space<vmem>> -> memref<1024xf32, #tpu.memory_space<vmem>>
      tpu.enqueue_dma source(%dma_start3A_119 : memref<1024xf32, #tpu.memory_space<vmem>>) target(%dma_start3A_117 : memref<1024xf32, #tpu.memory_space<hbm>>) target_semaphore(%run_scoped3A_109 : memref<!tpu.dma_semaphore, #tpu.memory_space<semaphore_mem>>)
      %dma_wait3A_120 = arith.constant 22656 : i32
      %dma_wait3A_121 = tpu.memref_slice %arg5[%dma_wait3A_120] : memref<39168xf32, #tpu.memory_space<vmem>> -> memref<1024xf32, #tpu.memory_space<vmem>>
      %dma_wait3A_122 = arith.constant 0 : i32
      %dma_wait3A_123 = tpu.memref_slice %arg4[%add3A, %run_scoped3A_93, %dma_wait3A_122] : memref<32x38x1024xf32, #tpu.memory_space<hbm>> -> memref<1x1x1024xf32, #tpu.memory_space<hbm>>
      %dma_wait3A_124 = tpu.memref_squeeze %dma_wait3A_123 : memref<1x1x1024xf32, #tpu.memory_space<hbm>> -> memref<1024xf32, #tpu.memory_space<hbm>>
      %dma_wait3A_125 = arith.constant 0 : i32
      %dma_wait3A_126 = tpu.memref_slice %arg4[%add3A, %run_scoped3A_93, %dma_wait3A_125] : memref<32x38x1024xf32, #tpu.memory_space<hbm>> -> memref<1x1x1024xf32, #tpu.memory_space<hbm>>
      %dma_wait3A_127 = tpu.memref_squeeze %dma_wait3A_126 : memref<1x1x1024xf32, #tpu.memory_space<hbm>> -> memref<1024xf32, #tpu.memory_space<hbm>>
      %dma_wait3A_128 = arith.constant 22656 : i32
      %dma_wait3A_129 = tpu.memref_slice %arg5[%dma_wait3A_128] : memref<39168xf32, #tpu.memory_space<vmem>> -> memref<1024xf32, #tpu.memory_space<vmem>>
      tpu.wait_dma2 semaphore(%run_scoped3A_109 : memref<!tpu.dma_semaphore, #tpu.memory_space<semaphore_mem>>) src(%dma_wait3A_129 : memref<1024xf32, #tpu.memory_space<vmem>>) dst(%dma_wait3A_127 : memref<1024xf32, #tpu.memory_space<hbm>>)
      tpu.yield
    }) : () -> ()
    %run_scoped3A_94 = arith.constant 23 : i32
    "tpu.region"() ({
      %run_scoped3A_109 = tpu.sem_alloc : memref<!tpu.dma_semaphore, #tpu.memory_space<semaphore_mem>>
      %dma_start3A_110 = arith.constant 23680 : i32
      %dma_start3A_111 = tpu.memref_slice %arg5[%dma_start3A_110] : memref<39168xf32, #tpu.memory_space<vmem>> -> memref<1024xf32, #tpu.memory_space<vmem>>
      %dma_start3A_112 = arith.constant 0 : i32
      %dma_start3A_113 = tpu.memref_slice %arg4[%add3A, %run_scoped3A_94, %dma_start3A_112] : memref<32x38x1024xf32, #tpu.memory_space<hbm>> -> memref<1x1x1024xf32, #tpu.memory_space<hbm>>
      %dma_start3A_114 = tpu.memref_squeeze %dma_start3A_113 : memref<1x1x1024xf32, #tpu.memory_space<hbm>> -> memref<1024xf32, #tpu.memory_space<hbm>>
      %dma_start3A_115 = arith.constant 0 : i32
      %dma_start3A_116 = tpu.memref_slice %arg4[%add3A, %run_scoped3A_94, %dma_start3A_115] : memref<32x38x1024xf32, #tpu.memory_space<hbm>> -> memref<1x1x1024xf32, #tpu.memory_space<hbm>>
      %dma_start3A_117 = tpu.memref_squeeze %dma_start3A_116 : memref<1x1x1024xf32, #tpu.memory_space<hbm>> -> memref<1024xf32, #tpu.memory_space<hbm>>
      %dma_start3A_118 = arith.constant 23680 : i32
      %dma_start3A_119 = tpu.memref_slice %arg5[%dma_start3A_118] : memref<39168xf32, #tpu.memory_space<vmem>> -> memref<1024xf32, #tpu.memory_space<vmem>>
      tpu.enqueue_dma source(%dma_start3A_119 : memref<1024xf32, #tpu.memory_space<vmem>>) target(%dma_start3A_117 : memref<1024xf32, #tpu.memory_space<hbm>>) target_semaphore(%run_scoped3A_109 : memref<!tpu.dma_semaphore, #tpu.memory_space<semaphore_mem>>)
      %dma_wait3A_120 = arith.constant 23680 : i32
      %dma_wait3A_121 = tpu.memref_slice %arg5[%dma_wait3A_120] : memref<39168xf32, #tpu.memory_space<vmem>> -> memref<1024xf32, #tpu.memory_space<vmem>>
      %dma_wait3A_122 = arith.constant 0 : i32
      %dma_wait3A_123 = tpu.memref_slice %arg4[%add3A, %run_scoped3A_94, %dma_wait3A_122] : memref<32x38x1024xf32, #tpu.memory_space<hbm>> -> memref<1x1x1024xf32, #tpu.memory_space<hbm>>
      %dma_wait3A_124 = tpu.memref_squeeze %dma_wait3A_123 : memref<1x1x1024xf32, #tpu.memory_space<hbm>> -> memref<1024xf32, #tpu.memory_space<hbm>>
      %dma_wait3A_125 = arith.constant 0 : i32
      %dma_wait3A_126 = tpu.memref_slice %arg4[%add3A, %run_scoped3A_94, %dma_wait3A_125] : memref<32x38x1024xf32, #tpu.memory_space<hbm>> -> memref<1x1x1024xf32, #tpu.memory_space<hbm>>
      %dma_wait3A_127 = tpu.memref_squeeze %dma_wait3A_126 : memref<1x1x1024xf32, #tpu.memory_space<hbm>> -> memref<1024xf32, #tpu.memory_space<hbm>>
      %dma_wait3A_128 = arith.constant 23680 : i32
      %dma_wait3A_129 = tpu.memref_slice %arg5[%dma_wait3A_128] : memref<39168xf32, #tpu.memory_space<vmem>> -> memref<1024xf32, #tpu.memory_space<vmem>>
      tpu.wait_dma2 semaphore(%run_scoped3A_109 : memref<!tpu.dma_semaphore, #tpu.memory_space<semaphore_mem>>) src(%dma_wait3A_129 : memref<1024xf32, #tpu.memory_space<vmem>>) dst(%dma_wait3A_127 : memref<1024xf32, #tpu.memory_space<hbm>>)
      tpu.yield
    }) : () -> ()
    %run_scoped3A_95 = arith.constant 24 : i32
    "tpu.region"() ({
      %run_scoped3A_109 = tpu.sem_alloc : memref<!tpu.dma_semaphore, #tpu.memory_space<semaphore_mem>>
      %dma_start3A_110 = arith.constant 24704 : i32
      %dma_start3A_111 = tpu.memref_slice %arg5[%dma_start3A_110] : memref<39168xf32, #tpu.memory_space<vmem>> -> memref<1024xf32, #tpu.memory_space<vmem>>
      %dma_start3A_112 = arith.constant 0 : i32
      %dma_start3A_113 = tpu.memref_slice %arg4[%add3A, %run_scoped3A_95, %dma_start3A_112] : memref<32x38x1024xf32, #tpu.memory_space<hbm>> -> memref<1x1x1024xf32, #tpu.memory_space<hbm>>
      %dma_start3A_114 = tpu.memref_squeeze %dma_start3A_113 : memref<1x1x1024xf32, #tpu.memory_space<hbm>> -> memref<1024xf32, #tpu.memory_space<hbm>>
      %dma_start3A_115 = arith.constant 0 : i32
      %dma_start3A_116 = tpu.memref_slice %arg4[%add3A, %run_scoped3A_95, %dma_start3A_115] : memref<32x38x1024xf32, #tpu.memory_space<hbm>> -> memref<1x1x1024xf32, #tpu.memory_space<hbm>>
      %dma_start3A_117 = tpu.memref_squeeze %dma_start3A_116 : memref<1x1x1024xf32, #tpu.memory_space<hbm>> -> memref<1024xf32, #tpu.memory_space<hbm>>
      %dma_start3A_118 = arith.constant 24704 : i32
      %dma_start3A_119 = tpu.memref_slice %arg5[%dma_start3A_118] : memref<39168xf32, #tpu.memory_space<vmem>> -> memref<1024xf32, #tpu.memory_space<vmem>>
      tpu.enqueue_dma source(%dma_start3A_119 : memref<1024xf32, #tpu.memory_space<vmem>>) target(%dma_start3A_117 : memref<1024xf32, #tpu.memory_space<hbm>>) target_semaphore(%run_scoped3A_109 : memref<!tpu.dma_semaphore, #tpu.memory_space<semaphore_mem>>)
      %dma_wait3A_120 = arith.constant 24704 : i32
      %dma_wait3A_121 = tpu.memref_slice %arg5[%dma_wait3A_120] : memref<39168xf32, #tpu.memory_space<vmem>> -> memref<1024xf32, #tpu.memory_space<vmem>>
      %dma_wait3A_122 = arith.constant 0 : i32
      %dma_wait3A_123 = tpu.memref_slice %arg4[%add3A, %run_scoped3A_95, %dma_wait3A_122] : memref<32x38x1024xf32, #tpu.memory_space<hbm>> -> memref<1x1x1024xf32, #tpu.memory_space<hbm>>
      %dma_wait3A_124 = tpu.memref_squeeze %dma_wait3A_123 : memref<1x1x1024xf32, #tpu.memory_space<hbm>> -> memref<1024xf32, #tpu.memory_space<hbm>>
      %dma_wait3A_125 = arith.constant 0 : i32
      %dma_wait3A_126 = tpu.memref_slice %arg4[%add3A, %run_scoped3A_95, %dma_wait3A_125] : memref<32x38x1024xf32, #tpu.memory_space<hbm>> -> memref<1x1x1024xf32, #tpu.memory_space<hbm>>
      %dma_wait3A_127 = tpu.memref_squeeze %dma_wait3A_126 : memref<1x1x1024xf32, #tpu.memory_space<hbm>> -> memref<1024xf32, #tpu.memory_space<hbm>>
      %dma_wait3A_128 = arith.constant 24704 : i32
      %dma_wait3A_129 = tpu.memref_slice %arg5[%dma_wait3A_128] : memref<39168xf32, #tpu.memory_space<vmem>> -> memref<1024xf32, #tpu.memory_space<vmem>>
      tpu.wait_dma2 semaphore(%run_scoped3A_109 : memref<!tpu.dma_semaphore, #tpu.memory_space<semaphore_mem>>) src(%dma_wait3A_129 : memref<1024xf32, #tpu.memory_space<vmem>>) dst(%dma_wait3A_127 : memref<1024xf32, #tpu.memory_space<hbm>>)
      tpu.yield
    }) : () -> ()
    %run_scoped3A_96 = arith.constant 25 : i32
    "tpu.region"() ({
      %run_scoped3A_109 = tpu.sem_alloc : memref<!tpu.dma_semaphore, #tpu.memory_space<semaphore_mem>>
      %dma_start3A_110 = arith.constant 25728 : i32
      %dma_start3A_111 = tpu.memref_slice %arg5[%dma_start3A_110] : memref<39168xf32, #tpu.memory_space<vmem>> -> memref<1024xf32, #tpu.memory_space<vmem>>
      %dma_start3A_112 = arith.constant 0 : i32
      %dma_start3A_113 = tpu.memref_slice %arg4[%add3A, %run_scoped3A_96, %dma_start3A_112] : memref<32x38x1024xf32, #tpu.memory_space<hbm>> -> memref<1x1x1024xf32, #tpu.memory_space<hbm>>
      %dma_start3A_114 = tpu.memref_squeeze %dma_start3A_113 : memref<1x1x1024xf32, #tpu.memory_space<hbm>> -> memref<1024xf32, #tpu.memory_space<hbm>>
      %dma_start3A_115 = arith.constant 0 : i32
      %dma_start3A_116 = tpu.memref_slice %arg4[%add3A, %run_scoped3A_96, %dma_start3A_115] : memref<32x38x1024xf32, #tpu.memory_space<hbm>> -> memref<1x1x1024xf32, #tpu.memory_space<hbm>>
      %dma_start3A_117 = tpu.memref_squeeze %dma_start3A_116 : memref<1x1x1024xf32, #tpu.memory_space<hbm>> -> memref<1024xf32, #tpu.memory_space<hbm>>
      %dma_start3A_118 = arith.constant 25728 : i32
      %dma_start3A_119 = tpu.memref_slice %arg5[%dma_start3A_118] : memref<39168xf32, #tpu.memory_space<vmem>> -> memref<1024xf32, #tpu.memory_space<vmem>>
      tpu.enqueue_dma source(%dma_start3A_119 : memref<1024xf32, #tpu.memory_space<vmem>>) target(%dma_start3A_117 : memref<1024xf32, #tpu.memory_space<hbm>>) target_semaphore(%run_scoped3A_109 : memref<!tpu.dma_semaphore, #tpu.memory_space<semaphore_mem>>)
      %dma_wait3A_120 = arith.constant 25728 : i32
      %dma_wait3A_121 = tpu.memref_slice %arg5[%dma_wait3A_120] : memref<39168xf32, #tpu.memory_space<vmem>> -> memref<1024xf32, #tpu.memory_space<vmem>>
      %dma_wait3A_122 = arith.constant 0 : i32
      %dma_wait3A_123 = tpu.memref_slice %arg4[%add3A, %run_scoped3A_96, %dma_wait3A_122] : memref<32x38x1024xf32, #tpu.memory_space<hbm>> -> memref<1x1x1024xf32, #tpu.memory_space<hbm>>
      %dma_wait3A_124 = tpu.memref_squeeze %dma_wait3A_123 : memref<1x1x1024xf32, #tpu.memory_space<hbm>> -> memref<1024xf32, #tpu.memory_space<hbm>>
      %dma_wait3A_125 = arith.constant 0 : i32
      %dma_wait3A_126 = tpu.memref_slice %arg4[%add3A, %run_scoped3A_96, %dma_wait3A_125] : memref<32x38x1024xf32, #tpu.memory_space<hbm>> -> memref<1x1x1024xf32, #tpu.memory_space<hbm>>
      %dma_wait3A_127 = tpu.memref_squeeze %dma_wait3A_126 : memref<1x1x1024xf32, #tpu.memory_space<hbm>> -> memref<1024xf32, #tpu.memory_space<hbm>>
      %dma_wait3A_128 = arith.constant 25728 : i32
      %dma_wait3A_129 = tpu.memref_slice %arg5[%dma_wait3A_128] : memref<39168xf32, #tpu.memory_space<vmem>> -> memref<1024xf32, #tpu.memory_space<vmem>>
      tpu.wait_dma2 semaphore(%run_scoped3A_109 : memref<!tpu.dma_semaphore, #tpu.memory_space<semaphore_mem>>) src(%dma_wait3A_129 : memref<1024xf32, #tpu.memory_space<vmem>>) dst(%dma_wait3A_127 : memref<1024xf32, #tpu.memory_space<hbm>>)
      tpu.yield
    }) : () -> ()
    %run_scoped3A_97 = arith.constant 26 : i32
    "tpu.region"() ({
      %run_scoped3A_109 = tpu.sem_alloc : memref<!tpu.dma_semaphore, #tpu.memory_space<semaphore_mem>>
      %dma_start3A_110 = arith.constant 26752 : i32
      %dma_start3A_111 = tpu.memref_slice %arg5[%dma_start3A_110] : memref<39168xf32, #tpu.memory_space<vmem>> -> memref<1024xf32, #tpu.memory_space<vmem>>
      %dma_start3A_112 = arith.constant 0 : i32
      %dma_start3A_113 = tpu.memref_slice %arg4[%add3A, %run_scoped3A_97, %dma_start3A_112] : memref<32x38x1024xf32, #tpu.memory_space<hbm>> -> memref<1x1x1024xf32, #tpu.memory_space<hbm>>
      %dma_start3A_114 = tpu.memref_squeeze %dma_start3A_113 : memref<1x1x1024xf32, #tpu.memory_space<hbm>> -> memref<1024xf32, #tpu.memory_space<hbm>>
      %dma_start3A_115 = arith.constant 0 : i32
      %dma_start3A_116 = tpu.memref_slice %arg4[%add3A, %run_scoped3A_97, %dma_start3A_115] : memref<32x38x1024xf32, #tpu.memory_space<hbm>> -> memref<1x1x1024xf32, #tpu.memory_space<hbm>>
      %dma_start3A_117 = tpu.memref_squeeze %dma_start3A_116 : memref<1x1x1024xf32, #tpu.memory_space<hbm>> -> memref<1024xf32, #tpu.memory_space<hbm>>
      %dma_start3A_118 = arith.constant 26752 : i32
      %dma_start3A_119 = tpu.memref_slice %arg5[%dma_start3A_118] : memref<39168xf32, #tpu.memory_space<vmem>> -> memref<1024xf32, #tpu.memory_space<vmem>>
      tpu.enqueue_dma source(%dma_start3A_119 : memref<1024xf32, #tpu.memory_space<vmem>>) target(%dma_start3A_117 : memref<1024xf32, #tpu.memory_space<hbm>>) target_semaphore(%run_scoped3A_109 : memref<!tpu.dma_semaphore, #tpu.memory_space<semaphore_mem>>)
      %dma_wait3A_120 = arith.constant 26752 : i32
      %dma_wait3A_121 = tpu.memref_slice %arg5[%dma_wait3A_120] : memref<39168xf32, #tpu.memory_space<vmem>> -> memref<1024xf32, #tpu.memory_space<vmem>>
      %dma_wait3A_122 = arith.constant 0 : i32
      %dma_wait3A_123 = tpu.memref_slice %arg4[%add3A, %run_scoped3A_97, %dma_wait3A_122] : memref<32x38x1024xf32, #tpu.memory_space<hbm>> -> memref<1x1x1024xf32, #tpu.memory_space<hbm>>
      %dma_wait3A_124 = tpu.memref_squeeze %dma_wait3A_123 : memref<1x1x1024xf32, #tpu.memory_space<hbm>> -> memref<1024xf32, #tpu.memory_space<hbm>>
      %dma_wait3A_125 = arith.constant 0 : i32
      %dma_wait3A_126 = tpu.memref_slice %arg4[%add3A, %run_scoped3A_97, %dma_wait3A_125] : memref<32x38x1024xf32, #tpu.memory_space<hbm>> -> memref<1x1x1024xf32, #tpu.memory_space<hbm>>
      %dma_wait3A_127 = tpu.memref_squeeze %dma_wait3A_126 : memref<1x1x1024xf32, #tpu.memory_space<hbm>> -> memref<1024xf32, #tpu.memory_space<hbm>>
      %dma_wait3A_128 = arith.constant 26752 : i32
      %dma_wait3A_129 = tpu.memref_slice %arg5[%dma_wait3A_128] : memref<39168xf32, #tpu.memory_space<vmem>> -> memref<1024xf32, #tpu.memory_space<vmem>>
      tpu.wait_dma2 semaphore(%run_scoped3A_109 : memref<!tpu.dma_semaphore, #tpu.memory_space<semaphore_mem>>) src(%dma_wait3A_129 : memref<1024xf32, #tpu.memory_space<vmem>>) dst(%dma_wait3A_127 : memref<1024xf32, #tpu.memory_space<hbm>>)
      tpu.yield
    }) : () -> ()
    %run_scoped3A_98 = arith.constant 27 : i32
    "tpu.region"() ({
      %run_scoped3A_109 = tpu.sem_alloc : memref<!tpu.dma_semaphore, #tpu.memory_space<semaphore_mem>>
      %dma_start3A_110 = arith.constant 27776 : i32
      %dma_start3A_111 = tpu.memref_slice %arg5[%dma_start3A_110] : memref<39168xf32, #tpu.memory_space<vmem>> -> memref<1024xf32, #tpu.memory_space<vmem>>
      %dma_start3A_112 = arith.constant 0 : i32
      %dma_start3A_113 = tpu.memref_slice %arg4[%add3A, %run_scoped3A_98, %dma_start3A_112] : memref<32x38x1024xf32, #tpu.memory_space<hbm>> -> memref<1x1x1024xf32, #tpu.memory_space<hbm>>
      %dma_start3A_114 = tpu.memref_squeeze %dma_start3A_113 : memref<1x1x1024xf32, #tpu.memory_space<hbm>> -> memref<1024xf32, #tpu.memory_space<hbm>>
      %dma_start3A_115 = arith.constant 0 : i32
      %dma_start3A_116 = tpu.memref_slice %arg4[%add3A, %run_scoped3A_98, %dma_start3A_115] : memref<32x38x1024xf32, #tpu.memory_space<hbm>> -> memref<1x1x1024xf32, #tpu.memory_space<hbm>>
      %dma_start3A_117 = tpu.memref_squeeze %dma_start3A_116 : memref<1x1x1024xf32, #tpu.memory_space<hbm>> -> memref<1024xf32, #tpu.memory_space<hbm>>
      %dma_start3A_118 = arith.constant 27776 : i32
      %dma_start3A_119 = tpu.memref_slice %arg5[%dma_start3A_118] : memref<39168xf32, #tpu.memory_space<vmem>> -> memref<1024xf32, #tpu.memory_space<vmem>>
      tpu.enqueue_dma source(%dma_start3A_119 : memref<1024xf32, #tpu.memory_space<vmem>>) target(%dma_start3A_117 : memref<1024xf32, #tpu.memory_space<hbm>>) target_semaphore(%run_scoped3A_109 : memref<!tpu.dma_semaphore, #tpu.memory_space<semaphore_mem>>)
      %dma_wait3A_120 = arith.constant 27776 : i32
      %dma_wait3A_121 = tpu.memref_slice %arg5[%dma_wait3A_120] : memref<39168xf32, #tpu.memory_space<vmem>> -> memref<1024xf32, #tpu.memory_space<vmem>>
      %dma_wait3A_122 = arith.constant 0 : i32
      %dma_wait3A_123 = tpu.memref_slice %arg4[%add3A, %run_scoped3A_98, %dma_wait3A_122] : memref<32x38x1024xf32, #tpu.memory_space<hbm>> -> memref<1x1x1024xf32, #tpu.memory_space<hbm>>
      %dma_wait3A_124 = tpu.memref_squeeze %dma_wait3A_123 : memref<1x1x1024xf32, #tpu.memory_space<hbm>> -> memref<1024xf32, #tpu.memory_space<hbm>>
      %dma_wait3A_125 = arith.constant 0 : i32
      %dma_wait3A_126 = tpu.memref_slice %arg4[%add3A, %run_scoped3A_98, %dma_wait3A_125] : memref<32x38x1024xf32, #tpu.memory_space<hbm>> -> memref<1x1x1024xf32, #tpu.memory_space<hbm>>
      %dma_wait3A_127 = tpu.memref_squeeze %dma_wait3A_126 : memref<1x1x1024xf32, #tpu.memory_space<hbm>> -> memref<1024xf32, #tpu.memory_space<hbm>>
      %dma_wait3A_128 = arith.constant 27776 : i32
      %dma_wait3A_129 = tpu.memref_slice %arg5[%dma_wait3A_128] : memref<39168xf32, #tpu.memory_space<vmem>> -> memref<1024xf32, #tpu.memory_space<vmem>>
      tpu.wait_dma2 semaphore(%run_scoped3A_109 : memref<!tpu.dma_semaphore, #tpu.memory_space<semaphore_mem>>) src(%dma_wait3A_129 : memref<1024xf32, #tpu.memory_space<vmem>>) dst(%dma_wait3A_127 : memref<1024xf32, #tpu.memory_space<hbm>>)
      tpu.yield
    }) : () -> ()
    %run_scoped3A_99 = arith.constant 28 : i32
    "tpu.region"() ({
      %run_scoped3A_109 = tpu.sem_alloc : memref<!tpu.dma_semaphore, #tpu.memory_space<semaphore_mem>>
      %dma_start3A_110 = arith.constant 28800 : i32
      %dma_start3A_111 = tpu.memref_slice %arg5[%dma_start3A_110] : memref<39168xf32, #tpu.memory_space<vmem>> -> memref<1024xf32, #tpu.memory_space<vmem>>
      %dma_start3A_112 = arith.constant 0 : i32
      %dma_start3A_113 = tpu.memref_slice %arg4[%add3A, %run_scoped3A_99, %dma_start3A_112] : memref<32x38x1024xf32, #tpu.memory_space<hbm>> -> memref<1x1x1024xf32, #tpu.memory_space<hbm>>
      %dma_start3A_114 = tpu.memref_squeeze %dma_start3A_113 : memref<1x1x1024xf32, #tpu.memory_space<hbm>> -> memref<1024xf32, #tpu.memory_space<hbm>>
      %dma_start3A_115 = arith.constant 0 : i32
      %dma_start3A_116 = tpu.memref_slice %arg4[%add3A, %run_scoped3A_99, %dma_start3A_115] : memref<32x38x1024xf32, #tpu.memory_space<hbm>> -> memref<1x1x1024xf32, #tpu.memory_space<hbm>>
      %dma_start3A_117 = tpu.memref_squeeze %dma_start3A_116 : memref<1x1x1024xf32, #tpu.memory_space<hbm>> -> memref<1024xf32, #tpu.memory_space<hbm>>
      %dma_start3A_118 = arith.constant 28800 : i32
      %dma_start3A_119 = tpu.memref_slice %arg5[%dma_start3A_118] : memref<39168xf32, #tpu.memory_space<vmem>> -> memref<1024xf32, #tpu.memory_space<vmem>>
      tpu.enqueue_dma source(%dma_start3A_119 : memref<1024xf32, #tpu.memory_space<vmem>>) target(%dma_start3A_117 : memref<1024xf32, #tpu.memory_space<hbm>>) target_semaphore(%run_scoped3A_109 : memref<!tpu.dma_semaphore, #tpu.memory_space<semaphore_mem>>)
      %dma_wait3A_120 = arith.constant 28800 : i32
      %dma_wait3A_121 = tpu.memref_slice %arg5[%dma_wait3A_120] : memref<39168xf32, #tpu.memory_space<vmem>> -> memref<1024xf32, #tpu.memory_space<vmem>>
      %dma_wait3A_122 = arith.constant 0 : i32
      %dma_wait3A_123 = tpu.memref_slice %arg4[%add3A, %run_scoped3A_99, %dma_wait3A_122] : memref<32x38x1024xf32, #tpu.memory_space<hbm>> -> memref<1x1x1024xf32, #tpu.memory_space<hbm>>
      %dma_wait3A_124 = tpu.memref_squeeze %dma_wait3A_123 : memref<1x1x1024xf32, #tpu.memory_space<hbm>> -> memref<1024xf32, #tpu.memory_space<hbm>>
      %dma_wait3A_125 = arith.constant 0 : i32
      %dma_wait3A_126 = tpu.memref_slice %arg4[%add3A, %run_scoped3A_99, %dma_wait3A_125] : memref<32x38x1024xf32, #tpu.memory_space<hbm>> -> memref<1x1x1024xf32, #tpu.memory_space<hbm>>
      %dma_wait3A_127 = tpu.memref_squeeze %dma_wait3A_126 : memref<1x1x1024xf32, #tpu.memory_space<hbm>> -> memref<1024xf32, #tpu.memory_space<hbm>>
      %dma_wait3A_128 = arith.constant 28800 : i32
      %dma_wait3A_129 = tpu.memref_slice %arg5[%dma_wait3A_128] : memref<39168xf32, #tpu.memory_space<vmem>> -> memref<1024xf32, #tpu.memory_space<vmem>>
      tpu.wait_dma2 semaphore(%run_scoped3A_109 : memref<!tpu.dma_semaphore, #tpu.memory_space<semaphore_mem>>) src(%dma_wait3A_129 : memref<1024xf32, #tpu.memory_space<vmem>>) dst(%dma_wait3A_127 : memref<1024xf32, #tpu.memory_space<hbm>>)
      tpu.yield
    }) : () -> ()
    %run_scoped3A_100 = arith.constant 29 : i32
    "tpu.region"() ({
      %run_scoped3A_109 = tpu.sem_alloc : memref<!tpu.dma_semaphore, #tpu.memory_space<semaphore_mem>>
      %dma_start3A_110 = arith.constant 29824 : i32
      %dma_start3A_111 = tpu.memref_slice %arg5[%dma_start3A_110] : memref<39168xf32, #tpu.memory_space<vmem>> -> memref<1024xf32, #tpu.memory_space<vmem>>
      %dma_start3A_112 = arith.constant 0 : i32
      %dma_start3A_113 = tpu.memref_slice %arg4[%add3A, %run_scoped3A_100, %dma_start3A_112] : memref<32x38x1024xf32, #tpu.memory_space<hbm>> -> memref<1x1x1024xf32, #tpu.memory_space<hbm>>
      %dma_start3A_114 = tpu.memref_squeeze %dma_start3A_113 : memref<1x1x1024xf32, #tpu.memory_space<hbm>> -> memref<1024xf32, #tpu.memory_space<hbm>>
      %dma_start3A_115 = arith.constant 0 : i32
      %dma_start3A_116 = tpu.memref_slice %arg4[%add3A, %run_scoped3A_100, %dma_start3A_115] : memref<32x38x1024xf32, #tpu.memory_space<hbm>> -> memref<1x1x1024xf32, #tpu.memory_space<hbm>>
      %dma_start3A_117 = tpu.memref_squeeze %dma_start3A_116 : memref<1x1x1024xf32, #tpu.memory_space<hbm>> -> memref<1024xf32, #tpu.memory_space<hbm>>
      %dma_start3A_118 = arith.constant 29824 : i32
      %dma_start3A_119 = tpu.memref_slice %arg5[%dma_start3A_118] : memref<39168xf32, #tpu.memory_space<vmem>> -> memref<1024xf32, #tpu.memory_space<vmem>>
      tpu.enqueue_dma source(%dma_start3A_119 : memref<1024xf32, #tpu.memory_space<vmem>>) target(%dma_start3A_117 : memref<1024xf32, #tpu.memory_space<hbm>>) target_semaphore(%run_scoped3A_109 : memref<!tpu.dma_semaphore, #tpu.memory_space<semaphore_mem>>)
      %dma_wait3A_120 = arith.constant 29824 : i32
      %dma_wait3A_121 = tpu.memref_slice %arg5[%dma_wait3A_120] : memref<39168xf32, #tpu.memory_space<vmem>> -> memref<1024xf32, #tpu.memory_space<vmem>>
      %dma_wait3A_122 = arith.constant 0 : i32
      %dma_wait3A_123 = tpu.memref_slice %arg4[%add3A, %run_scoped3A_100, %dma_wait3A_122] : memref<32x38x1024xf32, #tpu.memory_space<hbm>> -> memref<1x1x1024xf32, #tpu.memory_space<hbm>>
      %dma_wait3A_124 = tpu.memref_squeeze %dma_wait3A_123 : memref<1x1x1024xf32, #tpu.memory_space<hbm>> -> memref<1024xf32, #tpu.memory_space<hbm>>
      %dma_wait3A_125 = arith.constant 0 : i32
      %dma_wait3A_126 = tpu.memref_slice %arg4[%add3A, %run_scoped3A_100, %dma_wait3A_125] : memref<32x38x1024xf32, #tpu.memory_space<hbm>> -> memref<1x1x1024xf32, #tpu.memory_space<hbm>>
      %dma_wait3A_127 = tpu.memref_squeeze %dma_wait3A_126 : memref<1x1x1024xf32, #tpu.memory_space<hbm>> -> memref<1024xf32, #tpu.memory_space<hbm>>
      %dma_wait3A_128 = arith.constant 29824 : i32
      %dma_wait3A_129 = tpu.memref_slice %arg5[%dma_wait3A_128] : memref<39168xf32, #tpu.memory_space<vmem>> -> memref<1024xf32, #tpu.memory_space<vmem>>
      tpu.wait_dma2 semaphore(%run_scoped3A_109 : memref<!tpu.dma_semaphore, #tpu.memory_space<semaphore_mem>>) src(%dma_wait3A_129 : memref<1024xf32, #tpu.memory_space<vmem>>) dst(%dma_wait3A_127 : memref<1024xf32, #tpu.memory_space<hbm>>)
      tpu.yield
    }) : () -> ()
    %run_scoped3A_101 = arith.constant 30 : i32
    "tpu.region"() ({
      %run_scoped3A_109 = tpu.sem_alloc : memref<!tpu.dma_semaphore, #tpu.memory_space<semaphore_mem>>
      %dma_start3A_110 = arith.constant 30848 : i32
      %dma_start3A_111 = tpu.memref_slice %arg5[%dma_start3A_110] : memref<39168xf32, #tpu.memory_space<vmem>> -> memref<1024xf32, #tpu.memory_space<vmem>>
      %dma_start3A_112 = arith.constant 0 : i32
      %dma_start3A_113 = tpu.memref_slice %arg4[%add3A, %run_scoped3A_101, %dma_start3A_112] : memref<32x38x1024xf32, #tpu.memory_space<hbm>> -> memref<1x1x1024xf32, #tpu.memory_space<hbm>>
      %dma_start3A_114 = tpu.memref_squeeze %dma_start3A_113 : memref<1x1x1024xf32, #tpu.memory_space<hbm>> -> memref<1024xf32, #tpu.memory_space<hbm>>
      %dma_start3A_115 = arith.constant 0 : i32
      %dma_start3A_116 = tpu.memref_slice %arg4[%add3A, %run_scoped3A_101, %dma_start3A_115] : memref<32x38x1024xf32, #tpu.memory_space<hbm>> -> memref<1x1x1024xf32, #tpu.memory_space<hbm>>
      %dma_start3A_117 = tpu.memref_squeeze %dma_start3A_116 : memref<1x1x1024xf32, #tpu.memory_space<hbm>> -> memref<1024xf32, #tpu.memory_space<hbm>>
      %dma_start3A_118 = arith.constant 30848 : i32
      %dma_start3A_119 = tpu.memref_slice %arg5[%dma_start3A_118] : memref<39168xf32, #tpu.memory_space<vmem>> -> memref<1024xf32, #tpu.memory_space<vmem>>
      tpu.enqueue_dma source(%dma_start3A_119 : memref<1024xf32, #tpu.memory_space<vmem>>) target(%dma_start3A_117 : memref<1024xf32, #tpu.memory_space<hbm>>) target_semaphore(%run_scoped3A_109 : memref<!tpu.dma_semaphore, #tpu.memory_space<semaphore_mem>>)
      %dma_wait3A_120 = arith.constant 30848 : i32
      %dma_wait3A_121 = tpu.memref_slice %arg5[%dma_wait3A_120] : memref<39168xf32, #tpu.memory_space<vmem>> -> memref<1024xf32, #tpu.memory_space<vmem>>
      %dma_wait3A_122 = arith.constant 0 : i32
      %dma_wait3A_123 = tpu.memref_slice %arg4[%add3A, %run_scoped3A_101, %dma_wait3A_122] : memref<32x38x1024xf32, #tpu.memory_space<hbm>> -> memref<1x1x1024xf32, #tpu.memory_space<hbm>>
      %dma_wait3A_124 = tpu.memref_squeeze %dma_wait3A_123 : memref<1x1x1024xf32, #tpu.memory_space<hbm>> -> memref<1024xf32, #tpu.memory_space<hbm>>
      %dma_wait3A_125 = arith.constant 0 : i32
      %dma_wait3A_126 = tpu.memref_slice %arg4[%add3A, %run_scoped3A_101, %dma_wait3A_125] : memref<32x38x1024xf32, #tpu.memory_space<hbm>> -> memref<1x1x1024xf32, #tpu.memory_space<hbm>>
      %dma_wait3A_127 = tpu.memref_squeeze %dma_wait3A_126 : memref<1x1x1024xf32, #tpu.memory_space<hbm>> -> memref<1024xf32, #tpu.memory_space<hbm>>
      %dma_wait3A_128 = arith.constant 30848 : i32
      %dma_wait3A_129 = tpu.memref_slice %arg5[%dma_wait3A_128] : memref<39168xf32, #tpu.memory_space<vmem>> -> memref<1024xf32, #tpu.memory_space<vmem>>
      tpu.wait_dma2 semaphore(%run_scoped3A_109 : memref<!tpu.dma_semaphore, #tpu.memory_space<semaphore_mem>>) src(%dma_wait3A_129 : memref<1024xf32, #tpu.memory_space<vmem>>) dst(%dma_wait3A_127 : memref<1024xf32, #tpu.memory_space<hbm>>)
      tpu.yield
    }) : () -> ()
    %run_scoped3A_102 = arith.constant 31 : i32
    "tpu.region"() ({
      %run_scoped3A_109 = tpu.sem_alloc : memref<!tpu.dma_semaphore, #tpu.memory_space<semaphore_mem>>
      %dma_start3A_110 = arith.constant 31872 : i32
      %dma_start3A_111 = tpu.memref_slice %arg5[%dma_start3A_110] : memref<39168xf32, #tpu.memory_space<vmem>> -> memref<1024xf32, #tpu.memory_space<vmem>>
      %dma_start3A_112 = arith.constant 0 : i32
      %dma_start3A_113 = tpu.memref_slice %arg4[%add3A, %run_scoped3A_102, %dma_start3A_112] : memref<32x38x1024xf32, #tpu.memory_space<hbm>> -> memref<1x1x1024xf32, #tpu.memory_space<hbm>>
      %dma_start3A_114 = tpu.memref_squeeze %dma_start3A_113 : memref<1x1x1024xf32, #tpu.memory_space<hbm>> -> memref<1024xf32, #tpu.memory_space<hbm>>
      %dma_start3A_115 = arith.constant 0 : i32
      %dma_start3A_116 = tpu.memref_slice %arg4[%add3A, %run_scoped3A_102, %dma_start3A_115] : memref<32x38x1024xf32, #tpu.memory_space<hbm>> -> memref<1x1x1024xf32, #tpu.memory_space<hbm>>
      %dma_start3A_117 = tpu.memref_squeeze %dma_start3A_116 : memref<1x1x1024xf32, #tpu.memory_space<hbm>> -> memref<1024xf32, #tpu.memory_space<hbm>>
      %dma_start3A_118 = arith.constant 31872 : i32
      %dma_start3A_119 = tpu.memref_slice %arg5[%dma_start3A_118] : memref<39168xf32, #tpu.memory_space<vmem>> -> memref<1024xf32, #tpu.memory_space<vmem>>
      tpu.enqueue_dma source(%dma_start3A_119 : memref<1024xf32, #tpu.memory_space<vmem>>) target(%dma_start3A_117 : memref<1024xf32, #tpu.memory_space<hbm>>) target_semaphore(%run_scoped3A_109 : memref<!tpu.dma_semaphore, #tpu.memory_space<semaphore_mem>>)
      %dma_wait3A_120 = arith.constant 31872 : i32
      %dma_wait3A_121 = tpu.memref_slice %arg5[%dma_wait3A_120] : memref<39168xf32, #tpu.memory_space<vmem>> -> memref<1024xf32, #tpu.memory_space<vmem>>
      %dma_wait3A_122 = arith.constant 0 : i32
      %dma_wait3A_123 = tpu.memref_slice %arg4[%add3A, %run_scoped3A_102, %dma_wait3A_122] : memref<32x38x1024xf32, #tpu.memory_space<hbm>> -> memref<1x1x1024xf32, #tpu.memory_space<hbm>>
      %dma_wait3A_124 = tpu.memref_squeeze %dma_wait3A_123 : memref<1x1x1024xf32, #tpu.memory_space<hbm>> -> memref<1024xf32, #tpu.memory_space<hbm>>
      %dma_wait3A_125 = arith.constant 0 : i32
      %dma_wait3A_126 = tpu.memref_slice %arg4[%add3A, %run_scoped3A_102, %dma_wait3A_125] : memref<32x38x1024xf32, #tpu.memory_space<hbm>> -> memref<1x1x1024xf32, #tpu.memory_space<hbm>>
      %dma_wait3A_127 = tpu.memref_squeeze %dma_wait3A_126 : memref<1x1x1024xf32, #tpu.memory_space<hbm>> -> memref<1024xf32, #tpu.memory_space<hbm>>
      %dma_wait3A_128 = arith.constant 31872 : i32
      %dma_wait3A_129 = tpu.memref_slice %arg5[%dma_wait3A_128] : memref<39168xf32, #tpu.memory_space<vmem>> -> memref<1024xf32, #tpu.memory_space<vmem>>
      tpu.wait_dma2 semaphore(%run_scoped3A_109 : memref<!tpu.dma_semaphore, #tpu.memory_space<semaphore_mem>>) src(%dma_wait3A_129 : memref<1024xf32, #tpu.memory_space<vmem>>) dst(%dma_wait3A_127 : memref<1024xf32, #tpu.memory_space<hbm>>)
      tpu.yield
    }) : () -> ()
    %run_scoped3A_103 = arith.constant 32 : i32
    "tpu.region"() ({
      %run_scoped3A_109 = tpu.sem_alloc : memref<!tpu.dma_semaphore, #tpu.memory_space<semaphore_mem>>
      %dma_start3A_110 = arith.constant 32896 : i32
      %dma_start3A_111 = tpu.memref_slice %arg5[%dma_start3A_110] : memref<39168xf32, #tpu.memory_space<vmem>> -> memref<1024xf32, #tpu.memory_space<vmem>>
      %dma_start3A_112 = arith.constant 0 : i32
      %dma_start3A_113 = tpu.memref_slice %arg4[%add3A, %run_scoped3A_103, %dma_start3A_112] : memref<32x38x1024xf32, #tpu.memory_space<hbm>> -> memref<1x1x1024xf32, #tpu.memory_space<hbm>>
      %dma_start3A_114 = tpu.memref_squeeze %dma_start3A_113 : memref<1x1x1024xf32, #tpu.memory_space<hbm>> -> memref<1024xf32, #tpu.memory_space<hbm>>
      %dma_start3A_115 = arith.constant 0 : i32
      %dma_start3A_116 = tpu.memref_slice %arg4[%add3A, %run_scoped3A_103, %dma_start3A_115] : memref<32x38x1024xf32, #tpu.memory_space<hbm>> -> memref<1x1x1024xf32, #tpu.memory_space<hbm>>
      %dma_start3A_117 = tpu.memref_squeeze %dma_start3A_116 : memref<1x1x1024xf32, #tpu.memory_space<hbm>> -> memref<1024xf32, #tpu.memory_space<hbm>>
      %dma_start3A_118 = arith.constant 32896 : i32
      %dma_start3A_119 = tpu.memref_slice %arg5[%dma_start3A_118] : memref<39168xf32, #tpu.memory_space<vmem>> -> memref<1024xf32, #tpu.memory_space<vmem>>
      tpu.enqueue_dma source(%dma_start3A_119 : memref<1024xf32, #tpu.memory_space<vmem>>) target(%dma_start3A_117 : memref<1024xf32, #tpu.memory_space<hbm>>) target_semaphore(%run_scoped3A_109 : memref<!tpu.dma_semaphore, #tpu.memory_space<semaphore_mem>>)
      %dma_wait3A_120 = arith.constant 32896 : i32
      %dma_wait3A_121 = tpu.memref_slice %arg5[%dma_wait3A_120] : memref<39168xf32, #tpu.memory_space<vmem>> -> memref<1024xf32, #tpu.memory_space<vmem>>
      %dma_wait3A_122 = arith.constant 0 : i32
      %dma_wait3A_123 = tpu.memref_slice %arg4[%add3A, %run_scoped3A_103, %dma_wait3A_122] : memref<32x38x1024xf32, #tpu.memory_space<hbm>> -> memref<1x1x1024xf32, #tpu.memory_space<hbm>>
      %dma_wait3A_124 = tpu.memref_squeeze %dma_wait3A_123 : memref<1x1x1024xf32, #tpu.memory_space<hbm>> -> memref<1024xf32, #tpu.memory_space<hbm>>
      %dma_wait3A_125 = arith.constant 0 : i32
      %dma_wait3A_126 = tpu.memref_slice %arg4[%add3A, %run_scoped3A_103, %dma_wait3A_125] : memref<32x38x1024xf32, #tpu.memory_space<hbm>> -> memref<1x1x1024xf32, #tpu.memory_space<hbm>>
      %dma_wait3A_127 = tpu.memref_squeeze %dma_wait3A_126 : memref<1x1x1024xf32, #tpu.memory_space<hbm>> -> memref<1024xf32, #tpu.memory_space<hbm>>
      %dma_wait3A_128 = arith.constant 32896 : i32
      %dma_wait3A_129 = tpu.memref_slice %arg5[%dma_wait3A_128] : memref<39168xf32, #tpu.memory_space<vmem>> -> memref<1024xf32, #tpu.memory_space<vmem>>
      tpu.wait_dma2 semaphore(%run_scoped3A_109 : memref<!tpu.dma_semaphore, #tpu.memory_space<semaphore_mem>>) src(%dma_wait3A_129 : memref<1024xf32, #tpu.memory_space<vmem>>) dst(%dma_wait3A_127 : memref<1024xf32, #tpu.memory_space<hbm>>)
      tpu.yield
    }) : () -> ()
    %run_scoped3A_104 = arith.constant 33 : i32
    "tpu.region"() ({
      %run_scoped3A_109 = tpu.sem_alloc : memref<!tpu.dma_semaphore, #tpu.memory_space<semaphore_mem>>
      %dma_start3A_110 = arith.constant 33920 : i32
      %dma_start3A_111 = tpu.memref_slice %arg5[%dma_start3A_110] : memref<39168xf32, #tpu.memory_space<vmem>> -> memref<1024xf32, #tpu.memory_space<vmem>>
      %dma_start3A_112 = arith.constant 0 : i32
      %dma_start3A_113 = tpu.memref_slice %arg4[%add3A, %run_scoped3A_104, %dma_start3A_112] : memref<32x38x1024xf32, #tpu.memory_space<hbm>> -> memref<1x1x1024xf32, #tpu.memory_space<hbm>>
      %dma_start3A_114 = tpu.memref_squeeze %dma_start3A_113 : memref<1x1x1024xf32, #tpu.memory_space<hbm>> -> memref<1024xf32, #tpu.memory_space<hbm>>
      %dma_start3A_115 = arith.constant 0 : i32
      %dma_start3A_116 = tpu.memref_slice %arg4[%add3A, %run_scoped3A_104, %dma_start3A_115] : memref<32x38x1024xf32, #tpu.memory_space<hbm>> -> memref<1x1x1024xf32, #tpu.memory_space<hbm>>
      %dma_start3A_117 = tpu.memref_squeeze %dma_start3A_116 : memref<1x1x1024xf32, #tpu.memory_space<hbm>> -> memref<1024xf32, #tpu.memory_space<hbm>>
      %dma_start3A_118 = arith.constant 33920 : i32
      %dma_start3A_119 = tpu.memref_slice %arg5[%dma_start3A_118] : memref<39168xf32, #tpu.memory_space<vmem>> -> memref<1024xf32, #tpu.memory_space<vmem>>
      tpu.enqueue_dma source(%dma_start3A_119 : memref<1024xf32, #tpu.memory_space<vmem>>) target(%dma_start3A_117 : memref<1024xf32, #tpu.memory_space<hbm>>) target_semaphore(%run_scoped3A_109 : memref<!tpu.dma_semaphore, #tpu.memory_space<semaphore_mem>>)
      %dma_wait3A_120 = arith.constant 33920 : i32
      %dma_wait3A_121 = tpu.memref_slice %arg5[%dma_wait3A_120] : memref<39168xf32, #tpu.memory_space<vmem>> -> memref<1024xf32, #tpu.memory_space<vmem>>
      %dma_wait3A_122 = arith.constant 0 : i32
      %dma_wait3A_123 = tpu.memref_slice %arg4[%add3A, %run_scoped3A_104, %dma_wait3A_122] : memref<32x38x1024xf32, #tpu.memory_space<hbm>> -> memref<1x1x1024xf32, #tpu.memory_space<hbm>>
      %dma_wait3A_124 = tpu.memref_squeeze %dma_wait3A_123 : memref<1x1x1024xf32, #tpu.memory_space<hbm>> -> memref<1024xf32, #tpu.memory_space<hbm>>
      %dma_wait3A_125 = arith.constant 0 : i32
      %dma_wait3A_126 = tpu.memref_slice %arg4[%add3A, %run_scoped3A_104, %dma_wait3A_125] : memref<32x38x1024xf32, #tpu.memory_space<hbm>> -> memref<1x1x1024xf32, #tpu.memory_space<hbm>>
      %dma_wait3A_127 = tpu.memref_squeeze %dma_wait3A_126 : memref<1x1x1024xf32, #tpu.memory_space<hbm>> -> memref<1024xf32, #tpu.memory_space<hbm>>
      %dma_wait3A_128 = arith.constant 33920 : i32
      %dma_wait3A_129 = tpu.memref_slice %arg5[%dma_wait3A_128] : memref<39168xf32, #tpu.memory_space<vmem>> -> memref<1024xf32, #tpu.memory_space<vmem>>
      tpu.wait_dma2 semaphore(%run_scoped3A_109 : memref<!tpu.dma_semaphore, #tpu.memory_space<semaphore_mem>>) src(%dma_wait3A_129 : memref<1024xf32, #tpu.memory_space<vmem>>) dst(%dma_wait3A_127 : memref<1024xf32, #tpu.memory_space<hbm>>)
      tpu.yield
    }) : () -> ()
    %run_scoped3A_105 = arith.constant 34 : i32
    "tpu.region"() ({
      %run_scoped3A_109 = tpu.sem_alloc : memref<!tpu.dma_semaphore, #tpu.memory_space<semaphore_mem>>
      %dma_start3A_110 = arith.constant 34944 : i32
      %dma_start3A_111 = tpu.memref_slice %arg5[%dma_start3A_110] : memref<39168xf32, #tpu.memory_space<vmem>> -> memref<1024xf32, #tpu.memory_space<vmem>>
      %dma_start3A_112 = arith.constant 0 : i32
      %dma_start3A_113 = tpu.memref_slice %arg4[%add3A, %run_scoped3A_105, %dma_start3A_112] : memref<32x38x1024xf32, #tpu.memory_space<hbm>> -> memref<1x1x1024xf32, #tpu.memory_space<hbm>>
      %dma_start3A_114 = tpu.memref_squeeze %dma_start3A_113 : memref<1x1x1024xf32, #tpu.memory_space<hbm>> -> memref<1024xf32, #tpu.memory_space<hbm>>
      %dma_start3A_115 = arith.constant 0 : i32
      %dma_start3A_116 = tpu.memref_slice %arg4[%add3A, %run_scoped3A_105, %dma_start3A_115] : memref<32x38x1024xf32, #tpu.memory_space<hbm>> -> memref<1x1x1024xf32, #tpu.memory_space<hbm>>
      %dma_start3A_117 = tpu.memref_squeeze %dma_start3A_116 : memref<1x1x1024xf32, #tpu.memory_space<hbm>> -> memref<1024xf32, #tpu.memory_space<hbm>>
      %dma_start3A_118 = arith.constant 34944 : i32
      %dma_start3A_119 = tpu.memref_slice %arg5[%dma_start3A_118] : memref<39168xf32, #tpu.memory_space<vmem>> -> memref<1024xf32, #tpu.memory_space<vmem>>
      tpu.enqueue_dma source(%dma_start3A_119 : memref<1024xf32, #tpu.memory_space<vmem>>) target(%dma_start3A_117 : memref<1024xf32, #tpu.memory_space<hbm>>) target_semaphore(%run_scoped3A_109 : memref<!tpu.dma_semaphore, #tpu.memory_space<semaphore_mem>>)
      %dma_wait3A_120 = arith.constant 34944 : i32
      %dma_wait3A_121 = tpu.memref_slice %arg5[%dma_wait3A_120] : memref<39168xf32, #tpu.memory_space<vmem>> -> memref<1024xf32, #tpu.memory_space<vmem>>
      %dma_wait3A_122 = arith.constant 0 : i32
      %dma_wait3A_123 = tpu.memref_slice %arg4[%add3A, %run_scoped3A_105, %dma_wait3A_122] : memref<32x38x1024xf32, #tpu.memory_space<hbm>> -> memref<1x1x1024xf32, #tpu.memory_space<hbm>>
      %dma_wait3A_124 = tpu.memref_squeeze %dma_wait3A_123 : memref<1x1x1024xf32, #tpu.memory_space<hbm>> -> memref<1024xf32, #tpu.memory_space<hbm>>
      %dma_wait3A_125 = arith.constant 0 : i32
      %dma_wait3A_126 = tpu.memref_slice %arg4[%add3A, %run_scoped3A_105, %dma_wait3A_125] : memref<32x38x1024xf32, #tpu.memory_space<hbm>> -> memref<1x1x1024xf32, #tpu.memory_space<hbm>>
      %dma_wait3A_127 = tpu.memref_squeeze %dma_wait3A_126 : memref<1x1x1024xf32, #tpu.memory_space<hbm>> -> memref<1024xf32, #tpu.memory_space<hbm>>
      %dma_wait3A_128 = arith.constant 34944 : i32
      %dma_wait3A_129 = tpu.memref_slice %arg5[%dma_wait3A_128] : memref<39168xf32, #tpu.memory_space<vmem>> -> memref<1024xf32, #tpu.memory_space<vmem>>
      tpu.wait_dma2 semaphore(%run_scoped3A_109 : memref<!tpu.dma_semaphore, #tpu.memory_space<semaphore_mem>>) src(%dma_wait3A_129 : memref<1024xf32, #tpu.memory_space<vmem>>) dst(%dma_wait3A_127 : memref<1024xf32, #tpu.memory_space<hbm>>)
      tpu.yield
    }) : () -> ()
    %run_scoped3A_106 = arith.constant 35 : i32
    "tpu.region"() ({
      %run_scoped3A_109 = tpu.sem_alloc : memref<!tpu.dma_semaphore, #tpu.memory_space<semaphore_mem>>
      %dma_start3A_110 = arith.constant 35968 : i32
      %dma_start3A_111 = tpu.memref_slice %arg5[%dma_start3A_110] : memref<39168xf32, #tpu.memory_space<vmem>> -> memref<1024xf32, #tpu.memory_space<vmem>>
      %dma_start3A_112 = arith.constant 0 : i32
      %dma_start3A_113 = tpu.memref_slice %arg4[%add3A, %run_scoped3A_106, %dma_start3A_112] : memref<32x38x1024xf32, #tpu.memory_space<hbm>> -> memref<1x1x1024xf32, #tpu.memory_space<hbm>>
      %dma_start3A_114 = tpu.memref_squeeze %dma_start3A_113 : memref<1x1x1024xf32, #tpu.memory_space<hbm>> -> memref<1024xf32, #tpu.memory_space<hbm>>
      %dma_start3A_115 = arith.constant 0 : i32
      %dma_start3A_116 = tpu.memref_slice %arg4[%add3A, %run_scoped3A_106, %dma_start3A_115] : memref<32x38x1024xf32, #tpu.memory_space<hbm>> -> memref<1x1x1024xf32, #tpu.memory_space<hbm>>
      %dma_start3A_117 = tpu.memref_squeeze %dma_start3A_116 : memref<1x1x1024xf32, #tpu.memory_space<hbm>> -> memref<1024xf32, #tpu.memory_space<hbm>>
      %dma_start3A_118 = arith.constant 35968 : i32
      %dma_start3A_119 = tpu.memref_slice %arg5[%dma_start3A_118] : memref<39168xf32, #tpu.memory_space<vmem>> -> memref<1024xf32, #tpu.memory_space<vmem>>
      tpu.enqueue_dma source(%dma_start3A_119 : memref<1024xf32, #tpu.memory_space<vmem>>) target(%dma_start3A_117 : memref<1024xf32, #tpu.memory_space<hbm>>) target_semaphore(%run_scoped3A_109 : memref<!tpu.dma_semaphore, #tpu.memory_space<semaphore_mem>>)
      %dma_wait3A_120 = arith.constant 35968 : i32
      %dma_wait3A_121 = tpu.memref_slice %arg5[%dma_wait3A_120] : memref<39168xf32, #tpu.memory_space<vmem>> -> memref<1024xf32, #tpu.memory_space<vmem>>
      %dma_wait3A_122 = arith.constant 0 : i32
      %dma_wait3A_123 = tpu.memref_slice %arg4[%add3A, %run_scoped3A_106, %dma_wait3A_122] : memref<32x38x1024xf32, #tpu.memory_space<hbm>> -> memref<1x1x1024xf32, #tpu.memory_space<hbm>>
      %dma_wait3A_124 = tpu.memref_squeeze %dma_wait3A_123 : memref<1x1x1024xf32, #tpu.memory_space<hbm>> -> memref<1024xf32, #tpu.memory_space<hbm>>
      %dma_wait3A_125 = arith.constant 0 : i32
      %dma_wait3A_126 = tpu.memref_slice %arg4[%add3A, %run_scoped3A_106, %dma_wait3A_125] : memref<32x38x1024xf32, #tpu.memory_space<hbm>> -> memref<1x1x1024xf32, #tpu.memory_space<hbm>>
      %dma_wait3A_127 = tpu.memref_squeeze %dma_wait3A_126 : memref<1x1x1024xf32, #tpu.memory_space<hbm>> -> memref<1024xf32, #tpu.memory_space<hbm>>
      %dma_wait3A_128 = arith.constant 35968 : i32
      %dma_wait3A_129 = tpu.memref_slice %arg5[%dma_wait3A_128] : memref<39168xf32, #tpu.memory_space<vmem>> -> memref<1024xf32, #tpu.memory_space<vmem>>
      tpu.wait_dma2 semaphore(%run_scoped3A_109 : memref<!tpu.dma_semaphore, #tpu.memory_space<semaphore_mem>>) src(%dma_wait3A_129 : memref<1024xf32, #tpu.memory_space<vmem>>) dst(%dma_wait3A_127 : memref<1024xf32, #tpu.memory_space<hbm>>)
      tpu.yield
    }) : () -> ()
    %run_scoped3A_107 = arith.constant 36 : i32
    "tpu.region"() ({
      %run_scoped3A_109 = tpu.sem_alloc : memref<!tpu.dma_semaphore, #tpu.memory_space<semaphore_mem>>
      %dma_start3A_110 = arith.constant 36992 : i32
      %dma_start3A_111 = tpu.memref_slice %arg5[%dma_start3A_110] : memref<39168xf32, #tpu.memory_space<vmem>> -> memref<1024xf32, #tpu.memory_space<vmem>>
      %dma_start3A_112 = arith.constant 0 : i32
      %dma_start3A_113 = tpu.memref_slice %arg4[%add3A, %run_scoped3A_107, %dma_start3A_112] : memref<32x38x1024xf32, #tpu.memory_space<hbm>> -> memref<1x1x1024xf32, #tpu.memory_space<hbm>>
      %dma_start3A_114 = tpu.memref_squeeze %dma_start3A_113 : memref<1x1x1024xf32, #tpu.memory_space<hbm>> -> memref<1024xf32, #tpu.memory_space<hbm>>
      %dma_start3A_115 = arith.constant 0 : i32
      %dma_start3A_116 = tpu.memref_slice %arg4[%add3A, %run_scoped3A_107, %dma_start3A_115] : memref<32x38x1024xf32, #tpu.memory_space<hbm>> -> memref<1x1x1024xf32, #tpu.memory_space<hbm>>
      %dma_start3A_117 = tpu.memref_squeeze %dma_start3A_116 : memref<1x1x1024xf32, #tpu.memory_space<hbm>> -> memref<1024xf32, #tpu.memory_space<hbm>>
      %dma_start3A_118 = arith.constant 36992 : i32
      %dma_start3A_119 = tpu.memref_slice %arg5[%dma_start3A_118] : memref<39168xf32, #tpu.memory_space<vmem>> -> memref<1024xf32, #tpu.memory_space<vmem>>
      tpu.enqueue_dma source(%dma_start3A_119 : memref<1024xf32, #tpu.memory_space<vmem>>) target(%dma_start3A_117 : memref<1024xf32, #tpu.memory_space<hbm>>) target_semaphore(%run_scoped3A_109 : memref<!tpu.dma_semaphore, #tpu.memory_space<semaphore_mem>>)
      %dma_wait3A_120 = arith.constant 36992 : i32
      %dma_wait3A_121 = tpu.memref_slice %arg5[%dma_wait3A_120] : memref<39168xf32, #tpu.memory_space<vmem>> -> memref<1024xf32, #tpu.memory_space<vmem>>
      %dma_wait3A_122 = arith.constant 0 : i32
      %dma_wait3A_123 = tpu.memref_slice %arg4[%add3A, %run_scoped3A_107, %dma_wait3A_122] : memref<32x38x1024xf32, #tpu.memory_space<hbm>> -> memref<1x1x1024xf32, #tpu.memory_space<hbm>>
      %dma_wait3A_124 = tpu.memref_squeeze %dma_wait3A_123 : memref<1x1x1024xf32, #tpu.memory_space<hbm>> -> memref<1024xf32, #tpu.memory_space<hbm>>
      %dma_wait3A_125 = arith.constant 0 : i32
      %dma_wait3A_126 = tpu.memref_slice %arg4[%add3A, %run_scoped3A_107, %dma_wait3A_125] : memref<32x38x1024xf32, #tpu.memory_space<hbm>> -> memref<1x1x1024xf32, #tpu.memory_space<hbm>>
      %dma_wait3A_127 = tpu.memref_squeeze %dma_wait3A_126 : memref<1x1x1024xf32, #tpu.memory_space<hbm>> -> memref<1024xf32, #tpu.memory_space<hbm>>
      %dma_wait3A_128 = arith.constant 36992 : i32
      %dma_wait3A_129 = tpu.memref_slice %arg5[%dma_wait3A_128] : memref<39168xf32, #tpu.memory_space<vmem>> -> memref<1024xf32, #tpu.memory_space<vmem>>
      tpu.wait_dma2 semaphore(%run_scoped3A_109 : memref<!tpu.dma_semaphore, #tpu.memory_space<semaphore_mem>>) src(%dma_wait3A_129 : memref<1024xf32, #tpu.memory_space<vmem>>) dst(%dma_wait3A_127 : memref<1024xf32, #tpu.memory_space<hbm>>)
      tpu.yield
    }) : () -> ()
    %run_scoped3A_108 = arith.constant 37 : i32
    "tpu.region"() ({
      %run_scoped3A_109 = tpu.sem_alloc : memref<!tpu.dma_semaphore, #tpu.memory_space<semaphore_mem>>
      %dma_start3A_110 = arith.constant 38016 : i32
      %dma_start3A_111 = tpu.memref_slice %arg5[%dma_start3A_110] : memref<39168xf32, #tpu.memory_space<vmem>> -> memref<1024xf32, #tpu.memory_space<vmem>>
      %dma_start3A_112 = arith.constant 0 : i32
      %dma_start3A_113 = tpu.memref_slice %arg4[%add3A, %run_scoped3A_108, %dma_start3A_112] : memref<32x38x1024xf32, #tpu.memory_space<hbm>> -> memref<1x1x1024xf32, #tpu.memory_space<hbm>>
      %dma_start3A_114 = tpu.memref_squeeze %dma_start3A_113 : memref<1x1x1024xf32, #tpu.memory_space<hbm>> -> memref<1024xf32, #tpu.memory_space<hbm>>
      %dma_start3A_115 = arith.constant 0 : i32
      %dma_start3A_116 = tpu.memref_slice %arg4[%add3A, %run_scoped3A_108, %dma_start3A_115] : memref<32x38x1024xf32, #tpu.memory_space<hbm>> -> memref<1x1x1024xf32, #tpu.memory_space<hbm>>
      %dma_start3A_117 = tpu.memref_squeeze %dma_start3A_116 : memref<1x1x1024xf32, #tpu.memory_space<hbm>> -> memref<1024xf32, #tpu.memory_space<hbm>>
      %dma_start3A_118 = arith.constant 38016 : i32
      %dma_start3A_119 = tpu.memref_slice %arg5[%dma_start3A_118] : memref<39168xf32, #tpu.memory_space<vmem>> -> memref<1024xf32, #tpu.memory_space<vmem>>
      tpu.enqueue_dma source(%dma_start3A_119 : memref<1024xf32, #tpu.memory_space<vmem>>) target(%dma_start3A_117 : memref<1024xf32, #tpu.memory_space<hbm>>) target_semaphore(%run_scoped3A_109 : memref<!tpu.dma_semaphore, #tpu.memory_space<semaphore_mem>>)
      %dma_wait3A_120 = arith.constant 38016 : i32
      %dma_wait3A_121 = tpu.memref_slice %arg5[%dma_wait3A_120] : memref<39168xf32, #tpu.memory_space<vmem>> -> memref<1024xf32, #tpu.memory_space<vmem>>
      %dma_wait3A_122 = arith.constant 0 : i32
      %dma_wait3A_123 = tpu.memref_slice %arg4[%add3A, %run_scoped3A_108, %dma_wait3A_122] : memref<32x38x1024xf32, #tpu.memory_space<hbm>> -> memref<1x1x1024xf32, #tpu.memory_space<hbm>>
      %dma_wait3A_124 = tpu.memref_squeeze %dma_wait3A_123 : memref<1x1x1024xf32, #tpu.memory_space<hbm>> -> memref<1024xf32, #tpu.memory_space<hbm>>
      %dma_wait3A_125 = arith.constant 0 : i32
      %dma_wait3A_126 = tpu.memref_slice %arg4[%add3A, %run_scoped3A_108, %dma_wait3A_125] : memref<32x38x1024xf32, #tpu.memory_space<hbm>> -> memref<1x1x1024xf32, #tpu.memory_space<hbm>>
      %dma_wait3A_127 = tpu.memref_squeeze %dma_wait3A_126 : memref<1x1x1024xf32, #tpu.memory_space<hbm>> -> memref<1024xf32, #tpu.memory_space<hbm>>
      %dma_wait3A_128 = arith.constant 38016 : i32
      %dma_wait3A_129 = tpu.memref_slice %arg5[%dma_wait3A_128] : memref<39168xf32, #tpu.memory_space<vmem>> -> memref<1024xf32, #tpu.memory_space<vmem>>
      tpu.wait_dma2 semaphore(%run_scoped3A_109 : memref<!tpu.dma_semaphore, #tpu.memory_space<semaphore_mem>>) src(%dma_wait3A_129 : memref<1024xf32, #tpu.memory_space<vmem>>) dst(%dma_wait3A_127 : memref<1024xf32, #tpu.memory_space<hbm>>)
      tpu.yield
    }) : () -> ()
    return
  }
}

module attributes {stable_mosaic.version = 14 : i64} {
  func.func @body(%arg0: memref<32x38x1024xf32, #tpu.memory_space<vmem>>, %arg1: memref<1x1xf32, #tpu.memory_space<smem>>) attributes {dimension_semantics = [], scalar_prefetch = 0 : i64, scratch_operands = 0 : i64, tpu.core_type = #tpu.core_type<tc>} {
    %get3A = arith.constant 0 : index
    %get3A_0 = arith.constant 0 : index
    %get3A_1 = arith.constant 0 : index
    %get3A_2 = vector.load %arg0[%get3A, %get3A_0, %get3A_1] : memref<32x38x1024xf32, #tpu.memory_space<vmem>>, vector<32x38x1024xf32>
    %reduce_sum3A = arith.constant dense<0.000000e+00> : vector<38x1024xf32>
    %reduce_sum3A_3 = vector.multi_reduction <add>, %get3A_2, %reduce_sum3A [0] : vector<32x38x1024xf32> to vector<38x1024xf32>
    %slice3A = vector.extract_strided_slice %reduce_sum3A_3 {offsets = [0, 0], sizes = [19, 1024], strides = [1, 1]} : vector<38x1024xf32> to vector<19x1024xf32>
    %slice3A_4 = vector.extract_strided_slice %reduce_sum3A_3 {offsets = [19, 0], sizes = [19, 1024], strides = [1, 1]} : vector<38x1024xf32> to vector<19x1024xf32>
    %iota3A = tpu.iota {dimensions = array<i32: 0>} : vector<1024x1024xi32>
    %iota3A_5 = tpu.iota {dimensions = array<i32: 1>} : vector<1024x1024xi32>
    %le3A = arith.cmpi sle, %iota3A, %iota3A_5 : vector<1024x1024xi32>
    %convert_element_type3A = arith.extui %le3A : vector<1024x1024xi1> to vector<1024x1024xi32>
    %convert_element_type3A_6 = arith.sitofp %convert_element_type3A : vector<1024x1024xi32> to vector<1024x1024xf32>
    %sub3A = arith.constant 1023 : i32
    %sub3A_7 = vector.broadcast %sub3A : i32 to vector<1024x1024xi32>
    %sub3A_8 = arith.subi %sub3A_7, %iota3A : vector<1024x1024xi32>
    %le3A_9 = arith.cmpi sle, %sub3A_8, %iota3A_5 : vector<1024x1024xi32>
    %convert_element_type3A_10 = arith.extui %le3A_9 : vector<1024x1024xi1> to vector<1024x1024xi32>
    %convert_element_type3A_11 = arith.sitofp %convert_element_type3A_10 : vector<1024x1024xi32> to vector<1024x1024xf32>
    %add3A = arith.addf %slice3A, %slice3A_4 : vector<19x1024xf32>
    %dot_general3A = arith.constant dense<0.000000e+00> : vector<19x1024xf32>
    %dot_general3A_12 = tpu.matmul %add3A, %convert_element_type3A_6, %dot_general3A {dimension_numbers = #tpu.dot_dimension_numbers<[1], [0], [0], [1], [0, 0, 1, 1], [], []>, transpose_lhs_hint = false} : vector<19x1024xf32>, vector<1024x1024xf32>, vector<19x1024xf32> -> vector<19x1024xf32>
    %dot_general3A_13 = arith.constant dense<0.000000e+00> : vector<19x1024xf32>
    %dot_general3A_14 = tpu.matmul %slice3A_4, %convert_element_type3A_11, %dot_general3A_13 {dimension_numbers = #tpu.dot_dimension_numbers<[1], [0], [0], [1], [0, 0, 1, 1], [], []>, transpose_lhs_hint = false} : vector<19x1024xf32>, vector<1024x1024xf32>, vector<19x1024xf32> -> vector<19x1024xf32>
    %sub3A_15 = arith.subf %dot_general3A_12, %dot_general3A_14 : vector<19x1024xf32>
    %dot_general3A_16 = arith.constant dense<0.000000e+00> : vector<19x1024xf32>
    %dot_general3A_17 = tpu.matmul %slice3A_4, %convert_element_type3A_6, %dot_general3A_16 {dimension_numbers = #tpu.dot_dimension_numbers<[1], [0], [0], [1], [0, 0, 1, 1], [], []>, transpose_lhs_hint = false} : vector<19x1024xf32>, vector<1024x1024xf32>, vector<19x1024xf32> -> vector<19x1024xf32>
    %slice3A_18 = vector.extract_strided_slice %dot_general3A_17 {offsets = [0, 1023], sizes = [19, 1], strides = [1, 1]} : vector<19x1024xf32> to vector<19x1xf32>
    %add3A_19 = vector.broadcast %slice3A_18 : vector<19x1xf32> to vector<19x1024xf32>
    %add3A_20 = arith.addf %add3A_19, %sub3A_15 : vector<19x1024xf32>
    %sub3A_21 = arith.subf %add3A_20, %dot_general3A_17 : vector<19x1024xf32>
    %max3A = arith.constant 5.000000e-01 : f32
    %max3A_22 = vector.broadcast %max3A : f32 to vector<19x1024xf32>
    %max3A_23 = arith.maximumf %sub3A_21, %max3A_22 : vector<19x1024xf32>
    %div3A = arith.divf %sub3A_15, %max3A_23 : vector<19x1024xf32>
    %slice3A_24 = vector.extract_strided_slice %div3A {offsets = [0, 1023], sizes = [19, 1], strides = [1, 1]} : vector<19x1024xf32> to vector<19x1xf32>
    %reduce_sum3A_25 = arith.constant dense<0.000000e+00> : vector<19xf32>
    %reduce_sum3A_26 = vector.multi_reduction <add>, %div3A, %reduce_sum3A_25 [1] : vector<19x1024xf32> to vector<19xf32>
    %broadcast_in_dim3A = vector.shape_cast %reduce_sum3A_26 : vector<19xf32> to vector<19x1xf32>
    %mul3A = arith.constant 5.000000e-01 : f32
    %mul3A_27 = vector.broadcast %mul3A : f32 to vector<19x1xf32>
    %mul3A_28 = arith.mulf %mul3A_27, %slice3A_24 : vector<19x1xf32>
    %sub3A_29 = arith.subf %broadcast_in_dim3A, %mul3A_28 : vector<19x1xf32>
    %div3A_30 = arith.constant 1.024000e+03 : f32
    %div3A_31 = vector.broadcast %div3A_30 : f32 to vector<19x1xf32>
    %div3A_32 = arith.divf %sub3A_29, %div3A_31 : vector<19x1xf32>
    %gt3A = arith.constant 0.000000e+00 : f32
    %gt3A_33 = vector.broadcast %gt3A : f32 to vector<19x1xf32>
    %gt3A_34 = arith.cmpf ogt, %slice3A_18, %gt3A_33 : vector<19x1xf32>
    %convert_element_type3A_35 = arith.extui %gt3A_34 : vector<19x1xi1> to vector<19x1xi32>
    %convert_element_type3A_36 = arith.sitofp %convert_element_type3A_35 : vector<19x1xi32> to vector<19x1xf32>
    %mul3A_37 = arith.mulf %div3A_32, %convert_element_type3A_36 : vector<19x1xf32>
    %reduce_sum3A_38 = vector.shape_cast %mul3A_37 : vector<19x1xf32> to vector<1x19x1xf32>
    %reduce_sum3A_39 = arith.constant dense<0.000000e+00> : vector<1xf32>
    %reduce_sum3A_40 = vector.multi_reduction <add>, %reduce_sum3A_38, %reduce_sum3A_39 [1, 2] : vector<1x19x1xf32> to vector<1xf32>
    %reduce_sum3A_41 = vector.shape_cast %reduce_sum3A_40 : vector<1xf32> to vector<1x1x1xf32>
    %reduce_sum3A_42 = vector.extract %reduce_sum3A_41[0, 0, 0] : f32 from vector<1x1x1xf32>
    %reduce_sum3A_43 = vector.shape_cast %convert_element_type3A_36 : vector<19x1xf32> to vector<1x19x1xf32>
    %reduce_sum3A_44 = arith.constant dense<0.000000e+00> : vector<1xf32>
    %reduce_sum3A_45 = vector.multi_reduction <add>, %reduce_sum3A_43, %reduce_sum3A_44 [1, 2] : vector<1x19x1xf32> to vector<1xf32>
    %reduce_sum3A_46 = vector.shape_cast %reduce_sum3A_45 : vector<1xf32> to vector<1x1x1xf32>
    %reduce_sum3A_47 = vector.extract %reduce_sum3A_46[0, 0, 0] : f32 from vector<1x1x1xf32>
    %gt3A_48 = arith.constant 0.000000e+00 : f32
    %gt3A_49 = arith.cmpf ogt, %reduce_sum3A_47, %gt3A_48 : f32
    %div3A_50 = arith.divf %reduce_sum3A_42, %reduce_sum3A_47 : f32
    %jit3A = arith.constant 0.000000e+00 : f32
    %select_n3A = arith.select %gt3A_49, %div3A_50, %jit3A : f32
    %swap3A = arith.constant 0 : index
    %swap3A_51 = arith.constant 0 : index
    %swap3A_52 = memref.load %arg1[%swap3A, %swap3A_51] : memref<1x1xf32, #tpu.memory_space<smem>>
    memref.store %select_n3A, %arg1[%swap3A, %swap3A_51] : memref<1x1xf32, #tpu.memory_space<smem>>
    return
  }
}

</mosaic_0001>

<sc_bundles>
// kernel: kernel.4.cloned.1.call-start
scs
__scs_entry_jumppad:
0x0: {  	(pc) =	sbr.rel $0x88, $3  }
0x1: {  	(tag) =	ssettag $0x0;
	lr =	simm.s32 $0x1  }
0x2: {  	[smem:$0x3F9F] =	sst lr;
	_ =	strace $0xD0000000  }
0x3: {  	_ = 	snop  }
0x4: {  	_ = 	snop  }
0x5: {  	_ = 	snop  }
0x6: {  	_ = 	snop  }
0x7: {  	_ = 	snop  }
__scs_overlays_trampoline_lowered:
0x8: {  	[smem:$0x3FAE] =	sst s0  }
0x9: {  	[smem:$0x3FAF] =	sst s1  }
0xa: {  	[smem:$0x3FB0] =	sst s2  }
0xb: {  	[smem:$0x3FB1] =	sst s3  }
0xc: {  	[smem:$0x3FB2] =	sst s4  }
0xd: {  	[smem:$0x3FB3] =	sst s5  }
0xe: {  	[smem:$0x3FB4] =	sst s6  }
0xf: {  	[smem:$0x3FB5] =	sst s7  }
0x10: {  	[smem:$0x3FB6] =	sst s8  }
0x11: {  	[smem:$0x3FB7] =	sst s9;
	s0 =	simm.s32 @!p0 $0x0  }
0x12: {  	s1 =	sld [smem:$0x3F9D];
	s0 =	simm.s32 @p0 $0x1  }
0x13: {  	[smem:$0x3FB8] =	sst s0;
	s0 =	simm.s32 @!p1 $0x0  }
0x14: {  	s2 =	sld [smem:$0x3F9C];
	s0 =	simm.s32 @p1 $0x1  }
0x15: {  	[smem:$0x3FB9] =	sst s0;
	s0 =	simm.s32 @!p2 $0x0  }
0x16: {  	s3 =	sld [smem:$0x3FDB];
	s0 =	simm.s32 @p2 $0x1  }
0x17: {  	s4 =	simm.s32 $0x1BF5;
	[smem:$0x3FBB] =	sst s0  }
0x18: {  	s0 =	sld [smem:$0x3F9E];
	_ =	swait.ge [sflag:s4], $0x0  }
0x19: {  	s7 =	sld [smem:$0x3F9F]  }
0x1a: {  	s8 =	sadd.s32 $0xFFFFE003, lr  }
0x1b: {  	s9 =	sadd.s32 $0xFFFFFEF7, lr;
	s5 =	simm.s32 $0xFFFFFFFF;
	p2 =	slt.u32 s8, $0xFFFFF086  }
0x1c: {  	p1 =	slt.u32 s9, $0xF7A;
	s5 =	simm.s32 @!p2 $0x0  }
0x1d: {  	s5 =	simm.s32 @p1 $0x1;
	p0 =	seq.s32 s7, s2  }
0x1e: {  	s7 =	smul.u32 @!p0 $0xF7A, s2;
	p2 =	seq.s32 @!p0 s5, $0x0  }
0x1f: {  	s9 =	smul.u32 $0xF7A, s1;
	s8 =	simm.s32 @!p0 $0x1BF5;
	p2 =	por !p2, p0  }
0x20: {  	[sflag:s8] =	ssyncset.s32 @!p0 $0xFFFFF086;
	s6 =	sadd.s32 @!p0 s3, s7;
	s7 =	simm.s32 @!p0 $0x108  }
0x21: {  	s3 =	sadd.s32 s3, s9;
	s6 =	sadd.s32 @!p0 $0x88, s6;
	s7 =	simm.s32 @p2 $0x1082  }
0x22: {  	[simem:s7], [sflag:s8] =	dma.local @!p0 [hbm:s6], $0xF7A  }
0x23: {  	s9 =	sor.u32 $0xD0000000, s2;
	s6 =	simm.s32 $0x108;
	_ =	swait.ge @!p0 [sflag:s8], $0x0  }
0x24: {  	s3 =	sadd.s32 $0x88, s3;
	s6 =	simm.s32 @!p1 $0x1082;
	[sflag:s4] =	ssyncset.s32 $0xFFFFF086  }
0x25: {  	[simem:s6], [sflag:s4] =	dma.local [hbm:s3], $0xF7A  }
0x26: {  	[smem:$0x3F9F] =	sst s1;
	(tag) =	ssettag s2;
	_ =	strace s9  }
0x27: {  	s1 =	sld [smem:$0x3FAF]  }
0x28: {  	s2 =	sld [smem:$0x3FB0]  }
0x29: {  	s4 =	sld [smem:$0x3FB2]  }
0x2a: {  	p0 =	seq.s32 s5, $0x0;
	s5 =	sld [smem:$0x3FB3]  }
0x2b: {  	s6 =	sld [smem:$0x3FB4]  }
0x2c: {  	s7 =	sld [smem:$0x3FB5]  }
0x2d: {  	s3 =	simm.s32 $0x108;
	s8 =	sld [smem:$0x3FB6]  }
0x2e: {  	s3 =	simm.s32 @!p0 $0x1082;
	s9 =	sld [smem:$0x3FB7]  }
0x2f: {  	lr =	sadd.s32 s0, s3;
	s0 =	sld [smem:$0x3FAE]  }
0x30: {  	s3 =	sld [smem:$0x3FB1]  }
0x31: {  	[smem:$0x3FBA] =	sst s10  }
0x32: {  	s10 =	sld [smem:$0x3FB8];
	_ =	sdelay $0x3  }
0x33: {  	p0 =	seq.s32 s10, $0x1;
	s10 =	sld [smem:$0x3FBA];
	_ =	sdelay $0x3  }
0x34: {  	[smem:$0x3FBA] =	sst s10  }
0x35: {  	s10 =	sld [smem:$0x3FB9];
	_ =	sdelay $0x3  }
0x36: {  	p1 =	seq.s32 s10, $0x1;
	s10 =	sld [smem:$0x3FBA];
	_ =	sdelay $0x3  }
0x37: {  	[smem:$0x3FBA] =	sst s10  }
0x38: {  	s10 =	sld [smem:$0x3FBB]  }
0x39: {  	_ = 	snop;
	(pc) =	sbr.ind lr, $3  }
0x3a: {  	_ = 	snop  }
0x3b: {  	_ = 	snop  }
0x3c: {  	p2 =	seq.s32 s10, $0x1;
	s10 =	sld [smem:$0x3FBA]  }
0x3d: {  	_ =	shalt  }
0x3e: {  	_ =	shalt  }
0x3f: {  	_ =	shalt  }
0x40: {  	_ =	shalt  }
0x41: {  	_ =	shalt  }
0x42: {  	_ =	shalt  }
0x43: {  	_ =	shalt  }
0x44: {  	_ =	shalt  }
0x45: {  	_ =	shalt  }
0x46: {  	_ =	shalt  }
0x47: {  	_ =	shalt  }
0x48: {  	_ =	shalt  }
0x49: {  	_ =	shalt  }
0x4a: {  	_ =	shalt  }
0x4b: {  	_ =	shalt  }
0x4c: {  	_ =	shalt  }
0x4d: {  	_ =	shalt  }
0x4e: {  	_ =	shalt  }
0x4f: {  	_ =	shalt  }
0x50: {  	_ =	shalt  }
0x51: {  	_ =	shalt  }
0x52: {  	_ =	shalt  }
0x53: {  	_ =	shalt  }
0x54: {  	_ =	shalt  }
0x55: {  	_ =	shalt  }
0x56: {  	_ =	shalt  }
0x57: {  	_ =	shalt  }
0x58: {  	_ =	shalt  }
0x59: {  	_ =	shalt  }
0x5a: {  	_ =	shalt  }
0x5b: {  	_ =	shalt  }
0x5c: {  	_ =	shalt  }
0x5d: {  	_ =	shalt  }
0x5e: {  	_ =	shalt  }
0x5f: {  	_ =	shalt  }
0x60: {  	_ =	shalt  }
0x61: {  	_ =	shalt  }
0x62: {  	_ =	shalt  }
0x63: {  	_ =	shalt  }
0x64: {  	_ =	shalt  }
0x65: {  	_ =	shalt  }
0x66: {  	_ =	shalt  }
0x67: {  	_ =	shalt  }
0x68: {  	_ =	shalt  }
0x69: {  	_ =	shalt  }
0x6a: {  	_ =	shalt  }
0x6b: {  	_ =	shalt  }
0x6c: {  	_ =	shalt  }
0x6d: {  	_ =	shalt  }
0x6e: {  	_ =	shalt  }
0x6f: {  	_ =	shalt  }
0x70: {  	_ =	shalt  }
0x71: {  	_ =	shalt  }
0x72: {  	_ =	shalt  }
0x73: {  	_ =	shalt  }
0x74: {  	_ =	shalt  }
0x75: {  	_ =	shalt  }
0x76: {  	_ =	shalt  }
0x77: {  	_ =	shalt  }
0x78: {  	_ =	shalt  }
0x79: {  	_ =	shalt  }
0x7a: {  	_ =	shalt  }
0x7b: {  	_ =	shalt  }
0x7c: {  	_ =	shalt  }
0x7d: {  	_ =	shalt  }
0x7e: {  	_ =	shalt  }
0x7f: {  	_ =	shalt  }
0x80: {  	_ =	shalt  }
0x81: {  	_ =	shalt  }
0x82: {  	_ =	shalt  }
0x83: {  	_ =	shalt  }
0x84: {  	_ =	shalt  }
0x85: {  	_ =	shalt  }
0x86: {  	_ =	shalt  }
0x87: {  	_ =	shalt  }
.Lfunc_end0:
.L_simem_size_0:
called_computation_lowered:
.L_overlay_start_0:
0x88: {  	s2 =	sld [smem:$0x3FD9]  }
0x89: {  	s3 =	sld [smem:$0x3FFE];
	_ =	sdelay $0x1  }
0x8a: {  	s1 =	srdreg.scid  }
0x8b: {  	s0 =	sand.u32 $0x1, s1  }
0x8c: {  	s17 =	sshll.u32 s0, $0xA;
	s2 =	sadd.s32 s3, s2  }
0x8d: {  	s2 =	sadd.s32 s2, s17  }
0x8e: {  	[smem:$0x3FC6] =	sst s2  }
0x8f: {  	_ = 	snop  }
0x90: {  	s2 =	sld [smem:$0x3FC9]  }
0x91: {  	s18 =	sld [smem:$0x3FC8];
	(tm) =	ssettm $0x1  }
0x92: {  	s4 =	sld [smem:$0x3FFB];
	_ =	sdelay $0x3  }
0x93: {  	_ =	strace s4  }
0x94: {  	s4 =	sld [smem:$0x3FFC];
	_ =	sdelay $0x3  }
0x95: {  	_ =	strace s4  }
0x96: {  	s4 =	sld [smem:$0x3FFD];
	_ =	sdelay $0x3  }
0x97: {  	_ =	strace s4  }
0x98: {  	_ =	strace $0x8FFFFFFF  }
0x99: {  	s19 =	sld [smem:$0x3FDB];
	_ =	sdelay $0x1  }
0x9a: {  	s5 =	simm.s32 $_scs_section_size  }
0x9b: {  	s6 =	simm.s32 $_size__tile_overlayer_lowered;
	s7 =	simm.s32 $_tile_overlayer_lowered  }
0x9c: {  	s22 =	simm.s32 $0x1BFF;
	s21 =	sshll.u32 s7, $0x1;
	s4 =	sadd.s32 s5, s19  }
0x9d: {  	s8 =	simm.s32 $0x0;
	s20 =	sshll.u32 s6, $0x1;
	s6 =	sadd.s32 s21, s4  }
0x9e: {  	[timem:s8], [sflag:s22] =	dma.local [hbm:s6], s20  }
0x9f: {  	_ =	swait.ge [sflag:s22], s20  }
0xa0: {  	s5 =	ssub.s32 $0x0, s20;
	[sflag:s22] =	ssyncset.done $0x0  }
0xa1: {  	[sflag:s22] =	ssyncadd.s32 s5;
	_ =	sdelay $0x1  }
0xa2: {  	s23 =	simm.s32 $0x1B8B  }
0xa3: {  	_ =	swait.ge [sflag:s23], $0x1  }
0xa4: {  	[sflag:s23] =	ssyncset.done $0x0  }
0xa5: {  	s25 =	simm.s32 $0x1B8E;
	s24 =	sld [smem:$0x3FFE];
	[sflag:s23] =	ssyncadd.s32 $0xFFFFFFFF  }
0xa6: {  	s26 =	simm.s32 $execute0_lowered;
	[smem:$0x3FD2] =	sst s25  }
0xa7: {  	s6 =	sshll.u32 s26, $0x1;
	_ =	strace $0x80000046;
	[dreg:$0x1] =	wrdreg $0xFFFFFFFF  }
0xa8: {  	s28 =	simm.s32 $_size_execute0_lowered;
	s4 =	sadd.s32 s4, s6;
	[dreg:$0x0] =	wrdreg $0x0  }
0xa9: {  	s6 =	sshll.u32 s28, $0x1;
	[dreg:$0x2] =	wrdreg s4  }
0xaa: {  	[dreg:$0x3] =	wrdreg s6  }
0xab: {  	[dreg:$0x4] =	wrdreg $0xC0  }
0xac: {  	_ =	task [dreg:s8], $0x5FFFF  }
0xad: {  	[dreg:$0x1] =	wrdreg $0xFFFFFFFF  }
0xae: {  	[dreg:$0x0] =	wrdreg $0x60  }
0xaf: {  	[dreg:$0x2] =	wrdreg s2  }
0xb0: {  	[dreg:$0x3] =	wrdreg s18  }
0xb1: {  	[dreg:$0x4] =	wrdreg s24  }
0xb2: {  	[dreg:$0x5] =	wrdreg $0x9  }
0xb3: {  	_ =	task.clear_ibuf [dreg:s8], $0x6FFFF;
	_ =	strace $0x90000046  }
0xb4: {  	s29 =	simm.s32 $0x9;
	_ =	strace $0x80000048  }
0xb5: {  	_ =	swait.ge [sflag:s29], $0x1  }
0xb6: {  	[sflag:s29] =	ssyncadd.s32 $0xFFFFFFFF  }
0xb7: {  	_ =	strace $0x90000048  }
0xb8: {  	_ =	sfence  }
0xb9: {  	s30 =	sld [smem:$0x0];
	_ =	sdelay $0x2  }
0xba: {  	s31 =	sshll.u32 s1, $0xD;
	s1 =	sshrl.u32 s1, $0x2  }
0xbb: {  	s3 =	sand.u32 $0x4000, s31;
	s1 =	sadd.s32 s1, s30  }
0xbc: {  	s0 =	sor.u32 s3, s0;
	s1 =	sshll.u32 s1, $0x11  }
0xbd: {  	s0 =	sor.u32 s1, s0  }
0xbe: {  	s0 =	sadd.s32 $0x8F2B, s0  }
0xbf: {  	[sflag:s0] =	ssyncadd.remote.s32 $0x1  }
0xc0: {  	_ =	sfence.sel $0xFFFF  }
0xc1: {  	[dreg:$0x0] =	wrdreg $0xFFFFFFFF;
	(pc) =	sbr.abs _section_cstart, $3  }
0xc2: {  	[dreg:$0x1] =	wrdreg $0xFFFFFFFF  }
0xc3: {  	_ =	task.clear_ibuf [dreg:s8], $0x2FFFF;
	_ =	strace $0x9FFFFFFF  }
0xc4: {  	(tm) =	ssettm $0x7FFFFFFF  }
0xc5: {  	_ =	shalt  }
tec
execute0_lowered:
.L_overlay_start_1:
0x0: {  	(tag) =	ssettag $0x1  }
0x1: {  	s0 =	srdreg.scid;
	s8 =	stileid.u32  }
0x2: {  	s0 =	sand.u32 $0x1, s0;
	s2 =	sshll.u32 s8, $0x1  }
0x3: {  	s1 =	rddreg [dreg:$0x0];
	s2 =	sor.u32 s0, s2  }
0x4: {  	s6 =	rddreg [dreg:$0x1];
	s0 =	ssub.s32 $0x2, s0;
	s5 =	smul.u32 $0xA000, s2  }
0x5: {  	s4 =	rddreg [dreg:$0x2];
	s23 =	sshrl.u32 s0, $0x1  }
0x6: {  	s3 =	simm.s32 $0x0;
	s0 =	ssub.s32 s0, s23;
	s5 =	sshrl.u32 s5, $0x3  }
0x7: {  	[smem:$0x7FF] =	sst s3;
	s0 =	smax.u32 s0, $0x1;
	s7 =	sadd.s32 s5, s4  }
0x8: {  	_ =	strace $0x80000047;
	[smem:$0x7FD] =	sst s0;
	s10 =	sadd.s32 $0x610, s7  }
0x9: {  	s11 =	sadd.s32 $0x620, s7;
	[dreg:$0x7] =	wrdreg s10  }
0xa: {  	s12 =	sadd.s32 $0x630, s7;
	[dreg:$0x8] =	wrdreg s11  }
0xb: {  	s13 =	sadd.s32 $0x640, s7;
	[dreg:$0x9] =	wrdreg s12  }
0xc: {  	s14 =	sadd.s32 $0x650, s7;
	[dreg:$0xa] =	wrdreg s13  }
0xd: {  	s15 =	sadd.s32 $0x660, s7;
	[dreg:$0xb] =	wrdreg s14  }
0xe: {  	s16 =	sadd.s32 $0x670, s7;
	[dreg:$0xc] =	wrdreg s15  }
0xf: {  	s17 =	sadd.s32 $0xA00, s7;
	[dreg:$0xd] =	wrdreg s16  }
0x10: {  	s22 =	sshrl.u32 s8, $0x2;
	s18 =	sadd.s32 $0xA10, s7;
	[dreg:$0xe] =	wrdreg s17  }
0x11: {  	s2 =	sand.u32 $0x7, s2;
	s19 =	sadd.s32 $0xA20, s7;
	[dreg:$0xf] =	wrdreg s18  }
0x12: {  	s9 =	sshll.u32 s2, $0xF;
	s20 =	sadd.s32 $0xA30, s7;
	[dreg:$0x10] =	wrdreg s19  }
0x13: {  	s4 =	smul.u32 $0x4C0000, s22;
	s21 =	sadd.s32 $0xA40, s7;
	[dreg:$0x11] =	wrdreg s20  }
0x14: {  	s5 =	sshll.u32 s22, $0x12;
	s22 =	sadd.s32 $0xA50, s7;
	[dreg:$0x12] =	wrdreg s21  }
0x15: {  	s24 =	sor.u32 s5, s9;
	s23 =	sadd.s32 $0xA60, s7;
	[dreg:$0x13] =	wrdreg s22  }
0x16: {  	s25 =	sshrl.u32 s24, $0x3;
	[dreg:$0x14] =	wrdreg s23;
	s24 =	sadd.s32 $0xA70, s7  }
0x17: {  	s10 =	sadd.s32 $0xE50, s7;
	[dreg:$0x15] =	wrdreg s24  }
0x18: {  	s11 =	sadd.s32 $0xE60, s7;
	[dreg:$0x1b] =	wrdreg s10  }
0x19: {  	s12 =	sadd.s32 $0xE70, s7;
	[dreg:$0x1c] =	wrdreg s11  }
0x1a: {  	s13 =	sadd.s32 $0x1200, s7;
	[dreg:$0x1d] =	wrdreg s12  }
0x1b: {  	s14 =	sadd.s32 $0x1210, s7;
	[dreg:$0x1e] =	wrdreg s13  }
0x1c: {  	s15 =	sadd.s32 $0x1220, s7;
	[dreg:$0x1f] =	wrdreg s14  }
0x1d: {  	s16 =	sadd.s32 $0x1230, s7;
	[smem:$0x7F1] =	sst s15  }
0x1e: {  	s17 =	sadd.s32 $0x1240, s7;
	[smem:$0x7F2] =	sst s16  }
0x1f: {  	s18 =	sadd.s32 $0x1250, s7;
	[smem:$0x7F3] =	sst s17  }
0x20: {  	s19 =	sadd.s32 $0x1260, s7;
	[smem:$0x7F4] =	sst s18  }
0x21: {  	s20 =	sadd.s32 $0x1270, s7;
	[smem:$0x7F5] =	sst s19  }
0x22: {  	s21 =	sadd.s32 $0x1600, s7;
	[smem:$0x7F6] =	sst s20  }
0x23: {  	s22 =	sadd.s32 $0x1610, s7;
	[smem:$0x7F7] =	sst s21  }
0x24: {  	s5 =	sshll.u32 s2, $0x6;
	s23 =	sadd.s32 $0x1620, s7;
	[smem:$0x7F8] =	sst s22  }
0x25: {  	s9 =	sor.u32 s4, s9;
	s2 =	sadd.s32 s6, s25;
	[smem:$0x7F9] =	sst s23  }
0x26: {  	s26 =	sshrl.u32 s9, $0x3;
	s9 =	sadd.s32 $0x600, s7;
	[dreg:$0x4] =	wrdreg s2  }
0x27: {  	s25 =	sadd.s32 $0xE00, s7;
	[dreg:$0x6] =	wrdreg s9  }
0x28: {  	s28 =	simm.s32 $0x2;
	s6 =	sadd.s32 $0xE20, s7;
	[dreg:$0x16] =	wrdreg s25  }
0x29: {  	s29 =	simm.s32 $0xE500;
	s24 =	sadd.s32 $0x1630, s7;
	[dreg:$0x18] =	wrdreg s6  }
0x2a: {  	s30 =	simm.s32 $0x80;
	s8 =	sadd.s32 s1, s26;
	[smem:$0x7FA] =	sst s24  }
0x2b: {  	s31 =	simm.s32 $0x4;
	s26 =	sadd.s32 $0xE10, s7;
	[dreg:$0x5] =	wrdreg s8  }
0x2c: {  	s21 =	sor.u32 $0x3E, s5;
	s9 =	sadd.s32 $0xE40, s7;
	[dreg:$0x17] =	wrdreg s26  }
0x2d: {  	s22 =	simm.s32 $0x100;
	s25 =	sadd.s32 $0x1640, s7;
	[dreg:$0x1a] =	wrdreg s9  }
0x2e: {  	s23 =	simm.s32 $0x400;
	s8 =	sadd.s32 $0xE30, s7;
	[smem:$0x7FB] =	sst s25  }
0x2f: {  	s2 =	simm.s32 $0x0;
	s26 =	sadd.s32 $0x1650, s7;
	[dreg:$0x19] =	wrdreg s8  }
0x30: {  	v0 =	vimm.f32 $0.0e+00;
	v1 =	vimm.f32 $1.000000000e+00;
	v2 =	vlaneseq.u32;
	s25 =	simm.s32 $0x1;
	[smem:$0x7FC] =	sst s26;
	s26 =	simm.s32 $0x9900  }
.LBB2_1:
0x31: {  	s0 =	rddreg [dreg:$0x4];
	s6 =	simm.s32 $0x13100  }
0x32: {  	[tilespmem:s6], [sflag:$0x3] =	stream.linear.gather [hbm4b:s0+s3], $0x8000, $0x38;
	[tilespmem:$0x1B100] =	vst v63  }
0x33: {  	s0 =	simm.s32 $0x0;
	s6 =	rddreg [dreg:$0x5]  }
.LBB2_2:
0x34: {  	p0 =	sne.s32 s0, $0x12000  }
.Ltmp0:
0x35: {  	_ = 	snop;
	(pc) =	sbr.rel @p0 .LBB2_2-.Ltmp0, $4  }
0x36: {  	s7 =	sshra.s32 s0, $0x2  }
0x37: {  	s7 =	sadd.s32 $0x9900, s7  }
0x38: {  	[tilespmem:s7], [sflag:$0x1] =	stream.strided.gather [hbm4b:s6+s22], $0x400, s23, s22, $0x38;
	[tilespmem:$0x1B100] =	vst v63  }
0x39: {  	s0 =	sadd.s32 $0x1000, s0;
	s6 =	sadd.s32 $0x8000, s6  }
0x3a: {  	s0 =	simm.s32 $0x20  }
0x3b: {  	[tilespmem:s0+$0xFFFFFFE0] =	vst v0  }
0x3c: {  	[tilespmem:s0+$0x10] =	vst v0  }
0x3d: {  	s6 =	simm.s32 $0x0;
	[tilespmem:s0+$0x0] =	vst v0  }
.LBB2_4:
0x3e: {  	s6 =	sadd.s32 $0x4, s6  }
0x3f: {  	[tilespmem:s0+$0xFFFFFFF0] =	vst v0;
	s0 =	sadd.s32 $0x40, s0;
	p0 =	slt.u32 s6, $0x98C  }
.Ltmp1:
0x40: {  	[tilespmem:s0+$0xFFFFFFE0] =	vst v0;
	(pc) =	sbr.rel @p0 .LBB2_4-.Ltmp1, $3  }
0x41: {  	_ =	sdelay $0x1  }
0x42: {  	[tilespmem:s0+$0x10] =	vst v0  }
0x43: {  	[tilespmem:s0+$0x0] =	vst v0  }
0x44: {  	[tilespmem:s0+$0xFFFFFFF0] =	vst v0;
	s24 =	simm.s32 $0x3  }
0x45: {  	_ =	swait.ge [sflag:s24], $0x8000  }
0x46: {  	[sflag:s24] =	ssyncset.done $0x0  }
0x47: {  	s0 =	simm.s32 $0x0;
	[sflag:s24] =	ssyncadd.s32 $0xFFFF8000  }
.LBB2_6:
0x48: {  	s7 =	sshll.u32 s0, $0x2  }
0x49: {  	s8 =	sor.u32 s5, s7  }
0x4a: {  	s6 =	sshll.u32 s0, $0x9;
	s9 =	sshll.u32 s8, $0x9  }
0x4b: {  	s6 =	sand.u32 $0x200, s6;
	s9 =	sand.u32 $0x3F000, s9  }
0x4c: {  	s6 =	sor.u32 s9, s6  }
0x4d: {  	s6 =	sor.u32 s4, s6  }
0x4e: {  	s6 =	sshrl.u32 s6, $0x3  }
0x4f: {  	s6 =	sadd.s32 s6, s1  }
0x50: {  	s24 =	simm.s32 $0xE500;
	s9 =	simm.s32 $0x1000;
	s6 =	sadd.s32 $0x20, s6  }
0x51: {  	[tilespmem:s24], [sflag:$0x2] =	stream.strided.gather [hbm4b:s6+s22], $0x400, s23, s22, $0x38;
	[tilespmem:$0x1B100] =	vst v63  }
.LBB2_7:
0x52: {  	p0 =	sne.s32 s9, $0x12000  }
.Ltmp2:
0x53: {  	_ = 	snop;
	(pc) =	sbr.rel @p0 .LBB2_7-.Ltmp2, $4  }
0x54: {  	_ = 	snop  }
0x55: {  	s10 =	sshra.s32 s9, $0x2;
	s9 =	sadd.s32 $0x1000, s9  }
0x56: {  	s6 =	sadd.s32 $0x8000, s6;
	s10 =	sadd.s32 $0xE500, s10  }
0x57: {  	[tilespmem:s10], [sflag:$0x2] =	stream.strided.gather [hbm4b:s6+s22], $0x400, s23, s22, $0x38;
	[tilespmem:$0x1B100] =	vst v63  }
0x58: {  	s6 =	simm.s32 $0x0  }
0x59: {  	s10 =	sand.u32 $0x1E0, s6  }
0x5a: {  	s11 =	sshrl.u32 s10, $0x7  }
0x5b: {  	_ =	swait.ge [sflag:s25], $0x4C00;
	s9 =	sshll.u32 s11, $0x8  }
0x5c: {  	[sflag:s25] =	ssyncset.done $0x0;
	s14 =	sand.u32 $0x60, s6;
	s24 =	sadd.s32 $0x0, s9  }
0x5d: {  	[sflag:s25] =	ssyncadd.s32 $0xFFFFB400;
	s6 =	sor.u32 s14, s24  }
0x5e: {  	v3 =	vld [tilespmem:s6+$0x9900]  }
0x5f: {  	v4 =	vld [tilespmem:s6+$0x9D00]  }
0x60: {  	v5 =	vld [tilespmem:s6+$0xA100]  }
0x61: {  	v6 =	vld [tilespmem:s6+$0xA500]  }
0x62: {  	v7 =	vld [tilespmem:s6+$0xA900]  }
0x63: {  	v8 =	vld [tilespmem:s6+$0xAD00]  }
0x64: {  	v9 =	vld [tilespmem:s6+$0xB100]  }
0x65: {  	v10 =	vld [tilespmem:s6+$0xB500]  }
0x66: {  	v11 =	vld [tilespmem:s6+$0xB900]  }
0x67: {  	v12 =	vld [tilespmem:s6+$0xBD00]  }
0x68: {  	v13 =	vld [tilespmem:s6+$0xC100]  }
0x69: {  	v14 =	vld [tilespmem:s6+$0xC500]  }
0x6a: {  	v15 =	vld [tilespmem:s6+$0xC900]  }
0x6b: {  	v16 =	vld [tilespmem:s6+$0xCD00]  }
0x6c: {  	v17 =	vld [tilespmem:s6+$0xD100]  }
0x6d: {  	v18 =	vld [tilespmem:s6+$0xD500]  }
0x6e: {  	v19 =	vld [tilespmem:s6+$0xD900]  }
0x6f: {  	s12 =	simm.s32 $0x10;
	s9 =	sshll.u32 s0, $0xB;
	v20 =	vld [tilespmem:s6+$0xDD00]  }
0x70: {  	v21 =	vld [tilespmem:s6+$0xE100];
	s6 =	sand.u32 $0x7000, s9;
	s9 =	sand.u32 $0x1F0, s12  }
0x71: {  	s16 =	sshll.u32 s11, $0xA;
	s11 =	sshrl.u32 s9, $0x7  }
0x72: {  	s17 =	sshll.u32 s11, $0x8  }
0x73: {  	s12 =	sand.u32 $0x70, s12;
	s17 =	sadd.s32 $0x0, s17  }
0x74: {  	s24 =	sor.u32 s12, s17  }
0x75: {  	v54 =	vld [tilespmem:s24+$0xB100]  }
0x76: {  	v55 =	vld [tilespmem:s24+$0xB500]  }
0x77: {  	v56 =	vld [tilespmem:s24+$0xB900]  }
0x78: {  	v57 =	vld [tilespmem:s24+$0xBD00]  }
0x79: {  	v3 =	vadd.f32 $1.000000000e+00, v3;
	v58 =	vld [tilespmem:s24+$0xC100]  }
0x7a: {  	v4 =	vadd.f32 $1.000000000e+00, v4;
	v59 =	vld [tilespmem:s24+$0xC500]  }
0x7b: {  	v5 =	vadd.f32 $1.000000000e+00, v5;
	v60 =	vld [tilespmem:s24+$0xC900];
	v3 =	vshrl.u32 v3, $0xD  }
0x7c: {  	v6 =	vadd.f32 $1.000000000e+00, v6;
	v61 =	vld [tilespmem:s24+$0xCD00];
	v4 =	vshrl.u32 v4, $0xD;
	v3 =	vsub.s32 $0x2007F, v3  }
0x7d: {  	v7 =	vadd.f32 $1.000000000e+00, v7;
	v62 =	vld [tilespmem:s24+$0xD100];
	v5 =	vshrl.u32 v5, $0xD;
	v4 =	vsub.s32 $0x2047F, v4  }
0x7e: {  	v8 =	vadd.f32 $1.000000000e+00, v8;
	v63 =	vld [tilespmem:s24+$0xD500];
	v6 =	vshrl.u32 v6, $0xD;
	v5 =	vsub.s32 $0x2087F, v5  }
0x7f: {  	v9 =	vadd.f32 $1.000000000e+00, v9;
	v22 =	vld [tilespmem:s24+$0xD900];
	v7 =	vshrl.u32 v7, $0xD;
	v6 =	vsub.s32 $0x20C7F, v6  }
0x80: {  	v10 =	vadd.f32 $1.000000000e+00, v10;
	v23 =	vld [tilespmem:s24+$0xDD00];
	v8 =	vshrl.u32 v8, $0xD;
	v7 =	vsub.s32 $0x2107F, v7  }
0x81: {  	v11 =	vadd.f32 $1.000000000e+00, v11;
	v9 =	vshrl.u32 v9, $0xD;
	v8 =	vsub.s32 $0x2147F, v8;
	[tilespmem:v3+s3+$0x0] =	vst.idx.add.f32.msk $0xffff, v1  }
0x82: {  	v9 =	vsub.s32 $0x2187F, v9;
	v3 =	vshrl.u32 v10, $0xD;
	v10 =	vadd.f32 $1.000000000e+00, v12;
	[tilespmem:v4+s3+$0x0] =	vst.idx.add.f32.msk $0xffff, v1  }
0x83: {  	v4 =	vshrl.u32 v11, $0xD;
	v11 =	vadd.f32 $1.000000000e+00, v13;
	v3 =	vsub.s32 $0x21C7F, v3;
	[tilespmem:v5+s3+$0x0] =	vst.idx.add.f32.msk $0xffff, v1  }
0x84: {  	v5 =	vshrl.u32 v10, $0xD;
	v10 =	vadd.f32 $1.000000000e+00, v14;
	v4 =	vsub.s32 $0x2207F, v4;
	[tilespmem:v6+s3+$0x0] =	vst.idx.add.f32.msk $0xffff, v1  }
0x85: {  	v6 =	vshrl.u32 v11, $0xD;
	v11 =	vadd.f32 $1.000000000e+00, v15;
	v5 =	vsub.s32 $0x2247F, v5;
	[tilespmem:v7+s3+$0x0] =	vst.idx.add.f32.msk $0xffff, v1  }
0x86: {  	v7 =	vshrl.u32 v10, $0xD;
	v10 =	vadd.f32 $1.000000000e+00, v16;
	v6 =	vsub.s32 $0x2287F, v6;
	[tilespmem:v8+s3+$0x0] =	vst.idx.add.f32.msk $0xffff, v1  }
0x87: {  	v8 =	vshrl.u32 v11, $0xD;
	v11 =	vadd.f32 $1.000000000e+00, v17;
	[tilespmem:v9+s3+$0x0] =	vst.idx.add.f32.msk $0xffff, v1  }
0x88: {  	v7 =	vsub.s32 $0x22C7F, v7;
	v9 =	vshrl.u32 v10, $0xD;
	v10 =	vadd.f32 $1.000000000e+00, v18;
	[tilespmem:v3+s3+$0x0] =	vst.idx.add.f32.msk $0xffff, v1  }
0x89: {  	v8 =	vsub.s32 $0x2307F, v8;
	v3 =	vshrl.u32 v11, $0xD;
	v11 =	vadd.f32 $1.000000000e+00, v19;
	[tilespmem:v4+s3+$0x0] =	vst.idx.add.f32.msk $0xffff, v1  }
0x8a: {  	v9 =	vsub.s32 $0x2347F, v9;
	v4 =	vshrl.u32 v10, $0xD;
	v10 =	vadd.f32 $1.000000000e+00, v20;
	[tilespmem:v5+s3+$0x0] =	vst.idx.add.f32.msk $0xffff, v1  }
0x8b: {  	v3 =	vsub.s32 $0x2387F, v3;
	v5 =	vshrl.u32 v11, $0xD;
	[tilespmem:v6+s3+$0x0] =	vst.idx.add.f32.msk $0xffff, v1  }
0x8c: {  	v11 =	vadd.f32 $1.000000000e+00, v21;
	v4 =	vsub.s32 $0x23C7F, v4;
	v6 =	vshrl.u32 v10, $0xD;
	v10 =	vld [tilespmem:s24+$0xA500]  }
0x8d: {  	v5 =	vsub.s32 $0x2407F, v5;
	[tilespmem:v7+s3+$0x0] =	vst.idx.add.f32.msk $0xffff, v1  }
0x8e: {  	v7 =	vshrl.u32 v11, $0xD;
	v6 =	vsub.s32 $0x2447F, v6;
	[tilespmem:v8+s3+$0x0] =	vst.idx.add.f32.msk $0xffff, v1  }
0x8f: {  	v7 =	vsub.s32 $0x2487F, v7;
	[tilespmem:v9+s3+$0x0] =	vst.idx.add.f32.msk $0xffff, v1  }
0x90: {  	s13 =	sadd.s32 $0x0, s7;
	[tilespmem:v3+s3+$0x0] =	vst.idx.add.f32.msk $0xffff, v1  }
0x91: {  	s15 =	sshll.u32 s13, $0x7;
	s6 =	sadd.s32 $0x13100, s6;
	[tilespmem:v4+s3+$0x0] =	vst.idx.add.f32.msk $0xffff, v1  }
0x92: {  	s18 =	sand.u32 $0x280, s15;
	s19 =	sadd.s32 s16, s6;
	[tilespmem:v5+s3+$0x0] =	vst.idx.add.f32.msk $0xffff, v1  }
0x93: {  	s20 =	simm.s32 $0x0;
	s15 =	sadd.s32 s18, s19;
	[tilespmem:v6+s3+$0x0] =	vst.idx.add.f32.msk $0xffff, v1  }
0x94: {  	s14 =	sadd.s32 s14, s15;
	v3 =	vmov s20;
	v4 =	vmov s10;
	[tilespmem:v7+s3+$0x0] =	vst.idx.add.f32.msk $0xffff, v1  }
0x95: {  	s16 =	simm.s32 $0x20;
	v3 =	vshll.u32 v3, $0x7;
	v4 =	vshll.u32 v4, $0x1;
	v5 =	vld [tilespmem:s14+$0x0]  }
0x96: {  	s17 =	sshll.u32 s11, $0xA;
	v11 =	vld [tilespmem:s24+$0xAD00];
	v3 =	vand.u32 $0x80, v3;
	v4 =	vand.u32 $0x300, v4;
	s14 =	sand.u32 $0x1E0, s16  }
0x97: {  	s13 =	sadd.s32 s17, s6;
	v8 =	vor.u32 s10, v2;
	v9 =	vld [tilespmem:s24+$0xA100];
	v4 =	vor.u32 v3, v4;
	s10 =	sshrl.u32 s14, $0x7  }
0x98: {  	s11 =	sadd.s32 s18, s13;
	v6 =	vld [tilespmem:s24+$0x9900];
	v4 =	vbroadcast v4, $0x0;
	s18 =	sshll.u32 s10, $0x8  }
0x99: {  	s15 =	sand.u32 $0x60, s16;
	v8 =	vand.u32 $0x6F, v8;
	v7 =	vld [tilespmem:s24+$0x9D00];
	s19 =	sadd.s32 $0x0, s18  }
0x9a: {  	v4 =	vor.u32 v8, v4;
	v8 =	vld [tilespmem:s24+$0xA900];
	s20 =	sor.u32 s15, s19;
	v5 =	vshll.u32 v5, $0xA  }
0x9b: {  	v34 =	vld [tilespmem:s20+$0xB500];
	v4 =	vor.u32 v5, v4  }
0x9c: {  	v35 =	vld [tilespmem:s20+$0xB900]  }
0x9d: {  	v36 =	vld [tilespmem:s20+$0xBD00]  }
0x9e: {  	v37 =	vld [tilespmem:s20+$0xC100]  }
0x9f: {  	v38 =	vld [tilespmem:s20+$0xC500]  }
0xa0: {  	v4 =	vld.idx.msk [tilespmem:v4+s26+$0x0], $0xffff  }
0xa1: {  	v6 =	vadd.f32 $1.000000000e+00, v6;
	v39 =	vld [tilespmem:s20+$0xC900]  }
0xa2: {  	v9 =	vadd.f32 $1.000000000e+00, v9;
	v7 =	vadd.f32 $1.000000000e+00, v7;
	v40 =	vld [tilespmem:s20+$0xCD00]  }
0xa3: {  	v12 =	vadd.f32 $1.000000000e+00, v54;
	v10 =	vadd.f32 $1.000000000e+00, v10;
	v6 =	vshrl.u32 v6, $0xD;
	v41 =	vld [tilespmem:s20+$0xD100]  }
0xa4: {  	v9 =	vshrl.u32 v9, $0xD;
	v42 =	vld [tilespmem:s20+$0xD500];
	v7 =	vshrl.u32 v7, $0xD;
	v6 =	vsub.s32 $0x2007F, v6  }
0xa5: {  	v43 =	vld [tilespmem:s20+$0xD900];
	v8 =	vadd.f32 $1.000000000e+00, v8;
	v7 =	vsub.s32 $0x2047F, v7;
	v4 =	vadd.f32 $1.000000000e+00, v4  }
0xa6: {  	v11 =	vadd.f32 $1.000000000e+00, v11;
	v10 =	vshrl.u32 v10, $0xD;
	v9 =	vsub.s32 $0x2087F, v9;
	v44 =	vld [tilespmem:s20+$0xDD00]  }
0xa7: {  	v10 =	vsub.s32 $0x20C7F, v10;
	v45 =	vld [tilespmem:s20+$0xE100];
	v8 =	vshrl.u32 v8, $0xD;
	v4 =	vshrl.u32 v4, $0xD  }
0xa8: {  	v11 =	vshrl.u32 v11, $0xD;
	v8 =	vsub.s32 $0x2107F, v8;
	v4 =	vadd.s32 v4, v5;
	v5 =	vld [tilespmem:s24+$0xE100]  }
0xa9: {  	v13 =	vadd.f32 $1.000000000e+00, v55;
	v11 =	vsub.s32 $0x2147F, v11;
	[tilespmem:v6+s3+$0x0] =	vst.idx.add.f32.msk $0xffff, v1  }
0xaa: {  	v24 =	vadd.f32 $1.000000000e+00, v56;
	v6 =	vshrl.u32 v12, $0xD;
	v4 =	vadd.s32 $0xFFFE5080, v4;
	[tilespmem:v7+s3+$0x0] =	vst.idx.add.f32.msk $0xffff, v1  }
0xab: {  	v25 =	vadd.f32 $1.000000000e+00, v57;
	v7 =	vshrl.u32 v13, $0xD;
	v6 =	vsub.s32 $0x2187F, v6;
	[tilespmem:v9+s3+$0x0] =	vst.idx.add.f32.msk $0xffff, v1  }
0xac: {  	v26 =	vadd.f32 $1.000000000e+00, v58;
	v9 =	vshrl.u32 v24, $0xD;
	v7 =	vsub.s32 $0x21C7F, v7;
	[tilespmem:v10+s3+$0x0] =	vst.idx.add.f32.msk $0xffff, v1  }
0xad: {  	v27 =	vadd.f32 $1.000000000e+00, v59;
	v10 =	vshrl.u32 v25, $0xD;
	v9 =	vsub.s32 $0x2207F, v9;
	[tilespmem:v8+s3+$0x0] =	vst.idx.add.f32.msk $0xffff, v1  }
0xae: {  	v8 =	vsub.s32 $0x2247F, v10;
	v10 =	vshrl.u32 v26, $0xD;
	[tilespmem:v11+s3+$0x0] =	vst.idx.add.f32.msk $0xffff, v1  }
0xaf: {  	v28 =	vadd.f32 $1.000000000e+00, v60;
	v10 =	vsub.s32 $0x2287F, v10;
	[tilespmem:v4+s3+$0x0] =	vst.idx.add.f32.msk $0xffff, v1;
	v4 =	vshrl.u32 v27, $0xD  }
0xb0: {  	[tilespmem:v6+s3+$0x0] =	vst.idx.add.f32.msk $0xffff, v1;
	v4 =	vsub.s32 $0x22C7F, v4  }
0xb1: {  	v29 =	vadd.f32 $1.000000000e+00, v61;
	v11 =	vshrl.u32 v28, $0xD;
	[tilespmem:v7+s3+$0x0] =	vst.idx.add.f32.msk $0xffff, v1  }
0xb2: {  	v11 =	vsub.s32 $0x2307F, v11;
	[tilespmem:v9+s3+$0x0] =	vst.idx.add.f32.msk $0xffff, v1  }
0xb3: {  	v30 =	vadd.f32 $1.000000000e+00, v62;
	v33 =	vadd.f32 $1.000000000e+00, v23;
	v6 =	vshrl.u32 v29, $0xD;
	[tilespmem:v8+s3+$0x0] =	vst.idx.add.f32.msk $0xffff, v1  }
0xb4: {  	v31 =	vadd.f32 $1.000000000e+00, v63;
	v5 =	vadd.f32 $1.000000000e+00, v5;
	v6 =	vsub.s32 $0x2347F, v6;
	[tilespmem:v10+s3+$0x0] =	vst.idx.add.f32.msk $0xffff, v1  }
0xb5: {  	v32 =	vadd.f32 $1.000000000e+00, v22;
	v7 =	vshrl.u32 v30, $0xD;
	v10 =	vshrl.u32 v33, $0xD;
	[tilespmem:v4+s3+$0x0] =	vst.idx.add.f32.msk $0xffff, v1  }
0xb6: {  	v7 =	vsub.s32 $0x2387F, v7;
	v4 =	vshrl.u32 v5, $0xD;
	v5 =	vsub.s32 $0x2447F, v10;
	v10 =	vld [tilespmem:s20+$0xAD00]  }
0xb7: {  	v9 =	vshrl.u32 v31, $0xD;
	[tilespmem:v11+s3+$0x0] =	vst.idx.add.f32.msk $0xffff, v1  }
0xb8: {  	v8 =	vshrl.u32 v32, $0xD;
	v9 =	vsub.s32 $0x23C7F, v9;
	v11 =	vld [tilespmem:s20+$0xB100]  }
0xb9: {  	v8 =	vsub.s32 $0x2407F, v8;
	[tilespmem:v6+s3+$0x0] =	vst.idx.add.f32.msk $0xffff, v1  }
0xba: {  	v6 =	vld [tilespmem:s20+$0x9D00]  }
0xbb: {  	[tilespmem:v7+s3+$0x0] =	vst.idx.add.f32.msk $0xffff, v1  }
0xbc: {  	v7 =	vld [tilespmem:s20+$0xA100]  }
0xbd: {  	v4 =	vsub.s32 $0x2487F, v4;
	[tilespmem:v9+s3+$0x0] =	vst.idx.add.f32.msk $0xffff, v1  }
0xbe: {  	[tilespmem:v8+s3+$0x0] =	vst.idx.add.f32.msk $0xffff, v1  }
0xbf: {  	s24 =	simm.s32 $0x30;
	[tilespmem:v5+s3+$0x0] =	vst.idx.add.f32.msk $0xffff, v1  }
0xc0: {  	s13 =	sand.u32 $0x1F0, s24;
	v5 =	vld [tilespmem:s20+$0x9900]  }
0xc1: {  	s11 =	sadd.s32 s12, s11;
	s18 =	sshll.u32 s10, $0xA;
	s12 =	sshrl.u32 s13, $0x7;
	v8 =	vld [tilespmem:s20+$0xA500]  }
0xc2: {  	s19 =	sadd.s32 s18, s6;
	s18 =	sshll.u32 s12, $0x8;
	[tilespmem:v4+s3+$0x0] =	vst.idx.add.f32.msk $0xffff, v1  }
0xc3: {  	s18 =	sadd.s32 $0x0, s18;
	v4 =	vld [tilespmem:s11+$0x0];
	s11 =	sand.u32 $0x70, s24  }
0xc4: {  	v9 =	vld [tilespmem:s20+$0xA900];
	s24 =	sor.u32 s11, s18  }
0xc5: {  	v56 =	vld [tilespmem:s24+$0xA500];
	v5 =	vadd.f32 $1.000000000e+00, v5  }
0xc6: {  	v6 =	vadd.f32 $1.000000000e+00, v6;
	v57 =	vld [tilespmem:s24+$0xAD00]  }
0xc7: {  	v7 =	vadd.f32 $1.000000000e+00, v7;
	v58 =	vld [tilespmem:s24+$0xB100];
	v5 =	vshrl.u32 v5, $0xD  }
0xc8: {  	v6 =	vshrl.u32 v6, $0xD;
	v8 =	vadd.f32 $1.000000000e+00, v8;
	v59 =	vld [tilespmem:s24+$0xB500];
	v5 =	vsub.s32 $0x2007F, v5  }
0xc9: {  	v9 =	vadd.f32 $1.000000000e+00, v9;
	v7 =	vshrl.u32 v7, $0xD;
	v6 =	vsub.s32 $0x2047F, v6;
	v60 =	vld [tilespmem:s24+$0xB900]  }
0xca: {  	v10 =	vadd.f32 $1.000000000e+00, v10;
	v61 =	vld [tilespmem:s24+$0xBD00];
	v7 =	vsub.s32 $0x2087F, v7;
	v8 =	vshrl.u32 v8, $0xD  }
0xcb: {  	v11 =	vadd.f32 $1.000000000e+00, v11;
	v62 =	vld [tilespmem:s24+$0xC100];
	v9 =	vshrl.u32 v9, $0xD;
	v8 =	vsub.s32 $0x20C7F, v8  }
0xcc: {  	v12 =	vadd.f32 $1.000000000e+00, v34;
	v10 =	vshrl.u32 v10, $0xD;
	v63 =	vld [tilespmem:s24+$0xC500];
	v9 =	vsub.s32 $0x2107F, v9  }
0xcd: {  	v13 =	vadd.f32 $1.000000000e+00, v35;
	v11 =	vshrl.u32 v11, $0xD;
	v10 =	vsub.s32 $0x2147F, v10;
	[tilespmem:v5+s3+$0x0] =	vst.idx.add.f32.msk $0xffff, v1  }
0xce: {  	v46 =	vadd.f32 $1.000000000e+00, v36;
	v11 =	vsub.s32 $0x2187F, v11;
	v5 =	vshrl.u32 v12, $0xD;
	[tilespmem:v6+s3+$0x0] =	vst.idx.add.f32.msk $0xffff, v1  }
0xcf: {  	v47 =	vadd.f32 $1.000000000e+00, v37;
	v6 =	vshrl.u32 v13, $0xD;
	v5 =	vsub.s32 $0x21C7F, v5;
	[tilespmem:v7+s3+$0x0] =	vst.idx.add.f32.msk $0xffff, v1  }
0xd0: {  	v48 =	vadd.f32 $1.000000000e+00, v38;
	v7 =	vshrl.u32 v46, $0xD;
	v6 =	vsub.s32 $0x2207F, v6;
	[tilespmem:v8+s3+$0x0] =	vst.idx.add.f32.msk $0xffff, v1  }
0xd1: {  	v49 =	vadd.f32 $1.000000000e+00, v39;
	v8 =	vshrl.u32 v47, $0xD;
	v7 =	vsub.s32 $0x2247F, v7;
	[tilespmem:v9+s3+$0x0] =	vst.idx.add.f32.msk $0xffff, v1  }
0xd2: {  	v50 =	vadd.f32 $1.000000000e+00, v40;
	v9 =	vshrl.u32 v48, $0xD;
	v8 =	vsub.s32 $0x2287F, v8;
	[tilespmem:v10+s3+$0x0] =	vst.idx.add.f32.msk $0xffff, v1  }
0xd3: {  	v51 =	vadd.f32 $1.000000000e+00, v41;
	v10 =	vshrl.u32 v49, $0xD;
	v9 =	vsub.s32 $0x22C7F, v9;
	[tilespmem:v11+s3+$0x0] =	vst.idx.add.f32.msk $0xffff, v1  }
0xd4: {  	v52 =	vadd.f32 $1.000000000e+00, v42;
	v11 =	vshrl.u32 v50, $0xD;
	v10 =	vsub.s32 $0x2307F, v10;
	[tilespmem:v5+s3+$0x0] =	vst.idx.add.f32.msk $0xffff, v1  }
0xd5: {  	v53 =	vadd.f32 $1.000000000e+00, v43;
	v5 =	vshrl.u32 v51, $0xD;
	v11 =	vsub.s32 $0x2347F, v11;
	[tilespmem:v6+s3+$0x0] =	vst.idx.add.f32.msk $0xffff, v1  }
0xd6: {  	v54 =	vadd.f32 $1.000000000e+00, v44;
	v6 =	vshrl.u32 v52, $0xD;
	v5 =	vsub.s32 $0x2387F, v5;
	[tilespmem:v7+s3+$0x0] =	vst.idx.add.f32.msk $0xffff, v1  }
0xd7: {  	v55 =	vadd.f32 $1.000000000e+00, v45;
	v7 =	vshrl.u32 v53, $0xD;
	v6 =	vsub.s32 $0x23C7F, v6;
	[tilespmem:v8+s3+$0x0] =	vst.idx.add.f32.msk $0xffff, v1  }
0xd8: {  	v8 =	vshrl.u32 v54, $0xD;
	v7 =	vsub.s32 $0x2407F, v7;
	[tilespmem:v9+s3+$0x0] =	vst.idx.add.f32.msk $0xffff, v1  }
0xd9: {  	v9 =	vshrl.u32 v55, $0xD;
	v8 =	vsub.s32 $0x2447F, v8;
	[tilespmem:v10+s3+$0x0] =	vst.idx.add.f32.msk $0xffff, v1  }
0xda: {  	v9 =	vsub.s32 $0x2487F, v9;
	[tilespmem:v11+s3+$0x0] =	vst.idx.add.f32.msk $0xffff, v1  }
0xdb: {  	s16 =	sadd.s32 $0x0, s7;
	[tilespmem:v5+s3+$0x0] =	vst.idx.add.f32.msk $0xffff, v1  }
0xdc: {  	s17 =	sshll.u32 s16, $0x7;
	[tilespmem:v6+s3+$0x0] =	vst.idx.add.f32.msk $0xffff, v1  }
0xdd: {  	s10 =	sand.u32 $0x280, s17;
	[tilespmem:v7+s3+$0x0] =	vst.idx.add.f32.msk $0xffff, v1  }
0xde: {  	s16 =	sadd.s32 s10, s19;
	s20 =	simm.s32 $0x0;
	[tilespmem:v8+s3+$0x0] =	vst.idx.add.f32.msk $0xffff, v1  }
0xdf: {  	s15 =	sadd.s32 s15, s16;
	v5 =	vmov s20;
	v6 =	vmov s14;
	[tilespmem:v9+s3+$0x0] =	vst.idx.add.f32.msk $0xffff, v1  }
0xe0: {  	v5 =	vshll.u32 v5, $0x7;
	v6 =	vshll.u32 v6, $0x1;
	v7 =	vld [tilespmem:s15+$0x0]  }
0xe1: {  	v28 =	vld [tilespmem:s24+$0xC900];
	v5 =	vand.u32 $0x80, v5;
	v6 =	vand.u32 $0x300, v6  }
0xe2: {  	v29 =	vld [tilespmem:s24+$0xCD00];
	v6 =	vor.u32 v5, v6  }
0xe3: {  	v30 =	vld [tilespmem:s24+$0xD100];
	v10 =	vor.u32 s14, v2;
	v6 =	vbroadcast v6, $0x0  }
0xe4: {  	s16 =	simm.s32 $0x40;
	v31 =	vld [tilespmem:s24+$0xD500];
	v10 =	vand.u32 $0x6F, v10  }
0xe5: {  	s17 =	sand.u32 $0x1E0, s16;
	v24 =	vld [tilespmem:s24+$0xD900];
	v6 =	vor.u32 v10, v6;
	v7 =	vshll.u32 v7, $0xA  }
0xe6: {  	s18 =	sshrl.u32 s17, $0x7;
	v11 =	vld [tilespmem:s24+$0xA100];
	v6 =	vor.u32 v7, v6  }
0xe7: {  	s19 =	sshll.u32 s18, $0x8;
	v8 =	vld [tilespmem:s24+$0x9900]  }
0xe8: {  	v9 =	vld [tilespmem:s24+$0x9D00];
	s15 =	sand.u32 $0x60, s16;
	s16 =	sadd.s32 $0x0, s19  }
0xe9: {  	s16 =	sor.u32 s15, s16;
	v10 =	vld [tilespmem:s24+$0xA900]  }
0xea: {  	v44 =	vld [tilespmem:s16+$0xA900]  }
0xeb: {  	v6 =	vld.idx.msk [tilespmem:v6+s26+$0x0], $0xffff  }
0xec: {  	v14 =	vadd.f32 $1.000000000e+00, v58;
	v45 =	vld [tilespmem:s16+$0xAD00];
	v8 =	vadd.f32 $1.000000000e+00, v8  }
0xed: {  	v11 =	vadd.f32 $1.000000000e+00, v11;
	v46 =	vld [tilespmem:s16+$0xB100];
	v9 =	vadd.f32 $1.000000000e+00, v9  }
0xee: {  	v15 =	vadd.f32 $1.000000000e+00, v59;
	v12 =	vadd.f32 $1.000000000e+00, v56;
	v47 =	vld [tilespmem:s16+$0xB500];
	v8 =	vshrl.u32 v8, $0xD  }
0xef: {  	v11 =	vshrl.u32 v11, $0xD;
	v48 =	vld [tilespmem:s16+$0xB900];
	v9 =	vshrl.u32 v9, $0xD;
	v8 =	vsub.s32 $0x2007F, v8  }
0xf0: {  	v49 =	vld [tilespmem:s16+$0xBD00];
	v10 =	vadd.f32 $1.000000000e+00, v10;
	v9 =	vsub.s32 $0x2047F, v9;
	v6 =	vadd.f32 $1.000000000e+00, v6  }
0xf1: {  	v13 =	vadd.f32 $1.000000000e+00, v57;
	v12 =	vshrl.u32 v12, $0xD;
	v11 =	vsub.s32 $0x2087F, v11;
	v50 =	vld [tilespmem:s16+$0xC100]  }
0xf2: {  	v12 =	vsub.s32 $0x20C7F, v12;
	v10 =	vshrl.u32 v10, $0xD;
	v25 =	vshrl.u32 v6, $0xD;
	v6 =	vld [tilespmem:s24+$0xDD00]  }
0xf3: {  	v13 =	vshrl.u32 v13, $0xD;
	v10 =	vsub.s32 $0x2107F, v10;
	v25 =	vadd.s32 v25, v7;
	v7 =	vld [tilespmem:s24+$0xE100]  }
0xf4: {  	v32 =	vadd.f32 $1.000000000e+00, v60;
	v13 =	vsub.s32 $0x2147F, v13;
	[tilespmem:v8+s3+$0x0] =	vst.idx.add.f32.msk $0xffff, v1;
	v8 =	vshrl.u32 v14, $0xD  }
0xf5: {  	v33 =	vadd.f32 $1.000000000e+00, v61;
	[tilespmem:v9+s3+$0x0] =	vst.idx.add.f32.msk $0xffff, v1;
	v9 =	vshrl.u32 v15, $0xD;
	v8 =	vsub.s32 $0x2187F, v8  }
0xf6: {  	v34 =	vadd.f32 $1.000000000e+00, v62;
	[tilespmem:v11+s3+$0x0] =	vst.idx.add.f32.msk $0xffff, v1;
	v11 =	vshrl.u32 v32, $0xD;
	v9 =	vsub.s32 $0x21C7F, v9  }
0xf7: {  	v36 =	vadd.f32 $1.000000000e+00, v63;
	v35 =	vshrl.u32 v33, $0xD;
	[tilespmem:v12+s3+$0x0] =	vst.idx.add.f32.msk $0xffff, v1;
	v11 =	vsub.s32 $0x2207F, v11  }
0xf8: {  	v38 =	vadd.f32 $1.000000000e+00, v28;
	v37 =	vshrl.u32 v34, $0xD;
	[tilespmem:v10+s3+$0x0] =	vst.idx.add.f32.msk $0xffff, v1;
	v10 =	vsub.s32 $0x2247F, v35  }
0xf9: {  	v39 =	vadd.f32 $1.000000000e+00, v29;
	v15 =	vshrl.u32 v36, $0xD;
	v12 =	vsub.s32 $0x2287F, v37;
	[tilespmem:v13+s3+$0x0] =	vst.idx.add.f32.msk $0xffff, v1  }
0xfa: {  	v40 =	vshrl.u32 v38, $0xD;
	v15 =	vsub.s32 $0x22C7F, v15;
	[tilespmem:v8+s3+$0x0] =	vst.idx.add.f32.msk $0xffff, v1  }
0xfb: {  	v41 =	vadd.f32 $1.000000000e+00, v30;
	v13 =	vsub.s32 $0x2307F, v40;
	v8 =	vshrl.u32 v39, $0xD;
	[tilespmem:v9+s3+$0x0] =	vst.idx.add.f32.msk $0xffff, v1  }
0xfc: {  	v8 =	vsub.s32 $0x2347F, v8;
	[tilespmem:v11+s3+$0x0] =	vst.idx.add.f32.msk $0xffff, v1  }
0xfd: {  	v42 =	vadd.f32 $1.000000000e+00, v31;
	v9 =	vshrl.u32 v41, $0xD;
	[tilespmem:v10+s3+$0x0] =	vst.idx.add.f32.msk $0xffff, v1  }
0xfe: {  	v43 =	vadd.f32 $1.000000000e+00, v24;
	v9 =	vsub.s32 $0x2387F, v9;
	[tilespmem:v12+s3+$0x0] =	vst.idx.add.f32.msk $0xffff, v1  }
0xff: {  	v11 =	vshrl.u32 v42, $0xD;
	[tilespmem:v15+s3+$0x0] =	vst.idx.add.f32.msk $0xffff, v1  }
0x100: {  	v10 =	vshrl.u32 v43, $0xD;
	v11 =	vsub.s32 $0x23C7F, v11;
	[tilespmem:v13+s3+$0x0] =	vst.idx.add.f32.msk $0xffff, v1  }
0x101: {  	v10 =	vsub.s32 $0x2407F, v10;
	[tilespmem:v8+s3+$0x0] =	vst.idx.add.f32.msk $0xffff, v1  }
0x102: {  	v8 =	vld [tilespmem:s16+$0x9900]  }
0x103: {  	[tilespmem:v9+s3+$0x0] =	vst.idx.add.f32.msk $0xffff, v1  }
0x104: {  	v9 =	vld [tilespmem:s16+$0x9D00]  }
0x105: {  	[tilespmem:v11+s3+$0x0] =	vst.idx.add.f32.msk $0xffff, v1  }
0x106: {  	[tilespmem:v10+s3+$0x0] =	vst.idx.add.f32.msk $0xffff, v1  }
0x107: {  	v10 =	vld [tilespmem:s16+$0xA100]  }
0x108: {  	v11 =	vld [tilespmem:s16+$0xA500]  }
0x109: {  	v51 =	vld [tilespmem:s16+$0xC500];
	v6 =	vadd.f32 $1.000000000e+00, v6  }
0x10a: {  	v52 =	vld [tilespmem:s16+$0xC900];
	v8 =	vadd.f32 $1.000000000e+00, v8  }
0x10b: {  	v53 =	vld [tilespmem:s16+$0xCD00];
	v6 =	vshrl.u32 v6, $0xD;
	v9 =	vadd.f32 $1.000000000e+00, v9  }
0x10c: {  	v54 =	vld [tilespmem:s16+$0xD100];
	v6 =	vsub.s32 $0x2447F, v6;
	v8 =	vshrl.u32 v8, $0xD;
	v10 =	vadd.f32 $1.000000000e+00, v10  }
0x10d: {  	v55 =	vld [tilespmem:s16+$0xD500];
	v11 =	vadd.f32 $1.000000000e+00, v11;
	v9 =	vshrl.u32 v9, $0xD;
	v8 =	vsub.s32 $0x2007F, v8  }
0x10e: {  	v56 =	vld [tilespmem:s16+$0xD900];
	v12 =	vadd.f32 $1.000000000e+00, v44;
	v9 =	vsub.s32 $0x2047F, v9;
	v10 =	vshrl.u32 v10, $0xD  }
0x10f: {  	v57 =	vld [tilespmem:s16+$0xDD00];
	v13 =	vadd.f32 $1.000000000e+00, v45;
	v11 =	vshrl.u32 v11, $0xD;
	v10 =	vsub.s32 $0x2087F, v10  }
0x110: {  	v26 =	vld [tilespmem:s16+$0xE100];
	v14 =	vadd.f32 $1.000000000e+00, v46;
	v12 =	vshrl.u32 v12, $0xD;
	v11 =	vsub.s32 $0x20C7F, v11  }
0x111: {  	v15 =	vadd.f32 $1.000000000e+00, v47;
	v12 =	vsub.s32 $0x2107F, v12;
	v13 =	vshrl.u32 v13, $0xD;
	[tilespmem:v6+s3+$0x0] =	vst.idx.add.f32.msk $0xffff, v1  }
0x112: {  	v16 =	vadd.f32 $1.000000000e+00, v48;
	v14 =	vshrl.u32 v14, $0xD;
	v13 =	vsub.s32 $0x2147F, v13;
	[tilespmem:v8+s3+$0x0] =	vst.idx.add.f32.msk $0xffff, v1  }
0x113: {  	v58 =	vadd.f32 $1.000000000e+00, v49;
	v14 =	vsub.s32 $0x2187F, v14;
	v8 =	vshrl.u32 v15, $0xD;
	[tilespmem:v9+s3+$0x0] =	vst.idx.add.f32.msk $0xffff, v1  }
0x114: {  	v59 =	vadd.f32 $1.000000000e+00, v50;
	v9 =	vshrl.u32 v16, $0xD;
	v8 =	vsub.s32 $0x21C7F, v8;
	[tilespmem:v10+s3+$0x0] =	vst.idx.add.f32.msk $0xffff, v1  }
0x115: {  	v60 =	vadd.f32 $1.000000000e+00, v51;
	v9 =	vsub.s32 $0x2207F, v9;
	v10 =	vshrl.u32 v58, $0xD;
	[tilespmem:v11+s3+$0x0] =	vst.idx.add.f32.msk $0xffff, v1  }
0x116: {  	v61 =	vadd.f32 $1.000000000e+00, v52;
	v11 =	vshrl.u32 v59, $0xD;
	v10 =	vsub.s32 $0x2247F, v10;
	[tilespmem:v12+s3+$0x0] =	vst.idx.add.f32.msk $0xffff, v1  }
0x117: {  	v63 =	vadd.f32 $1.000000000e+00, v53;
	v62 =	vshrl.u32 v60, $0xD;
	v11 =	vsub.s32 $0x2287F, v11;
	[tilespmem:v13+s3+$0x0] =	vst.idx.add.f32.msk $0xffff, v1  }
0x118: {  	v21 =	vadd.f32 $1.000000000e+00, v54;
	v20 =	vshrl.u32 v61, $0xD;
	v12 =	vsub.s32 $0x22C7F, v62;
	[tilespmem:v14+s3+$0x0] =	vst.idx.add.f32.msk $0xffff, v1  }
0x119: {  	v23 =	vadd.f32 $1.000000000e+00, v55;
	v22 =	vshrl.u32 v63, $0xD;
	v13 =	vsub.s32 $0x2307F, v20;
	[tilespmem:v8+s3+$0x0] =	vst.idx.add.f32.msk $0xffff, v1  }
0x11a: {  	v24 =	vadd.f32 $1.000000000e+00, v56;
	v14 =	vsub.s32 $0x2347F, v22;
	v8 =	vshrl.u32 v21, $0xD;
	[tilespmem:v9+s3+$0x0] =	vst.idx.add.f32.msk $0xffff, v1  }
0x11b: {  	v27 =	vadd.f32 $1.000000000e+00, v57;
	v9 =	vshrl.u32 v23, $0xD;
	v8 =	vsub.s32 $0x2387F, v8;
	[tilespmem:v10+s3+$0x0] =	vst.idx.add.f32.msk $0xffff, v1  }
0x11c: {  	v28 =	vadd.f32 $1.000000000e+00, v26;
	v10 =	vshrl.u32 v24, $0xD;
	v9 =	vsub.s32 $0x23C7F, v9;
	[tilespmem:v11+s3+$0x0] =	vst.idx.add.f32.msk $0xffff, v1  }
0x11d: {  	v11 =	vshrl.u32 v27, $0xD;
	v10 =	vsub.s32 $0x2407F, v10;
	[tilespmem:v12+s3+$0x0] =	vst.idx.add.f32.msk $0xffff, v1  }
0x11e: {  	v29 =	vshrl.u32 v28, $0xD;
	v7 =	vadd.f32 $1.000000000e+00, v7;
	v11 =	vsub.s32 $0x2447F, v11;
	[tilespmem:v13+s3+$0x0] =	vst.idx.add.f32.msk $0xffff, v1  }
0x11f: {  	v12 =	vsub.s32 $0x2487F, v29;
	[tilespmem:v14+s3+$0x0] =	vst.idx.add.f32.msk $0xffff, v1  }
0x120: {  	s20 =	sadd.s32 $0x0, s7;
	v7 =	vshrl.u32 v7, $0xD;
	[tilespmem:v8+s3+$0x0] =	vst.idx.add.f32.msk $0xffff, v1  }
0x121: {  	s19 =	simm.s32 $0x50;
	s24 =	sshll.u32 s18, $0xA;
	v7 =	vsub.s32 $0x2487F, v7;
	s16 =	sshll.u32 s20, $0x7;
	[tilespmem:v9+s3+$0x0] =	vst.idx.add.f32.msk $0xffff, v1  }
0x122: {  	s18 =	sand.u32 $0x1F0, s19;
	s20 =	sadd.s32 s24, s6;
	s14 =	sand.u32 $0x280, s16;
	[tilespmem:v10+s3+$0x0] =	vst.idx.add.f32.msk $0xffff, v1  }
0x123: {  	s16 =	sshrl.u32 s18, $0x7;
	s20 =	sadd.s32 s14, s20;
	[tilespmem:v11+s3+$0x0] =	vst.idx.add.f32.msk $0xffff, v1  }
0x124: {  	s24 =	sshll.u32 s16, $0x8;
	s15 =	sadd.s32 s15, s20;
	s20 =	simm.s32 $0x0;
	[tilespmem:v12+s3+$0x0] =	vst.idx.add.f32.msk $0xffff, v1  }
0x125: {  	v6 =	vmov s17;
	s24 =	sadd.s32 $0x0, s24;
	v9 =	vmov s20;
	v8 =	vld [tilespmem:s15+$0x0];
	s15 =	sand.u32 $0x70, s19  }
0x126: {  	[tilespmem:v7+s3+$0x0] =	vst.idx.add.f32.msk $0xffff, v1;
	v6 =	vshll.u32 v6, $0x1;
	v7 =	vshll.u32 v9, $0x7;
	s19 =	sor.u32 s15, s24  }
0x127: {  	v6 =	vand.u32 $0x300, v6;
	v7 =	vand.u32 $0x80, v7;
	v9 =	vld [tilespmem:s19+$0x9900]  }
0x128: {  	v6 =	vor.u32 v7, v6;
	v10 =	vld [tilespmem:s19+$0x9D00]  }
0x129: {  	v11 =	vor.u32 s17, v2;
	v6 =	vbroadcast v6, $0x0;
	v30 =	vld [tilespmem:s19+$0xA100]  }
0x12a: {  	v11 =	vand.u32 $0x6F, v11;
	v31 =	vld [tilespmem:s19+$0xA500]  }
0x12b: {  	v6 =	vor.u32 v11, v6;
	v11 =	vld [tilespmem:s19+$0xA900]  }
0x12c: {  	v38 =	vmov s13;
	v33 =	vld [tilespmem:s19+$0xAD00];
	v8 =	vshll.u32 v8, $0xA  }
0x12d: {  	v19 =	vshll.u32 v38, $0x1;
	v32 =	vmov s9;
	v34 =	vld [tilespmem:s19+$0xB100];
	v6 =	vor.u32 v8, v6  }
0x12e: {  	v19 =	vand.u32 $0x300, v19;
	v14 =	vshll.u32 v32, $0x1;
	v35 =	vld [tilespmem:s19+$0xB500]  }
0x12f: {  	v4 =	vshll.u32 v4, $0xA;
	v5 =	vor.u32 v5, v19;
	v14 =	vand.u32 $0x300, v14;
	v36 =	vld [tilespmem:s19+$0xB900]  }
0x130: {  	v5 =	vbroadcast v5, $0x0;
	v37 =	vor.u32 s9, v2;
	v3 =	vor.u32 v3, v14;
	v39 =	vld [tilespmem:s19+$0xBD00]  }
0x131: {  	v25 =	vadd.s32 $0xFFFE5080, v25;
	v18 =	vand.u32 $0x7F, v37;
	v3 =	vbroadcast v3, $0x0;
	v41 =	vld [tilespmem:s19+$0xC100]  }
0x132: {  	v40 =	vor.u32 s13, v2;
	v47 =	vmov s18;
	v27 =	vor.u32 s18, v2;
	v6 =	vld.idx.msk [tilespmem:v6+s26+$0x0], $0xffff  }
0x133: {  	v27 =	vand.u32 $0x7F, v27;
	v3 =	vor.u32 v18, v3;
	v42 =	vld [tilespmem:s19+$0xC500];
	v9 =	vadd.f32 $1.000000000e+00, v9  }
0x134: {  	v18 =	vand.u32 $0x7F, v40;
	v3 =	vor.u32 v4, v3;
	v43 =	vld [tilespmem:s19+$0xC900];
	v10 =	vadd.f32 $1.000000000e+00, v10  }
0x135: {  	v44 =	vld [tilespmem:s19+$0xCD00];
	v12 =	vadd.f32 $1.000000000e+00, v30;
	v13 =	vadd.f32 $1.000000000e+00, v31;
	v9 =	vshrl.u32 v9, $0xD  }
0x136: {  	v45 =	vld [tilespmem:s19+$0xD100];
	v11 =	vadd.f32 $1.000000000e+00, v11;
	v49 =	vadd.f32 $1.000000000e+00, v34;
	v9 =	vsub.s32 $0x2007F, v9  }
0x137: {  	v5 =	vor.u32 v18, v5;
	v46 =	vld [tilespmem:s19+$0xD500];
	v50 =	vadd.f32 $1.000000000e+00, v35;
	v6 =	vadd.f32 $1.000000000e+00, v6  }
0x138: {  	s18 =	sshll.u32 s12, $0xA;
	v48 =	vld [tilespmem:s19+$0xD900];
	v14 =	vadd.f32 $1.000000000e+00, v36;
	v52 =	vadd.f32 $1.000000000e+00, v39;
	v10 =	vshrl.u32 v10, $0xD  }
0x139: {  	s9 =	sadd.s32 s18, s6;
	v28 =	vld [tilespmem:s19+$0xDD00];
	v12 =	vshrl.u32 v12, $0xD;
	v10 =	vsub.s32 $0x2047F, v10;
	v6 =	vshrl.u32 v6, $0xD  }
0x13a: {  	s9 =	sadd.s32 s10, s9;
	v13 =	vshrl.u32 v13, $0xD;
	v12 =	vsub.s32 $0x2087F, v12;
	v6 =	vadd.s32 v6, v8;
	v8 =	vld [tilespmem:s19+$0xE100]  }
0x13b: {  	s9 =	sadd.s32 s11, s9;
	v11 =	vshrl.u32 v11, $0xD;
	v13 =	vsub.s32 $0x20C7F, v13;
	[tilespmem:v9+s3+$0x0] =	vst.idx.add.f32.msk $0xffff, v1;
	v9 =	vadd.f32 $1.000000000e+00, v33  }
0x13c: {  	v51 =	vld [tilespmem:s9+$0x0];
	v53 =	vadd.f32 $1.000000000e+00, v41;
	v55 =	vadd.f32 $1.000000000e+00, v42;
	v11 =	vsub.s32 $0x2107F, v11  }
0x13d: {  	v3 =	vld.idx.msk [tilespmem:v3+s26+$0x0], $0xffff;
	v57 =	vadd.f32 $1.000000000e+00, v43;
	v6 =	vadd.s32 $0xFFFE5080, v6;
	v9 =	vshrl.u32 v9, $0xD  }
0x13e: {  	v58 =	vadd.f32 $1.000000000e+00, v44;
	v15 =	vshrl.u32 v49, $0xD;
	[tilespmem:v10+s3+$0x0] =	vst.idx.add.f32.msk $0xffff, v1;
	v9 =	vsub.s32 $0x2147F, v9  }
0x13f: {  	v18 =	vadd.f32 $1.000000000e+00, v45;
	v16 =	vshrl.u32 v50, $0xD;
	v15 =	vsub.s32 $0x2187F, v15;
	[tilespmem:v12+s3+$0x0] =	vst.idx.add.f32.msk $0xffff, v1  }
0x140: {  	v60 =	vadd.f32 $1.000000000e+00, v46;
	v14 =	vshrl.u32 v14, $0xD;
	v16 =	vsub.s32 $0x21C7F, v16;
	[tilespmem:v13+s3+$0x0] =	vst.idx.add.f32.msk $0xffff, v1  }
0x141: {  	v63 =	vadd.f32 $1.000000000e+00, v48;
	v54 =	vshrl.u32 v52, $0xD;
	v14 =	vsub.s32 $0x2207F, v14;
	[tilespmem:v11+s3+$0x0] =	vst.idx.add.f32.msk $0xffff, v1  }
0x142: {  	v56 =	vshrl.u32 v53, $0xD;
	v59 =	vshrl.u32 v58, $0xD;
	v11 =	vsub.s32 $0x2247F, v54;
	[tilespmem:v6+s3+$0x0] =	vst.idx.add.f32.msk $0xffff, v1  }
0x143: {  	v17 =	vshrl.u32 v60, $0xD;
	v13 =	vsub.s32 $0x2287F, v56;
	v6 =	vshrl.u32 v55, $0xD;
	[tilespmem:v9+s3+$0x0] =	vst.idx.add.f32.msk $0xffff, v1  }
0x144: {  	v10 =	vshll.u32 v47, $0x1;
	v6 =	vsub.s32 $0x22C7F, v6;
	v9 =	vshrl.u32 v57, $0xD;
	[tilespmem:v15+s3+$0x0] =	vst.idx.add.f32.msk $0xffff, v1  }
0x145: {  	v62 =	vadd.f32 $1.000000000e+00, v3;
	v10 =	vand.u32 $0x300, v10;
	v9 =	vsub.s32 $0x2307F, v9;
	[tilespmem:v16+s3+$0x0] =	vst.idx.add.f32.msk $0xffff, v1  }
0x146: {  	v61 =	vshrl.u32 v18, $0xD;
	v7 =	vor.u32 v7, v10;
	v10 =	vsub.s32 $0x23C7F, v17;
	[tilespmem:v14+s3+$0x0] =	vst.idx.add.f32.msk $0xffff, v1  }
0x147: {  	v7 =	vbroadcast v7, $0x0;
	v15 =	vsub.s32 $0x2347F, v59;
	[tilespmem:v11+s3+$0x0] =	vst.idx.add.f32.msk $0xffff, v1;
	v11 =	vshrl.u32 v62, $0xD  }
0x148: {  	v16 =	vsub.s32 $0x2387F, v61;
	[tilespmem:v13+s3+$0x0] =	vst.idx.add.f32.msk $0xffff, v1;
	v4 =	vadd.s32 v11, v4;
	v11 =	vadd.f32 $1.000000000e+00, v28  }
0x149: {  	v8 =	vadd.f32 $1.000000000e+00, v8;
	[tilespmem:v6+s3+$0x0] =	vst.idx.add.f32.msk $0xffff, v1;
	v6 =	vor.u32 v27, v7;
	v7 =	vshrl.u32 v63, $0xD  }
0x14a: {  	[tilespmem:v9+s3+$0x0] =	vst.idx.add.f32.msk $0xffff, v1;
	v11 =	vshrl.u32 v11, $0xD;
	v9 =	vsub.s32 $0x2407F, v7  }
0x14b: {  	[tilespmem:v25+s3+$0x0] =	vst.idx.add.f32.msk $0xffff, v1;
	s20 =	sshll.u32 s16, $0xA;
	v8 =	vshrl.u32 v8, $0xD;
	v7 =	vsub.s32 $0x2447F, v11  }
0x14c: {  	s9 =	sadd.s32 s20, s6;
	v8 =	vsub.s32 $0x2487F, v8;
	[tilespmem:v15+s3+$0x0] =	vst.idx.add.f32.msk $0xffff, v1  }
0x14d: {  	s24 =	sadd.s32 s14, s9;
	v3 =	vshll.u32 v51, $0xA;
	[tilespmem:v16+s3+$0x0] =	vst.idx.add.f32.msk $0xffff, v1  }
0x14e: {  	s10 =	simm.s32 $0x70;
	s9 =	simm.s32 $0x4;
	s13 =	sadd.s32 s15, s24;
	v5 =	vor.u32 v3, v5;
	v4 =	vadd.s32 $0xFFFE5080, v4;
	[tilespmem:v10+s3+$0x0] =	vst.idx.add.f32.msk $0xffff, v1  }
.LBB2_9:
0x14f: {  	s11 =	sadd.s32 $0xFFFFFFF0, s10;
	s15 =	sand.u32 $0x1F0, s10;
	s14 =	sand.u32 $0x70, s10;
	[tilespmem:v9+s3+$0x0] =	vst.idx.add.f32.msk $0xffff, v1  }
0x150: {  	s9 =	sadd.s32 $0x2, s9;
	s12 =	sand.u32 $0x1E0, s11;
	s17 =	sshrl.u32 s15, $0x7;
	v9 =	vmov s15;
	v10 =	vor.u32 s15, v2;
	[tilespmem:v7+s3+$0x0] =	vst.idx.add.f32.msk $0xffff, v1  }
0x151: {  	s15 =	sshrl.u32 s9, $0x5;
	s16 =	sshrl.u32 s12, $0x7;
	s18 =	sshll.u32 s17, $0x8;
	v7 =	vand.u32 $0x7F, v10;
	v9 =	vshll.u32 v9, $0x1;
	[tilespmem:v8+s3+$0x0] =	vst.idx.add.f32.msk $0xffff, v1  }
0x152: {  	s20 =	sshll.u32 s15, $0x7;
	s17 =	sshll.u32 s17, $0xA;
	s19 =	sshll.u32 s16, $0x8;
	v8 =	vand.u32 $0x300, v9;
	v9 =	vld [tilespmem:s13+$0x0]  }
0x153: {  	s13 =	sand.u32 $0x60, s11;
	s11 =	sadd.s32 s20, s19;
	s19 =	sadd.s32 s20, s18;
	v10 =	vld.idx.msk [tilespmem:v5+s26+$0x0], $0xffff  }
0x154: {  	s17 =	sadd.s32 s17, s6;
	s18 =	sor.u32 s13, s11;
	s11 =	sor.u32 s14, s19;
	[tilespmem:v4+s3+$0x0] =	vst.idx.add.f32.msk $0xffff, v1  }
0x155: {  	p0 =	slt.u32 s9, $0x3E;
	v11 =	vld [tilespmem:s18+$0x9900]  }
0x156: {  	v12 =	vld [tilespmem:s18+$0x9D00]  }
0x157: {  	v13 =	vld [tilespmem:s18+$0xA100];
	v4 =	vshll.u32 v9, $0xA  }
0x158: {  	v9 =	vld [tilespmem:s18+$0xA500];
	v5 =	vor.u32 v4, v6  }
0x159: {  	v10 =	vadd.f32 $1.000000000e+00, v10;
	v6 =	vld [tilespmem:s18+$0xA900]  }
0x15a: {  	v14 =	vld [tilespmem:s18+$0xAD00]  }
0x15b: {  	v10 =	vshrl.u32 v10, $0xD;
	v15 =	vld [tilespmem:s18+$0xB100]  }
0x15c: {  	v10 =	vadd.s32 v10, v3;
	v3 =	vmov v4;
	v16 =	vld [tilespmem:s18+$0xB500]  }
0x15d: {  	v4 =	vadd.s32 $0xFFFE5080, v10;
	v17 =	vld [tilespmem:s18+$0xB900]  }
0x15e: {  	v10 =	vld [tilespmem:s18+$0xBD00]  }
0x15f: {  	v18 =	vld [tilespmem:s18+$0xC100]  }
0x160: {  	v11 =	vadd.f32 $1.000000000e+00, v11;
	v19 =	vld [tilespmem:s18+$0xC500]  }
0x161: {  	v12 =	vadd.f32 $1.000000000e+00, v12;
	v20 =	vld [tilespmem:s18+$0xC900]  }
0x162: {  	v11 =	vshrl.u32 v11, $0xD;
	v13 =	vadd.f32 $1.000000000e+00, v13;
	v21 =	vld [tilespmem:s18+$0xCD00]  }
0x163: {  	v12 =	vshrl.u32 v12, $0xD;
	v9 =	vadd.f32 $1.000000000e+00, v9;
	v11 =	vsub.s32 $0x2007F, v11;
	v22 =	vld [tilespmem:s18+$0xD100]  }
0x164: {  	v13 =	vshrl.u32 v13, $0xD;
	v6 =	vadd.f32 $1.000000000e+00, v6;
	v12 =	vsub.s32 $0x2047F, v12;
	v23 =	vld [tilespmem:s18+$0xD500]  }
0x165: {  	v9 =	vshrl.u32 v9, $0xD;
	v14 =	vadd.f32 $1.000000000e+00, v14;
	v13 =	vsub.s32 $0x2087F, v13;
	v24 =	vld [tilespmem:s18+$0xD900]  }
0x166: {  	v6 =	vshrl.u32 v6, $0xD;
	v15 =	vadd.f32 $1.000000000e+00, v15;
	v9 =	vsub.s32 $0x20C7F, v9;
	v25 =	vld [tilespmem:s18+$0xDD00]  }
0x167: {  	v14 =	vshrl.u32 v14, $0xD;
	v16 =	vadd.f32 $1.000000000e+00, v16;
	v6 =	vsub.s32 $0x2107F, v6;
	v26 =	vld [tilespmem:s18+$0xE100]  }
0x168: {  	v15 =	vshrl.u32 v15, $0xD;
	v17 =	vadd.f32 $1.000000000e+00, v17;
	v14 =	vsub.s32 $0x2147F, v14;
	[tilespmem:v11+s3+$0x0] =	vst.idx.add.f32.msk $0xffff, v1  }
0x169: {  	v10 =	vadd.f32 $1.000000000e+00, v10;
	v15 =	vsub.s32 $0x2187F, v15;
	v11 =	vshrl.u32 v16, $0xD;
	[tilespmem:v12+s3+$0x0] =	vst.idx.add.f32.msk $0xffff, v1  }
0x16a: {  	v16 =	vadd.f32 $1.000000000e+00, v18;
	v12 =	vshrl.u32 v17, $0xD;
	v11 =	vsub.s32 $0x21C7F, v11;
	[tilespmem:v13+s3+$0x0] =	vst.idx.add.f32.msk $0xffff, v1  }
0x16b: {  	v10 =	vshrl.u32 v10, $0xD;
	v13 =	vadd.f32 $1.000000000e+00, v19;
	v12 =	vsub.s32 $0x2207F, v12;
	[tilespmem:v9+s3+$0x0] =	vst.idx.add.f32.msk $0xffff, v1  }
0x16c: {  	v10 =	vsub.s32 $0x2247F, v10;
	v9 =	vshrl.u32 v16, $0xD;
	v16 =	vadd.f32 $1.000000000e+00, v20;
	[tilespmem:v6+s3+$0x0] =	vst.idx.add.f32.msk $0xffff, v1  }
0x16d: {  	v6 =	vshrl.u32 v13, $0xD;
	v13 =	vadd.f32 $1.000000000e+00, v21;
	v9 =	vsub.s32 $0x2287F, v9;
	[tilespmem:v14+s3+$0x0] =	vst.idx.add.f32.msk $0xffff, v1  }
0x16e: {  	v14 =	vshrl.u32 v16, $0xD;
	v16 =	vadd.f32 $1.000000000e+00, v22;
	v6 =	vsub.s32 $0x22C7F, v6;
	[tilespmem:v15+s3+$0x0] =	vst.idx.add.f32.msk $0xffff, v1  }
0x16f: {  	v13 =	vshrl.u32 v13, $0xD;
	v15 =	vadd.f32 $1.000000000e+00, v23;
	v14 =	vsub.s32 $0x2307F, v14;
	[tilespmem:v11+s3+$0x0] =	vst.idx.add.f32.msk $0xffff, v1  }
0x170: {  	v11 =	vshrl.u32 v16, $0xD;
	v16 =	vadd.f32 $1.000000000e+00, v24;
	v13 =	vsub.s32 $0x2347F, v13;
	[tilespmem:v12+s3+$0x0] =	vst.idx.add.f32.msk $0xffff, v1  }
0x171: {  	v12 =	vshrl.u32 v15, $0xD;
	v15 =	vadd.f32 $1.000000000e+00, v25;
	v11 =	vsub.s32 $0x2387F, v11;
	[tilespmem:v10+s3+$0x0] =	vst.idx.add.f32.msk $0xffff, v1  }
0x172: {  	v10 =	vshrl.u32 v16, $0xD;
	v16 =	vadd.f32 $1.000000000e+00, v26;
	v12 =	vsub.s32 $0x23C7F, v12;
	[tilespmem:v9+s3+$0x0] =	vst.idx.add.f32.msk $0xffff, v1  }
0x173: {  	v9 =	vshrl.u32 v15, $0xD;
	v10 =	vsub.s32 $0x2407F, v10;
	[tilespmem:v6+s3+$0x0] =	vst.idx.add.f32.msk $0xffff, v1  }
0x174: {  	v6 =	vshrl.u32 v16, $0xD;
	v9 =	vsub.s32 $0x2447F, v9;
	[tilespmem:v14+s3+$0x0] =	vst.idx.add.f32.msk $0xffff, v1  }
0x175: {  	v6 =	vsub.s32 $0x2487F, v6;
	[tilespmem:v13+s3+$0x0] =	vst.idx.add.f32.msk $0xffff, v1  }
0x176: {  	s18 =	sadd.s32 s7, s15;
	[tilespmem:v11+s3+$0x0] =	vst.idx.add.f32.msk $0xffff, v1  }
0x177: {  	s16 =	sshll.u32 s16, $0xA;
	s18 =	sshll.u32 s18, $0x7;
	[tilespmem:v12+s3+$0x0] =	vst.idx.add.f32.msk $0xffff, v1  }
0x178: {  	s16 =	sadd.s32 s16, s6;
	s18 =	sand.u32 $0x280, s18;
	[tilespmem:v10+s3+$0x0] =	vst.idx.add.f32.msk $0xffff, v1  }
0x179: {  	s16 =	sadd.s32 s18, s16;
	s17 =	sadd.s32 s18, s17;
	[tilespmem:v9+s3+$0x0] =	vst.idx.add.f32.msk $0xffff, v1  }
0x17a: {  	s16 =	sadd.s32 s13, s16;
	s13 =	sadd.s32 s14, s17;
	v9 =	vmov s12;
	[tilespmem:v6+s3+$0x0] =	vst.idx.add.f32.msk $0xffff, v1;
	v6 =	vmov s15  }
0x17b: {  	v9 =	vshll.u32 v9, $0x1;
	v10 =	vld [tilespmem:s16+$0x0];
	v6 =	vshll.u32 v6, $0x7  }
0x17c: {  	v9 =	vand.u32 $0x300, v9;
	v6 =	vand.u32 $0x80, v6;
	v11 =	vld [tilespmem:s11+$0x9900]  }
0x17d: {  	v9 =	vor.u32 v6, v9;
	v12 =	vld [tilespmem:s11+$0x9D00];
	v6 =	vor.u32 v6, v8  }
0x17e: {  	v8 =	vor.u32 s12, v2;
	v9 =	vbroadcast v9, $0x0;
	v13 =	vld [tilespmem:s11+$0xA100];
	v6 =	vbroadcast v6, $0x0  }
0x17f: {  	v8 =	vand.u32 $0x6F, v8;
	v14 =	vld [tilespmem:s11+$0xA500]  }
0x180: {  	v10 =	vshll.u32 v10, $0xA;
	v8 =	vor.u32 v8, v9;
	v9 =	vld [tilespmem:s11+$0xA900];
	v6 =	vor.u32 v7, v6  }
0x181: {  	v7 =	vor.u32 v10, v8;
	v8 =	vld [tilespmem:s11+$0xAD00];
	v11 =	vadd.f32 $1.000000000e+00, v11  }
0x182: {  	v15 =	vld [tilespmem:s11+$0xB100];
	v12 =	vadd.f32 $1.000000000e+00, v12  }
0x183: {  	v16 =	vld [tilespmem:s11+$0xB500];
	v11 =	vshrl.u32 v11, $0xD;
	v13 =	vadd.f32 $1.000000000e+00, v13  }
0x184: {  	v17 =	vld [tilespmem:s11+$0xB900];
	v12 =	vshrl.u32 v12, $0xD;
	v14 =	vadd.f32 $1.000000000e+00, v14;
	v11 =	vsub.s32 $0x2007F, v11  }
0x185: {  	v18 =	vld [tilespmem:s11+$0xBD00];
	v13 =	vshrl.u32 v13, $0xD;
	v9 =	vadd.f32 $1.000000000e+00, v9;
	v12 =	vsub.s32 $0x2047F, v12  }
0x186: {  	v7 =	vld.idx.msk [tilespmem:v7+s26+$0x0], $0xffff;
	v14 =	vshrl.u32 v14, $0xD;
	v8 =	vadd.f32 $1.000000000e+00, v8;
	v13 =	vsub.s32 $0x2087F, v13  }
0x187: {  	v19 =	vld [tilespmem:s11+$0xC100];
	v9 =	vshrl.u32 v9, $0xD;
	v15 =	vadd.f32 $1.000000000e+00, v15;
	v14 =	vsub.s32 $0x20C7F, v14  }
0x188: {  	v20 =	vld [tilespmem:s11+$0xC500];
	v8 =	vshrl.u32 v8, $0xD;
	v16 =	vadd.f32 $1.000000000e+00, v16;
	v9 =	vsub.s32 $0x2107F, v9  }
0x189: {  	v21 =	vld [tilespmem:s11+$0xC900];
	v15 =	vshrl.u32 v15, $0xD;
	v17 =	vadd.f32 $1.000000000e+00, v17;
	v8 =	vsub.s32 $0x2147F, v8  }
0x18a: {  	v22 =	vld [tilespmem:s11+$0xCD00];
	v16 =	vshrl.u32 v16, $0xD;
	v18 =	vadd.f32 $1.000000000e+00, v18;
	v15 =	vsub.s32 $0x2187F, v15  }
0x18b: {  	v23 =	vld [tilespmem:s11+$0xD100];
	v17 =	vshrl.u32 v17, $0xD;
	v16 =	vsub.s32 $0x21C7F, v16  }
0x18c: {  	v7 =	vadd.f32 $1.000000000e+00, v7;
	v24 =	vld [tilespmem:s11+$0xD500];
	v18 =	vshrl.u32 v18, $0xD;
	v19 =	vadd.f32 $1.000000000e+00, v19  }
0x18d: {  	v17 =	vsub.s32 $0x2207F, v17;
	v25 =	vld [tilespmem:s11+$0xD900];
	v20 =	vadd.f32 $1.000000000e+00, v20;
	v18 =	vsub.s32 $0x2247F, v18  }
0x18e: {  	v7 =	vshrl.u32 v7, $0xD;
	v26 =	vld [tilespmem:s11+$0xDD00];
	v19 =	vshrl.u32 v19, $0xD;
	v21 =	vadd.f32 $1.000000000e+00, v21  }
0x18f: {  	v7 =	vadd.s32 v7, v10;
	v10 =	vld [tilespmem:s11+$0xE100];
	v20 =	vshrl.u32 v20, $0xD;
	v22 =	vadd.f32 $1.000000000e+00, v22  }
0x190: {  	v7 =	vadd.s32 $0xFFFE5080, v7;
	v21 =	vshrl.u32 v21, $0xD;
	v23 =	vadd.f32 $1.000000000e+00, v23;
	[tilespmem:v11+s3+$0x0] =	vst.idx.add.f32.msk $0xffff, v1  }
0x191: {  	v19 =	vsub.s32 $0x2287F, v19;
	v11 =	vshrl.u32 v22, $0xD;
	v22 =	vadd.f32 $1.000000000e+00, v24;
	[tilespmem:v12+s3+$0x0] =	vst.idx.add.f32.msk $0xffff, v1  }
0x192: {  	v20 =	vsub.s32 $0x22C7F, v20;
	v12 =	vshrl.u32 v23, $0xD;
	v23 =	vadd.f32 $1.000000000e+00, v25;
	[tilespmem:v13+s3+$0x0] =	vst.idx.add.f32.msk $0xffff, v1  }
0x193: {  	v21 =	vsub.s32 $0x2307F, v21;
	v13 =	vshrl.u32 v22, $0xD;
	v22 =	vadd.f32 $1.000000000e+00, v26;
	[tilespmem:v14+s3+$0x0] =	vst.idx.add.f32.msk $0xffff, v1  }
0x194: {  	v11 =	vsub.s32 $0x2347F, v11;
	v14 =	vshrl.u32 v23, $0xD;
	v10 =	vadd.f32 $1.000000000e+00, v10;
	[tilespmem:v9+s3+$0x0] =	vst.idx.add.f32.msk $0xffff, v1  }
0x195: {  	v12 =	vsub.s32 $0x2387F, v12;
	v13 =	vsub.s32 $0x23C7F, v13;
	[tilespmem:v7+s3+$0x0] =	vst.idx.add.f32.msk $0xffff, v1;
	v7 =	vshrl.u32 v22, $0xD  }
0x196: {  	v9 =	vsub.s32 $0x2407F, v14;
	v10 =	vshrl.u32 v10, $0xD;
	v7 =	vsub.s32 $0x2447F, v7;
	[tilespmem:v8+s3+$0x0] =	vst.idx.add.f32.msk $0xffff, v1  }
0x197: {  	v8 =	vsub.s32 $0x2487F, v10;
	[tilespmem:v15+s3+$0x0] =	vst.idx.add.f32.msk $0xffff, v1  }
0x198: {  	[tilespmem:v16+s3+$0x0] =	vst.idx.add.f32.msk $0xffff, v1  }
0x199: {  	[tilespmem:v17+s3+$0x0] =	vst.idx.add.f32.msk $0xffff, v1  }
0x19a: {  	[tilespmem:v18+s3+$0x0] =	vst.idx.add.f32.msk $0xffff, v1  }
0x19b: {  	[tilespmem:v19+s3+$0x0] =	vst.idx.add.f32.msk $0xffff, v1  }
.Ltmp3:
0x19c: {  	[tilespmem:v20+s3+$0x0] =	vst.idx.add.f32.msk $0xffff, v1;
	(pc) =	sbr.rel @p0 .LBB2_9-.Ltmp3, $4  }
0x19d: {  	[tilespmem:v21+s3+$0x0] =	vst.idx.add.f32.msk $0xffff, v1  }
0x19e: {  	[tilespmem:v11+s3+$0x0] =	vst.idx.add.f32.msk $0xffff, v1  }
0x19f: {  	[tilespmem:v12+s3+$0x0] =	vst.idx.add.f32.msk $0xffff, v1  }
0x1a0: {  	s10 =	sadd.s32 $0x20, s10;
	[tilespmem:v13+s3+$0x0] =	vst.idx.add.f32.msk $0xffff, v1  }
0x1a1: {  	_ =	sdelay $0x3  }
0x1a2: {  	[tilespmem:v9+s3+$0x0] =	vst.idx.add.f32.msk $0xffff, v1  }
0x1a3: {  	[tilespmem:v7+s3+$0x0] =	vst.idx.add.f32.msk $0xffff, v1  }
0x1a4: {  	[tilespmem:v8+s3+$0x0] =	vst.idx.add.f32.msk $0xffff, v1  }
0x1a5: {  	v7 =	vld [tilespmem:s13+$0x0];
	_ =	sdelay $0x4  }
0x1a6: {  	v7 =	vshll.u32 v7, $0xA  }
0x1a7: {  	v6 =	vor.u32 v7, v6;
	_ =	sdelay $0x3  }
0x1a8: {  	v5 =	vld.idx.msk [tilespmem:v5+s26+$0x0], $0xffff  }
0x1a9: {  	v6 =	vld.idx.msk [tilespmem:v6+s26+$0x0], $0xffff;
	_ =	sdelay $0x3  }
0x1aa: {  	v5 =	vadd.f32 $1.000000000e+00, v5  }
0x1ab: {  	v6 =	vadd.f32 $1.000000000e+00, v6  }
0x1ac: {  	v5 =	vshrl.u32 v5, $0xD  }
0x1ad: {  	s8 =	sadd.s32 $0x4, s8;
	v3 =	vadd.s32 v5, v3;
	v63 =	vshrl.u32 v6, $0xD  }
0x1ae: {  	s8 =	smin.u32 s8, s21;
	v3 =	vadd.s32 $0xFFFE5080, v3;
	v5 =	vadd.s32 v63, v7  }
0x1af: {  	s9 =	sshll.u32 s8, $0x7;
	s8 =	sshll.u32 s8, $0x9;
	v5 =	vadd.s32 $0xFFFE5080, v5  }
0x1b0: {  	s9 =	sand.u32 $0x300, s9;
	s8 =	sand.u32 $0x3F000, s8  }
0x1b1: {  	s8 =	sor.u32 s8, s9  }
0x1b2: {  	[tilespmem:v4+s3+$0x0] =	vst.idx.add.f32.msk $0xffff, v1;
	s8 =	sor.u32 s4, s8  }
0x1b3: {  	s8 =	sshrl.u32 s8, $0x3;
	[tilespmem:v3+s3+$0x0] =	vst.idx.add.f32.msk $0xffff, v1  }
0x1b4: {  	s24 =	simm.s32 $0x9900;
	s9 =	simm.s32 $0x1000;
	s8 =	sadd.s32 s1, s8;
	[tilespmem:v5+s3+$0x0] =	vst.idx.add.f32.msk $0xffff, v1  }
0x1b5: {  	[tilespmem:s24], [sflag:$0x1] =	stream.strided.gather [hbm4b:s8+s22], $0x400, s23, s22, $0x38;
	[tilespmem:$0x1B100] =	vst v63  }
.LBB2_11:
0x1b6: {  	p0 =	sne.s32 s9, $0x12000  }
.Ltmp4:
0x1b7: {  	_ = 	snop;
	(pc) =	sbr.rel @p0 .LBB2_11-.Ltmp4, $4  }
0x1b8: {  	_ = 	snop  }
0x1b9: {  	s10 =	sshra.s32 s9, $0x2;
	s9 =	sadd.s32 $0x1000, s9  }
0x1ba: {  	s8 =	sadd.s32 $0x8000, s8;
	s10 =	sadd.s32 $0x9900, s10  }
0x1bb: {  	[tilespmem:s10], [sflag:$0x1] =	stream.strided.gather [hbm4b:s8+s22], $0x400, s23, s22, $0x38;
	[tilespmem:$0x1B100] =	vst v63  }
0x1bc: {  	s8 =	simm.s32 $0x0  }
0x1bd: {  	s9 =	sand.u32 $0x1E0, s8  }
0x1be: {  	s10 =	sshrl.u32 s9, $0x7  }
0x1bf: {  	_ =	swait.ge [sflag:s28], $0x4C00;
	s11 =	sshll.u32 s10, $0x8  }
0x1c0: {  	[sflag:s28] =	ssyncset.done $0x0;
	s13 =	sand.u32 $0x60, s8;
	s18 =	sadd.s32 $0x0, s11  }
0x1c1: {  	[sflag:s28] =	ssyncadd.s32 $0xFFFFB400;
	s8 =	sor.u32 s13, s18  }
0x1c2: {  	v3 =	vld [tilespmem:s8+$0xE500]  }
0x1c3: {  	v4 =	vld [tilespmem:s8+$0xE900]  }
0x1c4: {  	v5 =	vld [tilespmem:s8+$0xED00]  }
0x1c5: {  	v6 =	vld [tilespmem:s8+$0xF100]  }
0x1c6: {  	v7 =	vld [tilespmem:s8+$0xF500]  }
0x1c7: {  	v8 =	vld [tilespmem:s8+$0xF900]  }
0x1c8: {  	v9 =	vld [tilespmem:s8+$0xFD00]  }
0x1c9: {  	v10 =	vld [tilespmem:s8+$0x10100]  }
0x1ca: {  	v11 =	vld [tilespmem:s8+$0x10500]  }
0x1cb: {  	v12 =	vld [tilespmem:s8+$0x10900]  }
0x1cc: {  	v13 =	vld [tilespmem:s8+$0x10D00]  }
0x1cd: {  	v14 =	vld [tilespmem:s8+$0x11100]  }
0x1ce: {  	v15 =	vld [tilespmem:s8+$0x11500]  }
0x1cf: {  	v16 =	vld [tilespmem:s8+$0x11900]  }
0x1d0: {  	v17 =	vld [tilespmem:s8+$0x11D00]  }
0x1d1: {  	v18 =	vld [tilespmem:s8+$0x12100]  }
0x1d2: {  	v19 =	vld [tilespmem:s8+$0x12500]  }
0x1d3: {  	s20 =	simm.s32 $0x10;
	v20 =	vld [tilespmem:s8+$0x12900]  }
0x1d4: {  	v21 =	vld [tilespmem:s8+$0x12D00];
	s8 =	sand.u32 $0x1F0, s20  }
0x1d5: {  	s24 =	sshrl.u32 s8, $0x7  }
0x1d6: {  	s16 =	sshll.u32 s24, $0x8  }
0x1d7: {  	s11 =	sand.u32 $0x70, s20;
	s16 =	sadd.s32 $0x0, s16  }
0x1d8: {  	s18 =	sor.u32 s11, s16  }
0x1d9: {  	v54 =	vld [tilespmem:s18+$0xFD00]  }
0x1da: {  	v55 =	vld [tilespmem:s18+$0x10100]  }
0x1db: {  	v56 =	vld [tilespmem:s18+$0x10500]  }
0x1dc: {  	v57 =	vld [tilespmem:s18+$0x10900]  }
0x1dd: {  	v3 =	vadd.f32 $1.000000000e+00, v3;
	v58 =	vld [tilespmem:s18+$0x10D00]  }
0x1de: {  	v4 =	vadd.f32 $1.000000000e+00, v4;
	v59 =	vld [tilespmem:s18+$0x11100]  }
0x1df: {  	v5 =	vadd.f32 $1.000000000e+00, v5;
	v60 =	vld [tilespmem:s18+$0x11500];
	v3 =	vshrl.u32 v3, $0xD  }
0x1e0: {  	v6 =	vadd.f32 $1.000000000e+00, v6;
	v61 =	vld [tilespmem:s18+$0x11900];
	v4 =	vshrl.u32 v4, $0xD;
	v3 =	vsub.s32 $0x2007F, v3  }
0x1e1: {  	v7 =	vadd.f32 $1.000000000e+00, v7;
	v62 =	vld [tilespmem:s18+$0x11D00];
	v5 =	vshrl.u32 v5, $0xD;
	v4 =	vsub.s32 $0x2047F, v4  }
0x1e2: {  	v8 =	vadd.f32 $1.000000000e+00, v8;
	v63 =	vld [tilespmem:s18+$0x12100];
	v6 =	vshrl.u32 v6, $0xD;
	v5 =	vsub.s32 $0x2087F, v5  }
0x1e3: {  	v9 =	vadd.f32 $1.000000000e+00, v9;
	v22 =	vld [tilespmem:s18+$0x12500];
	v7 =	vshrl.u32 v7, $0xD;
	v6 =	vsub.s32 $0x20C7F, v6  }
0x1e4: {  	v10 =	vadd.f32 $1.000000000e+00, v10;
	v23 =	vld [tilespmem:s18+$0x12900];
	v8 =	vshrl.u32 v8, $0xD;
	v7 =	vsub.s32 $0x2107F, v7  }
0x1e5: {  	v11 =	vadd.f32 $1.000000000e+00, v11;
	v9 =	vshrl.u32 v9, $0xD;
	v8 =	vsub.s32 $0x2147F, v8;
	[tilespmem:v3+s3+$0x0] =	vst.idx.add.f32.msk $0xffff, v1  }
0x1e6: {  	v9 =	vsub.s32 $0x2187F, v9;
	v3 =	vshrl.u32 v10, $0xD;
	v10 =	vadd.f32 $1.000000000e+00, v12;
	[tilespmem:v4+s3+$0x0] =	vst.idx.add.f32.msk $0xffff, v1  }
0x1e7: {  	v4 =	vshrl.u32 v11, $0xD;
	v11 =	vadd.f32 $1.000000000e+00, v13;
	v3 =	vsub.s32 $0x21C7F, v3;
	[tilespmem:v5+s3+$0x0] =	vst.idx.add.f32.msk $0xffff, v1  }
0x1e8: {  	v5 =	vshrl.u32 v10, $0xD;
	v10 =	vadd.f32 $1.000000000e+00, v14;
	v4 =	vsub.s32 $0x2207F, v4;
	[tilespmem:v6+s3+$0x0] =	vst.idx.add.f32.msk $0xffff, v1  }
0x1e9: {  	v6 =	vshrl.u32 v11, $0xD;
	v11 =	vadd.f32 $1.000000000e+00, v15;
	v5 =	vsub.s32 $0x2247F, v5;
	[tilespmem:v7+s3+$0x0] =	vst.idx.add.f32.msk $0xffff, v1  }
0x1ea: {  	v7 =	vshrl.u32 v10, $0xD;
	v10 =	vadd.f32 $1.000000000e+00, v16;
	v6 =	vsub.s32 $0x2287F, v6;
	[tilespmem:v8+s3+$0x0] =	vst.idx.add.f32.msk $0xffff, v1  }
0x1eb: {  	v8 =	vshrl.u32 v11, $0xD;
	v11 =	vadd.f32 $1.000000000e+00, v17;
	v7 =	vsub.s32 $0x22C7F, v7;
	[tilespmem:v9+s3+$0x0] =	vst.idx.add.f32.msk $0xffff, v1  }
0x1ec: {  	v9 =	vshrl.u32 v10, $0xD;
	v10 =	vadd.f32 $1.000000000e+00, v18;
	v8 =	vsub.s32 $0x2307F, v8;
	[tilespmem:v3+s3+$0x0] =	vst.idx.add.f32.msk $0xffff, v1  }
0x1ed: {  	v3 =	vshrl.u32 v11, $0xD;
	v11 =	vadd.f32 $1.000000000e+00, v19;
	v9 =	vsub.s32 $0x2347F, v9;
	[tilespmem:v4+s3+$0x0] =	vst.idx.add.f32.msk $0xffff, v1  }
0x1ee: {  	v4 =	vshrl.u32 v10, $0xD;
	v10 =	vadd.f32 $1.000000000e+00, v20;
	v3 =	vsub.s32 $0x2387F, v3;
	[tilespmem:v5+s3+$0x0] =	vst.idx.add.f32.msk $0xffff, v1  }
0x1ef: {  	v5 =	vshrl.u32 v11, $0xD;
	v11 =	vadd.f32 $1.000000000e+00, v21;
	v4 =	vsub.s32 $0x23C7F, v4;
	[tilespmem:v6+s3+$0x0] =	vst.idx.add.f32.msk $0xffff, v1  }
0x1f0: {  	v6 =	vshrl.u32 v10, $0xD;
	v5 =	vsub.s32 $0x2407F, v5;
	[tilespmem:v7+s3+$0x0] =	vst.idx.add.f32.msk $0xffff, v1  }
0x1f1: {  	v7 =	vshrl.u32 v11, $0xD;
	v6 =	vsub.s32 $0x2447F, v6;
	[tilespmem:v8+s3+$0x0] =	vst.idx.add.f32.msk $0xffff, v1  }
0x1f2: {  	s19 =	sadd.s32 $0x0, s7;
	v7 =	vsub.s32 $0x2487F, v7;
	[tilespmem:v9+s3+$0x0] =	vst.idx.add.f32.msk $0xffff, v1  }
0x1f3: {  	s12 =	sshll.u32 s19, $0x7;
	[tilespmem:v3+s3+$0x0] =	vst.idx.add.f32.msk $0xffff, v1  }
0x1f4: {  	s14 =	sand.u32 $0x280, s12;
	s15 =	sshll.u32 s10, $0xA;
	[tilespmem:v4+s3+$0x0] =	vst.idx.add.f32.msk $0xffff, v1  }
0x1f5: {  	s10 =	sor.u32 $0x100, s14;
	s15 =	sadd.s32 s15, s6;
	[tilespmem:v5+s3+$0x0] =	vst.idx.add.f32.msk $0xffff, v1  }
0x1f6: {  	s17 =	simm.s32 $0x0;
	s14 =	sadd.s32 s10, s15;
	[tilespmem:v6+s3+$0x0] =	vst.idx.add.f32.msk $0xffff, v1  }
0x1f7: {  	s13 =	sadd.s32 s13, s14;
	v3 =	vmov s17;
	v4 =	vmov s9;
	[tilespmem:v7+s3+$0x0] =	vst.idx.add.f32.msk $0xffff, v1  }
0x1f8: {  	v3 =	vshll.u32 v3, $0x7;
	v4 =	vshll.u32 v4, $0x1;
	v5 =	vld [tilespmem:s13+$0x0]  }
0x1f9: {  	s19 =	simm.s32 $0x20;
	v10 =	vld [tilespmem:s18+$0xF100];
	v3 =	vand.u32 $0x80, v3;
	v4 =	vand.u32 $0x300, v4  }
0x1fa: {  	v11 =	vld [tilespmem:s18+$0xF900];
	v4 =	vor.u32 v3, v4;
	s13 =	sand.u32 $0x1E0, s19  }
0x1fb: {  	s20 =	sshll.u32 s24, $0xA;
	v8 =	vor.u32 s9, v2;
	v9 =	vld [tilespmem:s18+$0xED00];
	v4 =	vbroadcast v4, $0x0;
	s24 =	sshrl.u32 s13, $0x7  }
0x1fc: {  	v8 =	vand.u32 $0x6F, v8;
	v6 =	vld [tilespmem:s18+$0xE500];
	s15 =	sshll.u32 s24, $0x8  }
0x1fd: {  	s14 =	sand.u32 $0x60, s19;
	v7 =	vld [tilespmem:s18+$0xE900];
	v4 =	vor.u32 v8, v4;
	s16 =	sadd.s32 $0x0, s15;
	v5 =	vshll.u32 v5, $0xA  }
0x1fe: {  	v8 =	vld [tilespmem:s18+$0xF500];
	s17 =	sor.u32 s14, s16;
	v4 =	vor.u32 v5, v4  }
0x1ff: {  	v34 =	vld [tilespmem:s17+$0x10100]  }
0x200: {  	v35 =	vld [tilespmem:s17+$0x10500]  }
0x201: {  	v36 =	vld [tilespmem:s17+$0x10900]  }
0x202: {  	v37 =	vld [tilespmem:s17+$0x10D00]  }
0x203: {  	v4 =	vld.idx.msk [tilespmem:v4+s29+$0x0], $0xffff  }
0x204: {  	v6 =	vadd.f32 $1.000000000e+00, v6;
	v38 =	vld [tilespmem:s17+$0x11100]  }
0x205: {  	v9 =	vadd.f32 $1.000000000e+00, v9;
	v7 =	vadd.f32 $1.000000000e+00, v7;
	v39 =	vld [tilespmem:s17+$0x11500]  }
0x206: {  	v12 =	vadd.f32 $1.000000000e+00, v54;
	v10 =	vadd.f32 $1.000000000e+00, v10;
	v6 =	vshrl.u32 v6, $0xD;
	v40 =	vld [tilespmem:s17+$0x11900]  }
0x207: {  	v9 =	vshrl.u32 v9, $0xD;
	v41 =	vld [tilespmem:s17+$0x11D00];
	v7 =	vshrl.u32 v7, $0xD;
	v6 =	vsub.s32 $0x2007F, v6  }
0x208: {  	v42 =	vld [tilespmem:s17+$0x12100];
	v8 =	vadd.f32 $1.000000000e+00, v8;
	v7 =	vsub.s32 $0x2047F, v7;
	v4 =	vadd.f32 $1.000000000e+00, v4  }
0x209: {  	v11 =	vadd.f32 $1.000000000e+00, v11;
	v10 =	vshrl.u32 v10, $0xD;
	v9 =	vsub.s32 $0x2087F, v9;
	v43 =	vld [tilespmem:s17+$0x12500]  }
0x20a: {  	v10 =	vsub.s32 $0x20C7F, v10;
	v44 =	vld [tilespmem:s17+$0x12900];
	v8 =	vshrl.u32 v8, $0xD;
	v4 =	vshrl.u32 v4, $0xD  }
0x20b: {  	v11 =	vshrl.u32 v11, $0xD;
	v8 =	vsub.s32 $0x2107F, v8;
	v4 =	vadd.s32 v4, v5;
	v5 =	vld [tilespmem:s18+$0x12D00]  }
0x20c: {  	v13 =	vadd.f32 $1.000000000e+00, v55;
	v11 =	vsub.s32 $0x2147F, v11;
	[tilespmem:v6+s3+$0x0] =	vst.idx.add.f32.msk $0xffff, v1  }
0x20d: {  	v24 =	vadd.f32 $1.000000000e+00, v56;
	v6 =	vshrl.u32 v12, $0xD;
	v4 =	vadd.s32 $0xFFFE5080, v4;
	[tilespmem:v7+s3+$0x0] =	vst.idx.add.f32.msk $0xffff, v1  }
0x20e: {  	v25 =	vadd.f32 $1.000000000e+00, v57;
	v7 =	vshrl.u32 v13, $0xD;
	v6 =	vsub.s32 $0x2187F, v6;
	[tilespmem:v9+s3+$0x0] =	vst.idx.add.f32.msk $0xffff, v1  }
0x20f: {  	v26 =	vadd.f32 $1.000000000e+00, v58;
	v9 =	vshrl.u32 v24, $0xD;
	v7 =	vsub.s32 $0x21C7F, v7;
	[tilespmem:v10+s3+$0x0] =	vst.idx.add.f32.msk $0xffff, v1  }
0x210: {  	v27 =	vadd.f32 $1.000000000e+00, v59;
	v10 =	vshrl.u32 v25, $0xD;
	v9 =	vsub.s32 $0x2207F, v9;
	[tilespmem:v8+s3+$0x0] =	vst.idx.add.f32.msk $0xffff, v1  }
0x211: {  	v28 =	vadd.f32 $1.000000000e+00, v60;
	v8 =	vsub.s32 $0x2247F, v10;
	v10 =	vshrl.u32 v26, $0xD;
	[tilespmem:v11+s3+$0x0] =	vst.idx.add.f32.msk $0xffff, v1  }
0x212: {  	v29 =	vadd.f32 $1.000000000e+00, v61;
	v10 =	vsub.s32 $0x2287F, v10;
	[tilespmem:v4+s3+$0x0] =	vst.idx.add.f32.msk $0xffff, v1;
	v4 =	vshrl.u32 v27, $0xD  }
0x213: {  	v30 =	vadd.f32 $1.000000000e+00, v62;
	v11 =	vshrl.u32 v28, $0xD;
	[tilespmem:v6+s3+$0x0] =	vst.idx.add.f32.msk $0xffff, v1;
	v4 =	vsub.s32 $0x22C7F, v4  }
0x214: {  	v31 =	vadd.f32 $1.000000000e+00, v63;
	v6 =	vshrl.u32 v29, $0xD;
	v11 =	vsub.s32 $0x2307F, v11;
	[tilespmem:v7+s3+$0x0] =	vst.idx.add.f32.msk $0xffff, v1  }
0x215: {  	v32 =	vadd.f32 $1.000000000e+00, v22;
	v7 =	vshrl.u32 v30, $0xD;
	v6 =	vsub.s32 $0x2347F, v6;
	[tilespmem:v9+s3+$0x0] =	vst.idx.add.f32.msk $0xffff, v1  }
0x216: {  	v33 =	vadd.f32 $1.000000000e+00, v23;
	v9 =	vshrl.u32 v31, $0xD;
	v7 =	vsub.s32 $0x2387F, v7;
	[tilespmem:v8+s3+$0x0] =	vst.idx.add.f32.msk $0xffff, v1  }
0x217: {  	v5 =	vadd.f32 $1.000000000e+00, v5;
	v8 =	vshrl.u32 v32, $0xD;
	v9 =	vsub.s32 $0x23C7F, v9;
	[tilespmem:v10+s3+$0x0] =	vst.idx.add.f32.msk $0xffff, v1  }
0x218: {  	v10 =	vshrl.u32 v33, $0xD;
	v8 =	vsub.s32 $0x2407F, v8;
	[tilespmem:v4+s3+$0x0] =	vst.idx.add.f32.msk $0xffff, v1  }
0x219: {  	v4 =	vshrl.u32 v5, $0xD;
	v5 =	vsub.s32 $0x2447F, v10;
	[tilespmem:v11+s3+$0x0] =	vst.idx.add.f32.msk $0xffff, v1  }
0x21a: {  	[tilespmem:v6+s3+$0x0] =	vst.idx.add.f32.msk $0xffff, v1  }
0x21b: {  	[tilespmem:v7+s3+$0x0] =	vst.idx.add.f32.msk $0xffff, v1  }
0x21c: {  	[tilespmem:v9+s3+$0x0] =	vst.idx.add.f32.msk $0xffff, v1  }
0x21d: {  	[tilespmem:v8+s3+$0x0] =	vst.idx.add.f32.msk $0xffff, v1  }
0x21e: {  	[tilespmem:v5+s3+$0x0] =	vst.idx.add.f32.msk $0xffff, v1  }
0x21f: {  	v5 =	vld [tilespmem:s17+$0xE500]  }
0x220: {  	v6 =	vld [tilespmem:s17+$0xE900]  }
0x221: {  	v4 =	vsub.s32 $0x2487F, v4;
	v7 =	vld [tilespmem:s17+$0xED00]  }
0x222: {  	v8 =	vld [tilespmem:s17+$0xF100]  }
0x223: {  	v9 =	vld [tilespmem:s17+$0xF500]  }
0x224: {  	s12 =	sadd.s32 s20, s6;
	v10 =	vld [tilespmem:s17+$0xF900];
	v5 =	vadd.f32 $1.000000000e+00, v5  }
0x225: {  	s10 =	sadd.s32 s10, s12;
	s15 =	simm.s32 $0x30;
	v11 =	vld [tilespmem:s17+$0xFD00];
	v6 =	vadd.f32 $1.000000000e+00, v6  }
0x226: {  	s10 =	sadd.s32 s11, s10;
	s12 =	sand.u32 $0x1F0, s15;
	s18 =	sadd.s32 $0x0, s7;
	[tilespmem:v4+s3+$0x0] =	vst.idx.add.f32.msk $0xffff, v1;
	v7 =	vadd.f32 $1.000000000e+00, v7;
	v5 =	vshrl.u32 v5, $0xD  }
0x227: {  	s19 =	sshll.u32 s24, $0xA;
	s11 =	sshrl.u32 s12, $0x7;
	v4 =	vld [tilespmem:s10+$0x0];
	s10 =	sshll.u32 s18, $0x7;
	v6 =	vshrl.u32 v6, $0xD;
	v8 =	vadd.f32 $1.000000000e+00, v8;
	v5 =	vsub.s32 $0x2007F, v5  }
0x228: {  	s20 =	sadd.s32 s19, s6;
	v45 =	vld [tilespmem:s17+$0x12D00];
	s17 =	sshll.u32 s11, $0x8;
	v9 =	vadd.f32 $1.000000000e+00, v9;
	s10 =	sand.u32 $0x280, s10;
	v7 =	vshrl.u32 v7, $0xD;
	v6 =	vsub.s32 $0x2047F, v6  }
0x229: {  	v10 =	vadd.f32 $1.000000000e+00, v10;
	s19 =	sadd.s32 $0x0, s17;
	s9 =	sor.u32 $0x100, s10;
	s10 =	sand.u32 $0x70, s15;
	v7 =	vsub.s32 $0x2087F, v7;
	v8 =	vshrl.u32 v8, $0xD  }
0x22a: {  	v11 =	vadd.f32 $1.000000000e+00, v11;
	v9 =	vshrl.u32 v9, $0xD;
	s15 =	sor.u32 s10, s19;
	v8 =	vsub.s32 $0x20C7F, v8  }
0x22b: {  	v12 =	vadd.f32 $1.000000000e+00, v34;
	v10 =	vshrl.u32 v10, $0xD;
	v9 =	vsub.s32 $0x2107F, v9;
	v56 =	vld [tilespmem:s15+$0xF100]  }
0x22c: {  	v13 =	vadd.f32 $1.000000000e+00, v35;
	v11 =	vshrl.u32 v11, $0xD;
	v10 =	vsub.s32 $0x2147F, v10;
	[tilespmem:v5+s3+$0x0] =	vst.idx.add.f32.msk $0xffff, v1  }
0x22d: {  	v46 =	vadd.f32 $1.000000000e+00, v36;
	v11 =	vsub.s32 $0x2187F, v11;
	v5 =	vshrl.u32 v12, $0xD;
	[tilespmem:v6+s3+$0x0] =	vst.idx.add.f32.msk $0xffff, v1  }
0x22e: {  	v47 =	vadd.f32 $1.000000000e+00, v37;
	v6 =	vshrl.u32 v13, $0xD;
	v5 =	vsub.s32 $0x21C7F, v5;
	[tilespmem:v7+s3+$0x0] =	vst.idx.add.f32.msk $0xffff, v1  }
0x22f: {  	v48 =	vadd.f32 $1.000000000e+00, v38;
	v7 =	vshrl.u32 v46, $0xD;
	v6 =	vsub.s32 $0x2207F, v6;
	[tilespmem:v8+s3+$0x0] =	vst.idx.add.f32.msk $0xffff, v1  }
0x230: {  	v49 =	vadd.f32 $1.000000000e+00, v39;
	v8 =	vshrl.u32 v47, $0xD;
	v7 =	vsub.s32 $0x2247F, v7;
	[tilespmem:v9+s3+$0x0] =	vst.idx.add.f32.msk $0xffff, v1  }
0x231: {  	v50 =	vadd.f32 $1.000000000e+00, v40;
	v9 =	vshrl.u32 v48, $0xD;
	v8 =	vsub.s32 $0x2287F, v8;
	[tilespmem:v10+s3+$0x0] =	vst.idx.add.f32.msk $0xffff, v1  }
0x232: {  	v51 =	vadd.f32 $1.000000000e+00, v41;
	v10 =	vshrl.u32 v49, $0xD;
	v9 =	vsub.s32 $0x22C7F, v9;
	[tilespmem:v11+s3+$0x0] =	vst.idx.add.f32.msk $0xffff, v1  }
0x233: {  	v52 =	vadd.f32 $1.000000000e+00, v42;
	v11 =	vshrl.u32 v50, $0xD;
	v10 =	vsub.s32 $0x2307F, v10;
	[tilespmem:v5+s3+$0x0] =	vst.idx.add.f32.msk $0xffff, v1  }
0x234: {  	v53 =	vadd.f32 $1.000000000e+00, v43;
	v5 =	vshrl.u32 v51, $0xD;
	v11 =	vsub.s32 $0x2347F, v11;
	[tilespmem:v6+s3+$0x0] =	vst.idx.add.f32.msk $0xffff, v1  }
0x235: {  	v54 =	vadd.f32 $1.000000000e+00, v44;
	v6 =	vshrl.u32 v52, $0xD;
	v5 =	vsub.s32 $0x2387F, v5;
	[tilespmem:v7+s3+$0x0] =	vst.idx.add.f32.msk $0xffff, v1  }
0x236: {  	v55 =	vadd.f32 $1.000000000e+00, v45;
	v7 =	vshrl.u32 v53, $0xD;
	v6 =	vsub.s32 $0x23C7F, v6;
	[tilespmem:v8+s3+$0x0] =	vst.idx.add.f32.msk $0xffff, v1  }
0x237: {  	v8 =	vshrl.u32 v54, $0xD;
	v7 =	vsub.s32 $0x2407F, v7;
	[tilespmem:v9+s3+$0x0] =	vst.idx.add.f32.msk $0xffff, v1  }
0x238: {  	v9 =	vshrl.u32 v55, $0xD;
	v8 =	vsub.s32 $0x2447F, v8;
	[tilespmem:v10+s3+$0x0] =	vst.idx.add.f32.msk $0xffff, v1  }
0x239: {  	v9 =	vsub.s32 $0x2487F, v9;
	[tilespmem:v11+s3+$0x0] =	vst.idx.add.f32.msk $0xffff, v1  }
0x23a: {  	[tilespmem:v5+s3+$0x0] =	vst.idx.add.f32.msk $0xffff, v1  }
0x23b: {  	[tilespmem:v6+s3+$0x0] =	vst.idx.add.f32.msk $0xffff, v1  }
0x23c: {  	[tilespmem:v7+s3+$0x0] =	vst.idx.add.f32.msk $0xffff, v1  }
0x23d: {  	s24 =	simm.s32 $0x0;
	s18 =	sadd.s32 s9, s20;
	[tilespmem:v8+s3+$0x0] =	vst.idx.add.f32.msk $0xffff, v1  }
0x23e: {  	s14 =	sadd.s32 s14, s18;
	v5 =	vmov s24;
	v6 =	vmov s13;
	[tilespmem:v9+s3+$0x0] =	vst.idx.add.f32.msk $0xffff, v1  }
0x23f: {  	v5 =	vshll.u32 v5, $0x7;
	v6 =	vshll.u32 v6, $0x1;
	v7 =	vld [tilespmem:s14+$0x0]  }
0x240: {  	v57 =	vld [tilespmem:s15+$0xF900];
	v5 =	vand.u32 $0x80, v5;
	v6 =	vand.u32 $0x300, v6  }
0x241: {  	v58 =	vld [tilespmem:s15+$0xFD00];
	v6 =	vor.u32 v5, v6  }
0x242: {  	v59 =	vld [tilespmem:s15+$0x10100];
	v10 =	vor.u32 s13, v2;
	v6 =	vbroadcast v6, $0x0  }
0x243: {  	v60 =	vld [tilespmem:s15+$0x10500];
	v10 =	vand.u32 $0x6F, v10  }
0x244: {  	v61 =	vld [tilespmem:s15+$0x10900];
	v6 =	vor.u32 v10, v6;
	v7 =	vshll.u32 v7, $0xA  }
0x245: {  	v62 =	vld [tilespmem:s15+$0x10D00];
	v6 =	vor.u32 v7, v6  }
0x246: {  	v8 =	vld [tilespmem:s15+$0xE500]  }
0x247: {  	v9 =	vld [tilespmem:s15+$0xE900]  }
0x248: {  	v11 =	vld [tilespmem:s15+$0xED00]  }
0x249: {  	v63 =	vld [tilespmem:s15+$0x11100]  }
0x24a: {  	v6 =	vld.idx.msk [tilespmem:v6+s29+$0x0], $0xffff  }
0x24b: {  	v28 =	vld [tilespmem:s15+$0x11500];
	v8 =	vadd.f32 $1.000000000e+00, v8  }
0x24c: {  	v29 =	vld [tilespmem:s15+$0x11900];
	v9 =	vadd.f32 $1.000000000e+00, v9  }
0x24d: {  	v30 =	vld [tilespmem:s15+$0x11D00];
	v11 =	vadd.f32 $1.000000000e+00, v11;
	v8 =	vshrl.u32 v8, $0xD  }
0x24e: {  	v31 =	vld [tilespmem:s15+$0x12100];
	v9 =	vshrl.u32 v9, $0xD;
	v8 =	vsub.s32 $0x2007F, v8  }
0x24f: {  	v24 =	vld [tilespmem:s15+$0x12500];
	v11 =	vshrl.u32 v11, $0xD;
	v9 =	vsub.s32 $0x2047F, v9;
	v6 =	vadd.f32 $1.000000000e+00, v6  }
0x250: {  	s20 =	simm.s32 $0x40;
	v10 =	vld [tilespmem:s15+$0xF500];
	v11 =	vsub.s32 $0x2087F, v11  }
0x251: {  	s16 =	sand.u32 $0x1E0, s20;
	v25 =	vshrl.u32 v6, $0xD;
	v6 =	vld [tilespmem:s15+$0x12900]  }
0x252: {  	s24 =	sshrl.u32 s16, $0x7;
	v25 =	vadd.s32 v25, v7;
	v7 =	vld [tilespmem:s15+$0x12D00]  }
0x253: {  	s17 =	sshll.u32 s24, $0x8;
	[tilespmem:v8+s3+$0x0] =	vst.idx.add.f32.msk $0xffff, v1  }
0x254: {  	s14 =	sand.u32 $0x60, s20;
	s15 =	sadd.s32 $0x0, s17;
	[tilespmem:v9+s3+$0x0] =	vst.idx.add.f32.msk $0xffff, v1  }
0x255: {  	v12 =	vadd.f32 $1.000000000e+00, v56;
	s15 =	sor.u32 s14, s15;
	[tilespmem:v11+s3+$0x0] =	vst.idx.add.f32.msk $0xffff, v1  }
0x256: {  	v10 =	vadd.f32 $1.000000000e+00, v10;
	v44 =	vld [tilespmem:s15+$0xF500]  }
0x257: {  	v13 =	vadd.f32 $1.000000000e+00, v57;
	v12 =	vshrl.u32 v12, $0xD;
	v45 =	vld [tilespmem:s15+$0xF900]  }
0x258: {  	v14 =	vadd.f32 $1.000000000e+00, v58;
	v12 =	vsub.s32 $0x20C7F, v12;
	v10 =	vshrl.u32 v10, $0xD;
	v46 =	vld [tilespmem:s15+$0xFD00]  }
0x259: {  	v15 =	vadd.f32 $1.000000000e+00, v59;
	v13 =	vshrl.u32 v13, $0xD;
	v10 =	vsub.s32 $0x2107F, v10;
	v47 =	vld [tilespmem:s15+$0x10100]  }
0x25a: {  	v32 =	vadd.f32 $1.000000000e+00, v60;
	v13 =	vsub.s32 $0x2147F, v13;
	v8 =	vshrl.u32 v14, $0xD;
	v48 =	vld [tilespmem:s15+$0x10500]  }
0x25b: {  	v33 =	vadd.f32 $1.000000000e+00, v61;
	v9 =	vshrl.u32 v15, $0xD;
	v8 =	vsub.s32 $0x2187F, v8;
	v49 =	vld [tilespmem:s15+$0x10900]  }
0x25c: {  	v34 =	vadd.f32 $1.000000000e+00, v62;
	v11 =	vshrl.u32 v32, $0xD;
	v9 =	vsub.s32 $0x21C7F, v9;
	v50 =	vld [tilespmem:s15+$0x10D00]  }
0x25d: {  	v36 =	vadd.f32 $1.000000000e+00, v63;
	v35 =	vshrl.u32 v33, $0xD;
	[tilespmem:v12+s3+$0x0] =	vst.idx.add.f32.msk $0xffff, v1;
	v11 =	vsub.s32 $0x2207F, v11  }
0x25e: {  	v38 =	vadd.f32 $1.000000000e+00, v28;
	v37 =	vshrl.u32 v34, $0xD;
	[tilespmem:v10+s3+$0x0] =	vst.idx.add.f32.msk $0xffff, v1;
	v10 =	vsub.s32 $0x2247F, v35  }
0x25f: {  	v39 =	vadd.f32 $1.000000000e+00, v29;
	v15 =	vshrl.u32 v36, $0xD;
	v12 =	vsub.s32 $0x2287F, v37;
	[tilespmem:v13+s3+$0x0] =	vst.idx.add.f32.msk $0xffff, v1  }
0x260: {  	v40 =	vshrl.u32 v38, $0xD;
	v15 =	vsub.s32 $0x22C7F, v15;
	[tilespmem:v8+s3+$0x0] =	vst.idx.add.f32.msk $0xffff, v1  }
0x261: {  	v41 =	vadd.f32 $1.000000000e+00, v30;
	v13 =	vsub.s32 $0x2307F, v40;
	v8 =	vshrl.u32 v39, $0xD;
	[tilespmem:v9+s3+$0x0] =	vst.idx.add.f32.msk $0xffff, v1  }
0x262: {  	v8 =	vsub.s32 $0x2347F, v8;
	[tilespmem:v11+s3+$0x0] =	vst.idx.add.f32.msk $0xffff, v1  }
0x263: {  	v42 =	vadd.f32 $1.000000000e+00, v31;
	v9 =	vshrl.u32 v41, $0xD;
	[tilespmem:v10+s3+$0x0] =	vst.idx.add.f32.msk $0xffff, v1  }
0x264: {  	v43 =	vadd.f32 $1.000000000e+00, v24;
	v9 =	vsub.s32 $0x2387F, v9;
	[tilespmem:v12+s3+$0x0] =	vst.idx.add.f32.msk $0xffff, v1  }
0x265: {  	v11 =	vshrl.u32 v42, $0xD;
	[tilespmem:v15+s3+$0x0] =	vst.idx.add.f32.msk $0xffff, v1  }
0x266: {  	v10 =	vshrl.u32 v43, $0xD;
	v11 =	vsub.s32 $0x23C7F, v11;
	[tilespmem:v13+s3+$0x0] =	vst.idx.add.f32.msk $0xffff, v1  }
0x267: {  	v10 =	vsub.s32 $0x2407F, v10;
	[tilespmem:v8+s3+$0x0] =	vst.idx.add.f32.msk $0xffff, v1  }
0x268: {  	v8 =	vld [tilespmem:s15+$0xE500]  }
0x269: {  	[tilespmem:v9+s3+$0x0] =	vst.idx.add.f32.msk $0xffff, v1  }
0x26a: {  	v9 =	vld [tilespmem:s15+$0xE900]  }
0x26b: {  	[tilespmem:v11+s3+$0x0] =	vst.idx.add.f32.msk $0xffff, v1  }
0x26c: {  	[tilespmem:v10+s3+$0x0] =	vst.idx.add.f32.msk $0xffff, v1  }
0x26d: {  	v10 =	vld [tilespmem:s15+$0xED00]  }
0x26e: {  	v11 =	vld [tilespmem:s15+$0xF100]  }
0x26f: {  	v51 =	vld [tilespmem:s15+$0x11100];
	v6 =	vadd.f32 $1.000000000e+00, v6  }
0x270: {  	v52 =	vld [tilespmem:s15+$0x11500];
	v8 =	vadd.f32 $1.000000000e+00, v8  }
0x271: {  	v53 =	vld [tilespmem:s15+$0x11900];
	v6 =	vshrl.u32 v6, $0xD;
	v9 =	vadd.f32 $1.000000000e+00, v9  }
0x272: {  	v54 =	vld [tilespmem:s15+$0x11D00];
	v6 =	vsub.s32 $0x2447F, v6;
	v8 =	vshrl.u32 v8, $0xD;
	v10 =	vadd.f32 $1.000000000e+00, v10  }
0x273: {  	v55 =	vld [tilespmem:s15+$0x12100];
	v11 =	vadd.f32 $1.000000000e+00, v11;
	v9 =	vshrl.u32 v9, $0xD;
	v8 =	vsub.s32 $0x2007F, v8  }
0x274: {  	v56 =	vld [tilespmem:s15+$0x12500];
	v12 =	vadd.f32 $1.000000000e+00, v44;
	v9 =	vsub.s32 $0x2047F, v9;
	v10 =	vshrl.u32 v10, $0xD  }
0x275: {  	v57 =	vld [tilespmem:s15+$0x12900];
	v13 =	vadd.f32 $1.000000000e+00, v45;
	v11 =	vshrl.u32 v11, $0xD;
	v10 =	vsub.s32 $0x2087F, v10  }
0x276: {  	v26 =	vld [tilespmem:s15+$0x12D00];
	v14 =	vadd.f32 $1.000000000e+00, v46;
	v12 =	vshrl.u32 v12, $0xD;
	v11 =	vsub.s32 $0x20C7F, v11  }
0x277: {  	v15 =	vadd.f32 $1.000000000e+00, v47;
	v12 =	vsub.s32 $0x2107F, v12;
	v13 =	vshrl.u32 v13, $0xD;
	[tilespmem:v6+s3+$0x0] =	vst.idx.add.f32.msk $0xffff, v1  }
0x278: {  	v16 =	vadd.f32 $1.000000000e+00, v48;
	v14 =	vshrl.u32 v14, $0xD;
	v13 =	vsub.s32 $0x2147F, v13;
	[tilespmem:v8+s3+$0x0] =	vst.idx.add.f32.msk $0xffff, v1  }
0x279: {  	v58 =	vadd.f32 $1.000000000e+00, v49;
	v14 =	vsub.s32 $0x2187F, v14;
	v8 =	vshrl.u32 v15, $0xD;
	[tilespmem:v9+s3+$0x0] =	vst.idx.add.f32.msk $0xffff, v1  }
0x27a: {  	v59 =	vadd.f32 $1.000000000e+00, v50;
	v9 =	vshrl.u32 v16, $0xD;
	v8 =	vsub.s32 $0x21C7F, v8;
	[tilespmem:v10+s3+$0x0] =	vst.idx.add.f32.msk $0xffff, v1  }
0x27b: {  	v60 =	vadd.f32 $1.000000000e+00, v51;
	v9 =	vsub.s32 $0x2207F, v9;
	v10 =	vshrl.u32 v58, $0xD;
	[tilespmem:v11+s3+$0x0] =	vst.idx.add.f32.msk $0xffff, v1  }
0x27c: {  	v61 =	vadd.f32 $1.000000000e+00, v52;
	v11 =	vshrl.u32 v59, $0xD;
	v10 =	vsub.s32 $0x2247F, v10;
	[tilespmem:v12+s3+$0x0] =	vst.idx.add.f32.msk $0xffff, v1  }
0x27d: {  	v63 =	vadd.f32 $1.000000000e+00, v53;
	v62 =	vshrl.u32 v60, $0xD;
	v11 =	vsub.s32 $0x2287F, v11;
	[tilespmem:v13+s3+$0x0] =	vst.idx.add.f32.msk $0xffff, v1  }
0x27e: {  	v21 =	vadd.f32 $1.000000000e+00, v54;
	v20 =	vshrl.u32 v61, $0xD;
	v12 =	vsub.s32 $0x22C7F, v62;
	[tilespmem:v14+s3+$0x0] =	vst.idx.add.f32.msk $0xffff, v1  }
0x27f: {  	v23 =	vadd.f32 $1.000000000e+00, v55;
	v22 =	vshrl.u32 v63, $0xD;
	v13 =	vsub.s32 $0x2307F, v20;
	[tilespmem:v8+s3+$0x0] =	vst.idx.add.f32.msk $0xffff, v1  }
0x280: {  	v24 =	vadd.f32 $1.000000000e+00, v56;
	v14 =	vsub.s32 $0x2347F, v22;
	v8 =	vshrl.u32 v21, $0xD;
	[tilespmem:v9+s3+$0x0] =	vst.idx.add.f32.msk $0xffff, v1  }
0x281: {  	v27 =	vadd.f32 $1.000000000e+00, v57;
	v9 =	vshrl.u32 v23, $0xD;
	v8 =	vsub.s32 $0x2387F, v8;
	[tilespmem:v10+s3+$0x0] =	vst.idx.add.f32.msk $0xffff, v1  }
0x282: {  	v28 =	vadd.f32 $1.000000000e+00, v26;
	v10 =	vshrl.u32 v24, $0xD;
	v9 =	vsub.s32 $0x23C7F, v9;
	[tilespmem:v11+s3+$0x0] =	vst.idx.add.f32.msk $0xffff, v1  }
0x283: {  	v11 =	vshrl.u32 v27, $0xD;
	v10 =	vsub.s32 $0x2407F, v10;
	[tilespmem:v12+s3+$0x0] =	vst.idx.add.f32.msk $0xffff, v1  }
0x284: {  	v7 =	vadd.f32 $1.000000000e+00, v7;
	v29 =	vshrl.u32 v28, $0xD;
	v11 =	vsub.s32 $0x2447F, v11;
	[tilespmem:v13+s3+$0x0] =	vst.idx.add.f32.msk $0xffff, v1  }
0x285: {  	s18 =	sadd.s32 $0x0, s7;
	v12 =	vsub.s32 $0x2487F, v29;
	[tilespmem:v14+s3+$0x0] =	vst.idx.add.f32.msk $0xffff, v1  }
0x286: {  	v7 =	vshrl.u32 v7, $0xD;
	s15 =	sshll.u32 s18, $0x7;
	[tilespmem:v8+s3+$0x0] =	vst.idx.add.f32.msk $0xffff, v1  }
0x287: {  	s19 =	sshll.u32 s24, $0xA;
	v7 =	vsub.s32 $0x2487F, v7;
	s18 =	simm.s32 $0x50;
	s15 =	sand.u32 $0x280, s15;
	[tilespmem:v9+s3+$0x0] =	vst.idx.add.f32.msk $0xffff, v1  }
0x288: {  	s20 =	sadd.s32 s19, s6;
	s17 =	sand.u32 $0x1F0, s18;
	s13 =	sor.u32 $0x100, s15;
	[tilespmem:v10+s3+$0x0] =	vst.idx.add.f32.msk $0xffff, v1  }
0x289: {  	s15 =	sshrl.u32 s17, $0x7;
	s19 =	sadd.s32 s13, s20;
	[tilespmem:v11+s3+$0x0] =	vst.idx.add.f32.msk $0xffff, v1  }
0x28a: {  	s24 =	simm.s32 $0x0;
	s20 =	sshll.u32 s15, $0x8;
	s14 =	sadd.s32 s14, s19;
	[tilespmem:v12+s3+$0x0] =	vst.idx.add.f32.msk $0xffff, v1  }
0x28b: {  	v6 =	vmov s16;
	v9 =	vmov s24;
	s24 =	sadd.s32 $0x0, s20;
	v8 =	vld [tilespmem:s14+$0x0];
	s14 =	sand.u32 $0x70, s18  }
0x28c: {  	[tilespmem:v7+s3+$0x0] =	vst.idx.add.f32.msk $0xffff, v1;
	v6 =	vshll.u32 v6, $0x1;
	v7 =	vshll.u32 v9, $0x7;
	s18 =	sor.u32 s14, s24  }
0x28d: {  	v6 =	vand.u32 $0x300, v6;
	v7 =	vand.u32 $0x80, v7;
	v9 =	vld [tilespmem:s18+$0xE500]  }
0x28e: {  	v6 =	vor.u32 v7, v6;
	v10 =	vld [tilespmem:s18+$0xE900]  }
0x28f: {  	v11 =	vor.u32 s16, v2;
	v6 =	vbroadcast v6, $0x0;
	v30 =	vld [tilespmem:s18+$0xED00]  }
0x290: {  	v11 =	vand.u32 $0x6F, v11;
	v31 =	vld [tilespmem:s18+$0xF100]  }
0x291: {  	v6 =	vor.u32 v11, v6;
	v11 =	vld [tilespmem:s18+$0xF500]  }
0x292: {  	v33 =	vld [tilespmem:s18+$0xF900];
	v8 =	vshll.u32 v8, $0xA  }
0x293: {  	v38 =	vmov s12;
	v34 =	vld [tilespmem:s18+$0xFD00];
	v6 =	vor.u32 v8, v6  }
0x294: {  	v19 =	vshll.u32 v38, $0x1;
	v32 =	vmov s8;
	v35 =	vld [tilespmem:s18+$0x10100]  }
0x295: {  	v19 =	vand.u32 $0x300, v19;
	v14 =	vshll.u32 v32, $0x1;
	v36 =	vld [tilespmem:s18+$0x10500]  }
0x296: {  	v5 =	vor.u32 v5, v19;
	v14 =	vand.u32 $0x300, v14;
	v39 =	vld [tilespmem:s18+$0x10900]  }
0x297: {  	v4 =	vshll.u32 v4, $0xA;
	v5 =	vbroadcast v5, $0x0;
	v3 =	vor.u32 v3, v14;
	v41 =	vld [tilespmem:s18+$0x10D00]  }
0x298: {  	v25 =	vadd.s32 $0xFFFE5080, v25;
	v37 =	vor.u32 s8, v2;
	v3 =	vbroadcast v3, $0x0;
	v6 =	vld.idx.msk [tilespmem:v6+s29+$0x0], $0xffff  }
0x299: {  	v18 =	vand.u32 $0x7F, v37;
	v40 =	vor.u32 s12, v2;
	v42 =	vld [tilespmem:s18+$0x11100];
	v9 =	vadd.f32 $1.000000000e+00, v9  }
0x29a: {  	v47 =	vmov s17;
	v3 =	vor.u32 v18, v3;
	v18 =	vand.u32 $0x7F, v40;
	v43 =	vld [tilespmem:s18+$0x11500]  }
0x29b: {  	v3 =	vor.u32 v4, v3;
	v44 =	vld [tilespmem:s18+$0x11900];
	v10 =	vadd.f32 $1.000000000e+00, v10;
	v9 =	vshrl.u32 v9, $0xD  }
0x29c: {  	v45 =	vld [tilespmem:s18+$0x11D00];
	v12 =	vadd.f32 $1.000000000e+00, v30;
	v13 =	vadd.f32 $1.000000000e+00, v31;
	v9 =	vsub.s32 $0x2007F, v9  }
0x29d: {  	v5 =	vor.u32 v18, v5;
	v46 =	vld [tilespmem:s18+$0x12100];
	v11 =	vadd.f32 $1.000000000e+00, v11;
	v6 =	vadd.f32 $1.000000000e+00, v6  }
0x29e: {  	s19 =	sshll.u32 s11, $0xA;
	v48 =	vld [tilespmem:s18+$0x12500];
	v49 =	vadd.f32 $1.000000000e+00, v34;
	v50 =	vadd.f32 $1.000000000e+00, v35;
	v10 =	vshrl.u32 v10, $0xD  }
0x29f: {  	s8 =	sadd.s32 s19, s6;
	v28 =	vld [tilespmem:s18+$0x12900];
	v12 =	vshrl.u32 v12, $0xD;
	v10 =	vsub.s32 $0x2047F, v10;
	v6 =	vshrl.u32 v6, $0xD  }
0x2a0: {  	s8 =	sadd.s32 s9, s8;
	v13 =	vshrl.u32 v13, $0xD;
	v12 =	vsub.s32 $0x2087F, v12;
	v6 =	vadd.s32 v6, v8;
	v8 =	vld [tilespmem:s18+$0x12D00]  }
0x2a1: {  	s8 =	sadd.s32 s10, s8;
	v11 =	vshrl.u32 v11, $0xD;
	v13 =	vsub.s32 $0x20C7F, v13;
	[tilespmem:v9+s3+$0x0] =	vst.idx.add.f32.msk $0xffff, v1;
	v9 =	vadd.f32 $1.000000000e+00, v33  }
0x2a2: {  	v51 =	vld [tilespmem:s8+$0x0];
	v14 =	vadd.f32 $1.000000000e+00, v36;
	v52 =	vadd.f32 $1.000000000e+00, v39;
	v11 =	vsub.s32 $0x2107F, v11  }
0x2a3: {  	v3 =	vld.idx.msk [tilespmem:v3+s29+$0x0], $0xffff;
	v53 =	vadd.f32 $1.000000000e+00, v41;
	v6 =	vadd.s32 $0xFFFE5080, v6;
	v9 =	vshrl.u32 v9, $0xD  }
0x2a4: {  	v55 =	vadd.f32 $1.000000000e+00, v42;
	v15 =	vshrl.u32 v49, $0xD;
	[tilespmem:v10+s3+$0x0] =	vst.idx.add.f32.msk $0xffff, v1;
	v9 =	vsub.s32 $0x2147F, v9  }
0x2a5: {  	v57 =	vadd.f32 $1.000000000e+00, v43;
	v16 =	vshrl.u32 v50, $0xD;
	v15 =	vsub.s32 $0x2187F, v15;
	[tilespmem:v12+s3+$0x0] =	vst.idx.add.f32.msk $0xffff, v1  }
0x2a6: {  	v58 =	vadd.f32 $1.000000000e+00, v44;
	v14 =	vshrl.u32 v14, $0xD;
	v16 =	vsub.s32 $0x21C7F, v16;
	[tilespmem:v13+s3+$0x0] =	vst.idx.add.f32.msk $0xffff, v1  }
0x2a7: {  	v18 =	vadd.f32 $1.000000000e+00, v45;
	v54 =	vshrl.u32 v52, $0xD;
	v14 =	vsub.s32 $0x2207F, v14;
	[tilespmem:v11+s3+$0x0] =	vst.idx.add.f32.msk $0xffff, v1  }
0x2a8: {  	v60 =	vadd.f32 $1.000000000e+00, v46;
	v56 =	vshrl.u32 v53, $0xD;
	v11 =	vsub.s32 $0x2247F, v54;
	[tilespmem:v6+s3+$0x0] =	vst.idx.add.f32.msk $0xffff, v1  }
0x2a9: {  	v63 =	vadd.f32 $1.000000000e+00, v48;
	v13 =	vsub.s32 $0x2287F, v56;
	v6 =	vshrl.u32 v55, $0xD;
	[tilespmem:v9+s3+$0x0] =	vst.idx.add.f32.msk $0xffff, v1  }
0x2aa: {  	v59 =	vshrl.u32 v58, $0xD;
	v61 =	vshrl.u32 v18, $0xD;
	v6 =	vsub.s32 $0x22C7F, v6;
	[tilespmem:v15+s3+$0x0] =	vst.idx.add.f32.msk $0xffff, v1  }
0x2ab: {  	v17 =	vshrl.u32 v60, $0xD;
	v10 =	vshll.u32 v47, $0x1;
	v9 =	vshrl.u32 v57, $0xD;
	[tilespmem:v16+s3+$0x0] =	vst.idx.add.f32.msk $0xffff, v1  }
0x2ac: {  	v62 =	vadd.f32 $1.000000000e+00, v3;
	v10 =	vand.u32 $0x300, v10;
	v9 =	vsub.s32 $0x2307F, v9;
	[tilespmem:v14+s3+$0x0] =	vst.idx.add.f32.msk $0xffff, v1  }
0x2ad: {  	v3 =	vshll.u32 v51, $0xA;
	v7 =	vor.u32 v7, v10;
	v10 =	vsub.s32 $0x23C7F, v17;
	[tilespmem:v11+s3+$0x0] =	vst.idx.add.f32.msk $0xffff, v1  }
0x2ae: {  	v8 =	vadd.f32 $1.000000000e+00, v8;
	v15 =	vsub.s32 $0x2347F, v59;
	v11 =	vshrl.u32 v62, $0xD;
	[tilespmem:v13+s3+$0x0] =	vst.idx.add.f32.msk $0xffff, v1  }
0x2af: {  	v16 =	vsub.s32 $0x2387F, v61;
	[tilespmem:v6+s3+$0x0] =	vst.idx.add.f32.msk $0xffff, v1;
	v6 =	vadd.s32 v11, v4;
	v11 =	vadd.f32 $1.000000000e+00, v28  }
0x2b0: {  	v4 =	vor.u32 v3, v5;
	v5 =	vadd.s32 $0xFFFE5080, v6;
	v6 =	vshrl.u32 v63, $0xD  }
0x2b1: {  	[tilespmem:v9+s3+$0x0] =	vst.idx.add.f32.msk $0xffff, v1;
	v11 =	vshrl.u32 v11, $0xD;
	v9 =	vsub.s32 $0x2407F, v6  }
0x2b2: {  	[tilespmem:v25+s3+$0x0] =	vst.idx.add.f32.msk $0xffff, v1;
	s20 =	sshll.u32 s15, $0xA;
	v8 =	vshrl.u32 v8, $0xD;
	v6 =	vsub.s32 $0x2447F, v11  }
0x2b3: {  	v27 =	vor.u32 s17, v2;
	s8 =	sadd.s32 s20, s6;
	v7 =	vbroadcast v7, $0x0;
	v8 =	vsub.s32 $0x2487F, v8;
	[tilespmem:v15+s3+$0x0] =	vst.idx.add.f32.msk $0xffff, v1  }
0x2b4: {  	v27 =	vand.u32 $0x7F, v27;
	s24 =	sadd.s32 s13, s8;
	[tilespmem:v16+s3+$0x0] =	vst.idx.add.f32.msk $0xffff, v1  }
0x2b5: {  	s9 =	simm.s32 $0x70;
	s8 =	simm.s32 $0x4;
	s12 =	sadd.s32 s14, s24;
	v7 =	vor.u32 v27, v7;
	[tilespmem:v10+s3+$0x0] =	vst.idx.add.f32.msk $0xffff, v1  }
.LBB2_13:
0x2b6: {  	s10 =	sadd.s32 $0xFFFFFFF0, s9;
	s14 =	sand.u32 $0x1F0, s9;
	s13 =	sand.u32 $0x70, s9;
	[tilespmem:v9+s3+$0x0] =	vst.idx.add.f32.msk $0xffff, v1  }
0x2b7: {  	s8 =	sadd.s32 $0x2, s8;
	s11 =	sand.u32 $0x1E0, s10;
	s16 =	sshrl.u32 s14, $0x7;
	v9 =	vmov s14;
	v10 =	vor.u32 s14, v2;
	[tilespmem:v6+s3+$0x0] =	vst.idx.add.f32.msk $0xffff, v1  }
0x2b8: {  	s14 =	sshrl.u32 s8, $0x5;
	s15 =	sshrl.u32 s11, $0x7;
	s17 =	sshll.u32 s16, $0x8;
	v6 =	vand.u32 $0x7F, v10;
	v9 =	vshll.u32 v9, $0x1;
	[tilespmem:v8+s3+$0x0] =	vst.idx.add.f32.msk $0xffff, v1  }
0x2b9: {  	s19 =	sshll.u32 s14, $0x7;
	s16 =	sshll.u32 s16, $0xA;
	s18 =	sshll.u32 s15, $0x8;
	v8 =	vand.u32 $0x300, v9;
	v9 =	vld [tilespmem:s12+$0x0]  }
0x2ba: {  	s12 =	sand.u32 $0x60, s10;
	s10 =	sadd.s32 s19, s18;
	s18 =	sadd.s32 s19, s17;
	v10 =	vld.idx.msk [tilespmem:v4+s29+$0x0], $0xffff  }
0x2bb: {  	s16 =	sadd.s32 s16, s6;
	s17 =	sor.u32 s12, s10;
	s10 =	sor.u32 s13, s18;
	[tilespmem:v5+s3+$0x0] =	vst.idx.add.f32.msk $0xffff, v1  }
0x2bc: {  	p0 =	slt.u32 s8, $0x3E;
	v11 =	vld [tilespmem:s17+$0xE500]  }
0x2bd: {  	v12 =	vld [tilespmem:s17+$0xE900]  }
0x2be: {  	v13 =	vld [tilespmem:s17+$0xED00];
	v5 =	vshll.u32 v9, $0xA  }
0x2bf: {  	v9 =	vld [tilespmem:s17+$0xF100];
	v4 =	vor.u32 v5, v7  }
0x2c0: {  	v10 =	vadd.f32 $1.000000000e+00, v10;
	v7 =	vld [tilespmem:s17+$0xF500]  }
0x2c1: {  	v14 =	vld [tilespmem:s17+$0xF900]  }
0x2c2: {  	v10 =	vshrl.u32 v10, $0xD;
	v15 =	vld [tilespmem:s17+$0xFD00]  }
0x2c3: {  	v10 =	vadd.s32 v10, v3;
	v3 =	vmov v5;
	v16 =	vld [tilespmem:s17+$0x10100]  }
0x2c4: {  	v5 =	vadd.s32 $0xFFFE5080, v10;
	v17 =	vld [tilespmem:s17+$0x10500]  }
0x2c5: {  	v10 =	vld [tilespmem:s17+$0x10900]  }
0x2c6: {  	v18 =	vld [tilespmem:s17+$0x10D00]  }
0x2c7: {  	v11 =	vadd.f32 $1.000000000e+00, v11;
	v19 =	vld [tilespmem:s17+$0x11100]  }
0x2c8: {  	v12 =	vadd.f32 $1.000000000e+00, v12;
	v20 =	vld [tilespmem:s17+$0x11500]  }
0x2c9: {  	v11 =	vshrl.u32 v11, $0xD;
	v13 =	vadd.f32 $1.000000000e+00, v13;
	v21 =	vld [tilespmem:s17+$0x11900]  }
0x2ca: {  	v12 =	vshrl.u32 v12, $0xD;
	v9 =	vadd.f32 $1.000000000e+00, v9;
	v11 =	vsub.s32 $0x2007F, v11;
	v22 =	vld [tilespmem:s17+$0x11D00]  }
0x2cb: {  	v13 =	vshrl.u32 v13, $0xD;
	v7 =	vadd.f32 $1.000000000e+00, v7;
	v12 =	vsub.s32 $0x2047F, v12;
	v23 =	vld [tilespmem:s17+$0x12100]  }
0x2cc: {  	v9 =	vshrl.u32 v9, $0xD;
	v14 =	vadd.f32 $1.000000000e+00, v14;
	v13 =	vsub.s32 $0x2087F, v13;
	v24 =	vld [tilespmem:s17+$0x12500]  }
0x2cd: {  	v7 =	vshrl.u32 v7, $0xD;
	v15 =	vadd.f32 $1.000000000e+00, v15;
	v9 =	vsub.s32 $0x20C7F, v9;
	v25 =	vld [tilespmem:s17+$0x12900]  }
0x2ce: {  	v14 =	vshrl.u32 v14, $0xD;
	v16 =	vadd.f32 $1.000000000e+00, v16;
	v7 =	vsub.s32 $0x2107F, v7;
	v26 =	vld [tilespmem:s17+$0x12D00]  }
0x2cf: {  	v15 =	vshrl.u32 v15, $0xD;
	v17 =	vadd.f32 $1.000000000e+00, v17;
	v14 =	vsub.s32 $0x2147F, v14;
	[tilespmem:v11+s3+$0x0] =	vst.idx.add.f32.msk $0xffff, v1  }
0x2d0: {  	v10 =	vadd.f32 $1.000000000e+00, v10;
	v15 =	vsub.s32 $0x2187F, v15;
	v11 =	vshrl.u32 v16, $0xD;
	[tilespmem:v12+s3+$0x0] =	vst.idx.add.f32.msk $0xffff, v1  }
0x2d1: {  	v16 =	vadd.f32 $1.000000000e+00, v18;
	v12 =	vshrl.u32 v17, $0xD;
	v11 =	vsub.s32 $0x21C7F, v11;
	[tilespmem:v13+s3+$0x0] =	vst.idx.add.f32.msk $0xffff, v1  }
0x2d2: {  	v10 =	vshrl.u32 v10, $0xD;
	v13 =	vadd.f32 $1.000000000e+00, v19;
	v12 =	vsub.s32 $0x2207F, v12;
	[tilespmem:v9+s3+$0x0] =	vst.idx.add.f32.msk $0xffff, v1  }
0x2d3: {  	v10 =	vsub.s32 $0x2247F, v10;
	v9 =	vshrl.u32 v16, $0xD;
	v16 =	vadd.f32 $1.000000000e+00, v20;
	[tilespmem:v7+s3+$0x0] =	vst.idx.add.f32.msk $0xffff, v1  }
0x2d4: {  	v7 =	vshrl.u32 v13, $0xD;
	v13 =	vadd.f32 $1.000000000e+00, v21;
	v9 =	vsub.s32 $0x2287F, v9;
	[tilespmem:v14+s3+$0x0] =	vst.idx.add.f32.msk $0xffff, v1  }
0x2d5: {  	v14 =	vshrl.u32 v16, $0xD;
	v16 =	vadd.f32 $1.000000000e+00, v22;
	v7 =	vsub.s32 $0x22C7F, v7;
	[tilespmem:v15+s3+$0x0] =	vst.idx.add.f32.msk $0xffff, v1  }
0x2d6: {  	v13 =	vshrl.u32 v13, $0xD;
	v15 =	vadd.f32 $1.000000000e+00, v23;
	v14 =	vsub.s32 $0x2307F, v14;
	[tilespmem:v11+s3+$0x0] =	vst.idx.add.f32.msk $0xffff, v1  }
0x2d7: {  	v11 =	vshrl.u32 v16, $0xD;
	v16 =	vadd.f32 $1.000000000e+00, v24;
	v13 =	vsub.s32 $0x2347F, v13;
	[tilespmem:v12+s3+$0x0] =	vst.idx.add.f32.msk $0xffff, v1  }
0x2d8: {  	v12 =	vshrl.u32 v15, $0xD;
	v15 =	vadd.f32 $1.000000000e+00, v25;
	v11 =	vsub.s32 $0x2387F, v11;
	[tilespmem:v10+s3+$0x0] =	vst.idx.add.f32.msk $0xffff, v1  }
0x2d9: {  	v10 =	vshrl.u32 v16, $0xD;
	v16 =	vadd.f32 $1.000000000e+00, v26;
	v12 =	vsub.s32 $0x23C7F, v12;
	[tilespmem:v9+s3+$0x0] =	vst.idx.add.f32.msk $0xffff, v1  }
0x2da: {  	v9 =	vshrl.u32 v15, $0xD;
	v10 =	vsub.s32 $0x2407F, v10;
	[tilespmem:v7+s3+$0x0] =	vst.idx.add.f32.msk $0xffff, v1  }
0x2db: {  	v7 =	vshrl.u32 v16, $0xD;
	v9 =	vsub.s32 $0x2447F, v9;
	[tilespmem:v14+s3+$0x0] =	vst.idx.add.f32.msk $0xffff, v1  }
0x2dc: {  	s17 =	sadd.s32 s7, s14;
	v7 =	vsub.s32 $0x2487F, v7;
	[tilespmem:v13+s3+$0x0] =	vst.idx.add.f32.msk $0xffff, v1  }
0x2dd: {  	s17 =	sshll.u32 s17, $0x7;
	[tilespmem:v11+s3+$0x0] =	vst.idx.add.f32.msk $0xffff, v1  }
0x2de: {  	s15 =	sshll.u32 s15, $0xA;
	s17 =	sand.u32 $0x280, s17;
	[tilespmem:v12+s3+$0x0] =	vst.idx.add.f32.msk $0xffff, v1  }
0x2df: {  	s15 =	sadd.s32 s15, s6;
	s17 =	sor.u32 $0x100, s17;
	[tilespmem:v10+s3+$0x0] =	vst.idx.add.f32.msk $0xffff, v1  }
0x2e0: {  	s15 =	sadd.s32 s17, s15;
	s16 =	sadd.s32 s17, s16;
	[tilespmem:v9+s3+$0x0] =	vst.idx.add.f32.msk $0xffff, v1  }
0x2e1: {  	s15 =	sadd.s32 s12, s15;
	s12 =	sadd.s32 s13, s16;
	v9 =	vmov s11;
	[tilespmem:v7+s3+$0x0] =	vst.idx.add.f32.msk $0xffff, v1;
	v7 =	vmov s14  }
0x2e2: {  	v9 =	vshll.u32 v9, $0x1;
	v10 =	vld [tilespmem:s15+$0x0];
	v7 =	vshll.u32 v7, $0x7  }
0x2e3: {  	v9 =	vand.u32 $0x300, v9;
	v7 =	vand.u32 $0x80, v7;
	v11 =	vld [tilespmem:s10+$0xE500]  }
0x2e4: {  	v9 =	vor.u32 v7, v9;
	v12 =	vld [tilespmem:s10+$0xE900];
	v7 =	vor.u32 v7, v8  }
0x2e5: {  	v8 =	vor.u32 s11, v2;
	v9 =	vbroadcast v9, $0x0;
	v13 =	vld [tilespmem:s10+$0xED00];
	v7 =	vbroadcast v7, $0x0  }
0x2e6: {  	v8 =	vand.u32 $0x6F, v8;
	v14 =	vld [tilespmem:s10+$0xF100]  }
0x2e7: {  	v10 =	vshll.u32 v10, $0xA;
	v8 =	vor.u32 v8, v9;
	v9 =	vld [tilespmem:s10+$0xF500];
	v7 =	vor.u32 v6, v7  }
0x2e8: {  	v6 =	vor.u32 v10, v8;
	v8 =	vld [tilespmem:s10+$0xF900];
	v11 =	vadd.f32 $1.000000000e+00, v11  }
0x2e9: {  	v15 =	vld [tilespmem:s10+$0xFD00];
	v12 =	vadd.f32 $1.000000000e+00, v12  }
0x2ea: {  	v16 =	vld [tilespmem:s10+$0x10100];
	v11 =	vshrl.u32 v11, $0xD;
	v13 =	vadd.f32 $1.000000000e+00, v13  }
0x2eb: {  	v17 =	vld [tilespmem:s10+$0x10500];
	v12 =	vshrl.u32 v12, $0xD;
	v14 =	vadd.f32 $1.000000000e+00, v14;
	v11 =	vsub.s32 $0x2007F, v11  }
0x2ec: {  	v18 =	vld [tilespmem:s10+$0x10900];
	v13 =	vshrl.u32 v13, $0xD;
	v9 =	vadd.f32 $1.000000000e+00, v9;
	v12 =	vsub.s32 $0x2047F, v12  }
0x2ed: {  	v6 =	vld.idx.msk [tilespmem:v6+s29+$0x0], $0xffff;
	v14 =	vshrl.u32 v14, $0xD;
	v8 =	vadd.f32 $1.000000000e+00, v8;
	v13 =	vsub.s32 $0x2087F, v13  }
0x2ee: {  	v19 =	vld [tilespmem:s10+$0x10D00];
	v9 =	vshrl.u32 v9, $0xD;
	v15 =	vadd.f32 $1.000000000e+00, v15;
	v14 =	vsub.s32 $0x20C7F, v14  }
0x2ef: {  	v20 =	vld [tilespmem:s10+$0x11100];
	v8 =	vshrl.u32 v8, $0xD;
	v16 =	vadd.f32 $1.000000000e+00, v16;
	v9 =	vsub.s32 $0x2107F, v9  }
0x2f0: {  	v21 =	vld [tilespmem:s10+$0x11500];
	v15 =	vshrl.u32 v15, $0xD;
	v17 =	vadd.f32 $1.000000000e+00, v17;
	v8 =	vsub.s32 $0x2147F, v8  }
0x2f1: {  	v22 =	vld [tilespmem:s10+$0x11900];
	v16 =	vshrl.u32 v16, $0xD;
	v18 =	vadd.f32 $1.000000000e+00, v18;
	v15 =	vsub.s32 $0x2187F, v15  }
0x2f2: {  	v23 =	vld [tilespmem:s10+$0x11D00];
	v17 =	vshrl.u32 v17, $0xD;
	v16 =	vsub.s32 $0x21C7F, v16  }
0x2f3: {  	v6 =	vadd.f32 $1.000000000e+00, v6;
	v24 =	vld [tilespmem:s10+$0x12100];
	v18 =	vshrl.u32 v18, $0xD;
	v19 =	vadd.f32 $1.000000000e+00, v19  }
0x2f4: {  	v17 =	vsub.s32 $0x2207F, v17;
	v25 =	vld [tilespmem:s10+$0x12500];
	v20 =	vadd.f32 $1.000000000e+00, v20;
	v18 =	vsub.s32 $0x2247F, v18  }
0x2f5: {  	v6 =	vshrl.u32 v6, $0xD;
	v26 =	vld [tilespmem:s10+$0x12900];
	v19 =	vshrl.u32 v19, $0xD;
	v21 =	vadd.f32 $1.000000000e+00, v21  }
0x2f6: {  	v6 =	vadd.s32 v6, v10;
	v10 =	vld [tilespmem:s10+$0x12D00];
	v20 =	vshrl.u32 v20, $0xD;
	v22 =	vadd.f32 $1.000000000e+00, v22  }
0x2f7: {  	v6 =	vadd.s32 $0xFFFE5080, v6;
	v21 =	vshrl.u32 v21, $0xD;
	v23 =	vadd.f32 $1.000000000e+00, v23;
	[tilespmem:v11+s3+$0x0] =	vst.idx.add.f32.msk $0xffff, v1  }
0x2f8: {  	v19 =	vsub.s32 $0x2287F, v19;
	v11 =	vshrl.u32 v22, $0xD;
	v22 =	vadd.f32 $1.000000000e+00, v24;
	[tilespmem:v12+s3+$0x0] =	vst.idx.add.f32.msk $0xffff, v1  }
0x2f9: {  	v20 =	vsub.s32 $0x22C7F, v20;
	v12 =	vshrl.u32 v23, $0xD;
	v23 =	vadd.f32 $1.000000000e+00, v25;
	[tilespmem:v13+s3+$0x0] =	vst.idx.add.f32.msk $0xffff, v1  }
0x2fa: {  	v21 =	vsub.s32 $0x2307F, v21;
	v13 =	vshrl.u32 v22, $0xD;
	v22 =	vadd.f32 $1.000000000e+00, v26;
	[tilespmem:v14+s3+$0x0] =	vst.idx.add.f32.msk $0xffff, v1  }
0x2fb: {  	v11 =	vsub.s32 $0x2347F, v11;
	v14 =	vshrl.u32 v23, $0xD;
	v10 =	vadd.f32 $1.000000000e+00, v10;
	[tilespmem:v9+s3+$0x0] =	vst.idx.add.f32.msk $0xffff, v1  }
0x2fc: {  	v12 =	vsub.s32 $0x2387F, v12;
	v13 =	vsub.s32 $0x23C7F, v13;
	[tilespmem:v6+s3+$0x0] =	vst.idx.add.f32.msk $0xffff, v1;
	v6 =	vshrl.u32 v22, $0xD  }
0x2fd: {  	v9 =	vsub.s32 $0x2407F, v14;
	v10 =	vshrl.u32 v10, $0xD;
	v6 =	vsub.s32 $0x2447F, v6;
	[tilespmem:v8+s3+$0x0] =	vst.idx.add.f32.msk $0xffff, v1  }
0x2fe: {  	v8 =	vsub.s32 $0x2487F, v10;
	[tilespmem:v15+s3+$0x0] =	vst.idx.add.f32.msk $0xffff, v1  }
0x2ff: {  	[tilespmem:v16+s3+$0x0] =	vst.idx.add.f32.msk $0xffff, v1  }
0x300: {  	[tilespmem:v17+s3+$0x0] =	vst.idx.add.f32.msk $0xffff, v1  }
0x301: {  	[tilespmem:v18+s3+$0x0] =	vst.idx.add.f32.msk $0xffff, v1  }
0x302: {  	[tilespmem:v19+s3+$0x0] =	vst.idx.add.f32.msk $0xffff, v1  }
.Ltmp5:
0x303: {  	[tilespmem:v20+s3+$0x0] =	vst.idx.add.f32.msk $0xffff, v1;
	(pc) =	sbr.rel @p0 .LBB2_13-.Ltmp5, $4  }
0x304: {  	[tilespmem:v21+s3+$0x0] =	vst.idx.add.f32.msk $0xffff, v1  }
0x305: {  	[tilespmem:v11+s3+$0x0] =	vst.idx.add.f32.msk $0xffff, v1  }
0x306: {  	[tilespmem:v12+s3+$0x0] =	vst.idx.add.f32.msk $0xffff, v1  }
0x307: {  	s9 =	sadd.s32 $0x20, s9;
	[tilespmem:v13+s3+$0x0] =	vst.idx.add.f32.msk $0xffff, v1  }
0x308: {  	_ =	sdelay $0x3  }
0x309: {  	[tilespmem:v9+s3+$0x0] =	vst.idx.add.f32.msk $0xffff, v1  }
0x30a: {  	[tilespmem:v6+s3+$0x0] =	vst.idx.add.f32.msk $0xffff, v1  }
0x30b: {  	[tilespmem:v8+s3+$0x0] =	vst.idx.add.f32.msk $0xffff, v1  }
0x30c: {  	v6 =	vld [tilespmem:s12+$0x0];
	_ =	sdelay $0x4  }
0x30d: {  	v6 =	vshll.u32 v6, $0xA  }
0x30e: {  	v7 =	vor.u32 v6, v7;
	_ =	sdelay $0x3  }
0x30f: {  	v4 =	vld.idx.msk [tilespmem:v4+s29+$0x0], $0xffff  }
0x310: {  	v7 =	vld.idx.msk [tilespmem:v7+s29+$0x0], $0xffff;
	_ =	sdelay $0x3  }
0x311: {  	v4 =	vadd.f32 $1.000000000e+00, v4  }
0x312: {  	v7 =	vadd.f32 $1.000000000e+00, v7  }
0x313: {  	v4 =	vshrl.u32 v4, $0xD  }
0x314: {  	v3 =	vadd.s32 v4, v3;
	v63 =	vshrl.u32 v7, $0xD  }
0x315: {  	s0 =	sadd.s32 $0x1, s0;
	v3 =	vadd.s32 $0xFFFE5080, v3;
	v4 =	vadd.s32 v63, v6  }
0x316: {  	p0 =	sne.s32 s0, $0x10;
	v4 =	vadd.s32 $0xFFFE5080, v4  }
.Ltmp6:
0x317: {  	_ = 	snop;
	(pc) =	sbr.rel @p0 .LBB2_6-.Ltmp6, $4  }
0x318: {  	_ = 	snop  }
0x319: {  	[tilespmem:v5+s3+$0x0] =	vst.idx.add.f32.msk $0xffff, v1  }
0x31a: {  	[tilespmem:v3+s3+$0x0] =	vst.idx.add.f32.msk $0xffff, v1  }
0x31b: {  	[tilespmem:v4+s3+$0x0] =	vst.idx.add.f32.msk $0xffff, v1  }
0x31c: {  	_ =	swait.ge [sflag:s25], $0x4C00  }
0x31d: {  	[sflag:s25] =	ssyncset.done $0x0  }
0x31e: {  	s0 =	rddreg [dreg:$0x6];
	[sflag:s25] =	ssyncadd.s32 $0xFFFFB400  }
0x31f: {  	[hbm4b:s0+s30] =	stream.strided.scatter [tilespmem:s30], [sflag:$0x4], $0x400, s23, s30, $0x38;
	[tilespmem:$0x1B100] =	vst v63  }
0x320: {  	_ =	swait.ge [sflag:s31], $0x400  }
0x321: {  	[sflag:s31] =	ssyncset.done $0x0  }
0x322: {  	s6 =	simm.s32 $0x480;
	s11 =	rddreg [dreg:$0x7];
	[sflag:s31] =	ssyncadd.s32 $0xFFFFFC00  }
0x323: {  	[hbm4b:s11+s30] =	stream.strided.scatter [tilespmem:s6], [sflag:$0x4], $0x400, s23, s30, $0x38;
	[tilespmem:$0x1B100] =	vst v63  }
0x324: {  	_ =	swait.ge [sflag:s31], $0x400  }
0x325: {  	[sflag:s31] =	ssyncset.done $0x0  }
0x326: {  	s13 =	simm.s32 $0x880;
	s12 =	rddreg [dreg:$0x8];
	[sflag:s31] =	ssyncadd.s32 $0xFFFFFC00  }
0x327: {  	[hbm4b:s12+s30] =	stream.strided.scatter [tilespmem:s13], [sflag:$0x4], $0x400, s23, s30, $0x38;
	[tilespmem:$0x1B100] =	vst v63  }
0x328: {  	_ =	swait.ge [sflag:s31], $0x400  }
0x329: {  	[sflag:s31] =	ssyncset.done $0x0  }
0x32a: {  	s15 =	simm.s32 $0xC80;
	s14 =	rddreg [dreg:$0x9];
	[sflag:s31] =	ssyncadd.s32 $0xFFFFFC00  }
0x32b: {  	[hbm4b:s14+s30] =	stream.strided.scatter [tilespmem:s15], [sflag:$0x4], $0x400, s23, s30, $0x38;
	[tilespmem:$0x1B100] =	vst v63  }
0x32c: {  	_ =	swait.ge [sflag:s31], $0x400  }
0x32d: {  	[sflag:s31] =	ssyncset.done $0x0  }
0x32e: {  	s17 =	simm.s32 $0x1080;
	s16 =	rddreg [dreg:$0xa];
	[sflag:s31] =	ssyncadd.s32 $0xFFFFFC00  }
0x32f: {  	[hbm4b:s16+s30] =	stream.strided.scatter [tilespmem:s17], [sflag:$0x4], $0x400, s23, s30, $0x38;
	[tilespmem:$0x1B100] =	vst v63  }
0x330: {  	_ =	swait.ge [sflag:s31], $0x400  }
0x331: {  	[sflag:s31] =	ssyncset.done $0x0  }
0x332: {  	s19 =	simm.s32 $0x1480;
	s18 =	rddreg [dreg:$0xb];
	[sflag:s31] =	ssyncadd.s32 $0xFFFFFC00  }
0x333: {  	[hbm4b:s18+s30] =	stream.strided.scatter [tilespmem:s19], [sflag:$0x4], $0x400, s23, s30, $0x38;
	[tilespmem:$0x1B100] =	vst v63  }
0x334: {  	_ =	swait.ge [sflag:s31], $0x400  }
0x335: {  	[sflag:s31] =	ssyncset.done $0x0  }
0x336: {  	s24 =	simm.s32 $0x1880;
	s20 =	rddreg [dreg:$0xc];
	[sflag:s31] =	ssyncadd.s32 $0xFFFFFC00  }
0x337: {  	[hbm4b:s20+s30] =	stream.strided.scatter [tilespmem:s24], [sflag:$0x4], $0x400, s23, s30, $0x38;
	[tilespmem:$0x1B100] =	vst v63  }
0x338: {  	_ =	swait.ge [sflag:s31], $0x400  }
0x339: {  	[sflag:s31] =	ssyncset.done $0x0  }
0x33a: {  	s7 =	simm.s32 $0x1C80;
	s6 =	rddreg [dreg:$0xd];
	[sflag:s31] =	ssyncadd.s32 $0xFFFFFC00  }
0x33b: {  	[hbm4b:s6+s30] =	stream.strided.scatter [tilespmem:s7], [sflag:$0x4], $0x400, s23, s30, $0x38;
	[tilespmem:$0x1B100] =	vst v63  }
0x33c: {  	_ =	swait.ge [sflag:s31], $0x400  }
0x33d: {  	[sflag:s31] =	ssyncset.done $0x0  }
0x33e: {  	s9 =	simm.s32 $0x2080;
	s8 =	rddreg [dreg:$0xe];
	[sflag:s31] =	ssyncadd.s32 $0xFFFFFC00  }
0x33f: {  	[hbm4b:s8+s30] =	stream.strided.scatter [tilespmem:s9], [sflag:$0x4], $0x400, s23, s30, $0x38;
	[tilespmem:$0x1B100] =	vst v63  }
0x340: {  	_ =	swait.ge [sflag:s31], $0x400  }
0x341: {  	[sflag:s31] =	ssyncset.done $0x0  }
0x342: {  	s11 =	simm.s32 $0x2480;
	s10 =	rddreg [dreg:$0xf];
	[sflag:s31] =	ssyncadd.s32 $0xFFFFFC00  }
0x343: {  	[hbm4b:s10+s30] =	stream.strided.scatter [tilespmem:s11], [sflag:$0x4], $0x400, s23, s30, $0x38;
	[tilespmem:$0x1B100] =	vst v63  }
0x344: {  	_ =	swait.ge [sflag:s31], $0x400  }
0x345: {  	[sflag:s31] =	ssyncset.done $0x0  }
0x346: {  	s13 =	simm.s32 $0x2880;
	s12 =	rddreg [dreg:$0x10];
	[sflag:s31] =	ssyncadd.s32 $0xFFFFFC00  }
0x347: {  	[hbm4b:s12+s30] =	stream.strided.scatter [tilespmem:s13], [sflag:$0x4], $0x400, s23, s30, $0x38;
	[tilespmem:$0x1B100] =	vst v63  }
0x348: {  	_ =	swait.ge [sflag:s31], $0x400  }
0x349: {  	[sflag:s31] =	ssyncset.done $0x0  }
0x34a: {  	s15 =	simm.s32 $0x2C80;
	s14 =	rddreg [dreg:$0x11];
	[sflag:s31] =	ssyncadd.s32 $0xFFFFFC00  }
0x34b: {  	[hbm4b:s14+s30] =	stream.strided.scatter [tilespmem:s15], [sflag:$0x4], $0x400, s23, s30, $0x38;
	[tilespmem:$0x1B100] =	vst v63  }
0x34c: {  	_ =	swait.ge [sflag:s31], $0x400  }
0x34d: {  	[sflag:s31] =	ssyncset.done $0x0  }
0x34e: {  	s17 =	simm.s32 $0x3080;
	s16 =	rddreg [dreg:$0x12];
	[sflag:s31] =	ssyncadd.s32 $0xFFFFFC00  }
0x34f: {  	[hbm4b:s16+s30] =	stream.strided.scatter [tilespmem:s17], [sflag:$0x4], $0x400, s23, s30, $0x38;
	[tilespmem:$0x1B100] =	vst v63  }
0x350: {  	_ =	swait.ge [sflag:s31], $0x400  }
0x351: {  	[sflag:s31] =	ssyncset.done $0x0  }
0x352: {  	s19 =	simm.s32 $0x3480;
	s18 =	rddreg [dreg:$0x13];
	[sflag:s31] =	ssyncadd.s32 $0xFFFFFC00  }
0x353: {  	[hbm4b:s18+s30] =	stream.strided.scatter [tilespmem:s19], [sflag:$0x4], $0x400, s23, s30, $0x38;
	[tilespmem:$0x1B100] =	vst v63  }
0x354: {  	_ =	swait.ge [sflag:s31], $0x400  }
0x355: {  	[sflag:s31] =	ssyncset.done $0x0  }
0x356: {  	s24 =	simm.s32 $0x3880;
	s20 =	rddreg [dreg:$0x14];
	[sflag:s31] =	ssyncadd.s32 $0xFFFFFC00  }
0x357: {  	[hbm4b:s20+s30] =	stream.strided.scatter [tilespmem:s24], [sflag:$0x4], $0x400, s23, s30, $0x38;
	[tilespmem:$0x1B100] =	vst v63  }
0x358: {  	_ =	swait.ge [sflag:s31], $0x400  }
0x359: {  	[sflag:s31] =	ssyncset.done $0x0  }
0x35a: {  	s7 =	simm.s32 $0x3C80;
	s6 =	rddreg [dreg:$0x15];
	[sflag:s31] =	ssyncadd.s32 $0xFFFFFC00  }
0x35b: {  	[hbm4b:s6+s30] =	stream.strided.scatter [tilespmem:s7], [sflag:$0x4], $0x400, s23, s30, $0x38;
	[tilespmem:$0x1B100] =	vst v63  }
0x35c: {  	_ =	swait.ge [sflag:s31], $0x400  }
0x35d: {  	[sflag:s31] =	ssyncset.done $0x0  }
0x35e: {  	s9 =	simm.s32 $0x4080;
	s8 =	rddreg [dreg:$0x16];
	[sflag:s31] =	ssyncadd.s32 $0xFFFFFC00  }
0x35f: {  	[hbm4b:s8+s30] =	stream.strided.scatter [tilespmem:s9], [sflag:$0x4], $0x400, s23, s30, $0x38;
	[tilespmem:$0x1B100] =	vst v63  }
0x360: {  	_ =	swait.ge [sflag:s31], $0x400  }
0x361: {  	[sflag:s31] =	ssyncset.done $0x0  }
0x362: {  	s11 =	simm.s32 $0x4480;
	s10 =	rddreg [dreg:$0x17];
	[sflag:s31] =	ssyncadd.s32 $0xFFFFFC00  }
0x363: {  	[hbm4b:s10+s30] =	stream.strided.scatter [tilespmem:s11], [sflag:$0x4], $0x400, s23, s30, $0x38;
	[tilespmem:$0x1B100] =	vst v63  }
0x364: {  	_ =	swait.ge [sflag:s31], $0x400  }
0x365: {  	[sflag:s31] =	ssyncset.done $0x0  }
0x366: {  	s13 =	simm.s32 $0x4880;
	s12 =	rddreg [dreg:$0x18];
	[sflag:s31] =	ssyncadd.s32 $0xFFFFFC00  }
0x367: {  	[hbm4b:s12+s30] =	stream.strided.scatter [tilespmem:s13], [sflag:$0x4], $0x400, s23, s30, $0x38;
	[tilespmem:$0x1B100] =	vst v63  }
0x368: {  	_ =	swait.ge [sflag:s31], $0x400  }
0x369: {  	[sflag:s31] =	ssyncset.done $0x0  }
0x36a: {  	s15 =	simm.s32 $0x4C80;
	s14 =	rddreg [dreg:$0x19];
	[sflag:s31] =	ssyncadd.s32 $0xFFFFFC00  }
0x36b: {  	[hbm4b:s14+s30] =	stream.strided.scatter [tilespmem:s15], [sflag:$0x4], $0x400, s23, s30, $0x38;
	[tilespmem:$0x1B100] =	vst v63  }
0x36c: {  	_ =	swait.ge [sflag:s31], $0x400  }
0x36d: {  	[sflag:s31] =	ssyncset.done $0x0  }
0x36e: {  	s17 =	simm.s32 $0x5080;
	s16 =	rddreg [dreg:$0x1a];
	[sflag:s31] =	ssyncadd.s32 $0xFFFFFC00  }
0x36f: {  	[hbm4b:s16+s30] =	stream.strided.scatter [tilespmem:s17], [sflag:$0x4], $0x400, s23, s30, $0x38;
	[tilespmem:$0x1B100] =	vst v63  }
0x370: {  	_ =	swait.ge [sflag:s31], $0x400  }
0x371: {  	[sflag:s31] =	ssyncset.done $0x0  }
0x372: {  	s19 =	simm.s32 $0x5480;
	s18 =	rddreg [dreg:$0x1b];
	[sflag:s31] =	ssyncadd.s32 $0xFFFFFC00  }
0x373: {  	[hbm4b:s18+s30] =	stream.strided.scatter [tilespmem:s19], [sflag:$0x4], $0x400, s23, s30, $0x38;
	[tilespmem:$0x1B100] =	vst v63  }
0x374: {  	_ =	swait.ge [sflag:s31], $0x400  }
0x375: {  	[sflag:s31] =	ssyncset.done $0x0  }
0x376: {  	s24 =	simm.s32 $0x5880;
	s20 =	rddreg [dreg:$0x1c];
	[sflag:s31] =	ssyncadd.s32 $0xFFFFFC00  }
0x377: {  	[hbm4b:s20+s30] =	stream.strided.scatter [tilespmem:s24], [sflag:$0x4], $0x400, s23, s30, $0x38;
	[tilespmem:$0x1B100] =	vst v63  }
0x378: {  	_ =	swait.ge [sflag:s31], $0x400  }
0x379: {  	[sflag:s31] =	ssyncset.done $0x0  }
0x37a: {  	s7 =	simm.s32 $0x5C80;
	s6 =	rddreg [dreg:$0x1d];
	[sflag:s31] =	ssyncadd.s32 $0xFFFFFC00  }
0x37b: {  	[hbm4b:s6+s30] =	stream.strided.scatter [tilespmem:s7], [sflag:$0x4], $0x400, s23, s30, $0x38;
	[tilespmem:$0x1B100] =	vst v63  }
0x37c: {  	_ =	swait.ge [sflag:s31], $0x400  }
0x37d: {  	[sflag:s31] =	ssyncset.done $0x0  }
0x37e: {  	s9 =	simm.s32 $0x6080;
	s8 =	rddreg [dreg:$0x1e];
	[sflag:s31] =	ssyncadd.s32 $0xFFFFFC00  }
0x37f: {  	[hbm4b:s8+s30] =	stream.strided.scatter [tilespmem:s9], [sflag:$0x4], $0x400, s23, s30, $0x38;
	[tilespmem:$0x1B100] =	vst v63  }
0x380: {  	_ =	swait.ge [sflag:s31], $0x400  }
0x381: {  	[sflag:s31] =	ssyncset.done $0x0  }
0x382: {  	s11 =	simm.s32 $0x6480;
	s10 =	rddreg [dreg:$0x1f];
	[sflag:s31] =	ssyncadd.s32 $0xFFFFFC00  }
0x383: {  	[hbm4b:s10+s30] =	stream.strided.scatter [tilespmem:s11], [sflag:$0x4], $0x400, s23, s30, $0x38;
	[tilespmem:$0x1B100] =	vst v63  }
0x384: {  	_ =	swait.ge [sflag:s31], $0x400  }
0x385: {  	s12 =	sld [smem:$0x7F1]  }
0x386: {  	[sflag:s31] =	ssyncset.done $0x0  }
0x387: {  	s13 =	simm.s32 $0x6880;
	[sflag:s31] =	ssyncadd.s32 $0xFFFFFC00  }
0x388: {  	[hbm4b:s12+s30] =	stream.strided.scatter [tilespmem:s13], [sflag:$0x4], $0x400, s23, s30, $0x38;
	[tilespmem:$0x1B100] =	vst v63  }
0x389: {  	_ =	swait.ge [sflag:s31], $0x400  }
0x38a: {  	s14 =	sld [smem:$0x7F2]  }
0x38b: {  	[sflag:s31] =	ssyncset.done $0x0  }
0x38c: {  	s15 =	simm.s32 $0x6C80;
	[sflag:s31] =	ssyncadd.s32 $0xFFFFFC00  }
0x38d: {  	[hbm4b:s14+s30] =	stream.strided.scatter [tilespmem:s15], [sflag:$0x4], $0x400, s23, s30, $0x38;
	[tilespmem:$0x1B100] =	vst v63  }
0x38e: {  	_ =	swait.ge [sflag:s31], $0x400  }
0x38f: {  	s16 =	sld [smem:$0x7F3]  }
0x390: {  	[sflag:s31] =	ssyncset.done $0x0  }
0x391: {  	s17 =	simm.s32 $0x7080;
	[sflag:s31] =	ssyncadd.s32 $0xFFFFFC00  }
0x392: {  	[hbm4b:s16+s30] =	stream.strided.scatter [tilespmem:s17], [sflag:$0x4], $0x400, s23, s30, $0x38;
	[tilespmem:$0x1B100] =	vst v63  }
0x393: {  	_ =	swait.ge [sflag:s31], $0x400  }
0x394: {  	s18 =	sld [smem:$0x7F4]  }
0x395: {  	[sflag:s31] =	ssyncset.done $0x0  }
0x396: {  	s19 =	simm.s32 $0x7480;
	[sflag:s31] =	ssyncadd.s32 $0xFFFFFC00  }
0x397: {  	[hbm4b:s18+s30] =	stream.strided.scatter [tilespmem:s19], [sflag:$0x4], $0x400, s23, s30, $0x38;
	[tilespmem:$0x1B100] =	vst v63  }
0x398: {  	_ =	swait.ge [sflag:s31], $0x400  }
0x399: {  	s20 =	sld [smem:$0x7F5]  }
0x39a: {  	[sflag:s31] =	ssyncset.done $0x0  }
0x39b: {  	s24 =	simm.s32 $0x7880;
	[sflag:s31] =	ssyncadd.s32 $0xFFFFFC00  }
0x39c: {  	[hbm4b:s20+s30] =	stream.strided.scatter [tilespmem:s24], [sflag:$0x4], $0x400, s23, s30, $0x38;
	[tilespmem:$0x1B100] =	vst v63  }
0x39d: {  	_ =	swait.ge [sflag:s31], $0x400  }
0x39e: {  	s7 =	sld [smem:$0x7F6]  }
0x39f: {  	[sflag:s31] =	ssyncset.done $0x0  }
0x3a0: {  	s8 =	simm.s32 $0x7C80;
	[sflag:s31] =	ssyncadd.s32 $0xFFFFFC00  }
0x3a1: {  	[hbm4b:s7+s30] =	stream.strided.scatter [tilespmem:s8], [sflag:$0x4], $0x400, s23, s30, $0x38;
	[tilespmem:$0x1B100] =	vst v63  }
0x3a2: {  	_ =	swait.ge [sflag:s31], $0x400  }
0x3a3: {  	s9 =	sld [smem:$0x7F7]  }
0x3a4: {  	[sflag:s31] =	ssyncset.done $0x0  }
0x3a5: {  	s10 =	simm.s32 $0x8080;
	[sflag:s31] =	ssyncadd.s32 $0xFFFFFC00  }
0x3a6: {  	[hbm4b:s9+s30] =	stream.strided.scatter [tilespmem:s10], [sflag:$0x4], $0x400, s23, s30, $0x38;
	[tilespmem:$0x1B100] =	vst v63  }
0x3a7: {  	_ =	swait.ge [sflag:s31], $0x400  }
0x3a8: {  	s11 =	sld [smem:$0x7F8]  }
0x3a9: {  	[sflag:s31] =	ssyncset.done $0x0  }
0x3aa: {  	s12 =	simm.s32 $0x8480;
	[sflag:s31] =	ssyncadd.s32 $0xFFFFFC00  }
0x3ab: {  	[hbm4b:s11+s30] =	stream.strided.scatter [tilespmem:s12], [sflag:$0x4], $0x400, s23, s30, $0x38;
	[tilespmem:$0x1B100] =	vst v63  }
0x3ac: {  	_ =	swait.ge [sflag:s31], $0x400  }
0x3ad: {  	s13 =	sld [smem:$0x7F9]  }
0x3ae: {  	[sflag:s31] =	ssyncset.done $0x0  }
0x3af: {  	s14 =	simm.s32 $0x8880;
	[sflag:s31] =	ssyncadd.s32 $0xFFFFFC00  }
0x3b0: {  	[hbm4b:s13+s30] =	stream.strided.scatter [tilespmem:s14], [sflag:$0x4], $0x400, s23, s30, $0x38;
	[tilespmem:$0x1B100] =	vst v63  }
0x3b1: {  	_ =	swait.ge [sflag:s31], $0x400  }
0x3b2: {  	s15 =	sld [smem:$0x7FA]  }
0x3b3: {  	[sflag:s31] =	ssyncset.done $0x0  }
0x3b4: {  	s16 =	simm.s32 $0x8C80;
	[sflag:s31] =	ssyncadd.s32 $0xFFFFFC00  }
0x3b5: {  	[hbm4b:s15+s30] =	stream.strided.scatter [tilespmem:s16], [sflag:$0x4], $0x400, s23, s30, $0x38;
	[tilespmem:$0x1B100] =	vst v63  }
0x3b6: {  	_ =	swait.ge [sflag:s31], $0x400  }
0x3b7: {  	s17 =	sld [smem:$0x7FB]  }
0x3b8: {  	[sflag:s31] =	ssyncset.done $0x0  }
0x3b9: {  	s18 =	simm.s32 $0x9080;
	[sflag:s31] =	ssyncadd.s32 $0xFFFFFC00  }
0x3ba: {  	[hbm4b:s17+s30] =	stream.strided.scatter [tilespmem:s18], [sflag:$0x4], $0x400, s23, s30, $0x38;
	[tilespmem:$0x1B100] =	vst v63  }
0x3bb: {  	_ =	swait.ge [sflag:s31], $0x400  }
0x3bc: {  	s19 =	sld [smem:$0x7FC]  }
0x3bd: {  	[sflag:s31] =	ssyncset.done $0x0  }
0x3be: {  	s20 =	simm.s32 $0x9480;
	[sflag:s31] =	ssyncadd.s32 $0xFFFFFC00  }
0x3bf: {  	[hbm4b:s19+s30] =	stream.strided.scatter [tilespmem:s20], [sflag:$0x4], $0x400, s23, s30, $0x38;
	[tilespmem:$0x1B100] =	vst v63  }
0x3c0: {  	_ =	swait.ge [sflag:s31], $0x400  }
0x3c1: {  	s24 =	sld [smem:$0x7FD];
	_ =	sdelay $0x1  }
0x3c2: {  	s2 =	sadd.s32 $0x1, s2  }
0x3c3: {  	p0 =	sne.s32 s2, s24  }
.Ltmp7:
0x3c4: {  	_ = 	snop;
	(pc) =	sbr.rel @p0 .LBB2_1-.Ltmp7, $3  }
0x3c5: {  	_ =	sdelay $0x1  }
0x3c6: {  	[sflag:s31] =	ssyncset.done $0x0  }
0x3c7: {  	[sflag:s31] =	ssyncadd.s32 $0xFFFFFC00  }
0x3c8: {  	_ =	sfence.sel $0x180000  }
0x3c9: {  	[bflag:$0x0] =	sbarrier.arrive $0xFFFF  }
0x3ca: {  	_ =	strace $0x90000047  }
0x3cb: {  	s0 =	stileid.u32;
	[bflag:$0x2] =	sbarrier.arrive $0xFFFF  }
0x3cc: {  	p0 =	sne.s32 s0, $0x0;
	s0 =	rddreg [dreg:$0x3]  }
0x3cd: {  	s0 =	sadd.s32 @!p0 $0x100000, s0  }
0x3ce: {  	[sflag:s0] =	ssyncadd.tile.s32 @!p0 $0x1;
	_ =	shalt  }
.Lfunc_end2:
_tile_overlayer_lowered:
.L_overlay_start_2:
0x3cf: {  	(tag) =	ssettag $0x2  }
0x3d0: {  	s0 =	rddreg [dreg:$0x0];
	s2 =	stileid.u32  }
0x3d1: {  	s1 =	rddreg [dreg:$0x1];
	p0 =	sne.s32 s2, $0x0  }
0x3d2: {  	s3 =	rddreg [dreg:$0x2];
	[bflag:$0x3] =	sbarrier.arrive $0xFFFF;
	s2 =	simm.s32 @!p0 $0x1C04  }
0x3d3: {  	[timem:s3], [sflag:s2] =	dma.local @!p0 [hbm:s0], s1  }
0x3d4: {  	s0 =	simm.s32 @!p0 $0x4  }
0x3d5: {  	_ =	swait.ge @!p0 [sflag:s0], s1  }
0x3d6: {  	s1 =	ssub.s32 @!p0 $0x0, s1;
	[sflag:s0] =	ssyncset.done @!p0 $0x0  }
0x3d7: {  	[sflag:s0] =	ssyncadd.s32 @!p0 s1  }
0x3d8: {  	[bflag:$0x3] =	sbarrier.arrive $0xFFFF  }
0x3d9: {  	_ =	shalt  }

</sc_bundles>
